<compile_context>
chip_gen: v7x
topology: tpu7x:2x2x1
jax: 0.10.2.dev20260603
libtpu: 0.0.44.dev20260713+nightly
codegen_flags: <defaults>
</compile_context>

<pallas_src>
import dataclasses

import jax
import jax.numpy as jnp
from jax import lax
from jax.experimental import pallas as pl
from jax.experimental.pallas import tpu as pltpu
from jax.experimental.pallas import tpu_sc as plsc

N = 10000
E = 320000
D = 128

NC = 2
NS = 16
L = 16
NW = NC * NS

EPT = E // NW
CF = 64
GCH = E // CF
CREM = GCH % NW
KT = 158

C = 128
NZ_FULL = N // C
NTAIL = N - NZ_FULL * C

_MESH = plsc.VectorSubcoreMesh(core_axis_name="c", subcore_axis_name="s")


def _sc_layer_body(h_hbm, w_hbm, idx_hbm, zeros_hbm, acc_out,
                   idx_v0, idx_v1, w_v0, w_v1, g_v0, g_v1,
                   acc_sh,
                   sw0, sw1, sg0, sg1, si0, si1):
    idx_v = (idx_v0, idx_v1)
    w_v = (w_v0, w_v1)
    g_v = (g_v0, g_v1)
    sem_w = (sw0, sw1)
    sem_g = (sg0, sg1)
    sem_i = (si0, si1)
    cid = lax.axis_index("c")
    sid = lax.axis_index("s")
    wid = cid * NS + sid

    start = wid * (GCH // NW) + jnp.minimum(wid, CREM)
    cnt = GCH // NW + jnp.where(wid < CREM, 1, 0)

    for kz in range(-(-NZ_FULL // NS)):
        zc = sid + NS * kz

        @pl.when(zc < NZ_FULL)
        def _():
            pltpu.sync_copy(zeros_hbm, acc_sh.at[pl.ds(zc * C, C)])

    @pl.when(sid == 0)
    def _():
        pltpu.sync_copy(zeros_hbm.at[pl.ds(0, NTAIL)],
                        acc_sh.at[pl.ds(NZ_FULL * C, NTAIL)])

    plsc.subcore_barrier()

    def issue_idx(k, p):
        pltpu.async_copy(idx_hbm.at[start + k], idx_v[p], sem_i[p])

    def wait_idx(p):
        pltpu.make_async_copy(idx_hbm.at[0], idx_v[p], sem_i[p]).wait()

    def issue_wg(k, p):
        pltpu.async_copy(w_hbm.at[pl.ds((start + k) * CF, CF)], w_v[p],
                         sem_w[p])
        pltpu.async_copy(h_hbm.at[idx_v[p].at[0]], g_v[p], sem_g[p])

    def wait_wg(p):
        pltpu.make_async_copy(w_hbm.at[pl.ds(0, CF)], w_v[p],
                              sem_w[p]).wait()
        pltpu.make_async_copy(h_hbm.at[idx_v[0].at[0]], g_v[p],
                              sem_g[p]).wait()

    issue_idx(0, 0)
    issue_idx(1, 1)
    wait_idx(0)
    issue_wg(0, 0)

    @pl.loop(0, KT // 2)
    def _(kd):
        for p in range(2):
            k = 2 * kd + p
            q = 1 - p

            @pl.when(k + 1 < cnt)
            def _():
                wait_idx(q)
                issue_wg(k + 1, q)

            @pl.when(k < cnt)
            def _():
                wait_wg(p)

                @pl.loop(0, CF)
                def _(r):
                    for cc in range(D // L):
                        sl = pl.ds(cc * L, L)
                        g_v[p][r, sl] = g_v[p][r, sl] * w_v[p][r, sl]

                pltpu.sync_copy(g_v[p], acc_sh.at[idx_v[p].at[1]], add=True)

            @pl.when(k + 2 < cnt)
            def _():
                issue_idx(k + 2, p)

    plsc.subcore_barrier()

    for kz in range(-(-NZ_FULL // NS)):
        zc = sid + NS * kz

        @pl.when(zc < NZ_FULL)
        def _():
            pltpu.sync_copy(acc_sh.at[pl.ds(zc * C, C)],
                            acc_out.at[pl.ds(cid * N + zc * C, C)])

    @pl.when(sid == 0)
    def _():
        pltpu.sync_copy(acc_sh.at[pl.ds(NZ_FULL * C, NTAIL)],
                        acc_out.at[pl.ds(cid * N + NZ_FULL * C, NTAIL)])


_sc_layer = pl.kernel(
    _sc_layer_body,
    out_type=jax.ShapeDtypeStruct((NC * N, D), jnp.float32),
    mesh=_MESH,
    scratch_types=(
        [pltpu.VMEM((2, CF), jnp.int32) for _ in range(2)]
        + [pltpu.VMEM((CF, D), jnp.float32) for _ in range(2)]
        + [pltpu.VMEM((CF, D), jnp.float32) for _ in range(2)]
        + [pltpu.VMEM_SHARED((N, D), jnp.float32)]
        + [pltpu.SemaphoreType.DMA for _ in range(6)]
    ),
)


def _sc_deg_body(dst_hbm, deg_out, dst_slab, deg_local, sem):
    cid = lax.axis_index("c")
    sid = lax.axis_index("s")
    wid = cid * NS + sid

    pltpu.async_copy(dst_hbm.at[pl.ds(wid * EPT, EPT)], dst_slab, sem)

    zeros16 = jnp.zeros((L,), jnp.float32)

    @pl.loop(0, N // L)
    def _(j):
        deg_local[pl.ds(j * L, L)] = zeros16

    pltpu.make_async_copy(dst_hbm.at[pl.ds(0, EPT)], dst_slab, sem).wait()

    ones16 = jnp.ones((L,), jnp.float32)

    @pl.loop(0, EPT // L)
    def _(j):
        idx = dst_slab[pl.ds(j * L, L)]
        plsc.addupdate_scatter(deg_local, [idx], ones16)

    pltpu.sync_copy(deg_local, deg_out.at[wid])


_deg_cp = pltpu.CompilerParams()
if "needs_layout_passes" in pltpu.CompilerParams.__dataclass_fields__:
    _deg_cp = dataclasses.replace(_deg_cp, needs_layout_passes=False)

_sc_deg = pl.kernel(
    _sc_deg_body,
    out_type=jax.ShapeDtypeStruct((NW, N), jnp.float32),
    mesh=_MESH,
    scratch_types=[
        pltpu.VMEM((EPT,), jnp.int32),
        pltpu.VMEM((N,), jnp.float32),
        pltpu.SemaphoreType.DMA,
    ],
    compiler_params=_deg_cp,
)


def _dot_f32(a, wt):
    a_hi = a.astype(jnp.bfloat16)
    a_lo = (a - a_hi.astype(jnp.float32)).astype(jnp.bfloat16)
    w_hi = wt.astype(jnp.bfloat16)
    w_lo = (wt - w_hi.astype(jnp.float32)).astype(jnp.bfloat16)
    d = jnp.dot(a_hi, w_hi, preferred_element_type=jnp.float32)
    d += jnp.dot(a_hi, w_lo, preferred_element_type=jnp.float32)
    d += jnp.dot(a_lo, w_hi, preferred_element_type=jnp.float32)
    return d


def _mm_body(a_ref, wt_ref, b_ref, o_ref):
    o_ref[...] = _dot_f32(a_ref[...], wt_ref[...]) + b_ref[...]


_BE = 3200


def _edge_matmul(edge_attr, Wt, b):
    return pl.pallas_call(
        _mm_body,
        grid=(E // _BE,),
        in_specs=[
            pl.BlockSpec((_BE, D), lambda i: (i, 0)),
            pl.BlockSpec((D, D), lambda i: (0, 0)),
            pl.BlockSpec((1, D), lambda i: (0, 0)),
        ],
        out_specs=pl.BlockSpec((_BE, D), lambda i: (i, 0)),
        out_shape=jax.ShapeDtypeStruct((E, D), jnp.float32),
    )(edge_attr, Wt, b)


def _combine_body(acc_ref, deg_ref, o_ref):
    p = acc_ref[:N, :] + acc_ref[N:, :]
    d = jnp.sum(deg_ref[...], axis=0)[:, None]
    recip = 1.0 / jnp.maximum(d, 1.0)
    o_ref[...] = jnp.maximum(p * recip, 0.0)


def _combine(acc, deg):
    return pl.pallas_call(
        _combine_body,
        out_shape=jax.ShapeDtypeStruct((N, D), jnp.float32),
    )(acc, deg)


def _final_body(acc_ref, deg_ref, wt_ref, b_ref, o_ref):
    p = acc_ref[:N, :] + acc_ref[N:, :]
    d = jnp.sum(deg_ref[...], axis=0)[:, None]
    recip = 1.0 / jnp.maximum(d, 1.0)
    h = jnp.maximum(p * recip, 0.0)
    o_ref[...] = _dot_f32(h, wt_ref[...]) + b_ref[...]


def _final(acc, deg, Wt, b):
    return pl.pallas_call(
        _final_body,
        out_shape=jax.ShapeDtypeStruct((N, D), jnp.float32),
    )(acc, deg, Wt, b)


def kernel(x, edge_index, edge_attr, W1, b1, W2, b2, W3, b3, Wout, bout):
    dst = edge_index[1]
    idx = jnp.stack([edge_index[0].reshape(GCH, CF),
                     edge_index[1].reshape(GCH, CF)], axis=1)
    zeros = jnp.zeros((C, D), jnp.float32)

    w1 = _edge_matmul(edge_attr, W1.T, b1[None, :])
    w2 = _edge_matmul(edge_attr, W2.T, b2[None, :])
    w3 = _edge_matmul(edge_attr, W3.T, b3[None, :])

    deg = _sc_deg(dst)
    acc1 = _sc_layer(x, w1, idx, zeros)
    h1 = _combine(acc1, deg)
    acc2 = _sc_layer(h1, w2, idx, zeros)
    h2 = _combine(acc2, deg)
    acc3 = _sc_layer(h2, w3, idx, zeros)
    return _final(acc3, deg, Wout.T, bout[None, :])

# --- scband reference (transcript-rebuilt; emitter-appended) ---
"""Pipeline reference for scband-astgnn-55113020342637 (READ-ONLY COPY).

The authoritative reference and input builder live on the scoring server;
editing this copy changes nothing except your own understanding.
"""

import jax, jax.numpy as jnp
import numpy as np

N = 10000
E = 320000
D = 128


def setup_inputs(seed: int = 0) -> dict:
    key = jax.random.key(seed)
    ks = jax.random.split(key, 12)
    s = 1.0 / np.sqrt(D)
    inp = {
        "x": jax.random.normal(ks[0], (N, D), dtype=jnp.float32),
        "edge_index": jax.random.randint(ks[1], (2, E), 0, N, dtype=jnp.int32),
        "edge_attr": jax.random.normal(ks[2], (E, D), dtype=jnp.float32),
        "W1": jax.random.uniform(ks[3], (D, D), jnp.float32, -s, s),
        "b1": jax.random.uniform(ks[4], (D,), jnp.float32, -s, s),
        "W2": jax.random.uniform(ks[5], (D, D), jnp.float32, -s, s),
        "b2": jax.random.uniform(ks[6], (D,), jnp.float32, -s, s),
        "W3": jax.random.uniform(ks[7], (D, D), jnp.float32, -s, s),
        "b3": jax.random.uniform(ks[8], (D,), jnp.float32, -s, s),
        "Wout": jax.random.uniform(ks[9], (D, D), jnp.float32, -s, s),
        "bout": jax.random.uniform(ks[10], (D,), jnp.float32, -s, s),
    }
    return inp


def reference(x, edge_index, edge_attr, W1, b1, W2, b2, W3, b3, Wout, bout):
    src = edge_index[0]
    dst = edge_index[1]
    ones = jnp.ones((E, 1), dtype=jnp.float32)
    deg = jax.ops.segment_sum(ones, dst, num_segments=N)
    deg = jnp.clip(deg, 1.0, None)

    def layer(h, W, b):
        # MPNNLayer.message: weight = self.lin(edge_attr); msg = x_j * weight
        w = edge_attr @ W.T + b
        msg = h[src] * w
        # aggr='mean' at destination nodes, then update: relu
        agg = jax.ops.segment_sum(msg, dst, num_segments=N) / deg
        return jax.nn.relu(agg)

    h = layer(x, W1, b1)
    h = layer(h, W2, b2)
    h = layer(h, W3, b3)
    return h @ Wout.T + bout

if __name__ == "__main__":
    import jax
    _d = setup_inputs()
    print(jax.jit(kernel)(*tuple(_d.values())))

</pallas_src>

<mosaic_0001>
#map = affine_map<(d0, d1) -> (0)>
#map1 = affine_map<(d0, d1) -> (0, 0)>
module attributes {stable_mosaic.version = 14 : i64} {
  func.func @_sc_deg_body(%arg0: i32, %arg1: i32, %arg2: memref<320000xi32, #tpu.memory_space<hbm>>, %arg3: memref<32x10000xf32, #tpu.memory_space<hbm>>, %arg4: memref<10000xi32, #tpu.memory_space<vmem>>, %arg5: memref<10000xf32, #tpu.memory_space<vmem>>, %arg6: memref<!tpu.dma_semaphore, #tpu.memory_space<semaphore_mem>>) attributes {dimension_semantics = [#tpu.dimension_semantics<core_parallel>, #tpu.dimension_semantics<subcore_parallel>], iteration_bounds = array<i64: 2, 16>, scalar_prefetch = 0 : i64, scratch_operands = 3 : i64, tpu.core_type = #tpu.core_type<sc_vector_subcore>, window_params = [{transform_indices = #map}, {transform_indices = #map1}]} {
    %mul3A = arith.constant 16 : i32
    %mul3A_0 = arith.muli %arg0, %mul3A : i32
    %add3A = arith.addi %mul3A_0, %arg1 : i32
    %mul3A_1 = arith.constant 10000 : i32
    %mul3A_2 = arith.muli %add3A, %mul3A_1 : i32
    %dma_start3A = tpu.memref_slice %arg2[%mul3A_2] : memref<320000xi32, #tpu.memory_space<hbm>> -> memref<10000xi32, #tpu.memory_space<hbm>>
    %dma_start3A_3 = tpu.memref_slice %arg2[%mul3A_2] : memref<320000xi32, #tpu.memory_space<hbm>> -> memref<10000xi32, #tpu.memory_space<hbm>>
    tpu.enqueue_dma source(%dma_start3A_3 : memref<10000xi32, #tpu.memory_space<hbm>>) target(%arg4 : memref<10000xi32, #tpu.memory_space<vmem>>) target_semaphore(%arg6 : memref<!tpu.dma_semaphore, #tpu.memory_space<semaphore_mem>>)
    %broadcast_in_dim3A = arith.constant 0.000000e+00 : f32
    %broadcast_in_dim3A_4 = vector.broadcast %broadcast_in_dim3A : f32 to vector<16xf32>
    %scan3A = arith.constant 0 : i32
    %scan3A_5 = arith.constant 625 : i32
    %scan3A_6 = arith.addi %scan3A, %scan3A_5 : i32
    %scan3A_7 = arith.constant 1 : i32
    scf.for %scan3A_19 = %scan3A to %scan3A_6 step %scan3A_7  : i32 {
      %mul3A_20 = arith.constant 1 : i32
      %mul3A_21 = arith.muli %scan3A_19, %mul3A_20 : i32
      %add3A_22 = arith.constant 0 : i32
      %add3A_23 = arith.addi %add3A_22, %mul3A_21 : i32
      %mul3A_24 = arith.constant 16 : i32
      %mul3A_25 = arith.muli %add3A_23, %mul3A_24 : i32
      %swap3A = arith.index_cast %mul3A_25 : i32 to index
      %swap3A_26 = tpu.vector_load %arg5[%swap3A] {strides = array<i32>} : memref<10000xf32, #tpu.memory_space<vmem>>, vector<16xf32>,
      tpu.vector_store %arg5[%swap3A], %broadcast_in_dim3A_4 {strides = array<i32>} : memref<10000xf32, #tpu.memory_space<vmem>>, vector<16xf32>,
    }
    %scan3A_8 = arith.constant 625 : i32
    %dma_wait3A = arith.constant 0 : i32
    %dma_wait3A_9 = tpu.memref_slice %arg2[%dma_wait3A] : memref<320000xi32, #tpu.memory_space<hbm>> -> memref<10000xi32, #tpu.memory_space<hbm>>
    %dma_wait3A_10 = arith.constant 0 : i32
    %dma_wait3A_11 = tpu.memref_slice %arg2[%dma_wait3A_10] : memref<320000xi32, #tpu.memory_space<hbm>> -> memref<10000xi32, #tpu.memory_space<hbm>>
    tpu.wait_dma2 semaphore(%arg6 : memref<!tpu.dma_semaphore, #tpu.memory_space<semaphore_mem>>) src(%dma_wait3A_11 : memref<10000xi32, #tpu.memory_space<hbm>>) dst(%arg4 : memref<10000xi32, #tpu.memory_space<vmem>>)
    %broadcast_in_dim3A_12 = arith.constant 1.000000e+00 : f32
    %broadcast_in_dim3A_13 = vector.broadcast %broadcast_in_dim3A_12 : f32 to vector<16xf32>
    %scan3A_14 = arith.constant 0 : i32
    %scan3A_15 = arith.constant 625 : i32
    %scan3A_16 = arith.addi %scan3A_14, %scan3A_15 : i32
    %scan3A_17 = arith.constant 1 : i32
    scf.for %scan3A_19 = %scan3A_14 to %scan3A_16 step %scan3A_17  : i32 {
      %mul3A_20 = arith.constant 1 : i32
      %mul3A_21 = arith.muli %scan3A_19, %mul3A_20 : i32
      %add3A_22 = arith.constant 0 : i32
      %add3A_23 = arith.addi %add3A_22, %mul3A_21 : i32
      %mul3A_24 = arith.constant 16 : i32
      %mul3A_25 = arith.muli %add3A_23, %mul3A_24 : i32
      %get3A = arith.index_cast %mul3A_25 : i32 to index
      %get3A_26 = tpu.vector_load %arg4[%get3A] {strides = array<i32>} : memref<10000xi32, #tpu.memory_space<vmem>>, vector<16xi32>,
      tpu.vector_store_idx %arg5[%get3A_26], %broadcast_in_dim3A_13 {add = true} : memref<10000xf32, #tpu.memory_space<vmem>>[vector<16xi32>], vector<16xf32>,
    }
    %scan3A_18 = arith.constant 625 : i32
    "tpu.region"() ({
      %run_scoped3A = tpu.sem_alloc : memref<!tpu.dma_semaphore, #tpu.memory_space<semaphore_mem>>
      %dma_start3A_19 = arith.constant 0 : i32
      %dma_start3A_20 = tpu.memref_slice %arg3[%add3A, %dma_start3A_19] : memref<32x10000xf32, #tpu.memory_space<hbm>> -> memref<1x10000xf32, #tpu.memory_space<hbm>>
      %dma_start3A_21 = tpu.memref_squeeze %dma_start3A_20 : memref<1x10000xf32, #tpu.memory_space<hbm>> -> memref<10000xf32, #tpu.memory_space<hbm>>
      %dma_start3A_22 = arith.constant 0 : i32
      %dma_start3A_23 = tpu.memref_slice %arg3[%add3A, %dma_start3A_22] : memref<32x10000xf32, #tpu.memory_space<hbm>> -> memref<1x10000xf32, #tpu.memory_space<hbm>>
      %dma_start3A_24 = tpu.memref_squeeze %dma_start3A_23 : memref<1x10000xf32, #tpu.memory_space<hbm>> -> memref<10000xf32, #tpu.memory_space<hbm>>
      tpu.enqueue_dma source(%arg5 : memref<10000xf32, #tpu.memory_space<vmem>>) target(%dma_start3A_24 : memref<10000xf32, #tpu.memory_space<hbm>>) target_semaphore(%run_scoped3A : memref<!tpu.dma_semaphore, #tpu.memory_space<semaphore_mem>>)
      %dma_wait3A_25 = arith.constant 0 : i32
      %dma_wait3A_26 = tpu.memref_slice %arg3[%add3A, %dma_wait3A_25] : memref<32x10000xf32, #tpu.memory_space<hbm>> -> memref<1x10000xf32, #tpu.memory_space<hbm>>
      %dma_wait3A_27 = tpu.memref_squeeze %dma_wait3A_26 : memref<1x10000xf32, #tpu.memory_space<hbm>> -> memref<10000xf32, #tpu.memory_space<hbm>>
      %dma_wait3A_28 = arith.constant 0 : i32
      %dma_wait3A_29 = tpu.memref_slice %arg3[%add3A, %dma_wait3A_28] : memref<32x10000xf32, #tpu.memory_space<hbm>> -> memref<1x10000xf32, #tpu.memory_space<hbm>>
      %dma_wait3A_30 = tpu.memref_squeeze %dma_wait3A_29 : memref<1x10000xf32, #tpu.memory_space<hbm>> -> memref<10000xf32, #tpu.memory_space<hbm>>
      tpu.wait_dma2 semaphore(%run_scoped3A : memref<!tpu.dma_semaphore, #tpu.memory_space<semaphore_mem>>) src(%arg5 : memref<10000xf32, #tpu.memory_space<vmem>>) dst(%dma_wait3A_30 : memref<10000xf32, #tpu.memory_space<hbm>>)
      tpu.yield
    }) : () -> ()
    return
  }
}

#map = affine_map<(d0, d1) -> (0, 0)>
#map1 = affine_map<(d0, d1) -> (0, 0, 0)>
module attributes {stable_mosaic.version = 14 : i64} {
  func.func @_sc_layer_body(%arg0: i32, %arg1: i32, %arg2: memref<10000x128xf32, #tpu.memory_space<hbm>>, %arg3: memref<320000x128xf32, #tpu.memory_space<hbm>>, %arg4: memref<5000x2x64xi32, #tpu.memory_space<hbm>>, %arg5: memref<128x128xf32, #tpu.memory_space<hbm>>, %arg6: memref<20000x128xf32, #tpu.memory_space<hbm>>, %arg7: memref<2x64xi32, #tpu.memory_space<vmem>>, %arg8: memref<2x64xi32, #tpu.memory_space<vmem>>, %arg9: memref<64x128xf32, #tpu.memory_space<vmem>>, %arg10: memref<64x128xf32, #tpu.memory_space<vmem>>, %arg11: memref<64x128xf32, #tpu.memory_space<vmem>>, %arg12: memref<64x128xf32, #tpu.memory_space<vmem>>, %arg13: memref<10000x128xf32, #tpu.memory_space<vmem_shared>>, %arg14: memref<!tpu.dma_semaphore, #tpu.memory_space<semaphore_mem>>, %arg15: memref<!tpu.dma_semaphore, #tpu.memory_space<semaphore_mem>>, %arg16: memref<!tpu.dma_semaphore, #tpu.memory_space<semaphore_mem>>, %arg17: memref<!tpu.dma_semaphore, #tpu.memory_space<semaphore_mem>>, %arg18: memref<!tpu.dma_semaphore, #tpu.memory_space<semaphore_mem>>, %arg19: memref<!tpu.dma_semaphore, #tpu.memory_space<semaphore_mem>>) attributes {dimension_semantics = [#tpu.dimension_semantics<core_parallel>, #tpu.dimension_semantics<subcore_parallel>], iteration_bounds = array<i64: 2, 16>, scalar_prefetch = 0 : i64, scratch_operands = 13 : i64, tpu.core_type = #tpu.core_type<sc_vector_subcore>, window_params = [{transform_indices = #map}, {transform_indices = #map}, {transform_indices = #map1}, {transform_indices = #map}, {transform_indices = #map}]} {
    %mul3A = arith.constant 16 : i32
    %mul3A_0 = arith.muli %arg0, %mul3A : i32
    %add3A = arith.addi %mul3A_0, %arg1 : i32
    %mul3A_1 = arith.constant 156 : i32
    %mul3A_2 = arith.muli %add3A, %mul3A_1 : i32
    %min3A = arith.constant 8 : i32
    %min3A_3 = arith.minsi %add3A, %min3A : i32
    %add3A_4 = arith.addi %mul3A_2, %min3A_3 : i32
    %lt3A = arith.constant 8 : i32
    %lt3A_5 = arith.cmpi slt, %add3A, %lt3A : i32
    %jit3A = arith.constant 1 : i32
    %jit3A_6 = arith.constant 0 : i32
    %select_n3A = arith.select %lt3A_5, %jit3A, %jit3A_6 : i32
    %add3A_7 = arith.constant 156 : i32
    %add3A_8 = arith.addi %add3A_7, %select_n3A : i32
    %add3A_9 = arith.constant 0 : i32
    %add3A_10 = arith.addi %arg1, %add3A_9 : i32
    %lt3A_11 = arith.constant 78 : i32
    %lt3A_12 = arith.cmpi slt, %add3A_10, %lt3A_11 : i32
    %convert_element_type3A = arith.extui %lt3A_12 : i1 to i32
    %cond3A = arith.constant 0 : i32
    %cond3A_13 = arith.cmpi ne, %convert_element_type3A, %cond3A : i32
    scf.if %cond3A_13 {
      %mul3A_133 = arith.constant 128 : i32
      %mul3A_134 = arith.muli %add3A_10, %mul3A_133 : i32
      "tpu.region"() ({
        %run_scoped3A = tpu.sem_alloc : memref<!tpu.dma_semaphore, #tpu.memory_space<semaphore_mem>>
        %dma_start3A_135 = arith.constant 0 : i32
        %dma_start3A_136 = tpu.memref_slice %arg13[%mul3A_134, %dma_start3A_135] : memref<10000x128xf32, #tpu.memory_space<vmem_shared>> -> memref<128x128xf32, #tpu.memory_space<vmem_shared>>
        tpu.enqueue_dma source(%arg5 : memref<128x128xf32, #tpu.memory_space<hbm>>) target(%dma_start3A_136 : memref<128x128xf32, #tpu.memory_space<vmem_shared>>) target_semaphore(%run_scoped3A : memref<!tpu.dma_semaphore, #tpu.memory_space<semaphore_mem>>)
        %dma_wait3A_137 = arith.constant 0 : i32
        %dma_wait3A_138 = tpu.memref_slice %arg13[%mul3A_134, %dma_wait3A_137] : memref<10000x128xf32, #tpu.memory_space<vmem_shared>> -> memref<128x128xf32, #tpu.memory_space<vmem_shared>>
        tpu.wait_dma2 semaphore(%run_scoped3A : memref<!tpu.dma_semaphore, #tpu.memory_space<semaphore_mem>>) src(%arg5 : memref<128x128xf32, #tpu.memory_space<hbm>>) dst(%dma_wait3A_138 : memref<128x128xf32, #tpu.memory_space<vmem_shared>>)
        tpu.yield
      }) : () -> ()
    } else {
    }
    %add3A_14 = arith.constant 16 : i32
    %add3A_15 = arith.addi %arg1, %add3A_14 : i32
    %lt3A_16 = arith.constant 78 : i32
    %lt3A_17 = arith.cmpi slt, %add3A_15, %lt3A_16 : i32
    %convert_element_type3A_18 = arith.extui %lt3A_17 : i1 to i32
    %cond3A_19 = arith.constant 0 : i32
    %cond3A_20 = arith.cmpi ne, %convert_element_type3A_18, %cond3A_19 : i32
    scf.if %cond3A_20 {
      %mul3A_133 = arith.constant 128 : i32
      %mul3A_134 = arith.muli %add3A_15, %mul3A_133 : i32
      "tpu.region"() ({
        %run_scoped3A = tpu.sem_alloc : memref<!tpu.dma_semaphore, #tpu.memory_space<semaphore_mem>>
        %dma_start3A_135 = arith.constant 0 : i32
        %dma_start3A_136 = tpu.memref_slice %arg13[%mul3A_134, %dma_start3A_135] : memref<10000x128xf32, #tpu.memory_space<vmem_shared>> -> memref<128x128xf32, #tpu.memory_space<vmem_shared>>
        tpu.enqueue_dma source(%arg5 : memref<128x128xf32, #tpu.memory_space<hbm>>) target(%dma_start3A_136 : memref<128x128xf32, #tpu.memory_space<vmem_shared>>) target_semaphore(%run_scoped3A : memref<!tpu.dma_semaphore, #tpu.memory_space<semaphore_mem>>)
        %dma_wait3A_137 = arith.constant 0 : i32
        %dma_wait3A_138 = tpu.memref_slice %arg13[%mul3A_134, %dma_wait3A_137] : memref<10000x128xf32, #tpu.memory_space<vmem_shared>> -> memref<128x128xf32, #tpu.memory_space<vmem_shared>>
        tpu.wait_dma2 semaphore(%run_scoped3A : memref<!tpu.dma_semaphore, #tpu.memory_space<semaphore_mem>>) src(%arg5 : memref<128x128xf32, #tpu.memory_space<hbm>>) dst(%dma_wait3A_138 : memref<128x128xf32, #tpu.memory_space<vmem_shared>>)
        tpu.yield
      }) : () -> ()
    } else {
    }
    %add3A_21 = arith.constant 32 : i32
    %add3A_22 = arith.addi %arg1, %add3A_21 : i32
    %lt3A_23 = arith.constant 78 : i32
    %lt3A_24 = arith.cmpi slt, %add3A_22, %lt3A_23 : i32
    %convert_element_type3A_25 = arith.extui %lt3A_24 : i1 to i32
    %cond3A_26 = arith.constant 0 : i32
    %cond3A_27 = arith.cmpi ne, %convert_element_type3A_25, %cond3A_26 : i32
    scf.if %cond3A_27 {
      %mul3A_133 = arith.constant 128 : i32
      %mul3A_134 = arith.muli %add3A_22, %mul3A_133 : i32
      "tpu.region"() ({
        %run_scoped3A = tpu.sem_alloc : memref<!tpu.dma_semaphore, #tpu.memory_space<semaphore_mem>>
        %dma_start3A_135 = arith.constant 0 : i32
        %dma_start3A_136 = tpu.memref_slice %arg13[%mul3A_134, %dma_start3A_135] : memref<10000x128xf32, #tpu.memory_space<vmem_shared>> -> memref<128x128xf32, #tpu.memory_space<vmem_shared>>
        tpu.enqueue_dma source(%arg5 : memref<128x128xf32, #tpu.memory_space<hbm>>) target(%dma_start3A_136 : memref<128x128xf32, #tpu.memory_space<vmem_shared>>) target_semaphore(%run_scoped3A : memref<!tpu.dma_semaphore, #tpu.memory_space<semaphore_mem>>)
        %dma_wait3A_137 = arith.constant 0 : i32
        %dma_wait3A_138 = tpu.memref_slice %arg13[%mul3A_134, %dma_wait3A_137] : memref<10000x128xf32, #tpu.memory_space<vmem_shared>> -> memref<128x128xf32, #tpu.memory_space<vmem_shared>>
        tpu.wait_dma2 semaphore(%run_scoped3A : memref<!tpu.dma_semaphore, #tpu.memory_space<semaphore_mem>>) src(%arg5 : memref<128x128xf32, #tpu.memory_space<hbm>>) dst(%dma_wait3A_138 : memref<128x128xf32, #tpu.memory_space<vmem_shared>>)
        tpu.yield
      }) : () -> ()
    } else {
    }
    %add3A_28 = arith.constant 48 : i32
    %add3A_29 = arith.addi %arg1, %add3A_28 : i32
    %lt3A_30 = arith.constant 78 : i32
    %lt3A_31 = arith.cmpi slt, %add3A_29, %lt3A_30 : i32
    %convert_element_type3A_32 = arith.extui %lt3A_31 : i1 to i32
    %cond3A_33 = arith.constant 0 : i32
    %cond3A_34 = arith.cmpi ne, %convert_element_type3A_32, %cond3A_33 : i32
    scf.if %cond3A_34 {
      %mul3A_133 = arith.constant 128 : i32
      %mul3A_134 = arith.muli %add3A_29, %mul3A_133 : i32
      "tpu.region"() ({
        %run_scoped3A = tpu.sem_alloc : memref<!tpu.dma_semaphore, #tpu.memory_space<semaphore_mem>>
        %dma_start3A_135 = arith.constant 0 : i32
        %dma_start3A_136 = tpu.memref_slice %arg13[%mul3A_134, %dma_start3A_135] : memref<10000x128xf32, #tpu.memory_space<vmem_shared>> -> memref<128x128xf32, #tpu.memory_space<vmem_shared>>
        tpu.enqueue_dma source(%arg5 : memref<128x128xf32, #tpu.memory_space<hbm>>) target(%dma_start3A_136 : memref<128x128xf32, #tpu.memory_space<vmem_shared>>) target_semaphore(%run_scoped3A : memref<!tpu.dma_semaphore, #tpu.memory_space<semaphore_mem>>)
        %dma_wait3A_137 = arith.constant 0 : i32
        %dma_wait3A_138 = tpu.memref_slice %arg13[%mul3A_134, %dma_wait3A_137] : memref<10000x128xf32, #tpu.memory_space<vmem_shared>> -> memref<128x128xf32, #tpu.memory_space<vmem_shared>>
        tpu.wait_dma2 semaphore(%run_scoped3A : memref<!tpu.dma_semaphore, #tpu.memory_space<semaphore_mem>>) src(%arg5 : memref<128x128xf32, #tpu.memory_space<hbm>>) dst(%dma_wait3A_138 : memref<128x128xf32, #tpu.memory_space<vmem_shared>>)
        tpu.yield
      }) : () -> ()
    } else {
    }
    %add3A_35 = arith.constant 64 : i32
    %add3A_36 = arith.addi %arg1, %add3A_35 : i32
    %lt3A_37 = arith.constant 78 : i32
    %lt3A_38 = arith.cmpi slt, %add3A_36, %lt3A_37 : i32
    %convert_element_type3A_39 = arith.extui %lt3A_38 : i1 to i32
    %cond3A_40 = arith.constant 0 : i32
    %cond3A_41 = arith.cmpi ne, %convert_element_type3A_39, %cond3A_40 : i32
    scf.if %cond3A_41 {
      %mul3A_133 = arith.constant 128 : i32
      %mul3A_134 = arith.muli %add3A_36, %mul3A_133 : i32
      "tpu.region"() ({
        %run_scoped3A = tpu.sem_alloc : memref<!tpu.dma_semaphore, #tpu.memory_space<semaphore_mem>>
        %dma_start3A_135 = arith.constant 0 : i32
        %dma_start3A_136 = tpu.memref_slice %arg13[%mul3A_134, %dma_start3A_135] : memref<10000x128xf32, #tpu.memory_space<vmem_shared>> -> memref<128x128xf32, #tpu.memory_space<vmem_shared>>
        tpu.enqueue_dma source(%arg5 : memref<128x128xf32, #tpu.memory_space<hbm>>) target(%dma_start3A_136 : memref<128x128xf32, #tpu.memory_space<vmem_shared>>) target_semaphore(%run_scoped3A : memref<!tpu.dma_semaphore, #tpu.memory_space<semaphore_mem>>)
        %dma_wait3A_137 = arith.constant 0 : i32
        %dma_wait3A_138 = tpu.memref_slice %arg13[%mul3A_134, %dma_wait3A_137] : memref<10000x128xf32, #tpu.memory_space<vmem_shared>> -> memref<128x128xf32, #tpu.memory_space<vmem_shared>>
        tpu.wait_dma2 semaphore(%run_scoped3A : memref<!tpu.dma_semaphore, #tpu.memory_space<semaphore_mem>>) src(%arg5 : memref<128x128xf32, #tpu.memory_space<hbm>>) dst(%dma_wait3A_138 : memref<128x128xf32, #tpu.memory_space<vmem_shared>>)
        tpu.yield
      }) : () -> ()
    } else {
    }
    %eq3A = arith.constant 0 : i32
    %eq3A_42 = arith.cmpi eq, %arg1, %eq3A : i32
    %convert_element_type3A_43 = arith.extui %eq3A_42 : i1 to i32
    %cond3A_44 = arith.constant 0 : i32
    %cond3A_45 = arith.cmpi ne, %convert_element_type3A_43, %cond3A_44 : i32
    scf.if %cond3A_45 {
      "tpu.region"() ({
        %run_scoped3A = tpu.sem_alloc : memref<!tpu.dma_semaphore, #tpu.memory_space<semaphore_mem>>
        %dma_start3A_133 = arith.constant 9984 : i32
        %dma_start3A_134 = arith.constant 0 : i32
        %dma_start3A_135 = tpu.memref_slice %arg13[%dma_start3A_133, %dma_start3A_134] : memref<10000x128xf32, #tpu.memory_space<vmem_shared>> -> memref<16x128xf32, #tpu.memory_space<vmem_shared>>
        %dma_start3A_136 = arith.constant 0 : i32
        %dma_start3A_137 = arith.constant 0 : i32
        %dma_start3A_138 = tpu.memref_slice %arg5[%dma_start3A_136, %dma_start3A_137] : memref<128x128xf32, #tpu.memory_space<hbm>> -> memref<16x128xf32, #tpu.memory_space<hbm>>
        tpu.enqueue_dma source(%dma_start3A_138 : memref<16x128xf32, #tpu.memory_space<hbm>>) target(%dma_start3A_135 : memref<16x128xf32, #tpu.memory_space<vmem_shared>>) target_semaphore(%run_scoped3A : memref<!tpu.dma_semaphore, #tpu.memory_space<semaphore_mem>>)
        %dma_wait3A_139 = arith.constant 9984 : i32
        %dma_wait3A_140 = arith.constant 0 : i32
        %dma_wait3A_141 = tpu.memref_slice %arg13[%dma_wait3A_139, %dma_wait3A_140] : memref<10000x128xf32, #tpu.memory_space<vmem_shared>> -> memref<16x128xf32, #tpu.memory_space<vmem_shared>>
        %dma_wait3A_142 = arith.constant 0 : i32
        %dma_wait3A_143 = arith.constant 0 : i32
        %dma_wait3A_144 = tpu.memref_slice %arg5[%dma_wait3A_142, %dma_wait3A_143] : memref<128x128xf32, #tpu.memory_space<hbm>> -> memref<16x128xf32, #tpu.memory_space<hbm>>
        tpu.wait_dma2 semaphore(%run_scoped3A : memref<!tpu.dma_semaphore, #tpu.memory_space<semaphore_mem>>) src(%dma_wait3A_144 : memref<16x128xf32, #tpu.memory_space<hbm>>) dst(%dma_wait3A_141 : memref<16x128xf32, #tpu.memory_space<vmem_shared>>)
        tpu.yield
      }) : () -> ()
    } else {
    }
    %barrier3A = arith.constant 0 : index
    tpu.barrier barrier_id(%barrier3A)
    %add3A_46 = arith.constant 0 : i32
    %add3A_47 = arith.addi %add3A_4, %add3A_46 : i32
    %dma_start3A = arith.constant 0 : i32
    %dma_start3A_48 = arith.constant 0 : i32
    %dma_start3A_49 = tpu.memref_slice %arg4[%add3A_47, %dma_start3A, %dma_start3A_48] : memref<5000x2x64xi32, #tpu.memory_space<hbm>> -> memref<1x2x64xi32, #tpu.memory_space<hbm>>
    %dma_start3A_50 = tpu.memref_squeeze %dma_start3A_49 : memref<1x2x64xi32, #tpu.memory_space<hbm>> -> memref<2x64xi32, #tpu.memory_space<hbm>>
    %dma_start3A_51 = arith.constant 0 : i32
    %dma_start3A_52 = arith.constant 0 : i32
    %dma_start3A_53 = tpu.memref_slice %arg4[%add3A_47, %dma_start3A_51, %dma_start3A_52] : memref<5000x2x64xi32, #tpu.memory_space<hbm>> -> memref<1x2x64xi32, #tpu.memory_space<hbm>>
    %dma_start3A_54 = tpu.memref_squeeze %dma_start3A_53 : memref<1x2x64xi32, #tpu.memory_space<hbm>> -> memref<2x64xi32, #tpu.memory_space<hbm>>
    tpu.enqueue_dma source(%dma_start3A_54 : memref<2x64xi32, #tpu.memory_space<hbm>>) target(%arg7 : memref<2x64xi32, #tpu.memory_space<vmem>>) target_semaphore(%arg18 : memref<!tpu.dma_semaphore, #tpu.memory_space<semaphore_mem>>)
    %add3A_55 = arith.constant 1 : i32
    %add3A_56 = arith.addi %add3A_4, %add3A_55 : i32
    %dma_start3A_57 = arith.constant 0 : i32
    %dma_start3A_58 = arith.constant 0 : i32
    %dma_start3A_59 = tpu.memref_slice %arg4[%add3A_56, %dma_start3A_57, %dma_start3A_58] : memref<5000x2x64xi32, #tpu.memory_space<hbm>> -> memref<1x2x64xi32, #tpu.memory_space<hbm>>
    %dma_start3A_60 = tpu.memref_squeeze %dma_start3A_59 : memref<1x2x64xi32, #tpu.memory_space<hbm>> -> memref<2x64xi32, #tpu.memory_space<hbm>>
    %dma_start3A_61 = arith.constant 0 : i32
    %dma_start3A_62 = arith.constant 0 : i32
    %dma_start3A_63 = tpu.memref_slice %arg4[%add3A_56, %dma_start3A_61, %dma_start3A_62] : memref<5000x2x64xi32, #tpu.memory_space<hbm>> -> memref<1x2x64xi32, #tpu.memory_space<hbm>>
    %dma_start3A_64 = tpu.memref_squeeze %dma_start3A_63 : memref<1x2x64xi32, #tpu.memory_space<hbm>> -> memref<2x64xi32, #tpu.memory_space<hbm>>
    tpu.enqueue_dma source(%dma_start3A_64 : memref<2x64xi32, #tpu.memory_space<hbm>>) target(%arg8 : memref<2x64xi32, #tpu.memory_space<vmem>>) target_semaphore(%arg19 : memref<!tpu.dma_semaphore, #tpu.memory_space<semaphore_mem>>)
    %dma_wait3A = arith.constant 0 : i32
    %dma_wait3A_65 = arith.constant 0 : i32
    %dma_wait3A_66 = arith.constant 0 : i32
    %dma_wait3A_67 = tpu.memref_slice %arg4[%dma_wait3A, %dma_wait3A_65, %dma_wait3A_66] : memref<5000x2x64xi32, #tpu.memory_space<hbm>> -> memref<1x2x64xi32, #tpu.memory_space<hbm>>
    %dma_wait3A_68 = tpu.memref_squeeze %dma_wait3A_67 : memref<1x2x64xi32, #tpu.memory_space<hbm>> -> memref<2x64xi32, #tpu.memory_space<hbm>>
    %dma_wait3A_69 = arith.constant 0 : i32
    %dma_wait3A_70 = arith.constant 0 : i32
    %dma_wait3A_71 = tpu.memref_slice %arg4[%dma_wait3A, %dma_wait3A_69, %dma_wait3A_70] : memref<5000x2x64xi32, #tpu.memory_space<hbm>> -> memref<1x2x64xi32, #tpu.memory_space<hbm>>
    %dma_wait3A_72 = tpu.memref_squeeze %dma_wait3A_71 : memref<1x2x64xi32, #tpu.memory_space<hbm>> -> memref<2x64xi32, #tpu.memory_space<hbm>>
    tpu.wait_dma2 semaphore(%arg18 : memref<!tpu.dma_semaphore, #tpu.memory_space<semaphore_mem>>) src(%dma_wait3A_72 : memref<2x64xi32, #tpu.memory_space<hbm>>) dst(%arg7 : memref<2x64xi32, #tpu.memory_space<vmem>>)
    %add3A_73 = arith.constant 0 : i32
    %add3A_74 = arith.addi %add3A_4, %add3A_73 : i32
    %mul3A_75 = arith.constant 64 : i32
    %mul3A_76 = arith.muli %add3A_74, %mul3A_75 : i32
    %dma_start3A_77 = arith.constant 0 : i32
    %dma_start3A_78 = tpu.memref_slice %arg3[%mul3A_76, %dma_start3A_77] : memref<320000x128xf32, #tpu.memory_space<hbm>> -> memref<64x128xf32, #tpu.memory_space<hbm>>
    %dma_start3A_79 = arith.constant 0 : i32
    %dma_start3A_80 = tpu.memref_slice %arg3[%mul3A_76, %dma_start3A_79] : memref<320000x128xf32, #tpu.memory_space<hbm>> -> memref<64x128xf32, #tpu.memory_space<hbm>>
    tpu.enqueue_dma source(%dma_start3A_80 : memref<64x128xf32, #tpu.memory_space<hbm>>) target(%arg9 : memref<64x128xf32, #tpu.memory_space<vmem>>) target_semaphore(%arg14 : memref<!tpu.dma_semaphore, #tpu.memory_space<semaphore_mem>>)
    %dma_start3A_81 = arith.constant 0 : i32
    %dma_start3A_82 = arith.constant 0 : i32
    %dma_start3A_83 = tpu.memref_slice %arg7[%dma_start3A_81, %dma_start3A_82] : memref<2x64xi32, #tpu.memory_space<vmem>> -> memref<1x64xi32, #tpu.memory_space<vmem>>
    %dma_start3A_84 = tpu.memref_squeeze %dma_start3A_83 : memref<1x64xi32, #tpu.memory_space<vmem>> -> memref<64xi32, #tpu.memory_space<vmem>>
    %dma_start3A_85 = arith.constant 0 : i32
    %dma_start3A_86 = arith.constant 0 : i32
    %dma_start3A_87 = tpu.memref_slice %arg2[%dma_start3A_85, %dma_start3A_86] : memref<10000x128xf32, #tpu.memory_space<hbm>> -> memref<10000x128xf32, #tpu.memory_space<hbm>>
    tpu.enqueue_indirect_dma source(%dma_start3A_87 : memref<10000x128xf32, #tpu.memory_space<hbm>>) target(%arg11 : memref<64x128xf32, #tpu.memory_space<vmem>>) offsets(%dma_start3A_84 : memref<64xi32, #tpu.memory_space<vmem>>) semaphore(%arg16 : memref<!tpu.dma_semaphore, #tpu.memory_space<semaphore_mem>>)
    %scan3A = arith.constant 0 : i32
    %scan3A_88 = arith.constant 79 : i32
    %scan3A_89 = arith.addi %scan3A, %scan3A_88 : i32
    %scan3A_90 = arith.constant 1 : i32
    scf.for %scan3A_133 = %scan3A to %scan3A_89 step %scan3A_90  : i32 {
      %mul3A_134 = arith.constant 1 : i32
      %mul3A_135 = arith.muli %scan3A_133, %mul3A_134 : i32
      %add3A_136 = arith.constant 0 : i32
      %add3A_137 = arith.addi %add3A_136, %mul3A_135 : i32
      %mul3A_138 = arith.constant 2 : i32
      %mul3A_139 = arith.muli %mul3A_138, %add3A_137 : i32
      %add3A_140 = arith.constant 0 : i32
      %add3A_141 = arith.addi %mul3A_139, %add3A_140 : i32
      %add3A_142 = arith.constant 1 : i32
      %add3A_143 = arith.addi %add3A_141, %add3A_142 : i32
      %lt3A_144 = arith.cmpi slt, %add3A_143, %add3A_8 : i32
      %convert_element_type3A_145 = arith.extui %lt3A_144 : i1 to i32
      %cond3A_146 = arith.constant 0 : i32
      %cond3A_147 = arith.cmpi ne, %convert_element_type3A_145, %cond3A_146 : i32
      scf.if %cond3A_147 {
        %dma_wait3A_178 = arith.constant 0 : i32
        %dma_wait3A_179 = arith.constant 0 : i32
        %dma_wait3A_180 = arith.constant 0 : i32
        %dma_wait3A_181 = tpu.memref_slice %arg4[%dma_wait3A_178, %dma_wait3A_179, %dma_wait3A_180] : memref<5000x2x64xi32, #tpu.memory_space<hbm>> -> memref<1x2x64xi32, #tpu.memory_space<hbm>>
        %dma_wait3A_182 = tpu.memref_squeeze %dma_wait3A_181 : memref<1x2x64xi32, #tpu.memory_space<hbm>> -> memref<2x64xi32, #tpu.memory_space<hbm>>
        %dma_wait3A_183 = arith.constant 0 : i32
        %dma_wait3A_184 = arith.constant 0 : i32
        %dma_wait3A_185 = tpu.memref_slice %arg4[%dma_wait3A_178, %dma_wait3A_183, %dma_wait3A_184] : memref<5000x2x64xi32, #tpu.memory_space<hbm>> -> memref<1x2x64xi32, #tpu.memory_space<hbm>>
        %dma_wait3A_186 = tpu.memref_squeeze %dma_wait3A_185 : memref<1x2x64xi32, #tpu.memory_space<hbm>> -> memref<2x64xi32, #tpu.memory_space<hbm>>
        tpu.wait_dma2 semaphore(%arg19 : memref<!tpu.dma_semaphore, #tpu.memory_space<semaphore_mem>>) src(%dma_wait3A_186 : memref<2x64xi32, #tpu.memory_space<hbm>>) dst(%arg8 : memref<2x64xi32, #tpu.memory_space<vmem>>)
        %add3A_187 = arith.constant 1 : i32
        %add3A_188 = arith.addi %add3A_141, %add3A_187 : i32
        %add3A_189 = arith.addi %add3A_4, %add3A_188 : i32
        %mul3A_190 = arith.constant 64 : i32
        %mul3A_191 = arith.muli %add3A_189, %mul3A_190 : i32
        %dma_start3A_192 = arith.constant 0 : i32
        %dma_start3A_193 = tpu.memref_slice %arg3[%mul3A_191, %dma_start3A_192] : memref<320000x128xf32, #tpu.memory_space<hbm>> -> memref<64x128xf32, #tpu.memory_space<hbm>>
        %dma_start3A_194 = arith.constant 0 : i32
        %dma_start3A_195 = tpu.memref_slice %arg3[%mul3A_191, %dma_start3A_194] : memref<320000x128xf32, #tpu.memory_space<hbm>> -> memref<64x128xf32, #tpu.memory_space<hbm>>
        tpu.enqueue_dma source(%dma_start3A_195 : memref<64x128xf32, #tpu.memory_space<hbm>>) target(%arg10 : memref<64x128xf32, #tpu.memory_space<vmem>>) target_semaphore(%arg15 : memref<!tpu.dma_semaphore, #tpu.memory_space<semaphore_mem>>)
        %dma_start3A_196 = arith.constant 0 : i32
        %dma_start3A_197 = arith.constant 0 : i32
        %dma_start3A_198 = tpu.memref_slice %arg8[%dma_start3A_196, %dma_start3A_197] : memref<2x64xi32, #tpu.memory_space<vmem>> -> memref<1x64xi32, #tpu.memory_space<vmem>>
        %dma_start3A_199 = tpu.memref_squeeze %dma_start3A_198 : memref<1x64xi32, #tpu.memory_space<vmem>> -> memref<64xi32, #tpu.memory_space<vmem>>
        %dma_start3A_200 = arith.constant 0 : i32
        %dma_start3A_201 = arith.constant 0 : i32
        %dma_start3A_202 = tpu.memref_slice %arg2[%dma_start3A_200, %dma_start3A_201] : memref<10000x128xf32, #tpu.memory_space<hbm>> -> memref<10000x128xf32, #tpu.memory_space<hbm>>
        tpu.enqueue_indirect_dma source(%dma_start3A_202 : memref<10000x128xf32, #tpu.memory_space<hbm>>) target(%arg12 : memref<64x128xf32, #tpu.memory_space<vmem>>) offsets(%dma_start3A_199 : memref<64xi32, #tpu.memory_space<vmem>>) semaphore(%arg17 : memref<!tpu.dma_semaphore, #tpu.memory_space<semaphore_mem>>)
      } else {
      }
      %lt3A_148 = arith.cmpi slt, %add3A_141, %add3A_8 : i32
      %convert_element_type3A_149 = arith.extui %lt3A_148 : i1 to i32
      %cond3A_150 = arith.constant 0 : i32
      %cond3A_151 = arith.cmpi ne, %convert_element_type3A_149, %cond3A_150 : i32
      scf.if %cond3A_151 {
        %dma_wait3A_178 = arith.constant 0 : i32
        %dma_wait3A_179 = arith.constant 0 : i32
        %dma_wait3A_180 = tpu.memref_slice %arg3[%dma_wait3A_178, %dma_wait3A_179] : memref<320000x128xf32, #tpu.memory_space<hbm>> -> memref<64x128xf32, #tpu.memory_space<hbm>>
        %dma_wait3A_181 = arith.constant 0 : i32
        %dma_wait3A_182 = arith.constant 0 : i32
        %dma_wait3A_183 = tpu.memref_slice %arg3[%dma_wait3A_181, %dma_wait3A_182] : memref<320000x128xf32, #tpu.memory_space<hbm>> -> memref<64x128xf32, #tpu.memory_space<hbm>>
        tpu.wait_dma2 semaphore(%arg14 : memref<!tpu.dma_semaphore, #tpu.memory_space<semaphore_mem>>) src(%dma_wait3A_183 : memref<64x128xf32, #tpu.memory_space<hbm>>) dst(%arg9 : memref<64x128xf32, #tpu.memory_space<vmem>>)
        %dma_wait3A_184 = arith.constant 0 : i32
        %dma_wait3A_185 = arith.constant 0 : i32
        %dma_wait3A_186 = tpu.memref_slice %arg7[%dma_wait3A_184, %dma_wait3A_185] : memref<2x64xi32, #tpu.memory_space<vmem>> -> memref<1x64xi32, #tpu.memory_space<vmem>>
        %dma_wait3A_187 = tpu.memref_squeeze %dma_wait3A_186 : memref<1x64xi32, #tpu.memory_space<vmem>> -> memref<64xi32, #tpu.memory_space<vmem>>
        %dma_wait3A_188 = arith.constant 0 : i32
        %dma_wait3A_189 = arith.constant 0 : i32
        %dma_wait3A_190 = tpu.memref_slice %arg2[%dma_wait3A_188, %dma_wait3A_189] : memref<10000x128xf32, #tpu.memory_space<hbm>> -> memref<10000x128xf32, #tpu.memory_space<hbm>>
        tpu.wait_indirect_dma semaphore(%arg16 : memref<!tpu.dma_semaphore, #tpu.memory_space<semaphore_mem>>) src(%dma_wait3A_190 : memref<10000x128xf32, #tpu.memory_space<hbm>>) dst(%arg11 : memref<64x128xf32, #tpu.memory_space<vmem>>)
        %scan3A_191 = arith.constant 0 : i32
        %scan3A_192 = arith.constant 64 : i32
        %scan3A_193 = arith.addi %scan3A_191, %scan3A_192 : i32
        %scan3A_194 = arith.constant 1 : i32
        scf.for %scan3A_196 = %scan3A_191 to %scan3A_193 step %scan3A_194  : i32 {
          %mul3A_197 = arith.constant 1 : i32
          %mul3A_198 = arith.muli %scan3A_196, %mul3A_197 : i32
          %add3A_199 = arith.constant 0 : i32
          %add3A_200 = arith.addi %add3A_199, %mul3A_198 : i32
          %get3A = arith.index_cast %add3A_200 : i32 to index
          %get3A_201 = arith.constant 0 : index
          %get3A_202 = tpu.vector_load %arg11[%get3A, %get3A_201] {strides = array<i32>} : memref<64x128xf32, #tpu.memory_space<vmem>>, vector<1x16xf32>,
          %get3A_203 = vector.shape_cast %get3A_202 : vector<1x16xf32> to vector<16xf32>
          %get3A_204 = arith.index_cast %add3A_200 : i32 to index
          %get3A_205 = arith.constant 0 : index
          %get3A_206 = tpu.vector_load %arg9[%get3A_204, %get3A_205] {strides = array<i32>} : memref<64x128xf32, #tpu.memory_space<vmem>>, vector<1x16xf32>,
          %get3A_207 = vector.shape_cast %get3A_206 : vector<1x16xf32> to vector<16xf32>
          %mul3A_208 = arith.mulf %get3A_203, %get3A_207 : vector<16xf32>
          %swap3A = arith.index_cast %add3A_200 : i32 to index
          %swap3A_209 = arith.constant 0 : index
          %swap3A_210 = tpu.vector_load %arg11[%swap3A, %swap3A_209] {strides = array<i32>} : memref<64x128xf32, #tpu.memory_space<vmem>>, vector<1x16xf32>,
          %swap3A_211 = vector.shape_cast %swap3A_210 : vector<1x16xf32> to vector<16xf32>
          %swap3A_212 = vector.shape_cast %mul3A_208 : vector<16xf32> to vector<1x16xf32>
          tpu.vector_store %arg11[%swap3A, %swap3A_209], %swap3A_212 {strides = array<i32>} : memref<64x128xf32, #tpu.memory_space<vmem>>, vector<1x16xf32>,
          %get3A_213 = arith.index_cast %add3A_200 : i32 to index
          %get3A_214 = arith.constant 16 : index
          %get3A_215 = tpu.vector_load %arg11[%get3A_213, %get3A_214] {strides = array<i32>} : memref<64x128xf32, #tpu.memory_space<vmem>>, vector<1x16xf32>,
          %get3A_216 = vector.shape_cast %get3A_215 : vector<1x16xf32> to vector<16xf32>
          %get3A_217 = arith.index_cast %add3A_200 : i32 to index
          %get3A_218 = arith.constant 16 : index
          %get3A_219 = tpu.vector_load %arg9[%get3A_217, %get3A_218] {strides = array<i32>} : memref<64x128xf32, #tpu.memory_space<vmem>>, vector<1x16xf32>,
          %get3A_220 = vector.shape_cast %get3A_219 : vector<1x16xf32> to vector<16xf32>
          %mul3A_221 = arith.mulf %get3A_216, %get3A_220 : vector<16xf32>
          %swap3A_222 = arith.index_cast %add3A_200 : i32 to index
          %swap3A_223 = arith.constant 16 : index
          %swap3A_224 = tpu.vector_load %arg11[%swap3A_222, %swap3A_223] {strides = array<i32>} : memref<64x128xf32, #tpu.memory_space<vmem>>, vector<1x16xf32>,
          %swap3A_225 = vector.shape_cast %swap3A_224 : vector<1x16xf32> to vector<16xf32>
          %swap3A_226 = vector.shape_cast %mul3A_221 : vector<16xf32> to vector<1x16xf32>
          tpu.vector_store %arg11[%swap3A_222, %swap3A_223], %swap3A_226 {strides = array<i32>} : memref<64x128xf32, #tpu.memory_space<vmem>>, vector<1x16xf32>,
          %get3A_227 = arith.index_cast %add3A_200 : i32 to index
          %get3A_228 = arith.constant 32 : index
          %get3A_229 = tpu.vector_load %arg11[%get3A_227, %get3A_228] {strides = array<i32>} : memref<64x128xf32, #tpu.memory_space<vmem>>, vector<1x16xf32>,
          %get3A_230 = vector.shape_cast %get3A_229 : vector<1x16xf32> to vector<16xf32>
          %get3A_231 = arith.index_cast %add3A_200 : i32 to index
          %get3A_232 = arith.constant 32 : index
          %get3A_233 = tpu.vector_load %arg9[%get3A_231, %get3A_232] {strides = array<i32>} : memref<64x128xf32, #tpu.memory_space<vmem>>, vector<1x16xf32>,
          %get3A_234 = vector.shape_cast %get3A_233 : vector<1x16xf32> to vector<16xf32>
          %mul3A_235 = arith.mulf %get3A_230, %get3A_234 : vector<16xf32>
          %swap3A_236 = arith.index_cast %add3A_200 : i32 to index
          %swap3A_237 = arith.constant 32 : index
          %swap3A_238 = tpu.vector_load %arg11[%swap3A_236, %swap3A_237] {strides = array<i32>} : memref<64x128xf32, #tpu.memory_space<vmem>>, vector<1x16xf32>,
          %swap3A_239 = vector.shape_cast %swap3A_238 : vector<1x16xf32> to vector<16xf32>
          %swap3A_240 = vector.shape_cast %mul3A_235 : vector<16xf32> to vector<1x16xf32>
          tpu.vector_store %arg11[%swap3A_236, %swap3A_237], %swap3A_240 {strides = array<i32>} : memref<64x128xf32, #tpu.memory_space<vmem>>, vector<1x16xf32>,
          %get3A_241 = arith.index_cast %add3A_200 : i32 to index
          %get3A_242 = arith.constant 48 : index
          %get3A_243 = tpu.vector_load %arg11[%get3A_241, %get3A_242] {strides = array<i32>} : memref<64x128xf32, #tpu.memory_space<vmem>>, vector<1x16xf32>,
          %get3A_244 = vector.shape_cast %get3A_243 : vector<1x16xf32> to vector<16xf32>
          %get3A_245 = arith.index_cast %add3A_200 : i32 to index
          %get3A_246 = arith.constant 48 : index
          %get3A_247 = tpu.vector_load %arg9[%get3A_245, %get3A_246] {strides = array<i32>} : memref<64x128xf32, #tpu.memory_space<vmem>>, vector<1x16xf32>,
          %get3A_248 = vector.shape_cast %get3A_247 : vector<1x16xf32> to vector<16xf32>
          %mul3A_249 = arith.mulf %get3A_244, %get3A_248 : vector<16xf32>
          %swap3A_250 = arith.index_cast %add3A_200 : i32 to index
          %swap3A_251 = arith.constant 48 : index
          %swap3A_252 = tpu.vector_load %arg11[%swap3A_250, %swap3A_251] {strides = array<i32>} : memref<64x128xf32, #tpu.memory_space<vmem>>, vector<1x16xf32>,
          %swap3A_253 = vector.shape_cast %swap3A_252 : vector<1x16xf32> to vector<16xf32>
          %swap3A_254 = vector.shape_cast %mul3A_249 : vector<16xf32> to vector<1x16xf32>
          tpu.vector_store %arg11[%swap3A_250, %swap3A_251], %swap3A_254 {strides = array<i32>} : memref<64x128xf32, #tpu.memory_space<vmem>>, vector<1x16xf32>,
          %get3A_255 = arith.index_cast %add3A_200 : i32 to index
          %get3A_256 = arith.constant 64 : index
          %get3A_257 = tpu.vector_load %arg11[%get3A_255, %get3A_256] {strides = array<i32>} : memref<64x128xf32, #tpu.memory_space<vmem>>, vector<1x16xf32>,
          %get3A_258 = vector.shape_cast %get3A_257 : vector<1x16xf32> to vector<16xf32>
          %get3A_259 = arith.index_cast %add3A_200 : i32 to index
          %get3A_260 = arith.constant 64 : index
          %get3A_261 = tpu.vector_load %arg9[%get3A_259, %get3A_260] {strides = array<i32>} : memref<64x128xf32, #tpu.memory_space<vmem>>, vector<1x16xf32>,
          %get3A_262 = vector.shape_cast %get3A_261 : vector<1x16xf32> to vector<16xf32>
          %mul3A_263 = arith.mulf %get3A_258, %get3A_262 : vector<16xf32>
          %swap3A_264 = arith.index_cast %add3A_200 : i32 to index
          %swap3A_265 = arith.constant 64 : index
          %swap3A_266 = tpu.vector_load %arg11[%swap3A_264, %swap3A_265] {strides = array<i32>} : memref<64x128xf32, #tpu.memory_space<vmem>>, vector<1x16xf32>,
          %swap3A_267 = vector.shape_cast %swap3A_266 : vector<1x16xf32> to vector<16xf32>
          %swap3A_268 = vector.shape_cast %mul3A_263 : vector<16xf32> to vector<1x16xf32>
          tpu.vector_store %arg11[%swap3A_264, %swap3A_265], %swap3A_268 {strides = array<i32>} : memref<64x128xf32, #tpu.memory_space<vmem>>, vector<1x16xf32>,
          %get3A_269 = arith.index_cast %add3A_200 : i32 to index
          %get3A_270 = arith.constant 80 : index
          %get3A_271 = tpu.vector_load %arg11[%get3A_269, %get3A_270] {strides = array<i32>} : memref<64x128xf32, #tpu.memory_space<vmem>>, vector<1x16xf32>,
          %get3A_272 = vector.shape_cast %get3A_271 : vector<1x16xf32> to vector<16xf32>
          %get3A_273 = arith.index_cast %add3A_200 : i32 to index
          %get3A_274 = arith.constant 80 : index
          %get3A_275 = tpu.vector_load %arg9[%get3A_273, %get3A_274] {strides = array<i32>} : memref<64x128xf32, #tpu.memory_space<vmem>>, vector<1x16xf32>,
          %get3A_276 = vector.shape_cast %get3A_275 : vector<1x16xf32> to vector<16xf32>
          %mul3A_277 = arith.mulf %get3A_272, %get3A_276 : vector<16xf32>
          %swap3A_278 = arith.index_cast %add3A_200 : i32 to index
          %swap3A_279 = arith.constant 80 : index
          %swap3A_280 = tpu.vector_load %arg11[%swap3A_278, %swap3A_279] {strides = array<i32>} : memref<64x128xf32, #tpu.memory_space<vmem>>, vector<1x16xf32>,
          %swap3A_281 = vector.shape_cast %swap3A_280 : vector<1x16xf32> to vector<16xf32>
          %swap3A_282 = vector.shape_cast %mul3A_277 : vector<16xf32> to vector<1x16xf32>
          tpu.vector_store %arg11[%swap3A_278, %swap3A_279], %swap3A_282 {strides = array<i32>} : memref<64x128xf32, #tpu.memory_space<vmem>>, vector<1x16xf32>,
          %get3A_283 = arith.index_cast %add3A_200 : i32 to index
          %get3A_284 = arith.constant 96 : index
          %get3A_285 = tpu.vector_load %arg11[%get3A_283, %get3A_284] {strides = array<i32>} : memref<64x128xf32, #tpu.memory_space<vmem>>, vector<1x16xf32>,
          %get3A_286 = vector.shape_cast %get3A_285 : vector<1x16xf32> to vector<16xf32>
          %get3A_287 = arith.index_cast %add3A_200 : i32 to index
          %get3A_288 = arith.constant 96 : index
          %get3A_289 = tpu.vector_load %arg9[%get3A_287, %get3A_288] {strides = array<i32>} : memref<64x128xf32, #tpu.memory_space<vmem>>, vector<1x16xf32>,
          %get3A_290 = vector.shape_cast %get3A_289 : vector<1x16xf32> to vector<16xf32>
          %mul3A_291 = arith.mulf %get3A_286, %get3A_290 : vector<16xf32>
          %swap3A_292 = arith.index_cast %add3A_200 : i32 to index
          %swap3A_293 = arith.constant 96 : index
          %swap3A_294 = tpu.vector_load %arg11[%swap3A_292, %swap3A_293] {strides = array<i32>} : memref<64x128xf32, #tpu.memory_space<vmem>>, vector<1x16xf32>,
          %swap3A_295 = vector.shape_cast %swap3A_294 : vector<1x16xf32> to vector<16xf32>
          %swap3A_296 = vector.shape_cast %mul3A_291 : vector<16xf32> to vector<1x16xf32>
          tpu.vector_store %arg11[%swap3A_292, %swap3A_293], %swap3A_296 {strides = array<i32>} : memref<64x128xf32, #tpu.memory_space<vmem>>, vector<1x16xf32>,
          %get3A_297 = arith.index_cast %add3A_200 : i32 to index
          %get3A_298 = arith.constant 112 : index
          %get3A_299 = tpu.vector_load %arg11[%get3A_297, %get3A_298] {strides = array<i32>} : memref<64x128xf32, #tpu.memory_space<vmem>>, vector<1x16xf32>,
          %get3A_300 = vector.shape_cast %get3A_299 : vector<1x16xf32> to vector<16xf32>
          %get3A_301 = arith.index_cast %add3A_200 : i32 to index
          %get3A_302 = arith.constant 112 : index
          %get3A_303 = tpu.vector_load %arg9[%get3A_301, %get3A_302] {strides = array<i32>} : memref<64x128xf32, #tpu.memory_space<vmem>>, vector<1x16xf32>,
          %get3A_304 = vector.shape_cast %get3A_303 : vector<1x16xf32> to vector<16xf32>
          %mul3A_305 = arith.mulf %get3A_300, %get3A_304 : vector<16xf32>
          %swap3A_306 = arith.index_cast %add3A_200 : i32 to index
          %swap3A_307 = arith.constant 112 : index
          %swap3A_308 = tpu.vector_load %arg11[%swap3A_306, %swap3A_307] {strides = array<i32>} : memref<64x128xf32, #tpu.memory_space<vmem>>, vector<1x16xf32>,
          %swap3A_309 = vector.shape_cast %swap3A_308 : vector<1x16xf32> to vector<16xf32>
          %swap3A_310 = vector.shape_cast %mul3A_305 : vector<16xf32> to vector<1x16xf32>
          tpu.vector_store %arg11[%swap3A_306, %swap3A_307], %swap3A_310 {strides = array<i32>} : memref<64x128xf32, #tpu.memory_space<vmem>>, vector<1x16xf32>,
        }
        %scan3A_195 = arith.constant 64 : i32
        %run_scoped3A = arith.constant 1 : i32
        "tpu.region"() ({
          %run_scoped3A_196 = tpu.sem_alloc : memref<!tpu.dma_semaphore, #tpu.memory_space<semaphore_mem>>
          %dma_start3A_197 = arith.constant 0 : i32
          %dma_start3A_198 = tpu.memref_slice %arg7[%run_scoped3A, %dma_start3A_197] : memref<2x64xi32, #tpu.memory_space<vmem>> -> memref<1x64xi32, #tpu.memory_space<vmem>>
          %dma_start3A_199 = tpu.memref_squeeze %dma_start3A_198 : memref<1x64xi32, #tpu.memory_space<vmem>> -> memref<64xi32, #tpu.memory_space<vmem>>
          %dma_start3A_200 = arith.constant 0 : i32
          %dma_start3A_201 = arith.constant 0 : i32
          %dma_start3A_202 = tpu.memref_slice %arg13[%dma_start3A_200, %dma_start3A_201] : memref<10000x128xf32, #tpu.memory_space<vmem_shared>> -> memref<10000x128xf32, #tpu.memory_space<vmem_shared>>
          tpu.enqueue_indirect_dma source(%arg11 : memref<64x128xf32, #tpu.memory_space<vmem>>) target(%dma_start3A_202 : memref<10000x128xf32, #tpu.memory_space<vmem_shared>>) offsets(%dma_start3A_199 : memref<64xi32, #tpu.memory_space<vmem>>) semaphore(%run_scoped3A_196 : memref<!tpu.dma_semaphore, #tpu.memory_space<semaphore_mem>>) {add = true}
          %dma_wait3A_203 = arith.constant 0 : i32
          %dma_wait3A_204 = tpu.memref_slice %arg7[%run_scoped3A, %dma_wait3A_203] : memref<2x64xi32, #tpu.memory_space<vmem>> -> memref<1x64xi32, #tpu.memory_space<vmem>>
          %dma_wait3A_205 = tpu.memref_squeeze %dma_wait3A_204 : memref<1x64xi32, #tpu.memory_space<vmem>> -> memref<64xi32, #tpu.memory_space<vmem>>
          %dma_wait3A_206 = arith.constant 0 : i32
          %dma_wait3A_207 = arith.constant 0 : i32
          %dma_wait3A_208 = tpu.memref_slice %arg13[%dma_wait3A_206, %dma_wait3A_207] : memref<10000x128xf32, #tpu.memory_space<vmem_shared>> -> memref<10000x128xf32, #tpu.memory_space<vmem_shared>>
          tpu.wait_indirect_dma semaphore(%run_scoped3A_196 : memref<!tpu.dma_semaphore, #tpu.memory_space<semaphore_mem>>) src(%arg11 : memref<64x128xf32, #tpu.memory_space<vmem>>) dst(%dma_wait3A_208 : memref<10000x128xf32, #tpu.memory_space<vmem_shared>>)
          tpu.yield
        }) : () -> ()
      } else {
      }
      %add3A_152 = arith.constant 2 : i32
      %add3A_153 = arith.addi %add3A_141, %add3A_152 : i32
      %lt3A_154 = arith.cmpi slt, %add3A_153, %add3A_8 : i32
      %convert_element_type3A_155 = arith.extui %lt3A_154 : i1 to i32
      %cond3A_156 = arith.constant 0 : i32
      %cond3A_157 = arith.cmpi ne, %convert_element_type3A_155, %cond3A_156 : i32
      scf.if %cond3A_157 {
        %add3A_178 = arith.constant 2 : i32
        %add3A_179 = arith.addi %add3A_141, %add3A_178 : i32
        %add3A_180 = arith.addi %add3A_4, %add3A_179 : i32
        %dma_start3A_181 = arith.constant 0 : i32
        %dma_start3A_182 = arith.constant 0 : i32
        %dma_start3A_183 = tpu.memref_slice %arg4[%add3A_180, %dma_start3A_181, %dma_start3A_182] : memref<5000x2x64xi32, #tpu.memory_space<hbm>> -> memref<1x2x64xi32, #tpu.memory_space<hbm>>
        %dma_start3A_184 = tpu.memref_squeeze %dma_start3A_183 : memref<1x2x64xi32, #tpu.memory_space<hbm>> -> memref<2x64xi32, #tpu.memory_space<hbm>>
        %dma_start3A_185 = arith.constant 0 : i32
        %dma_start3A_186 = arith.constant 0 : i32
        %dma_start3A_187 = tpu.memref_slice %arg4[%add3A_180, %dma_start3A_185, %dma_start3A_186] : memref<5000x2x64xi32, #tpu.memory_space<hbm>> -> memref<1x2x64xi32, #tpu.memory_space<hbm>>
        %dma_start3A_188 = tpu.memref_squeeze %dma_start3A_187 : memref<1x2x64xi32, #tpu.memory_space<hbm>> -> memref<2x64xi32, #tpu.memory_space<hbm>>
        tpu.enqueue_dma source(%dma_start3A_188 : memref<2x64xi32, #tpu.memory_space<hbm>>) target(%arg7 : memref<2x64xi32, #tpu.memory_space<vmem>>) target_semaphore(%arg18 : memref<!tpu.dma_semaphore, #tpu.memory_space<semaphore_mem>>)
      } else {
      }
      %mul3A_158 = arith.constant 2 : i32
      %mul3A_159 = arith.muli %mul3A_158, %add3A_137 : i32
      %add3A_160 = arith.constant 1 : i32
      %add3A_161 = arith.addi %mul3A_159, %add3A_160 : i32
      %add3A_162 = arith.constant 1 : i32
      %add3A_163 = arith.addi %add3A_161, %add3A_162 : i32
      %lt3A_164 = arith.cmpi slt, %add3A_163, %add3A_8 : i32
      %convert_element_type3A_165 = arith.extui %lt3A_164 : i1 to i32
      %cond3A_166 = arith.constant 0 : i32
      %cond3A_167 = arith.cmpi ne, %convert_element_type3A_165, %cond3A_166 : i32
      scf.if %cond3A_167 {
        %dma_wait3A_178 = arith.constant 0 : i32
        %dma_wait3A_179 = arith.constant 0 : i32
        %dma_wait3A_180 = arith.constant 0 : i32
        %dma_wait3A_181 = tpu.memref_slice %arg4[%dma_wait3A_178, %dma_wait3A_179, %dma_wait3A_180] : memref<5000x2x64xi32, #tpu.memory_space<hbm>> -> memref<1x2x64xi32, #tpu.memory_space<hbm>>
        %dma_wait3A_182 = tpu.memref_squeeze %dma_wait3A_181 : memref<1x2x64xi32, #tpu.memory_space<hbm>> -> memref<2x64xi32, #tpu.memory_space<hbm>>
        %dma_wait3A_183 = arith.constant 0 : i32
        %dma_wait3A_184 = arith.constant 0 : i32
        %dma_wait3A_185 = tpu.memref_slice %arg4[%dma_wait3A_178, %dma_wait3A_183, %dma_wait3A_184] : memref<5000x2x64xi32, #tpu.memory_space<hbm>> -> memref<1x2x64xi32, #tpu.memory_space<hbm>>
        %dma_wait3A_186 = tpu.memref_squeeze %dma_wait3A_185 : memref<1x2x64xi32, #tpu.memory_space<hbm>> -> memref<2x64xi32, #tpu.memory_space<hbm>>
        tpu.wait_dma2 semaphore(%arg18 : memref<!tpu.dma_semaphore, #tpu.memory_space<semaphore_mem>>) src(%dma_wait3A_186 : memref<2x64xi32, #tpu.memory_space<hbm>>) dst(%arg7 : memref<2x64xi32, #tpu.memory_space<vmem>>)
        %add3A_187 = arith.constant 1 : i32
        %add3A_188 = arith.addi %add3A_161, %add3A_187 : i32
        %add3A_189 = arith.addi %add3A_4, %add3A_188 : i32
        %mul3A_190 = arith.constant 64 : i32
        %mul3A_191 = arith.muli %add3A_189, %mul3A_190 : i32
        %dma_start3A_192 = arith.constant 0 : i32
        %dma_start3A_193 = tpu.memref_slice %arg3[%mul3A_191, %dma_start3A_192] : memref<320000x128xf32, #tpu.memory_space<hbm>> -> memref<64x128xf32, #tpu.memory_space<hbm>>
        %dma_start3A_194 = arith.constant 0 : i32
        %dma_start3A_195 = tpu.memref_slice %arg3[%mul3A_191, %dma_start3A_194] : memref<320000x128xf32, #tpu.memory_space<hbm>> -> memref<64x128xf32, #tpu.memory_space<hbm>>
        tpu.enqueue_dma source(%dma_start3A_195 : memref<64x128xf32, #tpu.memory_space<hbm>>) target(%arg9 : memref<64x128xf32, #tpu.memory_space<vmem>>) target_semaphore(%arg14 : memref<!tpu.dma_semaphore, #tpu.memory_space<semaphore_mem>>)
        %dma_start3A_196 = arith.constant 0 : i32
        %dma_start3A_197 = arith.constant 0 : i32
        %dma_start3A_198 = tpu.memref_slice %arg7[%dma_start3A_196, %dma_start3A_197] : memref<2x64xi32, #tpu.memory_space<vmem>> -> memref<1x64xi32, #tpu.memory_space<vmem>>
        %dma_start3A_199 = tpu.memref_squeeze %dma_start3A_198 : memref<1x64xi32, #tpu.memory_space<vmem>> -> memref<64xi32, #tpu.memory_space<vmem>>
        %dma_start3A_200 = arith.constant 0 : i32
        %dma_start3A_201 = arith.constant 0 : i32
        %dma_start3A_202 = tpu.memref_slice %arg2[%dma_start3A_200, %dma_start3A_201] : memref<10000x128xf32, #tpu.memory_space<hbm>> -> memref<10000x128xf32, #tpu.memory_space<hbm>>
        tpu.enqueue_indirect_dma source(%dma_start3A_202 : memref<10000x128xf32, #tpu.memory_space<hbm>>) target(%arg11 : memref<64x128xf32, #tpu.memory_space<vmem>>) offsets(%dma_start3A_199 : memref<64xi32, #tpu.memory_space<vmem>>) semaphore(%arg16 : memref<!tpu.dma_semaphore, #tpu.memory_space<semaphore_mem>>)
      } else {
      }
      %lt3A_168 = arith.cmpi slt, %add3A_161, %add3A_8 : i32
      %convert_element_type3A_169 = arith.extui %lt3A_168 : i1 to i32
      %cond3A_170 = arith.constant 0 : i32
      %cond3A_171 = arith.cmpi ne, %convert_element_type3A_169, %cond3A_170 : i32
      scf.if %cond3A_171 {
        %dma_wait3A_178 = arith.constant 0 : i32
        %dma_wait3A_179 = arith.constant 0 : i32
        %dma_wait3A_180 = tpu.memref_slice %arg3[%dma_wait3A_178, %dma_wait3A_179] : memref<320000x128xf32, #tpu.memory_space<hbm>> -> memref<64x128xf32, #tpu.memory_space<hbm>>
        %dma_wait3A_181 = arith.constant 0 : i32
        %dma_wait3A_182 = arith.constant 0 : i32
        %dma_wait3A_183 = tpu.memref_slice %arg3[%dma_wait3A_181, %dma_wait3A_182] : memref<320000x128xf32, #tpu.memory_space<hbm>> -> memref<64x128xf32, #tpu.memory_space<hbm>>
        tpu.wait_dma2 semaphore(%arg15 : memref<!tpu.dma_semaphore, #tpu.memory_space<semaphore_mem>>) src(%dma_wait3A_183 : memref<64x128xf32, #tpu.memory_space<hbm>>) dst(%arg10 : memref<64x128xf32, #tpu.memory_space<vmem>>)
        %dma_wait3A_184 = arith.constant 0 : i32
        %dma_wait3A_185 = arith.constant 0 : i32
        %dma_wait3A_186 = tpu.memref_slice %arg7[%dma_wait3A_184, %dma_wait3A_185] : memref<2x64xi32, #tpu.memory_space<vmem>> -> memref<1x64xi32, #tpu.memory_space<vmem>>
        %dma_wait3A_187 = tpu.memref_squeeze %dma_wait3A_186 : memref<1x64xi32, #tpu.memory_space<vmem>> -> memref<64xi32, #tpu.memory_space<vmem>>
        %dma_wait3A_188 = arith.constant 0 : i32
        %dma_wait3A_189 = arith.constant 0 : i32
        %dma_wait3A_190 = tpu.memref_slice %arg2[%dma_wait3A_188, %dma_wait3A_189] : memref<10000x128xf32, #tpu.memory_space<hbm>> -> memref<10000x128xf32, #tpu.memory_space<hbm>>
        tpu.wait_indirect_dma semaphore(%arg17 : memref<!tpu.dma_semaphore, #tpu.memory_space<semaphore_mem>>) src(%dma_wait3A_190 : memref<10000x128xf32, #tpu.memory_space<hbm>>) dst(%arg12 : memref<64x128xf32, #tpu.memory_space<vmem>>)
        %scan3A_191 = arith.constant 0 : i32
        %scan3A_192 = arith.constant 64 : i32
        %scan3A_193 = arith.addi %scan3A_191, %scan3A_192 : i32
        %scan3A_194 = arith.constant 1 : i32
        scf.for %scan3A_196 = %scan3A_191 to %scan3A_193 step %scan3A_194  : i32 {
          %mul3A_197 = arith.constant 1 : i32
          %mul3A_198 = arith.muli %scan3A_196, %mul3A_197 : i32
          %add3A_199 = arith.constant 0 : i32
          %add3A_200 = arith.addi %add3A_199, %mul3A_198 : i32
          %get3A = arith.index_cast %add3A_200 : i32 to index
          %get3A_201 = arith.constant 0 : index
          %get3A_202 = tpu.vector_load %arg12[%get3A, %get3A_201] {strides = array<i32>} : memref<64x128xf32, #tpu.memory_space<vmem>>, vector<1x16xf32>,
          %get3A_203 = vector.shape_cast %get3A_202 : vector<1x16xf32> to vector<16xf32>
          %get3A_204 = arith.index_cast %add3A_200 : i32 to index
          %get3A_205 = arith.constant 0 : index
          %get3A_206 = tpu.vector_load %arg10[%get3A_204, %get3A_205] {strides = array<i32>} : memref<64x128xf32, #tpu.memory_space<vmem>>, vector<1x16xf32>,
          %get3A_207 = vector.shape_cast %get3A_206 : vector<1x16xf32> to vector<16xf32>
          %mul3A_208 = arith.mulf %get3A_203, %get3A_207 : vector<16xf32>
          %swap3A = arith.index_cast %add3A_200 : i32 to index
          %swap3A_209 = arith.constant 0 : index
          %swap3A_210 = tpu.vector_load %arg12[%swap3A, %swap3A_209] {strides = array<i32>} : memref<64x128xf32, #tpu.memory_space<vmem>>, vector<1x16xf32>,
          %swap3A_211 = vector.shape_cast %swap3A_210 : vector<1x16xf32> to vector<16xf32>
          %swap3A_212 = vector.shape_cast %mul3A_208 : vector<16xf32> to vector<1x16xf32>
          tpu.vector_store %arg12[%swap3A, %swap3A_209], %swap3A_212 {strides = array<i32>} : memref<64x128xf32, #tpu.memory_space<vmem>>, vector<1x16xf32>,
          %get3A_213 = arith.index_cast %add3A_200 : i32 to index
          %get3A_214 = arith.constant 16 : index
          %get3A_215 = tpu.vector_load %arg12[%get3A_213, %get3A_214] {strides = array<i32>} : memref<64x128xf32, #tpu.memory_space<vmem>>, vector<1x16xf32>,
          %get3A_216 = vector.shape_cast %get3A_215 : vector<1x16xf32> to vector<16xf32>
          %get3A_217 = arith.index_cast %add3A_200 : i32 to index
          %get3A_218 = arith.constant 16 : index
          %get3A_219 = tpu.vector_load %arg10[%get3A_217, %get3A_218] {strides = array<i32>} : memref<64x128xf32, #tpu.memory_space<vmem>>, vector<1x16xf32>,
          %get3A_220 = vector.shape_cast %get3A_219 : vector<1x16xf32> to vector<16xf32>
          %mul3A_221 = arith.mulf %get3A_216, %get3A_220 : vector<16xf32>
          %swap3A_222 = arith.index_cast %add3A_200 : i32 to index
          %swap3A_223 = arith.constant 16 : index
          %swap3A_224 = tpu.vector_load %arg12[%swap3A_222, %swap3A_223] {strides = array<i32>} : memref<64x128xf32, #tpu.memory_space<vmem>>, vector<1x16xf32>,
          %swap3A_225 = vector.shape_cast %swap3A_224 : vector<1x16xf32> to vector<16xf32>
          %swap3A_226 = vector.shape_cast %mul3A_221 : vector<16xf32> to vector<1x16xf32>
          tpu.vector_store %arg12[%swap3A_222, %swap3A_223], %swap3A_226 {strides = array<i32>} : memref<64x128xf32, #tpu.memory_space<vmem>>, vector<1x16xf32>,
          %get3A_227 = arith.index_cast %add3A_200 : i32 to index
          %get3A_228 = arith.constant 32 : index
          %get3A_229 = tpu.vector_load %arg12[%get3A_227, %get3A_228] {strides = array<i32>} : memref<64x128xf32, #tpu.memory_space<vmem>>, vector<1x16xf32>,
          %get3A_230 = vector.shape_cast %get3A_229 : vector<1x16xf32> to vector<16xf32>
          %get3A_231 = arith.index_cast %add3A_200 : i32 to index
          %get3A_232 = arith.constant 32 : index
          %get3A_233 = tpu.vector_load %arg10[%get3A_231, %get3A_232] {strides = array<i32>} : memref<64x128xf32, #tpu.memory_space<vmem>>, vector<1x16xf32>,
          %get3A_234 = vector.shape_cast %get3A_233 : vector<1x16xf32> to vector<16xf32>
          %mul3A_235 = arith.mulf %get3A_230, %get3A_234 : vector<16xf32>
          %swap3A_236 = arith.index_cast %add3A_200 : i32 to index
          %swap3A_237 = arith.constant 32 : index
          %swap3A_238 = tpu.vector_load %arg12[%swap3A_236, %swap3A_237] {strides = array<i32>} : memref<64x128xf32, #tpu.memory_space<vmem>>, vector<1x16xf32>,
          %swap3A_239 = vector.shape_cast %swap3A_238 : vector<1x16xf32> to vector<16xf32>
          %swap3A_240 = vector.shape_cast %mul3A_235 : vector<16xf32> to vector<1x16xf32>
          tpu.vector_store %arg12[%swap3A_236, %swap3A_237], %swap3A_240 {strides = array<i32>} : memref<64x128xf32, #tpu.memory_space<vmem>>, vector<1x16xf32>,
          %get3A_241 = arith.index_cast %add3A_200 : i32 to index
          %get3A_242 = arith.constant 48 : index
          %get3A_243 = tpu.vector_load %arg12[%get3A_241, %get3A_242] {strides = array<i32>} : memref<64x128xf32, #tpu.memory_space<vmem>>, vector<1x16xf32>,
          %get3A_244 = vector.shape_cast %get3A_243 : vector<1x16xf32> to vector<16xf32>
          %get3A_245 = arith.index_cast %add3A_200 : i32 to index
          %get3A_246 = arith.constant 48 : index
          %get3A_247 = tpu.vector_load %arg10[%get3A_245, %get3A_246] {strides = array<i32>} : memref<64x128xf32, #tpu.memory_space<vmem>>, vector<1x16xf32>,
          %get3A_248 = vector.shape_cast %get3A_247 : vector<1x16xf32> to vector<16xf32>
          %mul3A_249 = arith.mulf %get3A_244, %get3A_248 : vector<16xf32>
          %swap3A_250 = arith.index_cast %add3A_200 : i32 to index
          %swap3A_251 = arith.constant 48 : index
          %swap3A_252 = tpu.vector_load %arg12[%swap3A_250, %swap3A_251] {strides = array<i32>} : memref<64x128xf32, #tpu.memory_space<vmem>>, vector<1x16xf32>,
          %swap3A_253 = vector.shape_cast %swap3A_252 : vector<1x16xf32> to vector<16xf32>
          %swap3A_254 = vector.shape_cast %mul3A_249 : vector<16xf32> to vector<1x16xf32>
          tpu.vector_store %arg12[%swap3A_250, %swap3A_251], %swap3A_254 {strides = array<i32>} : memref<64x128xf32, #tpu.memory_space<vmem>>, vector<1x16xf32>,
          %get3A_255 = arith.index_cast %add3A_200 : i32 to index
          %get3A_256 = arith.constant 64 : index
          %get3A_257 = tpu.vector_load %arg12[%get3A_255, %get3A_256] {strides = array<i32>} : memref<64x128xf32, #tpu.memory_space<vmem>>, vector<1x16xf32>,
          %get3A_258 = vector.shape_cast %get3A_257 : vector<1x16xf32> to vector<16xf32>
          %get3A_259 = arith.index_cast %add3A_200 : i32 to index
          %get3A_260 = arith.constant 64 : index
          %get3A_261 = tpu.vector_load %arg10[%get3A_259, %get3A_260] {strides = array<i32>} : memref<64x128xf32, #tpu.memory_space<vmem>>, vector<1x16xf32>,
          %get3A_262 = vector.shape_cast %get3A_261 : vector<1x16xf32> to vector<16xf32>
          %mul3A_263 = arith.mulf %get3A_258, %get3A_262 : vector<16xf32>
          %swap3A_264 = arith.index_cast %add3A_200 : i32 to index
          %swap3A_265 = arith.constant 64 : index
          %swap3A_266 = tpu.vector_load %arg12[%swap3A_264, %swap3A_265] {strides = array<i32>} : memref<64x128xf32, #tpu.memory_space<vmem>>, vector<1x16xf32>,
          %swap3A_267 = vector.shape_cast %swap3A_266 : vector<1x16xf32> to vector<16xf32>
          %swap3A_268 = vector.shape_cast %mul3A_263 : vector<16xf32> to vector<1x16xf32>
          tpu.vector_store %arg12[%swap3A_264, %swap3A_265], %swap3A_268 {strides = array<i32>} : memref<64x128xf32, #tpu.memory_space<vmem>>, vector<1x16xf32>,
          %get3A_269 = arith.index_cast %add3A_200 : i32 to index
          %get3A_270 = arith.constant 80 : index
          %get3A_271 = tpu.vector_load %arg12[%get3A_269, %get3A_270] {strides = array<i32>} : memref<64x128xf32, #tpu.memory_space<vmem>>, vector<1x16xf32>,
          %get3A_272 = vector.shape_cast %get3A_271 : vector<1x16xf32> to vector<16xf32>
          %get3A_273 = arith.index_cast %add3A_200 : i32 to index
          %get3A_274 = arith.constant 80 : index
          %get3A_275 = tpu.vector_load %arg10[%get3A_273, %get3A_274] {strides = array<i32>} : memref<64x128xf32, #tpu.memory_space<vmem>>, vector<1x16xf32>,
          %get3A_276 = vector.shape_cast %get3A_275 : vector<1x16xf32> to vector<16xf32>
          %mul3A_277 = arith.mulf %get3A_272, %get3A_276 : vector<16xf32>
          %swap3A_278 = arith.index_cast %add3A_200 : i32 to index
          %swap3A_279 = arith.constant 80 : index
          %swap3A_280 = tpu.vector_load %arg12[%swap3A_278, %swap3A_279] {strides = array<i32>} : memref<64x128xf32, #tpu.memory_space<vmem>>, vector<1x16xf32>,
          %swap3A_281 = vector.shape_cast %swap3A_280 : vector<1x16xf32> to vector<16xf32>
          %swap3A_282 = vector.shape_cast %mul3A_277 : vector<16xf32> to vector<1x16xf32>
          tpu.vector_store %arg12[%swap3A_278, %swap3A_279], %swap3A_282 {strides = array<i32>} : memref<64x128xf32, #tpu.memory_space<vmem>>, vector<1x16xf32>,
          %get3A_283 = arith.index_cast %add3A_200 : i32 to index
          %get3A_284 = arith.constant 96 : index
          %get3A_285 = tpu.vector_load %arg12[%get3A_283, %get3A_284] {strides = array<i32>} : memref<64x128xf32, #tpu.memory_space<vmem>>, vector<1x16xf32>,
          %get3A_286 = vector.shape_cast %get3A_285 : vector<1x16xf32> to vector<16xf32>
          %get3A_287 = arith.index_cast %add3A_200 : i32 to index
          %get3A_288 = arith.constant 96 : index
          %get3A_289 = tpu.vector_load %arg10[%get3A_287, %get3A_288] {strides = array<i32>} : memref<64x128xf32, #tpu.memory_space<vmem>>, vector<1x16xf32>,
          %get3A_290 = vector.shape_cast %get3A_289 : vector<1x16xf32> to vector<16xf32>
          %mul3A_291 = arith.mulf %get3A_286, %get3A_290 : vector<16xf32>
          %swap3A_292 = arith.index_cast %add3A_200 : i32 to index
          %swap3A_293 = arith.constant 96 : index
          %swap3A_294 = tpu.vector_load %arg12[%swap3A_292, %swap3A_293] {strides = array<i32>} : memref<64x128xf32, #tpu.memory_space<vmem>>, vector<1x16xf32>,
          %swap3A_295 = vector.shape_cast %swap3A_294 : vector<1x16xf32> to vector<16xf32>
          %swap3A_296 = vector.shape_cast %mul3A_291 : vector<16xf32> to vector<1x16xf32>
          tpu.vector_store %arg12[%swap3A_292, %swap3A_293], %swap3A_296 {strides = array<i32>} : memref<64x128xf32, #tpu.memory_space<vmem>>, vector<1x16xf32>,
          %get3A_297 = arith.index_cast %add3A_200 : i32 to index
          %get3A_298 = arith.constant 112 : index
          %get3A_299 = tpu.vector_load %arg12[%get3A_297, %get3A_298] {strides = array<i32>} : memref<64x128xf32, #tpu.memory_space<vmem>>, vector<1x16xf32>,
          %get3A_300 = vector.shape_cast %get3A_299 : vector<1x16xf32> to vector<16xf32>
          %get3A_301 = arith.index_cast %add3A_200 : i32 to index
          %get3A_302 = arith.constant 112 : index
          %get3A_303 = tpu.vector_load %arg10[%get3A_301, %get3A_302] {strides = array<i32>} : memref<64x128xf32, #tpu.memory_space<vmem>>, vector<1x16xf32>,
          %get3A_304 = vector.shape_cast %get3A_303 : vector<1x16xf32> to vector<16xf32>
          %mul3A_305 = arith.mulf %get3A_300, %get3A_304 : vector<16xf32>
          %swap3A_306 = arith.index_cast %add3A_200 : i32 to index
          %swap3A_307 = arith.constant 112 : index
          %swap3A_308 = tpu.vector_load %arg12[%swap3A_306, %swap3A_307] {strides = array<i32>} : memref<64x128xf32, #tpu.memory_space<vmem>>, vector<1x16xf32>,
          %swap3A_309 = vector.shape_cast %swap3A_308 : vector<1x16xf32> to vector<16xf32>
          %swap3A_310 = vector.shape_cast %mul3A_305 : vector<16xf32> to vector<1x16xf32>
          tpu.vector_store %arg12[%swap3A_306, %swap3A_307], %swap3A_310 {strides = array<i32>} : memref<64x128xf32, #tpu.memory_space<vmem>>, vector<1x16xf32>,
        }
        %scan3A_195 = arith.constant 64 : i32
        %run_scoped3A = arith.constant 1 : i32
        "tpu.region"() ({
          %run_scoped3A_196 = tpu.sem_alloc : memref<!tpu.dma_semaphore, #tpu.memory_space<semaphore_mem>>
          %dma_start3A_197 = arith.constant 0 : i32
          %dma_start3A_198 = tpu.memref_slice %arg8[%run_scoped3A, %dma_start3A_197] : memref<2x64xi32, #tpu.memory_space<vmem>> -> memref<1x64xi32, #tpu.memory_space<vmem>>
          %dma_start3A_199 = tpu.memref_squeeze %dma_start3A_198 : memref<1x64xi32, #tpu.memory_space<vmem>> -> memref<64xi32, #tpu.memory_space<vmem>>
          %dma_start3A_200 = arith.constant 0 : i32
          %dma_start3A_201 = arith.constant 0 : i32
          %dma_start3A_202 = tpu.memref_slice %arg13[%dma_start3A_200, %dma_start3A_201] : memref<10000x128xf32, #tpu.memory_space<vmem_shared>> -> memref<10000x128xf32, #tpu.memory_space<vmem_shared>>
          tpu.enqueue_indirect_dma source(%arg12 : memref<64x128xf32, #tpu.memory_space<vmem>>) target(%dma_start3A_202 : memref<10000x128xf32, #tpu.memory_space<vmem_shared>>) offsets(%dma_start3A_199 : memref<64xi32, #tpu.memory_space<vmem>>) semaphore(%run_scoped3A_196 : memref<!tpu.dma_semaphore, #tpu.memory_space<semaphore_mem>>) {add = true}
          %dma_wait3A_203 = arith.constant 0 : i32
          %dma_wait3A_204 = tpu.memref_slice %arg8[%run_scoped3A, %dma_wait3A_203] : memref<2x64xi32, #tpu.memory_space<vmem>> -> memref<1x64xi32, #tpu.memory_space<vmem>>
          %dma_wait3A_205 = tpu.memref_squeeze %dma_wait3A_204 : memref<1x64xi32, #tpu.memory_space<vmem>> -> memref<64xi32, #tpu.memory_space<vmem>>
          %dma_wait3A_206 = arith.constant 0 : i32
          %dma_wait3A_207 = arith.constant 0 : i32
          %dma_wait3A_208 = tpu.memref_slice %arg13[%dma_wait3A_206, %dma_wait3A_207] : memref<10000x128xf32, #tpu.memory_space<vmem_shared>> -> memref<10000x128xf32, #tpu.memory_space<vmem_shared>>
          tpu.wait_indirect_dma semaphore(%run_scoped3A_196 : memref<!tpu.dma_semaphore, #tpu.memory_space<semaphore_mem>>) src(%arg12 : memref<64x128xf32, #tpu.memory_space<vmem>>) dst(%dma_wait3A_208 : memref<10000x128xf32, #tpu.memory_space<vmem_shared>>)
          tpu.yield
        }) : () -> ()
      } else {
      }
      %add3A_172 = arith.constant 2 : i32
      %add3A_173 = arith.addi %add3A_161, %add3A_172 : i32
      %lt3A_174 = arith.cmpi slt, %add3A_173, %add3A_8 : i32
      %convert_element_type3A_175 = arith.extui %lt3A_174 : i1 to i32
      %cond3A_176 = arith.constant 0 : i32
      %cond3A_177 = arith.cmpi ne, %convert_element_type3A_175, %cond3A_176 : i32
      scf.if %cond3A_177 {
        %add3A_178 = arith.constant 2 : i32
        %add3A_179 = arith.addi %add3A_161, %add3A_178 : i32
        %add3A_180 = arith.addi %add3A_4, %add3A_179 : i32
        %dma_start3A_181 = arith.constant 0 : i32
        %dma_start3A_182 = arith.constant 0 : i32
        %dma_start3A_183 = tpu.memref_slice %arg4[%add3A_180, %dma_start3A_181, %dma_start3A_182] : memref<5000x2x64xi32, #tpu.memory_space<hbm>> -> memref<1x2x64xi32, #tpu.memory_space<hbm>>
        %dma_start3A_184 = tpu.memref_squeeze %dma_start3A_183 : memref<1x2x64xi32, #tpu.memory_space<hbm>> -> memref<2x64xi32, #tpu.memory_space<hbm>>
        %dma_start3A_185 = arith.constant 0 : i32
        %dma_start3A_186 = arith.constant 0 : i32
        %dma_start3A_187 = tpu.memref_slice %arg4[%add3A_180, %dma_start3A_185, %dma_start3A_186] : memref<5000x2x64xi32, #tpu.memory_space<hbm>> -> memref<1x2x64xi32, #tpu.memory_space<hbm>>
        %dma_start3A_188 = tpu.memref_squeeze %dma_start3A_187 : memref<1x2x64xi32, #tpu.memory_space<hbm>> -> memref<2x64xi32, #tpu.memory_space<hbm>>
        tpu.enqueue_dma source(%dma_start3A_188 : memref<2x64xi32, #tpu.memory_space<hbm>>) target(%arg8 : memref<2x64xi32, #tpu.memory_space<vmem>>) target_semaphore(%arg19 : memref<!tpu.dma_semaphore, #tpu.memory_space<semaphore_mem>>)
      } else {
      }
    }
    %scan3A_91 = arith.constant 79 : i32
    %barrier3A_92 = arith.constant 0 : index
    tpu.barrier barrier_id(%barrier3A_92)
    %add3A_93 = arith.constant 0 : i32
    %add3A_94 = arith.addi %arg1, %add3A_93 : i32
    %lt3A_95 = arith.constant 78 : i32
    %lt3A_96 = arith.cmpi slt, %add3A_94, %lt3A_95 : i32
    %convert_element_type3A_97 = arith.extui %lt3A_96 : i1 to i32
    %cond3A_98 = arith.constant 0 : i32
    %cond3A_99 = arith.cmpi ne, %convert_element_type3A_97, %cond3A_98 : i32
    scf.if %cond3A_99 {
      %mul3A_133 = arith.constant 128 : i32
      %mul3A_134 = arith.muli %add3A_94, %mul3A_133 : i32
      %mul3A_135 = arith.constant 10000 : i32
      %mul3A_136 = arith.muli %arg0, %mul3A_135 : i32
      %mul3A_137 = arith.constant 128 : i32
      %mul3A_138 = arith.muli %add3A_94, %mul3A_137 : i32
      %add3A_139 = arith.addi %mul3A_136, %mul3A_138 : i32
      "tpu.region"() ({
        %run_scoped3A = tpu.sem_alloc : memref<!tpu.dma_semaphore, #tpu.memory_space<semaphore_mem>>
        %dma_start3A_140 = arith.constant 0 : i32
        %dma_start3A_141 = tpu.memref_slice %arg6[%add3A_139, %dma_start3A_140] : memref<20000x128xf32, #tpu.memory_space<hbm>> -> memref<128x128xf32, #tpu.memory_space<hbm>>
        %dma_start3A_142 = arith.constant 0 : i32
        %dma_start3A_143 = tpu.memref_slice %arg13[%mul3A_134, %dma_start3A_142] : memref<10000x128xf32, #tpu.memory_space<vmem_shared>> -> memref<128x128xf32, #tpu.memory_space<vmem_shared>>
        tpu.enqueue_dma source(%dma_start3A_143 : memref<128x128xf32, #tpu.memory_space<vmem_shared>>) target(%dma_start3A_141 : memref<128x128xf32, #tpu.memory_space<hbm>>) target_semaphore(%run_scoped3A : memref<!tpu.dma_semaphore, #tpu.memory_space<semaphore_mem>>)
        %dma_wait3A_144 = arith.constant 0 : i32
        %dma_wait3A_145 = tpu.memref_slice %arg6[%add3A_139, %dma_wait3A_144] : memref<20000x128xf32, #tpu.memory_space<hbm>> -> memref<128x128xf32, #tpu.memory_space<hbm>>
        %dma_wait3A_146 = arith.constant 0 : i32
        %dma_wait3A_147 = tpu.memref_slice %arg13[%mul3A_134, %dma_wait3A_146] : memref<10000x128xf32, #tpu.memory_space<vmem_shared>> -> memref<128x128xf32, #tpu.memory_space<vmem_shared>>
        tpu.wait_dma2 semaphore(%run_scoped3A : memref<!tpu.dma_semaphore, #tpu.memory_space<semaphore_mem>>) src(%dma_wait3A_147 : memref<128x128xf32, #tpu.memory_space<vmem_shared>>) dst(%dma_wait3A_145 : memref<128x128xf32, #tpu.memory_space<hbm>>)
        tpu.yield
      }) : () -> ()
    } else {
    }
    %add3A_100 = arith.constant 16 : i32
    %add3A_101 = arith.addi %arg1, %add3A_100 : i32
    %lt3A_102 = arith.constant 78 : i32
    %lt3A_103 = arith.cmpi slt, %add3A_101, %lt3A_102 : i32
    %convert_element_type3A_104 = arith.extui %lt3A_103 : i1 to i32
    %cond3A_105 = arith.constant 0 : i32
    %cond3A_106 = arith.cmpi ne, %convert_element_type3A_104, %cond3A_105 : i32
    scf.if %cond3A_106 {
      %mul3A_133 = arith.constant 128 : i32
      %mul3A_134 = arith.muli %add3A_101, %mul3A_133 : i32
      %mul3A_135 = arith.constant 10000 : i32
      %mul3A_136 = arith.muli %arg0, %mul3A_135 : i32
      %mul3A_137 = arith.constant 128 : i32
      %mul3A_138 = arith.muli %add3A_101, %mul3A_137 : i32
      %add3A_139 = arith.addi %mul3A_136, %mul3A_138 : i32
      "tpu.region"() ({
        %run_scoped3A = tpu.sem_alloc : memref<!tpu.dma_semaphore, #tpu.memory_space<semaphore_mem>>
        %dma_start3A_140 = arith.constant 0 : i32
        %dma_start3A_141 = tpu.memref_slice %arg6[%add3A_139, %dma_start3A_140] : memref<20000x128xf32, #tpu.memory_space<hbm>> -> memref<128x128xf32, #tpu.memory_space<hbm>>
        %dma_start3A_142 = arith.constant 0 : i32
        %dma_start3A_143 = tpu.memref_slice %arg13[%mul3A_134, %dma_start3A_142] : memref<10000x128xf32, #tpu.memory_space<vmem_shared>> -> memref<128x128xf32, #tpu.memory_space<vmem_shared>>
        tpu.enqueue_dma source(%dma_start3A_143 : memref<128x128xf32, #tpu.memory_space<vmem_shared>>) target(%dma_start3A_141 : memref<128x128xf32, #tpu.memory_space<hbm>>) target_semaphore(%run_scoped3A : memref<!tpu.dma_semaphore, #tpu.memory_space<semaphore_mem>>)
        %dma_wait3A_144 = arith.constant 0 : i32
        %dma_wait3A_145 = tpu.memref_slice %arg6[%add3A_139, %dma_wait3A_144] : memref<20000x128xf32, #tpu.memory_space<hbm>> -> memref<128x128xf32, #tpu.memory_space<hbm>>
        %dma_wait3A_146 = arith.constant 0 : i32
        %dma_wait3A_147 = tpu.memref_slice %arg13[%mul3A_134, %dma_wait3A_146] : memref<10000x128xf32, #tpu.memory_space<vmem_shared>> -> memref<128x128xf32, #tpu.memory_space<vmem_shared>>
        tpu.wait_dma2 semaphore(%run_scoped3A : memref<!tpu.dma_semaphore, #tpu.memory_space<semaphore_mem>>) src(%dma_wait3A_147 : memref<128x128xf32, #tpu.memory_space<vmem_shared>>) dst(%dma_wait3A_145 : memref<128x128xf32, #tpu.memory_space<hbm>>)
        tpu.yield
      }) : () -> ()
    } else {
    }
    %add3A_107 = arith.constant 32 : i32
    %add3A_108 = arith.addi %arg1, %add3A_107 : i32
    %lt3A_109 = arith.constant 78 : i32
    %lt3A_110 = arith.cmpi slt, %add3A_108, %lt3A_109 : i32
    %convert_element_type3A_111 = arith.extui %lt3A_110 : i1 to i32
    %cond3A_112 = arith.constant 0 : i32
    %cond3A_113 = arith.cmpi ne, %convert_element_type3A_111, %cond3A_112 : i32
    scf.if %cond3A_113 {
      %mul3A_133 = arith.constant 128 : i32
      %mul3A_134 = arith.muli %add3A_108, %mul3A_133 : i32
      %mul3A_135 = arith.constant 10000 : i32
      %mul3A_136 = arith.muli %arg0, %mul3A_135 : i32
      %mul3A_137 = arith.constant 128 : i32
      %mul3A_138 = arith.muli %add3A_108, %mul3A_137 : i32
      %add3A_139 = arith.addi %mul3A_136, %mul3A_138 : i32
      "tpu.region"() ({
        %run_scoped3A = tpu.sem_alloc : memref<!tpu.dma_semaphore, #tpu.memory_space<semaphore_mem>>
        %dma_start3A_140 = arith.constant 0 : i32
        %dma_start3A_141 = tpu.memref_slice %arg6[%add3A_139, %dma_start3A_140] : memref<20000x128xf32, #tpu.memory_space<hbm>> -> memref<128x128xf32, #tpu.memory_space<hbm>>
        %dma_start3A_142 = arith.constant 0 : i32
        %dma_start3A_143 = tpu.memref_slice %arg13[%mul3A_134, %dma_start3A_142] : memref<10000x128xf32, #tpu.memory_space<vmem_shared>> -> memref<128x128xf32, #tpu.memory_space<vmem_shared>>
        tpu.enqueue_dma source(%dma_start3A_143 : memref<128x128xf32, #tpu.memory_space<vmem_shared>>) target(%dma_start3A_141 : memref<128x128xf32, #tpu.memory_space<hbm>>) target_semaphore(%run_scoped3A : memref<!tpu.dma_semaphore, #tpu.memory_space<semaphore_mem>>)
        %dma_wait3A_144 = arith.constant 0 : i32
        %dma_wait3A_145 = tpu.memref_slice %arg6[%add3A_139, %dma_wait3A_144] : memref<20000x128xf32, #tpu.memory_space<hbm>> -> memref<128x128xf32, #tpu.memory_space<hbm>>
        %dma_wait3A_146 = arith.constant 0 : i32
        %dma_wait3A_147 = tpu.memref_slice %arg13[%mul3A_134, %dma_wait3A_146] : memref<10000x128xf32, #tpu.memory_space<vmem_shared>> -> memref<128x128xf32, #tpu.memory_space<vmem_shared>>
        tpu.wait_dma2 semaphore(%run_scoped3A : memref<!tpu.dma_semaphore, #tpu.memory_space<semaphore_mem>>) src(%dma_wait3A_147 : memref<128x128xf32, #tpu.memory_space<vmem_shared>>) dst(%dma_wait3A_145 : memref<128x128xf32, #tpu.memory_space<hbm>>)
        tpu.yield
      }) : () -> ()
    } else {
    }
    %add3A_114 = arith.constant 48 : i32
    %add3A_115 = arith.addi %arg1, %add3A_114 : i32
    %lt3A_116 = arith.constant 78 : i32
    %lt3A_117 = arith.cmpi slt, %add3A_115, %lt3A_116 : i32
    %convert_element_type3A_118 = arith.extui %lt3A_117 : i1 to i32
    %cond3A_119 = arith.constant 0 : i32
    %cond3A_120 = arith.cmpi ne, %convert_element_type3A_118, %cond3A_119 : i32
    scf.if %cond3A_120 {
      %mul3A_133 = arith.constant 128 : i32
      %mul3A_134 = arith.muli %add3A_115, %mul3A_133 : i32
      %mul3A_135 = arith.constant 10000 : i32
      %mul3A_136 = arith.muli %arg0, %mul3A_135 : i32
      %mul3A_137 = arith.constant 128 : i32
      %mul3A_138 = arith.muli %add3A_115, %mul3A_137 : i32
      %add3A_139 = arith.addi %mul3A_136, %mul3A_138 : i32
      "tpu.region"() ({
        %run_scoped3A = tpu.sem_alloc : memref<!tpu.dma_semaphore, #tpu.memory_space<semaphore_mem>>
        %dma_start3A_140 = arith.constant 0 : i32
        %dma_start3A_141 = tpu.memref_slice %arg6[%add3A_139, %dma_start3A_140] : memref<20000x128xf32, #tpu.memory_space<hbm>> -> memref<128x128xf32, #tpu.memory_space<hbm>>
        %dma_start3A_142 = arith.constant 0 : i32
        %dma_start3A_143 = tpu.memref_slice %arg13[%mul3A_134, %dma_start3A_142] : memref<10000x128xf32, #tpu.memory_space<vmem_shared>> -> memref<128x128xf32, #tpu.memory_space<vmem_shared>>
        tpu.enqueue_dma source(%dma_start3A_143 : memref<128x128xf32, #tpu.memory_space<vmem_shared>>) target(%dma_start3A_141 : memref<128x128xf32, #tpu.memory_space<hbm>>) target_semaphore(%run_scoped3A : memref<!tpu.dma_semaphore, #tpu.memory_space<semaphore_mem>>)
        %dma_wait3A_144 = arith.constant 0 : i32
        %dma_wait3A_145 = tpu.memref_slice %arg6[%add3A_139, %dma_wait3A_144] : memref<20000x128xf32, #tpu.memory_space<hbm>> -> memref<128x128xf32, #tpu.memory_space<hbm>>
        %dma_wait3A_146 = arith.constant 0 : i32
        %dma_wait3A_147 = tpu.memref_slice %arg13[%mul3A_134, %dma_wait3A_146] : memref<10000x128xf32, #tpu.memory_space<vmem_shared>> -> memref<128x128xf32, #tpu.memory_space<vmem_shared>>
        tpu.wait_dma2 semaphore(%run_scoped3A : memref<!tpu.dma_semaphore, #tpu.memory_space<semaphore_mem>>) src(%dma_wait3A_147 : memref<128x128xf32, #tpu.memory_space<vmem_shared>>) dst(%dma_wait3A_145 : memref<128x128xf32, #tpu.memory_space<hbm>>)
        tpu.yield
      }) : () -> ()
    } else {
    }
    %add3A_121 = arith.constant 64 : i32
    %add3A_122 = arith.addi %arg1, %add3A_121 : i32
    %lt3A_123 = arith.constant 78 : i32
    %lt3A_124 = arith.cmpi slt, %add3A_122, %lt3A_123 : i32
    %convert_element_type3A_125 = arith.extui %lt3A_124 : i1 to i32
    %cond3A_126 = arith.constant 0 : i32
    %cond3A_127 = arith.cmpi ne, %convert_element_type3A_125, %cond3A_126 : i32
    scf.if %cond3A_127 {
      %mul3A_133 = arith.constant 128 : i32
      %mul3A_134 = arith.muli %add3A_122, %mul3A_133 : i32
      %mul3A_135 = arith.constant 10000 : i32
      %mul3A_136 = arith.muli %arg0, %mul3A_135 : i32
      %mul3A_137 = arith.constant 128 : i32
      %mul3A_138 = arith.muli %add3A_122, %mul3A_137 : i32
      %add3A_139 = arith.addi %mul3A_136, %mul3A_138 : i32
      "tpu.region"() ({
        %run_scoped3A = tpu.sem_alloc : memref<!tpu.dma_semaphore, #tpu.memory_space<semaphore_mem>>
        %dma_start3A_140 = arith.constant 0 : i32
        %dma_start3A_141 = tpu.memref_slice %arg6[%add3A_139, %dma_start3A_140] : memref<20000x128xf32, #tpu.memory_space<hbm>> -> memref<128x128xf32, #tpu.memory_space<hbm>>
        %dma_start3A_142 = arith.constant 0 : i32
        %dma_start3A_143 = tpu.memref_slice %arg13[%mul3A_134, %dma_start3A_142] : memref<10000x128xf32, #tpu.memory_space<vmem_shared>> -> memref<128x128xf32, #tpu.memory_space<vmem_shared>>
        tpu.enqueue_dma source(%dma_start3A_143 : memref<128x128xf32, #tpu.memory_space<vmem_shared>>) target(%dma_start3A_141 : memref<128x128xf32, #tpu.memory_space<hbm>>) target_semaphore(%run_scoped3A : memref<!tpu.dma_semaphore, #tpu.memory_space<semaphore_mem>>)
        %dma_wait3A_144 = arith.constant 0 : i32
        %dma_wait3A_145 = tpu.memref_slice %arg6[%add3A_139, %dma_wait3A_144] : memref<20000x128xf32, #tpu.memory_space<hbm>> -> memref<128x128xf32, #tpu.memory_space<hbm>>
        %dma_wait3A_146 = arith.constant 0 : i32
        %dma_wait3A_147 = tpu.memref_slice %arg13[%mul3A_134, %dma_wait3A_146] : memref<10000x128xf32, #tpu.memory_space<vmem_shared>> -> memref<128x128xf32, #tpu.memory_space<vmem_shared>>
        tpu.wait_dma2 semaphore(%run_scoped3A : memref<!tpu.dma_semaphore, #tpu.memory_space<semaphore_mem>>) src(%dma_wait3A_147 : memref<128x128xf32, #tpu.memory_space<vmem_shared>>) dst(%dma_wait3A_145 : memref<128x128xf32, #tpu.memory_space<hbm>>)
        tpu.yield
      }) : () -> ()
    } else {
    }
    %eq3A_128 = arith.constant 0 : i32
    %eq3A_129 = arith.cmpi eq, %arg1, %eq3A_128 : i32
    %convert_element_type3A_130 = arith.extui %eq3A_129 : i1 to i32
    %cond3A_131 = arith.constant 0 : i32
    %cond3A_132 = arith.cmpi ne, %convert_element_type3A_130, %cond3A_131 : i32
    scf.if %cond3A_132 {
      %mul3A_133 = arith.constant 10000 : i32
      %mul3A_134 = arith.muli %arg0, %mul3A_133 : i32
      %add3A_135 = arith.constant 9984 : i32
      %add3A_136 = arith.addi %mul3A_134, %add3A_135 : i32
      "tpu.region"() ({
        %run_scoped3A = tpu.sem_alloc : memref<!tpu.dma_semaphore, #tpu.memory_space<semaphore_mem>>
        %dma_start3A_137 = arith.constant 0 : i32
        %dma_start3A_138 = tpu.memref_slice %arg6[%add3A_136, %dma_start3A_137] : memref<20000x128xf32, #tpu.memory_space<hbm>> -> memref<16x128xf32, #tpu.memory_space<hbm>>
        %dma_start3A_139 = arith.constant 9984 : i32
        %dma_start3A_140 = arith.constant 0 : i32
        %dma_start3A_141 = tpu.memref_slice %arg13[%dma_start3A_139, %dma_start3A_140] : memref<10000x128xf32, #tpu.memory_space<vmem_shared>> -> memref<16x128xf32, #tpu.memory_space<vmem_shared>>
        tpu.enqueue_dma source(%dma_start3A_141 : memref<16x128xf32, #tpu.memory_space<vmem_shared>>) target(%dma_start3A_138 : memref<16x128xf32, #tpu.memory_space<hbm>>) target_semaphore(%run_scoped3A : memref<!tpu.dma_semaphore, #tpu.memory_space<semaphore_mem>>)
        %dma_wait3A_142 = arith.constant 0 : i32
        %dma_wait3A_143 = tpu.memref_slice %arg6[%add3A_136, %dma_wait3A_142] : memref<20000x128xf32, #tpu.memory_space<hbm>> -> memref<16x128xf32, #tpu.memory_space<hbm>>
        %dma_wait3A_144 = arith.constant 9984 : i32
        %dma_wait3A_145 = arith.constant 0 : i32
        %dma_wait3A_146 = tpu.memref_slice %arg13[%dma_wait3A_144, %dma_wait3A_145] : memref<10000x128xf32, #tpu.memory_space<vmem_shared>> -> memref<16x128xf32, #tpu.memory_space<vmem_shared>>
        tpu.wait_dma2 semaphore(%run_scoped3A : memref<!tpu.dma_semaphore, #tpu.memory_space<semaphore_mem>>) src(%dma_wait3A_146 : memref<16x128xf32, #tpu.memory_space<vmem_shared>>) dst(%dma_wait3A_143 : memref<16x128xf32, #tpu.memory_space<hbm>>)
        tpu.yield
      }) : () -> ()
    } else {
    }
    return
  }
}

#map = affine_map<(d0, d1) -> (0, 0)>
#map1 = affine_map<(d0, d1) -> (0, 0, 0)>
module attributes {stable_mosaic.version = 14 : i64} {
  func.func @_sc_layer_body(%arg0: i32, %arg1: i32, %arg2: memref<10000x128xf32, #tpu.memory_space<hbm>>, %arg3: memref<320000x128xf32, #tpu.memory_space<hbm>>, %arg4: memref<5000x2x64xi32, #tpu.memory_space<hbm>>, %arg5: memref<128x128xf32, #tpu.memory_space<hbm>>, %arg6: memref<20000x128xf32, #tpu.memory_space<hbm>>, %arg7: memref<2x64xi32, #tpu.memory_space<vmem>>, %arg8: memref<2x64xi32, #tpu.memory_space<vmem>>, %arg9: memref<64x128xf32, #tpu.memory_space<vmem>>, %arg10: memref<64x128xf32, #tpu.memory_space<vmem>>, %arg11: memref<64x128xf32, #tpu.memory_space<vmem>>, %arg12: memref<64x128xf32, #tpu.memory_space<vmem>>, %arg13: memref<10000x128xf32, #tpu.memory_space<vmem_shared>>, %arg14: memref<!tpu.dma_semaphore, #tpu.memory_space<semaphore_mem>>, %arg15: memref<!tpu.dma_semaphore, #tpu.memory_space<semaphore_mem>>, %arg16: memref<!tpu.dma_semaphore, #tpu.memory_space<semaphore_mem>>, %arg17: memref<!tpu.dma_semaphore, #tpu.memory_space<semaphore_mem>>, %arg18: memref<!tpu.dma_semaphore, #tpu.memory_space<semaphore_mem>>, %arg19: memref<!tpu.dma_semaphore, #tpu.memory_space<semaphore_mem>>) attributes {dimension_semantics = [#tpu.dimension_semantics<core_parallel>, #tpu.dimension_semantics<subcore_parallel>], iteration_bounds = array<i64: 2, 16>, scalar_prefetch = 0 : i64, scratch_operands = 13 : i64, tpu.core_type = #tpu.core_type<sc_vector_subcore>, window_params = [{transform_indices = #map}, {transform_indices = #map}, {transform_indices = #map1}, {transform_indices = #map}, {transform_indices = #map}]} {
    %mul3A = arith.constant 16 : i32
    %mul3A_0 = arith.muli %arg0, %mul3A : i32
    %add3A = arith.addi %mul3A_0, %arg1 : i32
    %mul3A_1 = arith.constant 156 : i32
    %mul3A_2 = arith.muli %add3A, %mul3A_1 : i32
    %min3A = arith.constant 8 : i32
    %min3A_3 = arith.minsi %add3A, %min3A : i32
    %add3A_4 = arith.addi %mul3A_2, %min3A_3 : i32
    %lt3A = arith.constant 8 : i32
    %lt3A_5 = arith.cmpi slt, %add3A, %lt3A : i32
    %jit3A = arith.constant 1 : i32
    %jit3A_6 = arith.constant 0 : i32
    %select_n3A = arith.select %lt3A_5, %jit3A, %jit3A_6 : i32
    %add3A_7 = arith.constant 156 : i32
    %add3A_8 = arith.addi %add3A_7, %select_n3A : i32
    %add3A_9 = arith.constant 0 : i32
    %add3A_10 = arith.addi %arg1, %add3A_9 : i32
    %lt3A_11 = arith.constant 78 : i32
    %lt3A_12 = arith.cmpi slt, %add3A_10, %lt3A_11 : i32
    %convert_element_type3A = arith.extui %lt3A_12 : i1 to i32
    %cond3A = arith.constant 0 : i32
    %cond3A_13 = arith.cmpi ne, %convert_element_type3A, %cond3A : i32
    scf.if %cond3A_13 {
      %mul3A_133 = arith.constant 128 : i32
      %mul3A_134 = arith.muli %add3A_10, %mul3A_133 : i32
      "tpu.region"() ({
        %run_scoped3A = tpu.sem_alloc : memref<!tpu.dma_semaphore, #tpu.memory_space<semaphore_mem>>
        %dma_start3A_135 = arith.constant 0 : i32
        %dma_start3A_136 = tpu.memref_slice %arg13[%mul3A_134, %dma_start3A_135] : memref<10000x128xf32, #tpu.memory_space<vmem_shared>> -> memref<128x128xf32, #tpu.memory_space<vmem_shared>>
        tpu.enqueue_dma source(%arg5 : memref<128x128xf32, #tpu.memory_space<hbm>>) target(%dma_start3A_136 : memref<128x128xf32, #tpu.memory_space<vmem_shared>>) target_semaphore(%run_scoped3A : memref<!tpu.dma_semaphore, #tpu.memory_space<semaphore_mem>>)
        %dma_wait3A_137 = arith.constant 0 : i32
        %dma_wait3A_138 = tpu.memref_slice %arg13[%mul3A_134, %dma_wait3A_137] : memref<10000x128xf32, #tpu.memory_space<vmem_shared>> -> memref<128x128xf32, #tpu.memory_space<vmem_shared>>
        tpu.wait_dma2 semaphore(%run_scoped3A : memref<!tpu.dma_semaphore, #tpu.memory_space<semaphore_mem>>) src(%arg5 : memref<128x128xf32, #tpu.memory_space<hbm>>) dst(%dma_wait3A_138 : memref<128x128xf32, #tpu.memory_space<vmem_shared>>)
        tpu.yield
      }) : () -> ()
    } else {
    }
    %add3A_14 = arith.constant 16 : i32
    %add3A_15 = arith.addi %arg1, %add3A_14 : i32
    %lt3A_16 = arith.constant 78 : i32
    %lt3A_17 = arith.cmpi slt, %add3A_15, %lt3A_16 : i32
    %convert_element_type3A_18 = arith.extui %lt3A_17 : i1 to i32
    %cond3A_19 = arith.constant 0 : i32
    %cond3A_20 = arith.cmpi ne, %convert_element_type3A_18, %cond3A_19 : i32
    scf.if %cond3A_20 {
      %mul3A_133 = arith.constant 128 : i32
      %mul3A_134 = arith.muli %add3A_15, %mul3A_133 : i32
      "tpu.region"() ({
        %run_scoped3A = tpu.sem_alloc : memref<!tpu.dma_semaphore, #tpu.memory_space<semaphore_mem>>
        %dma_start3A_135 = arith.constant 0 : i32
        %dma_start3A_136 = tpu.memref_slice %arg13[%mul3A_134, %dma_start3A_135] : memref<10000x128xf32, #tpu.memory_space<vmem_shared>> -> memref<128x128xf32, #tpu.memory_space<vmem_shared>>
        tpu.enqueue_dma source(%arg5 : memref<128x128xf32, #tpu.memory_space<hbm>>) target(%dma_start3A_136 : memref<128x128xf32, #tpu.memory_space<vmem_shared>>) target_semaphore(%run_scoped3A : memref<!tpu.dma_semaphore, #tpu.memory_space<semaphore_mem>>)
        %dma_wait3A_137 = arith.constant 0 : i32
        %dma_wait3A_138 = tpu.memref_slice %arg13[%mul3A_134, %dma_wait3A_137] : memref<10000x128xf32, #tpu.memory_space<vmem_shared>> -> memref<128x128xf32, #tpu.memory_space<vmem_shared>>
        tpu.wait_dma2 semaphore(%run_scoped3A : memref<!tpu.dma_semaphore, #tpu.memory_space<semaphore_mem>>) src(%arg5 : memref<128x128xf32, #tpu.memory_space<hbm>>) dst(%dma_wait3A_138 : memref<128x128xf32, #tpu.memory_space<vmem_shared>>)
        tpu.yield
      }) : () -> ()
    } else {
    }
    %add3A_21 = arith.constant 32 : i32
    %add3A_22 = arith.addi %arg1, %add3A_21 : i32
    %lt3A_23 = arith.constant 78 : i32
    %lt3A_24 = arith.cmpi slt, %add3A_22, %lt3A_23 : i32
    %convert_element_type3A_25 = arith.extui %lt3A_24 : i1 to i32
    %cond3A_26 = arith.constant 0 : i32
    %cond3A_27 = arith.cmpi ne, %convert_element_type3A_25, %cond3A_26 : i32
    scf.if %cond3A_27 {
      %mul3A_133 = arith.constant 128 : i32
      %mul3A_134 = arith.muli %add3A_22, %mul3A_133 : i32
      "tpu.region"() ({
        %run_scoped3A = tpu.sem_alloc : memref<!tpu.dma_semaphore, #tpu.memory_space<semaphore_mem>>
        %dma_start3A_135 = arith.constant 0 : i32
        %dma_start3A_136 = tpu.memref_slice %arg13[%mul3A_134, %dma_start3A_135] : memref<10000x128xf32, #tpu.memory_space<vmem_shared>> -> memref<128x128xf32, #tpu.memory_space<vmem_shared>>
        tpu.enqueue_dma source(%arg5 : memref<128x128xf32, #tpu.memory_space<hbm>>) target(%dma_start3A_136 : memref<128x128xf32, #tpu.memory_space<vmem_shared>>) target_semaphore(%run_scoped3A : memref<!tpu.dma_semaphore, #tpu.memory_space<semaphore_mem>>)
        %dma_wait3A_137 = arith.constant 0 : i32
        %dma_wait3A_138 = tpu.memref_slice %arg13[%mul3A_134, %dma_wait3A_137] : memref<10000x128xf32, #tpu.memory_space<vmem_shared>> -> memref<128x128xf32, #tpu.memory_space<vmem_shared>>
        tpu.wait_dma2 semaphore(%run_scoped3A : memref<!tpu.dma_semaphore, #tpu.memory_space<semaphore_mem>>) src(%arg5 : memref<128x128xf32, #tpu.memory_space<hbm>>) dst(%dma_wait3A_138 : memref<128x128xf32, #tpu.memory_space<vmem_shared>>)
        tpu.yield
      }) : () -> ()
    } else {
    }
    %add3A_28 = arith.constant 48 : i32
    %add3A_29 = arith.addi %arg1, %add3A_28 : i32
    %lt3A_30 = arith.constant 78 : i32
    %lt3A_31 = arith.cmpi slt, %add3A_29, %lt3A_30 : i32
    %convert_element_type3A_32 = arith.extui %lt3A_31 : i1 to i32
    %cond3A_33 = arith.constant 0 : i32
    %cond3A_34 = arith.cmpi ne, %convert_element_type3A_32, %cond3A_33 : i32
    scf.if %cond3A_34 {
      %mul3A_133 = arith.constant 128 : i32
      %mul3A_134 = arith.muli %add3A_29, %mul3A_133 : i32
      "tpu.region"() ({
        %run_scoped3A = tpu.sem_alloc : memref<!tpu.dma_semaphore, #tpu.memory_space<semaphore_mem>>
        %dma_start3A_135 = arith.constant 0 : i32
        %dma_start3A_136 = tpu.memref_slice %arg13[%mul3A_134, %dma_start3A_135] : memref<10000x128xf32, #tpu.memory_space<vmem_shared>> -> memref<128x128xf32, #tpu.memory_space<vmem_shared>>
        tpu.enqueue_dma source(%arg5 : memref<128x128xf32, #tpu.memory_space<hbm>>) target(%dma_start3A_136 : memref<128x128xf32, #tpu.memory_space<vmem_shared>>) target_semaphore(%run_scoped3A : memref<!tpu.dma_semaphore, #tpu.memory_space<semaphore_mem>>)
        %dma_wait3A_137 = arith.constant 0 : i32
        %dma_wait3A_138 = tpu.memref_slice %arg13[%mul3A_134, %dma_wait3A_137] : memref<10000x128xf32, #tpu.memory_space<vmem_shared>> -> memref<128x128xf32, #tpu.memory_space<vmem_shared>>
        tpu.wait_dma2 semaphore(%run_scoped3A : memref<!tpu.dma_semaphore, #tpu.memory_space<semaphore_mem>>) src(%arg5 : memref<128x128xf32, #tpu.memory_space<hbm>>) dst(%dma_wait3A_138 : memref<128x128xf32, #tpu.memory_space<vmem_shared>>)
        tpu.yield
      }) : () -> ()
    } else {
    }
    %add3A_35 = arith.constant 64 : i32
    %add3A_36 = arith.addi %arg1, %add3A_35 : i32
    %lt3A_37 = arith.constant 78 : i32
    %lt3A_38 = arith.cmpi slt, %add3A_36, %lt3A_37 : i32
    %convert_element_type3A_39 = arith.extui %lt3A_38 : i1 to i32
    %cond3A_40 = arith.constant 0 : i32
    %cond3A_41 = arith.cmpi ne, %convert_element_type3A_39, %cond3A_40 : i32
    scf.if %cond3A_41 {
      %mul3A_133 = arith.constant 128 : i32
      %mul3A_134 = arith.muli %add3A_36, %mul3A_133 : i32
      "tpu.region"() ({
        %run_scoped3A = tpu.sem_alloc : memref<!tpu.dma_semaphore, #tpu.memory_space<semaphore_mem>>
        %dma_start3A_135 = arith.constant 0 : i32
        %dma_start3A_136 = tpu.memref_slice %arg13[%mul3A_134, %dma_start3A_135] : memref<10000x128xf32, #tpu.memory_space<vmem_shared>> -> memref<128x128xf32, #tpu.memory_space<vmem_shared>>
        tpu.enqueue_dma source(%arg5 : memref<128x128xf32, #tpu.memory_space<hbm>>) target(%dma_start3A_136 : memref<128x128xf32, #tpu.memory_space<vmem_shared>>) target_semaphore(%run_scoped3A : memref<!tpu.dma_semaphore, #tpu.memory_space<semaphore_mem>>)
        %dma_wait3A_137 = arith.constant 0 : i32
        %dma_wait3A_138 = tpu.memref_slice %arg13[%mul3A_134, %dma_wait3A_137] : memref<10000x128xf32, #tpu.memory_space<vmem_shared>> -> memref<128x128xf32, #tpu.memory_space<vmem_shared>>
        tpu.wait_dma2 semaphore(%run_scoped3A : memref<!tpu.dma_semaphore, #tpu.memory_space<semaphore_mem>>) src(%arg5 : memref<128x128xf32, #tpu.memory_space<hbm>>) dst(%dma_wait3A_138 : memref<128x128xf32, #tpu.memory_space<vmem_shared>>)
        tpu.yield
      }) : () -> ()
    } else {
    }
    %eq3A = arith.constant 0 : i32
    %eq3A_42 = arith.cmpi eq, %arg1, %eq3A : i32
    %convert_element_type3A_43 = arith.extui %eq3A_42 : i1 to i32
    %cond3A_44 = arith.constant 0 : i32
    %cond3A_45 = arith.cmpi ne, %convert_element_type3A_43, %cond3A_44 : i32
    scf.if %cond3A_45 {
      "tpu.region"() ({
        %run_scoped3A = tpu.sem_alloc : memref<!tpu.dma_semaphore, #tpu.memory_space<semaphore_mem>>
        %dma_start3A_133 = arith.constant 9984 : i32
        %dma_start3A_134 = arith.constant 0 : i32
        %dma_start3A_135 = tpu.memref_slice %arg13[%dma_start3A_133, %dma_start3A_134] : memref<10000x128xf32, #tpu.memory_space<vmem_shared>> -> memref<16x128xf32, #tpu.memory_space<vmem_shared>>
        %dma_start3A_136 = arith.constant 0 : i32
        %dma_start3A_137 = arith.constant 0 : i32
        %dma_start3A_138 = tpu.memref_slice %arg5[%dma_start3A_136, %dma_start3A_137] : memref<128x128xf32, #tpu.memory_space<hbm>> -> memref<16x128xf32, #tpu.memory_space<hbm>>
        tpu.enqueue_dma source(%dma_start3A_138 : memref<16x128xf32, #tpu.memory_space<hbm>>) target(%dma_start3A_135 : memref<16x128xf32, #tpu.memory_space<vmem_shared>>) target_semaphore(%run_scoped3A : memref<!tpu.dma_semaphore, #tpu.memory_space<semaphore_mem>>)
        %dma_wait3A_139 = arith.constant 9984 : i32
        %dma_wait3A_140 = arith.constant 0 : i32
        %dma_wait3A_141 = tpu.memref_slice %arg13[%dma_wait3A_139, %dma_wait3A_140] : memref<10000x128xf32, #tpu.memory_space<vmem_shared>> -> memref<16x128xf32, #tpu.memory_space<vmem_shared>>
        %dma_wait3A_142 = arith.constant 0 : i32
        %dma_wait3A_143 = arith.constant 0 : i32
        %dma_wait3A_144 = tpu.memref_slice %arg5[%dma_wait3A_142, %dma_wait3A_143] : memref<128x128xf32, #tpu.memory_space<hbm>> -> memref<16x128xf32, #tpu.memory_space<hbm>>
        tpu.wait_dma2 semaphore(%run_scoped3A : memref<!tpu.dma_semaphore, #tpu.memory_space<semaphore_mem>>) src(%dma_wait3A_144 : memref<16x128xf32, #tpu.memory_space<hbm>>) dst(%dma_wait3A_141 : memref<16x128xf32, #tpu.memory_space<vmem_shared>>)
        tpu.yield
      }) : () -> ()
    } else {
    }
    %barrier3A = arith.constant 0 : index
    tpu.barrier barrier_id(%barrier3A)
    %add3A_46 = arith.constant 0 : i32
    %add3A_47 = arith.addi %add3A_4, %add3A_46 : i32
    %dma_start3A = arith.constant 0 : i32
    %dma_start3A_48 = arith.constant 0 : i32
    %dma_start3A_49 = tpu.memref_slice %arg4[%add3A_47, %dma_start3A, %dma_start3A_48] : memref<5000x2x64xi32, #tpu.memory_space<hbm>> -> memref<1x2x64xi32, #tpu.memory_space<hbm>>
    %dma_start3A_50 = tpu.memref_squeeze %dma_start3A_49 : memref<1x2x64xi32, #tpu.memory_space<hbm>> -> memref<2x64xi32, #tpu.memory_space<hbm>>
    %dma_start3A_51 = arith.constant 0 : i32
    %dma_start3A_52 = arith.constant 0 : i32
    %dma_start3A_53 = tpu.memref_slice %arg4[%add3A_47, %dma_start3A_51, %dma_start3A_52] : memref<5000x2x64xi32, #tpu.memory_space<hbm>> -> memref<1x2x64xi32, #tpu.memory_space<hbm>>
    %dma_start3A_54 = tpu.memref_squeeze %dma_start3A_53 : memref<1x2x64xi32, #tpu.memory_space<hbm>> -> memref<2x64xi32, #tpu.memory_space<hbm>>
    tpu.enqueue_dma source(%dma_start3A_54 : memref<2x64xi32, #tpu.memory_space<hbm>>) target(%arg7 : memref<2x64xi32, #tpu.memory_space<vmem>>) target_semaphore(%arg18 : memref<!tpu.dma_semaphore, #tpu.memory_space<semaphore_mem>>)
    %add3A_55 = arith.constant 1 : i32
    %add3A_56 = arith.addi %add3A_4, %add3A_55 : i32
    %dma_start3A_57 = arith.constant 0 : i32
    %dma_start3A_58 = arith.constant 0 : i32
    %dma_start3A_59 = tpu.memref_slice %arg4[%add3A_56, %dma_start3A_57, %dma_start3A_58] : memref<5000x2x64xi32, #tpu.memory_space<hbm>> -> memref<1x2x64xi32, #tpu.memory_space<hbm>>
    %dma_start3A_60 = tpu.memref_squeeze %dma_start3A_59 : memref<1x2x64xi32, #tpu.memory_space<hbm>> -> memref<2x64xi32, #tpu.memory_space<hbm>>
    %dma_start3A_61 = arith.constant 0 : i32
    %dma_start3A_62 = arith.constant 0 : i32
    %dma_start3A_63 = tpu.memref_slice %arg4[%add3A_56, %dma_start3A_61, %dma_start3A_62] : memref<5000x2x64xi32, #tpu.memory_space<hbm>> -> memref<1x2x64xi32, #tpu.memory_space<hbm>>
    %dma_start3A_64 = tpu.memref_squeeze %dma_start3A_63 : memref<1x2x64xi32, #tpu.memory_space<hbm>> -> memref<2x64xi32, #tpu.memory_space<hbm>>
    tpu.enqueue_dma source(%dma_start3A_64 : memref<2x64xi32, #tpu.memory_space<hbm>>) target(%arg8 : memref<2x64xi32, #tpu.memory_space<vmem>>) target_semaphore(%arg19 : memref<!tpu.dma_semaphore, #tpu.memory_space<semaphore_mem>>)
    %dma_wait3A = arith.constant 0 : i32
    %dma_wait3A_65 = arith.constant 0 : i32
    %dma_wait3A_66 = arith.constant 0 : i32
    %dma_wait3A_67 = tpu.memref_slice %arg4[%dma_wait3A, %dma_wait3A_65, %dma_wait3A_66] : memref<5000x2x64xi32, #tpu.memory_space<hbm>> -> memref<1x2x64xi32, #tpu.memory_space<hbm>>
    %dma_wait3A_68 = tpu.memref_squeeze %dma_wait3A_67 : memref<1x2x64xi32, #tpu.memory_space<hbm>> -> memref<2x64xi32, #tpu.memory_space<hbm>>
    %dma_wait3A_69 = arith.constant 0 : i32
    %dma_wait3A_70 = arith.constant 0 : i32
    %dma_wait3A_71 = tpu.memref_slice %arg4[%dma_wait3A, %dma_wait3A_69, %dma_wait3A_70] : memref<5000x2x64xi32, #tpu.memory_space<hbm>> -> memref<1x2x64xi32, #tpu.memory_space<hbm>>
    %dma_wait3A_72 = tpu.memref_squeeze %dma_wait3A_71 : memref<1x2x64xi32, #tpu.memory_space<hbm>> -> memref<2x64xi32, #tpu.memory_space<hbm>>
    tpu.wait_dma2 semaphore(%arg18 : memref<!tpu.dma_semaphore, #tpu.memory_space<semaphore_mem>>) src(%dma_wait3A_72 : memref<2x64xi32, #tpu.memory_space<hbm>>) dst(%arg7 : memref<2x64xi32, #tpu.memory_space<vmem>>)
    %add3A_73 = arith.constant 0 : i32
    %add3A_74 = arith.addi %add3A_4, %add3A_73 : i32
    %mul3A_75 = arith.constant 64 : i32
    %mul3A_76 = arith.muli %add3A_74, %mul3A_75 : i32
    %dma_start3A_77 = arith.constant 0 : i32
    %dma_start3A_78 = tpu.memref_slice %arg3[%mul3A_76, %dma_start3A_77] : memref<320000x128xf32, #tpu.memory_space<hbm>> -> memref<64x128xf32, #tpu.memory_space<hbm>>
    %dma_start3A_79 = arith.constant 0 : i32
    %dma_start3A_80 = tpu.memref_slice %arg3[%mul3A_76, %dma_start3A_79] : memref<320000x128xf32, #tpu.memory_space<hbm>> -> memref<64x128xf32, #tpu.memory_space<hbm>>
    tpu.enqueue_dma source(%dma_start3A_80 : memref<64x128xf32, #tpu.memory_space<hbm>>) target(%arg9 : memref<64x128xf32, #tpu.memory_space<vmem>>) target_semaphore(%arg14 : memref<!tpu.dma_semaphore, #tpu.memory_space<semaphore_mem>>)
    %dma_start3A_81 = arith.constant 0 : i32
    %dma_start3A_82 = arith.constant 0 : i32
    %dma_start3A_83 = tpu.memref_slice %arg7[%dma_start3A_81, %dma_start3A_82] : memref<2x64xi32, #tpu.memory_space<vmem>> -> memref<1x64xi32, #tpu.memory_space<vmem>>
    %dma_start3A_84 = tpu.memref_squeeze %dma_start3A_83 : memref<1x64xi32, #tpu.memory_space<vmem>> -> memref<64xi32, #tpu.memory_space<vmem>>
    %dma_start3A_85 = arith.constant 0 : i32
    %dma_start3A_86 = arith.constant 0 : i32
    %dma_start3A_87 = tpu.memref_slice %arg2[%dma_start3A_85, %dma_start3A_86] : memref<10000x128xf32, #tpu.memory_space<hbm>> -> memref<10000x128xf32, #tpu.memory_space<hbm>>
    tpu.enqueue_indirect_dma source(%dma_start3A_87 : memref<10000x128xf32, #tpu.memory_space<hbm>>) target(%arg11 : memref<64x128xf32, #tpu.memory_space<vmem>>) offsets(%dma_start3A_84 : memref<64xi32, #tpu.memory_space<vmem>>) semaphore(%arg16 : memref<!tpu.dma_semaphore, #tpu.memory_space<semaphore_mem>>)
    %scan3A = arith.constant 0 : i32
    %scan3A_88 = arith.constant 79 : i32
    %scan3A_89 = arith.addi %scan3A, %scan3A_88 : i32
    %scan3A_90 = arith.constant 1 : i32
    scf.for %scan3A_133 = %scan3A to %scan3A_89 step %scan3A_90  : i32 {
      %mul3A_134 = arith.constant 1 : i32
      %mul3A_135 = arith.muli %scan3A_133, %mul3A_134 : i32
      %add3A_136 = arith.constant 0 : i32
      %add3A_137 = arith.addi %add3A_136, %mul3A_135 : i32
      %mul3A_138 = arith.constant 2 : i32
      %mul3A_139 = arith.muli %mul3A_138, %add3A_137 : i32
      %add3A_140 = arith.constant 0 : i32
      %add3A_141 = arith.addi %mul3A_139, %add3A_140 : i32
      %add3A_142 = arith.constant 1 : i32
      %add3A_143 = arith.addi %add3A_141, %add3A_142 : i32
      %lt3A_144 = arith.cmpi slt, %add3A_143, %add3A_8 : i32
      %convert_element_type3A_145 = arith.extui %lt3A_144 : i1 to i32
      %cond3A_146 = arith.constant 0 : i32
      %cond3A_147 = arith.cmpi ne, %convert_element_type3A_145, %cond3A_146 : i32
      scf.if %cond3A_147 {
        %dma_wait3A_178 = arith.constant 0 : i32
        %dma_wait3A_179 = arith.constant 0 : i32
        %dma_wait3A_180 = arith.constant 0 : i32
        %dma_wait3A_181 = tpu.memref_slice %arg4[%dma_wait3A_178, %dma_wait3A_179, %dma_wait3A_180] : memref<5000x2x64xi32, #tpu.memory_space<hbm>> -> memref<1x2x64xi32, #tpu.memory_space<hbm>>
        %dma_wait3A_182 = tpu.memref_squeeze %dma_wait3A_181 : memref<1x2x64xi32, #tpu.memory_space<hbm>> -> memref<2x64xi32, #tpu.memory_space<hbm>>
        %dma_wait3A_183 = arith.constant 0 : i32
        %dma_wait3A_184 = arith.constant 0 : i32
        %dma_wait3A_185 = tpu.memref_slice %arg4[%dma_wait3A_178, %dma_wait3A_183, %dma_wait3A_184] : memref<5000x2x64xi32, #tpu.memory_space<hbm>> -> memref<1x2x64xi32, #tpu.memory_space<hbm>>
        %dma_wait3A_186 = tpu.memref_squeeze %dma_wait3A_185 : memref<1x2x64xi32, #tpu.memory_space<hbm>> -> memref<2x64xi32, #tpu.memory_space<hbm>>
        tpu.wait_dma2 semaphore(%arg19 : memref<!tpu.dma_semaphore, #tpu.memory_space<semaphore_mem>>) src(%dma_wait3A_186 : memref<2x64xi32, #tpu.memory_space<hbm>>) dst(%arg8 : memref<2x64xi32, #tpu.memory_space<vmem>>)
        %add3A_187 = arith.constant 1 : i32
        %add3A_188 = arith.addi %add3A_141, %add3A_187 : i32
        %add3A_189 = arith.addi %add3A_4, %add3A_188 : i32
        %mul3A_190 = arith.constant 64 : i32
        %mul3A_191 = arith.muli %add3A_189, %mul3A_190 : i32
        %dma_start3A_192 = arith.constant 0 : i32
        %dma_start3A_193 = tpu.memref_slice %arg3[%mul3A_191, %dma_start3A_192] : memref<320000x128xf32, #tpu.memory_space<hbm>> -> memref<64x128xf32, #tpu.memory_space<hbm>>
        %dma_start3A_194 = arith.constant 0 : i32
        %dma_start3A_195 = tpu.memref_slice %arg3[%mul3A_191, %dma_start3A_194] : memref<320000x128xf32, #tpu.memory_space<hbm>> -> memref<64x128xf32, #tpu.memory_space<hbm>>
        tpu.enqueue_dma source(%dma_start3A_195 : memref<64x128xf32, #tpu.memory_space<hbm>>) target(%arg10 : memref<64x128xf32, #tpu.memory_space<vmem>>) target_semaphore(%arg15 : memref<!tpu.dma_semaphore, #tpu.memory_space<semaphore_mem>>)
        %dma_start3A_196 = arith.constant 0 : i32
        %dma_start3A_197 = arith.constant 0 : i32
        %dma_start3A_198 = tpu.memref_slice %arg8[%dma_start3A_196, %dma_start3A_197] : memref<2x64xi32, #tpu.memory_space<vmem>> -> memref<1x64xi32, #tpu.memory_space<vmem>>
        %dma_start3A_199 = tpu.memref_squeeze %dma_start3A_198 : memref<1x64xi32, #tpu.memory_space<vmem>> -> memref<64xi32, #tpu.memory_space<vmem>>
        %dma_start3A_200 = arith.constant 0 : i32
        %dma_start3A_201 = arith.constant 0 : i32
        %dma_start3A_202 = tpu.memref_slice %arg2[%dma_start3A_200, %dma_start3A_201] : memref<10000x128xf32, #tpu.memory_space<hbm>> -> memref<10000x128xf32, #tpu.memory_space<hbm>>
        tpu.enqueue_indirect_dma source(%dma_start3A_202 : memref<10000x128xf32, #tpu.memory_space<hbm>>) target(%arg12 : memref<64x128xf32, #tpu.memory_space<vmem>>) offsets(%dma_start3A_199 : memref<64xi32, #tpu.memory_space<vmem>>) semaphore(%arg17 : memref<!tpu.dma_semaphore, #tpu.memory_space<semaphore_mem>>)
      } else {
      }
      %lt3A_148 = arith.cmpi slt, %add3A_141, %add3A_8 : i32
      %convert_element_type3A_149 = arith.extui %lt3A_148 : i1 to i32
      %cond3A_150 = arith.constant 0 : i32
      %cond3A_151 = arith.cmpi ne, %convert_element_type3A_149, %cond3A_150 : i32
      scf.if %cond3A_151 {
        %dma_wait3A_178 = arith.constant 0 : i32
        %dma_wait3A_179 = arith.constant 0 : i32
        %dma_wait3A_180 = tpu.memref_slice %arg3[%dma_wait3A_178, %dma_wait3A_179] : memref<320000x128xf32, #tpu.memory_space<hbm>> -> memref<64x128xf32, #tpu.memory_space<hbm>>
        %dma_wait3A_181 = arith.constant 0 : i32
        %dma_wait3A_182 = arith.constant 0 : i32
        %dma_wait3A_183 = tpu.memref_slice %arg3[%dma_wait3A_181, %dma_wait3A_182] : memref<320000x128xf32, #tpu.memory_space<hbm>> -> memref<64x128xf32, #tpu.memory_space<hbm>>
        tpu.wait_dma2 semaphore(%arg14 : memref<!tpu.dma_semaphore, #tpu.memory_space<semaphore_mem>>) src(%dma_wait3A_183 : memref<64x128xf32, #tpu.memory_space<hbm>>) dst(%arg9 : memref<64x128xf32, #tpu.memory_space<vmem>>)
        %dma_wait3A_184 = arith.constant 0 : i32
        %dma_wait3A_185 = arith.constant 0 : i32
        %dma_wait3A_186 = tpu.memref_slice %arg7[%dma_wait3A_184, %dma_wait3A_185] : memref<2x64xi32, #tpu.memory_space<vmem>> -> memref<1x64xi32, #tpu.memory_space<vmem>>
        %dma_wait3A_187 = tpu.memref_squeeze %dma_wait3A_186 : memref<1x64xi32, #tpu.memory_space<vmem>> -> memref<64xi32, #tpu.memory_space<vmem>>
        %dma_wait3A_188 = arith.constant 0 : i32
        %dma_wait3A_189 = arith.constant 0 : i32
        %dma_wait3A_190 = tpu.memref_slice %arg2[%dma_wait3A_188, %dma_wait3A_189] : memref<10000x128xf32, #tpu.memory_space<hbm>> -> memref<10000x128xf32, #tpu.memory_space<hbm>>
        tpu.wait_indirect_dma semaphore(%arg16 : memref<!tpu.dma_semaphore, #tpu.memory_space<semaphore_mem>>) src(%dma_wait3A_190 : memref<10000x128xf32, #tpu.memory_space<hbm>>) dst(%arg11 : memref<64x128xf32, #tpu.memory_space<vmem>>)
        %scan3A_191 = arith.constant 0 : i32
        %scan3A_192 = arith.constant 64 : i32
        %scan3A_193 = arith.addi %scan3A_191, %scan3A_192 : i32
        %scan3A_194 = arith.constant 1 : i32
        scf.for %scan3A_196 = %scan3A_191 to %scan3A_193 step %scan3A_194  : i32 {
          %mul3A_197 = arith.constant 1 : i32
          %mul3A_198 = arith.muli %scan3A_196, %mul3A_197 : i32
          %add3A_199 = arith.constant 0 : i32
          %add3A_200 = arith.addi %add3A_199, %mul3A_198 : i32
          %get3A = arith.index_cast %add3A_200 : i32 to index
          %get3A_201 = arith.constant 0 : index
          %get3A_202 = tpu.vector_load %arg11[%get3A, %get3A_201] {strides = array<i32>} : memref<64x128xf32, #tpu.memory_space<vmem>>, vector<1x16xf32>,
          %get3A_203 = vector.shape_cast %get3A_202 : vector<1x16xf32> to vector<16xf32>
          %get3A_204 = arith.index_cast %add3A_200 : i32 to index
          %get3A_205 = arith.constant 0 : index
          %get3A_206 = tpu.vector_load %arg9[%get3A_204, %get3A_205] {strides = array<i32>} : memref<64x128xf32, #tpu.memory_space<vmem>>, vector<1x16xf32>,
          %get3A_207 = vector.shape_cast %get3A_206 : vector<1x16xf32> to vector<16xf32>
          %mul3A_208 = arith.mulf %get3A_203, %get3A_207 : vector<16xf32>
          %swap3A = arith.index_cast %add3A_200 : i32 to index
          %swap3A_209 = arith.constant 0 : index
          %swap3A_210 = tpu.vector_load %arg11[%swap3A, %swap3A_209] {strides = array<i32>} : memref<64x128xf32, #tpu.memory_space<vmem>>, vector<1x16xf32>,
          %swap3A_211 = vector.shape_cast %swap3A_210 : vector<1x16xf32> to vector<16xf32>
          %swap3A_212 = vector.shape_cast %mul3A_208 : vector<16xf32> to vector<1x16xf32>
          tpu.vector_store %arg11[%swap3A, %swap3A_209], %swap3A_212 {strides = array<i32>} : memref<64x128xf32, #tpu.memory_space<vmem>>, vector<1x16xf32>,
          %get3A_213 = arith.index_cast %add3A_200 : i32 to index
          %get3A_214 = arith.constant 16 : index
          %get3A_215 = tpu.vector_load %arg11[%get3A_213, %get3A_214] {strides = array<i32>} : memref<64x128xf32, #tpu.memory_space<vmem>>, vector<1x16xf32>,
          %get3A_216 = vector.shape_cast %get3A_215 : vector<1x16xf32> to vector<16xf32>
          %get3A_217 = arith.index_cast %add3A_200 : i32 to index
          %get3A_218 = arith.constant 16 : index
          %get3A_219 = tpu.vector_load %arg9[%get3A_217, %get3A_218] {strides = array<i32>} : memref<64x128xf32, #tpu.memory_space<vmem>>, vector<1x16xf32>,
          %get3A_220 = vector.shape_cast %get3A_219 : vector<1x16xf32> to vector<16xf32>
          %mul3A_221 = arith.mulf %get3A_216, %get3A_220 : vector<16xf32>
          %swap3A_222 = arith.index_cast %add3A_200 : i32 to index
          %swap3A_223 = arith.constant 16 : index
          %swap3A_224 = tpu.vector_load %arg11[%swap3A_222, %swap3A_223] {strides = array<i32>} : memref<64x128xf32, #tpu.memory_space<vmem>>, vector<1x16xf32>,
          %swap3A_225 = vector.shape_cast %swap3A_224 : vector<1x16xf32> to vector<16xf32>
          %swap3A_226 = vector.shape_cast %mul3A_221 : vector<16xf32> to vector<1x16xf32>
          tpu.vector_store %arg11[%swap3A_222, %swap3A_223], %swap3A_226 {strides = array<i32>} : memref<64x128xf32, #tpu.memory_space<vmem>>, vector<1x16xf32>,
          %get3A_227 = arith.index_cast %add3A_200 : i32 to index
          %get3A_228 = arith.constant 32 : index
          %get3A_229 = tpu.vector_load %arg11[%get3A_227, %get3A_228] {strides = array<i32>} : memref<64x128xf32, #tpu.memory_space<vmem>>, vector<1x16xf32>,
          %get3A_230 = vector.shape_cast %get3A_229 : vector<1x16xf32> to vector<16xf32>
          %get3A_231 = arith.index_cast %add3A_200 : i32 to index
          %get3A_232 = arith.constant 32 : index
          %get3A_233 = tpu.vector_load %arg9[%get3A_231, %get3A_232] {strides = array<i32>} : memref<64x128xf32, #tpu.memory_space<vmem>>, vector<1x16xf32>,
          %get3A_234 = vector.shape_cast %get3A_233 : vector<1x16xf32> to vector<16xf32>
          %mul3A_235 = arith.mulf %get3A_230, %get3A_234 : vector<16xf32>
          %swap3A_236 = arith.index_cast %add3A_200 : i32 to index
          %swap3A_237 = arith.constant 32 : index
          %swap3A_238 = tpu.vector_load %arg11[%swap3A_236, %swap3A_237] {strides = array<i32>} : memref<64x128xf32, #tpu.memory_space<vmem>>, vector<1x16xf32>,
          %swap3A_239 = vector.shape_cast %swap3A_238 : vector<1x16xf32> to vector<16xf32>
          %swap3A_240 = vector.shape_cast %mul3A_235 : vector<16xf32> to vector<1x16xf32>
          tpu.vector_store %arg11[%swap3A_236, %swap3A_237], %swap3A_240 {strides = array<i32>} : memref<64x128xf32, #tpu.memory_space<vmem>>, vector<1x16xf32>,
          %get3A_241 = arith.index_cast %add3A_200 : i32 to index
          %get3A_242 = arith.constant 48 : index
          %get3A_243 = tpu.vector_load %arg11[%get3A_241, %get3A_242] {strides = array<i32>} : memref<64x128xf32, #tpu.memory_space<vmem>>, vector<1x16xf32>,
          %get3A_244 = vector.shape_cast %get3A_243 : vector<1x16xf32> to vector<16xf32>
          %get3A_245 = arith.index_cast %add3A_200 : i32 to index
          %get3A_246 = arith.constant 48 : index
          %get3A_247 = tpu.vector_load %arg9[%get3A_245, %get3A_246] {strides = array<i32>} : memref<64x128xf32, #tpu.memory_space<vmem>>, vector<1x16xf32>,
          %get3A_248 = vector.shape_cast %get3A_247 : vector<1x16xf32> to vector<16xf32>
          %mul3A_249 = arith.mulf %get3A_244, %get3A_248 : vector<16xf32>
          %swap3A_250 = arith.index_cast %add3A_200 : i32 to index
          %swap3A_251 = arith.constant 48 : index
          %swap3A_252 = tpu.vector_load %arg11[%swap3A_250, %swap3A_251] {strides = array<i32>} : memref<64x128xf32, #tpu.memory_space<vmem>>, vector<1x16xf32>,
          %swap3A_253 = vector.shape_cast %swap3A_252 : vector<1x16xf32> to vector<16xf32>
          %swap3A_254 = vector.shape_cast %mul3A_249 : vector<16xf32> to vector<1x16xf32>
          tpu.vector_store %arg11[%swap3A_250, %swap3A_251], %swap3A_254 {strides = array<i32>} : memref<64x128xf32, #tpu.memory_space<vmem>>, vector<1x16xf32>,
          %get3A_255 = arith.index_cast %add3A_200 : i32 to index
          %get3A_256 = arith.constant 64 : index
          %get3A_257 = tpu.vector_load %arg11[%get3A_255, %get3A_256] {strides = array<i32>} : memref<64x128xf32, #tpu.memory_space<vmem>>, vector<1x16xf32>,
          %get3A_258 = vector.shape_cast %get3A_257 : vector<1x16xf32> to vector<16xf32>
          %get3A_259 = arith.index_cast %add3A_200 : i32 to index
          %get3A_260 = arith.constant 64 : index
          %get3A_261 = tpu.vector_load %arg9[%get3A_259, %get3A_260] {strides = array<i32>} : memref<64x128xf32, #tpu.memory_space<vmem>>, vector<1x16xf32>,
          %get3A_262 = vector.shape_cast %get3A_261 : vector<1x16xf32> to vector<16xf32>
          %mul3A_263 = arith.mulf %get3A_258, %get3A_262 : vector<16xf32>
          %swap3A_264 = arith.index_cast %add3A_200 : i32 to index
          %swap3A_265 = arith.constant 64 : index
          %swap3A_266 = tpu.vector_load %arg11[%swap3A_264, %swap3A_265] {strides = array<i32>} : memref<64x128xf32, #tpu.memory_space<vmem>>, vector<1x16xf32>,
          %swap3A_267 = vector.shape_cast %swap3A_266 : vector<1x16xf32> to vector<16xf32>
          %swap3A_268 = vector.shape_cast %mul3A_263 : vector<16xf32> to vector<1x16xf32>
          tpu.vector_store %arg11[%swap3A_264, %swap3A_265], %swap3A_268 {strides = array<i32>} : memref<64x128xf32, #tpu.memory_space<vmem>>, vector<1x16xf32>,
          %get3A_269 = arith.index_cast %add3A_200 : i32 to index
          %get3A_270 = arith.constant 80 : index
          %get3A_271 = tpu.vector_load %arg11[%get3A_269, %get3A_270] {strides = array<i32>} : memref<64x128xf32, #tpu.memory_space<vmem>>, vector<1x16xf32>,
          %get3A_272 = vector.shape_cast %get3A_271 : vector<1x16xf32> to vector<16xf32>
          %get3A_273 = arith.index_cast %add3A_200 : i32 to index
          %get3A_274 = arith.constant 80 : index
          %get3A_275 = tpu.vector_load %arg9[%get3A_273, %get3A_274] {strides = array<i32>} : memref<64x128xf32, #tpu.memory_space<vmem>>, vector<1x16xf32>,
          %get3A_276 = vector.shape_cast %get3A_275 : vector<1x16xf32> to vector<16xf32>
          %mul3A_277 = arith.mulf %get3A_272, %get3A_276 : vector<16xf32>
          %swap3A_278 = arith.index_cast %add3A_200 : i32 to index
          %swap3A_279 = arith.constant 80 : index
          %swap3A_280 = tpu.vector_load %arg11[%swap3A_278, %swap3A_279] {strides = array<i32>} : memref<64x128xf32, #tpu.memory_space<vmem>>, vector<1x16xf32>,
          %swap3A_281 = vector.shape_cast %swap3A_280 : vector<1x16xf32> to vector<16xf32>
          %swap3A_282 = vector.shape_cast %mul3A_277 : vector<16xf32> to vector<1x16xf32>
          tpu.vector_store %arg11[%swap3A_278, %swap3A_279], %swap3A_282 {strides = array<i32>} : memref<64x128xf32, #tpu.memory_space<vmem>>, vector<1x16xf32>,
          %get3A_283 = arith.index_cast %add3A_200 : i32 to index
          %get3A_284 = arith.constant 96 : index
          %get3A_285 = tpu.vector_load %arg11[%get3A_283, %get3A_284] {strides = array<i32>} : memref<64x128xf32, #tpu.memory_space<vmem>>, vector<1x16xf32>,
          %get3A_286 = vector.shape_cast %get3A_285 : vector<1x16xf32> to vector<16xf32>
          %get3A_287 = arith.index_cast %add3A_200 : i32 to index
          %get3A_288 = arith.constant 96 : index
          %get3A_289 = tpu.vector_load %arg9[%get3A_287, %get3A_288] {strides = array<i32>} : memref<64x128xf32, #tpu.memory_space<vmem>>, vector<1x16xf32>,
          %get3A_290 = vector.shape_cast %get3A_289 : vector<1x16xf32> to vector<16xf32>
          %mul3A_291 = arith.mulf %get3A_286, %get3A_290 : vector<16xf32>
          %swap3A_292 = arith.index_cast %add3A_200 : i32 to index
          %swap3A_293 = arith.constant 96 : index
          %swap3A_294 = tpu.vector_load %arg11[%swap3A_292, %swap3A_293] {strides = array<i32>} : memref<64x128xf32, #tpu.memory_space<vmem>>, vector<1x16xf32>,
          %swap3A_295 = vector.shape_cast %swap3A_294 : vector<1x16xf32> to vector<16xf32>
          %swap3A_296 = vector.shape_cast %mul3A_291 : vector<16xf32> to vector<1x16xf32>
          tpu.vector_store %arg11[%swap3A_292, %swap3A_293], %swap3A_296 {strides = array<i32>} : memref<64x128xf32, #tpu.memory_space<vmem>>, vector<1x16xf32>,
          %get3A_297 = arith.index_cast %add3A_200 : i32 to index
          %get3A_298 = arith.constant 112 : index
          %get3A_299 = tpu.vector_load %arg11[%get3A_297, %get3A_298] {strides = array<i32>} : memref<64x128xf32, #tpu.memory_space<vmem>>, vector<1x16xf32>,
          %get3A_300 = vector.shape_cast %get3A_299 : vector<1x16xf32> to vector<16xf32>
          %get3A_301 = arith.index_cast %add3A_200 : i32 to index
          %get3A_302 = arith.constant 112 : index
          %get3A_303 = tpu.vector_load %arg9[%get3A_301, %get3A_302] {strides = array<i32>} : memref<64x128xf32, #tpu.memory_space<vmem>>, vector<1x16xf32>,
          %get3A_304 = vector.shape_cast %get3A_303 : vector<1x16xf32> to vector<16xf32>
          %mul3A_305 = arith.mulf %get3A_300, %get3A_304 : vector<16xf32>
          %swap3A_306 = arith.index_cast %add3A_200 : i32 to index
          %swap3A_307 = arith.constant 112 : index
          %swap3A_308 = tpu.vector_load %arg11[%swap3A_306, %swap3A_307] {strides = array<i32>} : memref<64x128xf32, #tpu.memory_space<vmem>>, vector<1x16xf32>,
          %swap3A_309 = vector.shape_cast %swap3A_308 : vector<1x16xf32> to vector<16xf32>
          %swap3A_310 = vector.shape_cast %mul3A_305 : vector<16xf32> to vector<1x16xf32>
          tpu.vector_store %arg11[%swap3A_306, %swap3A_307], %swap3A_310 {strides = array<i32>} : memref<64x128xf32, #tpu.memory_space<vmem>>, vector<1x16xf32>,
        }
        %scan3A_195 = arith.constant 64 : i32
        %run_scoped3A = arith.constant 1 : i32
        "tpu.region"() ({
          %run_scoped3A_196 = tpu.sem_alloc : memref<!tpu.dma_semaphore, #tpu.memory_space<semaphore_mem>>
          %dma_start3A_197 = arith.constant 0 : i32
          %dma_start3A_198 = tpu.memref_slice %arg7[%run_scoped3A, %dma_start3A_197] : memref<2x64xi32, #tpu.memory_space<vmem>> -> memref<1x64xi32, #tpu.memory_space<vmem>>
          %dma_start3A_199 = tpu.memref_squeeze %dma_start3A_198 : memref<1x64xi32, #tpu.memory_space<vmem>> -> memref<64xi32, #tpu.memory_space<vmem>>
          %dma_start3A_200 = arith.constant 0 : i32
          %dma_start3A_201 = arith.constant 0 : i32
          %dma_start3A_202 = tpu.memref_slice %arg13[%dma_start3A_200, %dma_start3A_201] : memref<10000x128xf32, #tpu.memory_space<vmem_shared>> -> memref<10000x128xf32, #tpu.memory_space<vmem_shared>>
          tpu.enqueue_indirect_dma source(%arg11 : memref<64x128xf32, #tpu.memory_space<vmem>>) target(%dma_start3A_202 : memref<10000x128xf32, #tpu.memory_space<vmem_shared>>) offsets(%dma_start3A_199 : memref<64xi32, #tpu.memory_space<vmem>>) semaphore(%run_scoped3A_196 : memref<!tpu.dma_semaphore, #tpu.memory_space<semaphore_mem>>) {add = true}
          %dma_wait3A_203 = arith.constant 0 : i32
          %dma_wait3A_204 = tpu.memref_slice %arg7[%run_scoped3A, %dma_wait3A_203] : memref<2x64xi32, #tpu.memory_space<vmem>> -> memref<1x64xi32, #tpu.memory_space<vmem>>
          %dma_wait3A_205 = tpu.memref_squeeze %dma_wait3A_204 : memref<1x64xi32, #tpu.memory_space<vmem>> -> memref<64xi32, #tpu.memory_space<vmem>>
          %dma_wait3A_206 = arith.constant 0 : i32
          %dma_wait3A_207 = arith.constant 0 : i32
          %dma_wait3A_208 = tpu.memref_slice %arg13[%dma_wait3A_206, %dma_wait3A_207] : memref<10000x128xf32, #tpu.memory_space<vmem_shared>> -> memref<10000x128xf32, #tpu.memory_space<vmem_shared>>
          tpu.wait_indirect_dma semaphore(%run_scoped3A_196 : memref<!tpu.dma_semaphore, #tpu.memory_space<semaphore_mem>>) src(%arg11 : memref<64x128xf32, #tpu.memory_space<vmem>>) dst(%dma_wait3A_208 : memref<10000x128xf32, #tpu.memory_space<vmem_shared>>)
          tpu.yield
        }) : () -> ()
      } else {
      }
      %add3A_152 = arith.constant 2 : i32
      %add3A_153 = arith.addi %add3A_141, %add3A_152 : i32
      %lt3A_154 = arith.cmpi slt, %add3A_153, %add3A_8 : i32
      %convert_element_type3A_155 = arith.extui %lt3A_154 : i1 to i32
      %cond3A_156 = arith.constant 0 : i32
      %cond3A_157 = arith.cmpi ne, %convert_element_type3A_155, %cond3A_156 : i32
      scf.if %cond3A_157 {
        %add3A_178 = arith.constant 2 : i32
        %add3A_179 = arith.addi %add3A_141, %add3A_178 : i32
        %add3A_180 = arith.addi %add3A_4, %add3A_179 : i32
        %dma_start3A_181 = arith.constant 0 : i32
        %dma_start3A_182 = arith.constant 0 : i32
        %dma_start3A_183 = tpu.memref_slice %arg4[%add3A_180, %dma_start3A_181, %dma_start3A_182] : memref<5000x2x64xi32, #tpu.memory_space<hbm>> -> memref<1x2x64xi32, #tpu.memory_space<hbm>>
        %dma_start3A_184 = tpu.memref_squeeze %dma_start3A_183 : memref<1x2x64xi32, #tpu.memory_space<hbm>> -> memref<2x64xi32, #tpu.memory_space<hbm>>
        %dma_start3A_185 = arith.constant 0 : i32
        %dma_start3A_186 = arith.constant 0 : i32
        %dma_start3A_187 = tpu.memref_slice %arg4[%add3A_180, %dma_start3A_185, %dma_start3A_186] : memref<5000x2x64xi32, #tpu.memory_space<hbm>> -> memref<1x2x64xi32, #tpu.memory_space<hbm>>
        %dma_start3A_188 = tpu.memref_squeeze %dma_start3A_187 : memref<1x2x64xi32, #tpu.memory_space<hbm>> -> memref<2x64xi32, #tpu.memory_space<hbm>>
        tpu.enqueue_dma source(%dma_start3A_188 : memref<2x64xi32, #tpu.memory_space<hbm>>) target(%arg7 : memref<2x64xi32, #tpu.memory_space<vmem>>) target_semaphore(%arg18 : memref<!tpu.dma_semaphore, #tpu.memory_space<semaphore_mem>>)
      } else {
      }
      %mul3A_158 = arith.constant 2 : i32
      %mul3A_159 = arith.muli %mul3A_158, %add3A_137 : i32
      %add3A_160 = arith.constant 1 : i32
      %add3A_161 = arith.addi %mul3A_159, %add3A_160 : i32
      %add3A_162 = arith.constant 1 : i32
      %add3A_163 = arith.addi %add3A_161, %add3A_162 : i32
      %lt3A_164 = arith.cmpi slt, %add3A_163, %add3A_8 : i32
      %convert_element_type3A_165 = arith.extui %lt3A_164 : i1 to i32
      %cond3A_166 = arith.constant 0 : i32
      %cond3A_167 = arith.cmpi ne, %convert_element_type3A_165, %cond3A_166 : i32
      scf.if %cond3A_167 {
        %dma_wait3A_178 = arith.constant 0 : i32
        %dma_wait3A_179 = arith.constant 0 : i32
        %dma_wait3A_180 = arith.constant 0 : i32
        %dma_wait3A_181 = tpu.memref_slice %arg4[%dma_wait3A_178, %dma_wait3A_179, %dma_wait3A_180] : memref<5000x2x64xi32, #tpu.memory_space<hbm>> -> memref<1x2x64xi32, #tpu.memory_space<hbm>>
        %dma_wait3A_182 = tpu.memref_squeeze %dma_wait3A_181 : memref<1x2x64xi32, #tpu.memory_space<hbm>> -> memref<2x64xi32, #tpu.memory_space<hbm>>
        %dma_wait3A_183 = arith.constant 0 : i32
        %dma_wait3A_184 = arith.constant 0 : i32
        %dma_wait3A_185 = tpu.memref_slice %arg4[%dma_wait3A_178, %dma_wait3A_183, %dma_wait3A_184] : memref<5000x2x64xi32, #tpu.memory_space<hbm>> -> memref<1x2x64xi32, #tpu.memory_space<hbm>>
        %dma_wait3A_186 = tpu.memref_squeeze %dma_wait3A_185 : memref<1x2x64xi32, #tpu.memory_space<hbm>> -> memref<2x64xi32, #tpu.memory_space<hbm>>
        tpu.wait_dma2 semaphore(%arg18 : memref<!tpu.dma_semaphore, #tpu.memory_space<semaphore_mem>>) src(%dma_wait3A_186 : memref<2x64xi32, #tpu.memory_space<hbm>>) dst(%arg7 : memref<2x64xi32, #tpu.memory_space<vmem>>)
        %add3A_187 = arith.constant 1 : i32
        %add3A_188 = arith.addi %add3A_161, %add3A_187 : i32
        %add3A_189 = arith.addi %add3A_4, %add3A_188 : i32
        %mul3A_190 = arith.constant 64 : i32
        %mul3A_191 = arith.muli %add3A_189, %mul3A_190 : i32
        %dma_start3A_192 = arith.constant 0 : i32
        %dma_start3A_193 = tpu.memref_slice %arg3[%mul3A_191, %dma_start3A_192] : memref<320000x128xf32, #tpu.memory_space<hbm>> -> memref<64x128xf32, #tpu.memory_space<hbm>>
        %dma_start3A_194 = arith.constant 0 : i32
        %dma_start3A_195 = tpu.memref_slice %arg3[%mul3A_191, %dma_start3A_194] : memref<320000x128xf32, #tpu.memory_space<hbm>> -> memref<64x128xf32, #tpu.memory_space<hbm>>
        tpu.enqueue_dma source(%dma_start3A_195 : memref<64x128xf32, #tpu.memory_space<hbm>>) target(%arg9 : memref<64x128xf32, #tpu.memory_space<vmem>>) target_semaphore(%arg14 : memref<!tpu.dma_semaphore, #tpu.memory_space<semaphore_mem>>)
        %dma_start3A_196 = arith.constant 0 : i32
        %dma_start3A_197 = arith.constant 0 : i32
        %dma_start3A_198 = tpu.memref_slice %arg7[%dma_start3A_196, %dma_start3A_197] : memref<2x64xi32, #tpu.memory_space<vmem>> -> memref<1x64xi32, #tpu.memory_space<vmem>>
        %dma_start3A_199 = tpu.memref_squeeze %dma_start3A_198 : memref<1x64xi32, #tpu.memory_space<vmem>> -> memref<64xi32, #tpu.memory_space<vmem>>
        %dma_start3A_200 = arith.constant 0 : i32
        %dma_start3A_201 = arith.constant 0 : i32
        %dma_start3A_202 = tpu.memref_slice %arg2[%dma_start3A_200, %dma_start3A_201] : memref<10000x128xf32, #tpu.memory_space<hbm>> -> memref<10000x128xf32, #tpu.memory_space<hbm>>
        tpu.enqueue_indirect_dma source(%dma_start3A_202 : memref<10000x128xf32, #tpu.memory_space<hbm>>) target(%arg11 : memref<64x128xf32, #tpu.memory_space<vmem>>) offsets(%dma_start3A_199 : memref<64xi32, #tpu.memory_space<vmem>>) semaphore(%arg16 : memref<!tpu.dma_semaphore, #tpu.memory_space<semaphore_mem>>)
      } else {
      }
      %lt3A_168 = arith.cmpi slt, %add3A_161, %add3A_8 : i32
      %convert_element_type3A_169 = arith.extui %lt3A_168 : i1 to i32
      %cond3A_170 = arith.constant 0 : i32
      %cond3A_171 = arith.cmpi ne, %convert_element_type3A_169, %cond3A_170 : i32
      scf.if %cond3A_171 {
        %dma_wait3A_178 = arith.constant 0 : i32
        %dma_wait3A_179 = arith.constant 0 : i32
        %dma_wait3A_180 = tpu.memref_slice %arg3[%dma_wait3A_178, %dma_wait3A_179] : memref<320000x128xf32, #tpu.memory_space<hbm>> -> memref<64x128xf32, #tpu.memory_space<hbm>>
        %dma_wait3A_181 = arith.constant 0 : i32
        %dma_wait3A_182 = arith.constant 0 : i32
        %dma_wait3A_183 = tpu.memref_slice %arg3[%dma_wait3A_181, %dma_wait3A_182] : memref<320000x128xf32, #tpu.memory_space<hbm>> -> memref<64x128xf32, #tpu.memory_space<hbm>>
        tpu.wait_dma2 semaphore(%arg15 : memref<!tpu.dma_semaphore, #tpu.memory_space<semaphore_mem>>) src(%dma_wait3A_183 : memref<64x128xf32, #tpu.memory_space<hbm>>) dst(%arg10 : memref<64x128xf32, #tpu.memory_space<vmem>>)
        %dma_wait3A_184 = arith.constant 0 : i32
        %dma_wait3A_185 = arith.constant 0 : i32
        %dma_wait3A_186 = tpu.memref_slice %arg7[%dma_wait3A_184, %dma_wait3A_185] : memref<2x64xi32, #tpu.memory_space<vmem>> -> memref<1x64xi32, #tpu.memory_space<vmem>>
        %dma_wait3A_187 = tpu.memref_squeeze %dma_wait3A_186 : memref<1x64xi32, #tpu.memory_space<vmem>> -> memref<64xi32, #tpu.memory_space<vmem>>
        %dma_wait3A_188 = arith.constant 0 : i32
        %dma_wait3A_189 = arith.constant 0 : i32
        %dma_wait3A_190 = tpu.memref_slice %arg2[%dma_wait3A_188, %dma_wait3A_189] : memref<10000x128xf32, #tpu.memory_space<hbm>> -> memref<10000x128xf32, #tpu.memory_space<hbm>>
        tpu.wait_indirect_dma semaphore(%arg17 : memref<!tpu.dma_semaphore, #tpu.memory_space<semaphore_mem>>) src(%dma_wait3A_190 : memref<10000x128xf32, #tpu.memory_space<hbm>>) dst(%arg12 : memref<64x128xf32, #tpu.memory_space<vmem>>)
        %scan3A_191 = arith.constant 0 : i32
        %scan3A_192 = arith.constant 64 : i32
        %scan3A_193 = arith.addi %scan3A_191, %scan3A_192 : i32
        %scan3A_194 = arith.constant 1 : i32
        scf.for %scan3A_196 = %scan3A_191 to %scan3A_193 step %scan3A_194  : i32 {
          %mul3A_197 = arith.constant 1 : i32
          %mul3A_198 = arith.muli %scan3A_196, %mul3A_197 : i32
          %add3A_199 = arith.constant 0 : i32
          %add3A_200 = arith.addi %add3A_199, %mul3A_198 : i32
          %get3A = arith.index_cast %add3A_200 : i32 to index
          %get3A_201 = arith.constant 0 : index
          %get3A_202 = tpu.vector_load %arg12[%get3A, %get3A_201] {strides = array<i32>} : memref<64x128xf32, #tpu.memory_space<vmem>>, vector<1x16xf32>,
          %get3A_203 = vector.shape_cast %get3A_202 : vector<1x16xf32> to vector<16xf32>
          %get3A_204 = arith.index_cast %add3A_200 : i32 to index
          %get3A_205 = arith.constant 0 : index
          %get3A_206 = tpu.vector_load %arg10[%get3A_204, %get3A_205] {strides = array<i32>} : memref<64x128xf32, #tpu.memory_space<vmem>>, vector<1x16xf32>,
          %get3A_207 = vector.shape_cast %get3A_206 : vector<1x16xf32> to vector<16xf32>
          %mul3A_208 = arith.mulf %get3A_203, %get3A_207 : vector<16xf32>
          %swap3A = arith.index_cast %add3A_200 : i32 to index
          %swap3A_209 = arith.constant 0 : index
          %swap3A_210 = tpu.vector_load %arg12[%swap3A, %swap3A_209] {strides = array<i32>} : memref<64x128xf32, #tpu.memory_space<vmem>>, vector<1x16xf32>,
          %swap3A_211 = vector.shape_cast %swap3A_210 : vector<1x16xf32> to vector<16xf32>
          %swap3A_212 = vector.shape_cast %mul3A_208 : vector<16xf32> to vector<1x16xf32>
          tpu.vector_store %arg12[%swap3A, %swap3A_209], %swap3A_212 {strides = array<i32>} : memref<64x128xf32, #tpu.memory_space<vmem>>, vector<1x16xf32>,
          %get3A_213 = arith.index_cast %add3A_200 : i32 to index
          %get3A_214 = arith.constant 16 : index
          %get3A_215 = tpu.vector_load %arg12[%get3A_213, %get3A_214] {strides = array<i32>} : memref<64x128xf32, #tpu.memory_space<vmem>>, vector<1x16xf32>,
          %get3A_216 = vector.shape_cast %get3A_215 : vector<1x16xf32> to vector<16xf32>
          %get3A_217 = arith.index_cast %add3A_200 : i32 to index
          %get3A_218 = arith.constant 16 : index
          %get3A_219 = tpu.vector_load %arg10[%get3A_217, %get3A_218] {strides = array<i32>} : memref<64x128xf32, #tpu.memory_space<vmem>>, vector<1x16xf32>,
          %get3A_220 = vector.shape_cast %get3A_219 : vector<1x16xf32> to vector<16xf32>
          %mul3A_221 = arith.mulf %get3A_216, %get3A_220 : vector<16xf32>
          %swap3A_222 = arith.index_cast %add3A_200 : i32 to index
          %swap3A_223 = arith.constant 16 : index
          %swap3A_224 = tpu.vector_load %arg12[%swap3A_222, %swap3A_223] {strides = array<i32>} : memref<64x128xf32, #tpu.memory_space<vmem>>, vector<1x16xf32>,
          %swap3A_225 = vector.shape_cast %swap3A_224 : vector<1x16xf32> to vector<16xf32>
          %swap3A_226 = vector.shape_cast %mul3A_221 : vector<16xf32> to vector<1x16xf32>
          tpu.vector_store %arg12[%swap3A_222, %swap3A_223], %swap3A_226 {strides = array<i32>} : memref<64x128xf32, #tpu.memory_space<vmem>>, vector<1x16xf32>,
          %get3A_227 = arith.index_cast %add3A_200 : i32 to index
          %get3A_228 = arith.constant 32 : index
          %get3A_229 = tpu.vector_load %arg12[%get3A_227, %get3A_228] {strides = array<i32>} : memref<64x128xf32, #tpu.memory_space<vmem>>, vector<1x16xf32>,
          %get3A_230 = vector.shape_cast %get3A_229 : vector<1x16xf32> to vector<16xf32>
          %get3A_231 = arith.index_cast %add3A_200 : i32 to index
          %get3A_232 = arith.constant 32 : index
          %get3A_233 = tpu.vector_load %arg10[%get3A_231, %get3A_232] {strides = array<i32>} : memref<64x128xf32, #tpu.memory_space<vmem>>, vector<1x16xf32>,
          %get3A_234 = vector.shape_cast %get3A_233 : vector<1x16xf32> to vector<16xf32>
          %mul3A_235 = arith.mulf %get3A_230, %get3A_234 : vector<16xf32>
          %swap3A_236 = arith.index_cast %add3A_200 : i32 to index
          %swap3A_237 = arith.constant 32 : index
          %swap3A_238 = tpu.vector_load %arg12[%swap3A_236, %swap3A_237] {strides = array<i32>} : memref<64x128xf32, #tpu.memory_space<vmem>>, vector<1x16xf32>,
          %swap3A_239 = vector.shape_cast %swap3A_238 : vector<1x16xf32> to vector<16xf32>
          %swap3A_240 = vector.shape_cast %mul3A_235 : vector<16xf32> to vector<1x16xf32>
          tpu.vector_store %arg12[%swap3A_236, %swap3A_237], %swap3A_240 {strides = array<i32>} : memref<64x128xf32, #tpu.memory_space<vmem>>, vector<1x16xf32>,
          %get3A_241 = arith.index_cast %add3A_200 : i32 to index
          %get3A_242 = arith.constant 48 : index
          %get3A_243 = tpu.vector_load %arg12[%get3A_241, %get3A_242] {strides = array<i32>} : memref<64x128xf32, #tpu.memory_space<vmem>>, vector<1x16xf32>,
          %get3A_244 = vector.shape_cast %get3A_243 : vector<1x16xf32> to vector<16xf32>
          %get3A_245 = arith.index_cast %add3A_200 : i32 to index
          %get3A_246 = arith.constant 48 : index
          %get3A_247 = tpu.vector_load %arg10[%get3A_245, %get3A_246] {strides = array<i32>} : memref<64x128xf32, #tpu.memory_space<vmem>>, vector<1x16xf32>,
          %get3A_248 = vector.shape_cast %get3A_247 : vector<1x16xf32> to vector<16xf32>
          %mul3A_249 = arith.mulf %get3A_244, %get3A_248 : vector<16xf32>
          %swap3A_250 = arith.index_cast %add3A_200 : i32 to index
          %swap3A_251 = arith.constant 48 : index
          %swap3A_252 = tpu.vector_load %arg12[%swap3A_250, %swap3A_251] {strides = array<i32>} : memref<64x128xf32, #tpu.memory_space<vmem>>, vector<1x16xf32>,
          %swap3A_253 = vector.shape_cast %swap3A_252 : vector<1x16xf32> to vector<16xf32>
          %swap3A_254 = vector.shape_cast %mul3A_249 : vector<16xf32> to vector<1x16xf32>
          tpu.vector_store %arg12[%swap3A_250, %swap3A_251], %swap3A_254 {strides = array<i32>} : memref<64x128xf32, #tpu.memory_space<vmem>>, vector<1x16xf32>,
          %get3A_255 = arith.index_cast %add3A_200 : i32 to index
          %get3A_256 = arith.constant 64 : index
          %get3A_257 = tpu.vector_load %arg12[%get3A_255, %get3A_256] {strides = array<i32>} : memref<64x128xf32, #tpu.memory_space<vmem>>, vector<1x16xf32>,
          %get3A_258 = vector.shape_cast %get3A_257 : vector<1x16xf32> to vector<16xf32>
          %get3A_259 = arith.index_cast %add3A_200 : i32 to index
          %get3A_260 = arith.constant 64 : index
          %get3A_261 = tpu.vector_load %arg10[%get3A_259, %get3A_260] {strides = array<i32>} : memref<64x128xf32, #tpu.memory_space<vmem>>, vector<1x16xf32>,
          %get3A_262 = vector.shape_cast %get3A_261 : vector<1x16xf32> to vector<16xf32>
          %mul3A_263 = arith.mulf %get3A_258, %get3A_262 : vector<16xf32>
          %swap3A_264 = arith.index_cast %add3A_200 : i32 to index
          %swap3A_265 = arith.constant 64 : index
          %swap3A_266 = tpu.vector_load %arg12[%swap3A_264, %swap3A_265] {strides = array<i32>} : memref<64x128xf32, #tpu.memory_space<vmem>>, vector<1x16xf32>,
          %swap3A_267 = vector.shape_cast %swap3A_266 : vector<1x16xf32> to vector<16xf32>
          %swap3A_268 = vector.shape_cast %mul3A_263 : vector<16xf32> to vector<1x16xf32>
          tpu.vector_store %arg12[%swap3A_264, %swap3A_265], %swap3A_268 {strides = array<i32>} : memref<64x128xf32, #tpu.memory_space<vmem>>, vector<1x16xf32>,
          %get3A_269 = arith.index_cast %add3A_200 : i32 to index
          %get3A_270 = arith.constant 80 : index
          %get3A_271 = tpu.vector_load %arg12[%get3A_269, %get3A_270] {strides = array<i32>} : memref<64x128xf32, #tpu.memory_space<vmem>>, vector<1x16xf32>,
          %get3A_272 = vector.shape_cast %get3A_271 : vector<1x16xf32> to vector<16xf32>
          %get3A_273 = arith.index_cast %add3A_200 : i32 to index
          %get3A_274 = arith.constant 80 : index
          %get3A_275 = tpu.vector_load %arg10[%get3A_273, %get3A_274] {strides = array<i32>} : memref<64x128xf32, #tpu.memory_space<vmem>>, vector<1x16xf32>,
          %get3A_276 = vector.shape_cast %get3A_275 : vector<1x16xf32> to vector<16xf32>
          %mul3A_277 = arith.mulf %get3A_272, %get3A_276 : vector<16xf32>
          %swap3A_278 = arith.index_cast %add3A_200 : i32 to index
          %swap3A_279 = arith.constant 80 : index
          %swap3A_280 = tpu.vector_load %arg12[%swap3A_278, %swap3A_279] {strides = array<i32>} : memref<64x128xf32, #tpu.memory_space<vmem>>, vector<1x16xf32>,
          %swap3A_281 = vector.shape_cast %swap3A_280 : vector<1x16xf32> to vector<16xf32>
          %swap3A_282 = vector.shape_cast %mul3A_277 : vector<16xf32> to vector<1x16xf32>
          tpu.vector_store %arg12[%swap3A_278, %swap3A_279], %swap3A_282 {strides = array<i32>} : memref<64x128xf32, #tpu.memory_space<vmem>>, vector<1x16xf32>,
          %get3A_283 = arith.index_cast %add3A_200 : i32 to index
          %get3A_284 = arith.constant 96 : index
          %get3A_285 = tpu.vector_load %arg12[%get3A_283, %get3A_284] {strides = array<i32>} : memref<64x128xf32, #tpu.memory_space<vmem>>, vector<1x16xf32>,
          %get3A_286 = vector.shape_cast %get3A_285 : vector<1x16xf32> to vector<16xf32>
          %get3A_287 = arith.index_cast %add3A_200 : i32 to index
          %get3A_288 = arith.constant 96 : index
          %get3A_289 = tpu.vector_load %arg10[%get3A_287, %get3A_288] {strides = array<i32>} : memref<64x128xf32, #tpu.memory_space<vmem>>, vector<1x16xf32>,
          %get3A_290 = vector.shape_cast %get3A_289 : vector<1x16xf32> to vector<16xf32>
          %mul3A_291 = arith.mulf %get3A_286, %get3A_290 : vector<16xf32>
          %swap3A_292 = arith.index_cast %add3A_200 : i32 to index
          %swap3A_293 = arith.constant 96 : index
          %swap3A_294 = tpu.vector_load %arg12[%swap3A_292, %swap3A_293] {strides = array<i32>} : memref<64x128xf32, #tpu.memory_space<vmem>>, vector<1x16xf32>,
          %swap3A_295 = vector.shape_cast %swap3A_294 : vector<1x16xf32> to vector<16xf32>
          %swap3A_296 = vector.shape_cast %mul3A_291 : vector<16xf32> to vector<1x16xf32>
          tpu.vector_store %arg12[%swap3A_292, %swap3A_293], %swap3A_296 {strides = array<i32>} : memref<64x128xf32, #tpu.memory_space<vmem>>, vector<1x16xf32>,
          %get3A_297 = arith.index_cast %add3A_200 : i32 to index
          %get3A_298 = arith.constant 112 : index
          %get3A_299 = tpu.vector_load %arg12[%get3A_297, %get3A_298] {strides = array<i32>} : memref<64x128xf32, #tpu.memory_space<vmem>>, vector<1x16xf32>,
          %get3A_300 = vector.shape_cast %get3A_299 : vector<1x16xf32> to vector<16xf32>
          %get3A_301 = arith.index_cast %add3A_200 : i32 to index
          %get3A_302 = arith.constant 112 : index
          %get3A_303 = tpu.vector_load %arg10[%get3A_301, %get3A_302] {strides = array<i32>} : memref<64x128xf32, #tpu.memory_space<vmem>>, vector<1x16xf32>,
          %get3A_304 = vector.shape_cast %get3A_303 : vector<1x16xf32> to vector<16xf32>
          %mul3A_305 = arith.mulf %get3A_300, %get3A_304 : vector<16xf32>
          %swap3A_306 = arith.index_cast %add3A_200 : i32 to index
          %swap3A_307 = arith.constant 112 : index
          %swap3A_308 = tpu.vector_load %arg12[%swap3A_306, %swap3A_307] {strides = array<i32>} : memref<64x128xf32, #tpu.memory_space<vmem>>, vector<1x16xf32>,
          %swap3A_309 = vector.shape_cast %swap3A_308 : vector<1x16xf32> to vector<16xf32>
          %swap3A_310 = vector.shape_cast %mul3A_305 : vector<16xf32> to vector<1x16xf32>
          tpu.vector_store %arg12[%swap3A_306, %swap3A_307], %swap3A_310 {strides = array<i32>} : memref<64x128xf32, #tpu.memory_space<vmem>>, vector<1x16xf32>,
        }
        %scan3A_195 = arith.constant 64 : i32
        %run_scoped3A = arith.constant 1 : i32
        "tpu.region"() ({
          %run_scoped3A_196 = tpu.sem_alloc : memref<!tpu.dma_semaphore, #tpu.memory_space<semaphore_mem>>
          %dma_start3A_197 = arith.constant 0 : i32
          %dma_start3A_198 = tpu.memref_slice %arg8[%run_scoped3A, %dma_start3A_197] : memref<2x64xi32, #tpu.memory_space<vmem>> -> memref<1x64xi32, #tpu.memory_space<vmem>>
          %dma_start3A_199 = tpu.memref_squeeze %dma_start3A_198 : memref<1x64xi32, #tpu.memory_space<vmem>> -> memref<64xi32, #tpu.memory_space<vmem>>
          %dma_start3A_200 = arith.constant 0 : i32
          %dma_start3A_201 = arith.constant 0 : i32
          %dma_start3A_202 = tpu.memref_slice %arg13[%dma_start3A_200, %dma_start3A_201] : memref<10000x128xf32, #tpu.memory_space<vmem_shared>> -> memref<10000x128xf32, #tpu.memory_space<vmem_shared>>
          tpu.enqueue_indirect_dma source(%arg12 : memref<64x128xf32, #tpu.memory_space<vmem>>) target(%dma_start3A_202 : memref<10000x128xf32, #tpu.memory_space<vmem_shared>>) offsets(%dma_start3A_199 : memref<64xi32, #tpu.memory_space<vmem>>) semaphore(%run_scoped3A_196 : memref<!tpu.dma_semaphore, #tpu.memory_space<semaphore_mem>>) {add = true}
          %dma_wait3A_203 = arith.constant 0 : i32
          %dma_wait3A_204 = tpu.memref_slice %arg8[%run_scoped3A, %dma_wait3A_203] : memref<2x64xi32, #tpu.memory_space<vmem>> -> memref<1x64xi32, #tpu.memory_space<vmem>>
          %dma_wait3A_205 = tpu.memref_squeeze %dma_wait3A_204 : memref<1x64xi32, #tpu.memory_space<vmem>> -> memref<64xi32, #tpu.memory_space<vmem>>
          %dma_wait3A_206 = arith.constant 0 : i32
          %dma_wait3A_207 = arith.constant 0 : i32
          %dma_wait3A_208 = tpu.memref_slice %arg13[%dma_wait3A_206, %dma_wait3A_207] : memref<10000x128xf32, #tpu.memory_space<vmem_shared>> -> memref<10000x128xf32, #tpu.memory_space<vmem_shared>>
          tpu.wait_indirect_dma semaphore(%run_scoped3A_196 : memref<!tpu.dma_semaphore, #tpu.memory_space<semaphore_mem>>) src(%arg12 : memref<64x128xf32, #tpu.memory_space<vmem>>) dst(%dma_wait3A_208 : memref<10000x128xf32, #tpu.memory_space<vmem_shared>>)
          tpu.yield
        }) : () -> ()
      } else {
      }
      %add3A_172 = arith.constant 2 : i32
      %add3A_173 = arith.addi %add3A_161, %add3A_172 : i32
      %lt3A_174 = arith.cmpi slt, %add3A_173, %add3A_8 : i32
      %convert_element_type3A_175 = arith.extui %lt3A_174 : i1 to i32
      %cond3A_176 = arith.constant 0 : i32
      %cond3A_177 = arith.cmpi ne, %convert_element_type3A_175, %cond3A_176 : i32
      scf.if %cond3A_177 {
        %add3A_178 = arith.constant 2 : i32
        %add3A_179 = arith.addi %add3A_161, %add3A_178 : i32
        %add3A_180 = arith.addi %add3A_4, %add3A_179 : i32
        %dma_start3A_181 = arith.constant 0 : i32
        %dma_start3A_182 = arith.constant 0 : i32
        %dma_start3A_183 = tpu.memref_slice %arg4[%add3A_180, %dma_start3A_181, %dma_start3A_182] : memref<5000x2x64xi32, #tpu.memory_space<hbm>> -> memref<1x2x64xi32, #tpu.memory_space<hbm>>
        %dma_start3A_184 = tpu.memref_squeeze %dma_start3A_183 : memref<1x2x64xi32, #tpu.memory_space<hbm>> -> memref<2x64xi32, #tpu.memory_space<hbm>>
        %dma_start3A_185 = arith.constant 0 : i32
        %dma_start3A_186 = arith.constant 0 : i32
        %dma_start3A_187 = tpu.memref_slice %arg4[%add3A_180, %dma_start3A_185, %dma_start3A_186] : memref<5000x2x64xi32, #tpu.memory_space<hbm>> -> memref<1x2x64xi32, #tpu.memory_space<hbm>>
        %dma_start3A_188 = tpu.memref_squeeze %dma_start3A_187 : memref<1x2x64xi32, #tpu.memory_space<hbm>> -> memref<2x64xi32, #tpu.memory_space<hbm>>
        tpu.enqueue_dma source(%dma_start3A_188 : memref<2x64xi32, #tpu.memory_space<hbm>>) target(%arg8 : memref<2x64xi32, #tpu.memory_space<vmem>>) target_semaphore(%arg19 : memref<!tpu.dma_semaphore, #tpu.memory_space<semaphore_mem>>)
      } else {
      }
    }
    %scan3A_91 = arith.constant 79 : i32
    %barrier3A_92 = arith.constant 0 : index
    tpu.barrier barrier_id(%barrier3A_92)
    %add3A_93 = arith.constant 0 : i32
    %add3A_94 = arith.addi %arg1, %add3A_93 : i32
    %lt3A_95 = arith.constant 78 : i32
    %lt3A_96 = arith.cmpi slt, %add3A_94, %lt3A_95 : i32
    %convert_element_type3A_97 = arith.extui %lt3A_96 : i1 to i32
    %cond3A_98 = arith.constant 0 : i32
    %cond3A_99 = arith.cmpi ne, %convert_element_type3A_97, %cond3A_98 : i32
    scf.if %cond3A_99 {
      %mul3A_133 = arith.constant 128 : i32
      %mul3A_134 = arith.muli %add3A_94, %mul3A_133 : i32
      %mul3A_135 = arith.constant 10000 : i32
      %mul3A_136 = arith.muli %arg0, %mul3A_135 : i32
      %mul3A_137 = arith.constant 128 : i32
      %mul3A_138 = arith.muli %add3A_94, %mul3A_137 : i32
      %add3A_139 = arith.addi %mul3A_136, %mul3A_138 : i32
      "tpu.region"() ({
        %run_scoped3A = tpu.sem_alloc : memref<!tpu.dma_semaphore, #tpu.memory_space<semaphore_mem>>
        %dma_start3A_140 = arith.constant 0 : i32
        %dma_start3A_141 = tpu.memref_slice %arg6[%add3A_139, %dma_start3A_140] : memref<20000x128xf32, #tpu.memory_space<hbm>> -> memref<128x128xf32, #tpu.memory_space<hbm>>
        %dma_start3A_142 = arith.constant 0 : i32
        %dma_start3A_143 = tpu.memref_slice %arg13[%mul3A_134, %dma_start3A_142] : memref<10000x128xf32, #tpu.memory_space<vmem_shared>> -> memref<128x128xf32, #tpu.memory_space<vmem_shared>>
        tpu.enqueue_dma source(%dma_start3A_143 : memref<128x128xf32, #tpu.memory_space<vmem_shared>>) target(%dma_start3A_141 : memref<128x128xf32, #tpu.memory_space<hbm>>) target_semaphore(%run_scoped3A : memref<!tpu.dma_semaphore, #tpu.memory_space<semaphore_mem>>)
        %dma_wait3A_144 = arith.constant 0 : i32
        %dma_wait3A_145 = tpu.memref_slice %arg6[%add3A_139, %dma_wait3A_144] : memref<20000x128xf32, #tpu.memory_space<hbm>> -> memref<128x128xf32, #tpu.memory_space<hbm>>
        %dma_wait3A_146 = arith.constant 0 : i32
        %dma_wait3A_147 = tpu.memref_slice %arg13[%mul3A_134, %dma_wait3A_146] : memref<10000x128xf32, #tpu.memory_space<vmem_shared>> -> memref<128x128xf32, #tpu.memory_space<vmem_shared>>
        tpu.wait_dma2 semaphore(%run_scoped3A : memref<!tpu.dma_semaphore, #tpu.memory_space<semaphore_mem>>) src(%dma_wait3A_147 : memref<128x128xf32, #tpu.memory_space<vmem_shared>>) dst(%dma_wait3A_145 : memref<128x128xf32, #tpu.memory_space<hbm>>)
        tpu.yield
      }) : () -> ()
    } else {
    }
    %add3A_100 = arith.constant 16 : i32
    %add3A_101 = arith.addi %arg1, %add3A_100 : i32
    %lt3A_102 = arith.constant 78 : i32
    %lt3A_103 = arith.cmpi slt, %add3A_101, %lt3A_102 : i32
    %convert_element_type3A_104 = arith.extui %lt3A_103 : i1 to i32
    %cond3A_105 = arith.constant 0 : i32
    %cond3A_106 = arith.cmpi ne, %convert_element_type3A_104, %cond3A_105 : i32
    scf.if %cond3A_106 {
      %mul3A_133 = arith.constant 128 : i32
      %mul3A_134 = arith.muli %add3A_101, %mul3A_133 : i32
      %mul3A_135 = arith.constant 10000 : i32
      %mul3A_136 = arith.muli %arg0, %mul3A_135 : i32
      %mul3A_137 = arith.constant 128 : i32
      %mul3A_138 = arith.muli %add3A_101, %mul3A_137 : i32
      %add3A_139 = arith.addi %mul3A_136, %mul3A_138 : i32
      "tpu.region"() ({
        %run_scoped3A = tpu.sem_alloc : memref<!tpu.dma_semaphore, #tpu.memory_space<semaphore_mem>>
        %dma_start3A_140 = arith.constant 0 : i32
        %dma_start3A_141 = tpu.memref_slice %arg6[%add3A_139, %dma_start3A_140] : memref<20000x128xf32, #tpu.memory_space<hbm>> -> memref<128x128xf32, #tpu.memory_space<hbm>>
        %dma_start3A_142 = arith.constant 0 : i32
        %dma_start3A_143 = tpu.memref_slice %arg13[%mul3A_134, %dma_start3A_142] : memref<10000x128xf32, #tpu.memory_space<vmem_shared>> -> memref<128x128xf32, #tpu.memory_space<vmem_shared>>
        tpu.enqueue_dma source(%dma_start3A_143 : memref<128x128xf32, #tpu.memory_space<vmem_shared>>) target(%dma_start3A_141 : memref<128x128xf32, #tpu.memory_space<hbm>>) target_semaphore(%run_scoped3A : memref<!tpu.dma_semaphore, #tpu.memory_space<semaphore_mem>>)
        %dma_wait3A_144 = arith.constant 0 : i32
        %dma_wait3A_145 = tpu.memref_slice %arg6[%add3A_139, %dma_wait3A_144] : memref<20000x128xf32, #tpu.memory_space<hbm>> -> memref<128x128xf32, #tpu.memory_space<hbm>>
        %dma_wait3A_146 = arith.constant 0 : i32
        %dma_wait3A_147 = tpu.memref_slice %arg13[%mul3A_134, %dma_wait3A_146] : memref<10000x128xf32, #tpu.memory_space<vmem_shared>> -> memref<128x128xf32, #tpu.memory_space<vmem_shared>>
        tpu.wait_dma2 semaphore(%run_scoped3A : memref<!tpu.dma_semaphore, #tpu.memory_space<semaphore_mem>>) src(%dma_wait3A_147 : memref<128x128xf32, #tpu.memory_space<vmem_shared>>) dst(%dma_wait3A_145 : memref<128x128xf32, #tpu.memory_space<hbm>>)
        tpu.yield
      }) : () -> ()
    } else {
    }
    %add3A_107 = arith.constant 32 : i32
    %add3A_108 = arith.addi %arg1, %add3A_107 : i32
    %lt3A_109 = arith.constant 78 : i32
    %lt3A_110 = arith.cmpi slt, %add3A_108, %lt3A_109 : i32
    %convert_element_type3A_111 = arith.extui %lt3A_110 : i1 to i32
    %cond3A_112 = arith.constant 0 : i32
    %cond3A_113 = arith.cmpi ne, %convert_element_type3A_111, %cond3A_112 : i32
    scf.if %cond3A_113 {
      %mul3A_133 = arith.constant 128 : i32
      %mul3A_134 = arith.muli %add3A_108, %mul3A_133 : i32
      %mul3A_135 = arith.constant 10000 : i32
      %mul3A_136 = arith.muli %arg0, %mul3A_135 : i32
      %mul3A_137 = arith.constant 128 : i32
      %mul3A_138 = arith.muli %add3A_108, %mul3A_137 : i32
      %add3A_139 = arith.addi %mul3A_136, %mul3A_138 : i32
      "tpu.region"() ({
        %run_scoped3A = tpu.sem_alloc : memref<!tpu.dma_semaphore, #tpu.memory_space<semaphore_mem>>
        %dma_start3A_140 = arith.constant 0 : i32
        %dma_start3A_141 = tpu.memref_slice %arg6[%add3A_139, %dma_start3A_140] : memref<20000x128xf32, #tpu.memory_space<hbm>> -> memref<128x128xf32, #tpu.memory_space<hbm>>
        %dma_start3A_142 = arith.constant 0 : i32
        %dma_start3A_143 = tpu.memref_slice %arg13[%mul3A_134, %dma_start3A_142] : memref<10000x128xf32, #tpu.memory_space<vmem_shared>> -> memref<128x128xf32, #tpu.memory_space<vmem_shared>>
        tpu.enqueue_dma source(%dma_start3A_143 : memref<128x128xf32, #tpu.memory_space<vmem_shared>>) target(%dma_start3A_141 : memref<128x128xf32, #tpu.memory_space<hbm>>) target_semaphore(%run_scoped3A : memref<!tpu.dma_semaphore, #tpu.memory_space<semaphore_mem>>)
        %dma_wait3A_144 = arith.constant 0 : i32
        %dma_wait3A_145 = tpu.memref_slice %arg6[%add3A_139, %dma_wait3A_144] : memref<20000x128xf32, #tpu.memory_space<hbm>> -> memref<128x128xf32, #tpu.memory_space<hbm>>
        %dma_wait3A_146 = arith.constant 0 : i32
        %dma_wait3A_147 = tpu.memref_slice %arg13[%mul3A_134, %dma_wait3A_146] : memref<10000x128xf32, #tpu.memory_space<vmem_shared>> -> memref<128x128xf32, #tpu.memory_space<vmem_shared>>
        tpu.wait_dma2 semaphore(%run_scoped3A : memref<!tpu.dma_semaphore, #tpu.memory_space<semaphore_mem>>) src(%dma_wait3A_147 : memref<128x128xf32, #tpu.memory_space<vmem_shared>>) dst(%dma_wait3A_145 : memref<128x128xf32, #tpu.memory_space<hbm>>)
        tpu.yield
      }) : () -> ()
    } else {
    }
    %add3A_114 = arith.constant 48 : i32
    %add3A_115 = arith.addi %arg1, %add3A_114 : i32
    %lt3A_116 = arith.constant 78 : i32
    %lt3A_117 = arith.cmpi slt, %add3A_115, %lt3A_116 : i32
    %convert_element_type3A_118 = arith.extui %lt3A_117 : i1 to i32
    %cond3A_119 = arith.constant 0 : i32
    %cond3A_120 = arith.cmpi ne, %convert_element_type3A_118, %cond3A_119 : i32
    scf.if %cond3A_120 {
      %mul3A_133 = arith.constant 128 : i32
      %mul3A_134 = arith.muli %add3A_115, %mul3A_133 : i32
      %mul3A_135 = arith.constant 10000 : i32
      %mul3A_136 = arith.muli %arg0, %mul3A_135 : i32
      %mul3A_137 = arith.constant 128 : i32
      %mul3A_138 = arith.muli %add3A_115, %mul3A_137 : i32
      %add3A_139 = arith.addi %mul3A_136, %mul3A_138 : i32
      "tpu.region"() ({
        %run_scoped3A = tpu.sem_alloc : memref<!tpu.dma_semaphore, #tpu.memory_space<semaphore_mem>>
        %dma_start3A_140 = arith.constant 0 : i32
        %dma_start3A_141 = tpu.memref_slice %arg6[%add3A_139, %dma_start3A_140] : memref<20000x128xf32, #tpu.memory_space<hbm>> -> memref<128x128xf32, #tpu.memory_space<hbm>>
        %dma_start3A_142 = arith.constant 0 : i32
        %dma_start3A_143 = tpu.memref_slice %arg13[%mul3A_134, %dma_start3A_142] : memref<10000x128xf32, #tpu.memory_space<vmem_shared>> -> memref<128x128xf32, #tpu.memory_space<vmem_shared>>
        tpu.enqueue_dma source(%dma_start3A_143 : memref<128x128xf32, #tpu.memory_space<vmem_shared>>) target(%dma_start3A_141 : memref<128x128xf32, #tpu.memory_space<hbm>>) target_semaphore(%run_scoped3A : memref<!tpu.dma_semaphore, #tpu.memory_space<semaphore_mem>>)
        %dma_wait3A_144 = arith.constant 0 : i32
        %dma_wait3A_145 = tpu.memref_slice %arg6[%add3A_139, %dma_wait3A_144] : memref<20000x128xf32, #tpu.memory_space<hbm>> -> memref<128x128xf32, #tpu.memory_space<hbm>>
        %dma_wait3A_146 = arith.constant 0 : i32
        %dma_wait3A_147 = tpu.memref_slice %arg13[%mul3A_134, %dma_wait3A_146] : memref<10000x128xf32, #tpu.memory_space<vmem_shared>> -> memref<128x128xf32, #tpu.memory_space<vmem_shared>>
        tpu.wait_dma2 semaphore(%run_scoped3A : memref<!tpu.dma_semaphore, #tpu.memory_space<semaphore_mem>>) src(%dma_wait3A_147 : memref<128x128xf32, #tpu.memory_space<vmem_shared>>) dst(%dma_wait3A_145 : memref<128x128xf32, #tpu.memory_space<hbm>>)
        tpu.yield
      }) : () -> ()
    } else {
    }
    %add3A_121 = arith.constant 64 : i32
    %add3A_122 = arith.addi %arg1, %add3A_121 : i32
    %lt3A_123 = arith.constant 78 : i32
    %lt3A_124 = arith.cmpi slt, %add3A_122, %lt3A_123 : i32
    %convert_element_type3A_125 = arith.extui %lt3A_124 : i1 to i32
    %cond3A_126 = arith.constant 0 : i32
    %cond3A_127 = arith.cmpi ne, %convert_element_type3A_125, %cond3A_126 : i32
    scf.if %cond3A_127 {
      %mul3A_133 = arith.constant 128 : i32
      %mul3A_134 = arith.muli %add3A_122, %mul3A_133 : i32
      %mul3A_135 = arith.constant 10000 : i32
      %mul3A_136 = arith.muli %arg0, %mul3A_135 : i32
      %mul3A_137 = arith.constant 128 : i32
      %mul3A_138 = arith.muli %add3A_122, %mul3A_137 : i32
      %add3A_139 = arith.addi %mul3A_136, %mul3A_138 : i32
      "tpu.region"() ({
        %run_scoped3A = tpu.sem_alloc : memref<!tpu.dma_semaphore, #tpu.memory_space<semaphore_mem>>
        %dma_start3A_140 = arith.constant 0 : i32
        %dma_start3A_141 = tpu.memref_slice %arg6[%add3A_139, %dma_start3A_140] : memref<20000x128xf32, #tpu.memory_space<hbm>> -> memref<128x128xf32, #tpu.memory_space<hbm>>
        %dma_start3A_142 = arith.constant 0 : i32
        %dma_start3A_143 = tpu.memref_slice %arg13[%mul3A_134, %dma_start3A_142] : memref<10000x128xf32, #tpu.memory_space<vmem_shared>> -> memref<128x128xf32, #tpu.memory_space<vmem_shared>>
        tpu.enqueue_dma source(%dma_start3A_143 : memref<128x128xf32, #tpu.memory_space<vmem_shared>>) target(%dma_start3A_141 : memref<128x128xf32, #tpu.memory_space<hbm>>) target_semaphore(%run_scoped3A : memref<!tpu.dma_semaphore, #tpu.memory_space<semaphore_mem>>)
        %dma_wait3A_144 = arith.constant 0 : i32
        %dma_wait3A_145 = tpu.memref_slice %arg6[%add3A_139, %dma_wait3A_144] : memref<20000x128xf32, #tpu.memory_space<hbm>> -> memref<128x128xf32, #tpu.memory_space<hbm>>
        %dma_wait3A_146 = arith.constant 0 : i32
        %dma_wait3A_147 = tpu.memref_slice %arg13[%mul3A_134, %dma_wait3A_146] : memref<10000x128xf32, #tpu.memory_space<vmem_shared>> -> memref<128x128xf32, #tpu.memory_space<vmem_shared>>
        tpu.wait_dma2 semaphore(%run_scoped3A : memref<!tpu.dma_semaphore, #tpu.memory_space<semaphore_mem>>) src(%dma_wait3A_147 : memref<128x128xf32, #tpu.memory_space<vmem_shared>>) dst(%dma_wait3A_145 : memref<128x128xf32, #tpu.memory_space<hbm>>)
        tpu.yield
      }) : () -> ()
    } else {
    }
    %eq3A_128 = arith.constant 0 : i32
    %eq3A_129 = arith.cmpi eq, %arg1, %eq3A_128 : i32
    %convert_element_type3A_130 = arith.extui %eq3A_129 : i1 to i32
    %cond3A_131 = arith.constant 0 : i32
    %cond3A_132 = arith.cmpi ne, %convert_element_type3A_130, %cond3A_131 : i32
    scf.if %cond3A_132 {
      %mul3A_133 = arith.constant 10000 : i32
      %mul3A_134 = arith.muli %arg0, %mul3A_133 : i32
      %add3A_135 = arith.constant 9984 : i32
      %add3A_136 = arith.addi %mul3A_134, %add3A_135 : i32
      "tpu.region"() ({
        %run_scoped3A = tpu.sem_alloc : memref<!tpu.dma_semaphore, #tpu.memory_space<semaphore_mem>>
        %dma_start3A_137 = arith.constant 0 : i32
        %dma_start3A_138 = tpu.memref_slice %arg6[%add3A_136, %dma_start3A_137] : memref<20000x128xf32, #tpu.memory_space<hbm>> -> memref<16x128xf32, #tpu.memory_space<hbm>>
        %dma_start3A_139 = arith.constant 9984 : i32
        %dma_start3A_140 = arith.constant 0 : i32
        %dma_start3A_141 = tpu.memref_slice %arg13[%dma_start3A_139, %dma_start3A_140] : memref<10000x128xf32, #tpu.memory_space<vmem_shared>> -> memref<16x128xf32, #tpu.memory_space<vmem_shared>>
        tpu.enqueue_dma source(%dma_start3A_141 : memref<16x128xf32, #tpu.memory_space<vmem_shared>>) target(%dma_start3A_138 : memref<16x128xf32, #tpu.memory_space<hbm>>) target_semaphore(%run_scoped3A : memref<!tpu.dma_semaphore, #tpu.memory_space<semaphore_mem>>)
        %dma_wait3A_142 = arith.constant 0 : i32
        %dma_wait3A_143 = tpu.memref_slice %arg6[%add3A_136, %dma_wait3A_142] : memref<20000x128xf32, #tpu.memory_space<hbm>> -> memref<16x128xf32, #tpu.memory_space<hbm>>
        %dma_wait3A_144 = arith.constant 9984 : i32
        %dma_wait3A_145 = arith.constant 0 : i32
        %dma_wait3A_146 = tpu.memref_slice %arg13[%dma_wait3A_144, %dma_wait3A_145] : memref<10000x128xf32, #tpu.memory_space<vmem_shared>> -> memref<16x128xf32, #tpu.memory_space<vmem_shared>>
        tpu.wait_dma2 semaphore(%run_scoped3A : memref<!tpu.dma_semaphore, #tpu.memory_space<semaphore_mem>>) src(%dma_wait3A_146 : memref<16x128xf32, #tpu.memory_space<vmem_shared>>) dst(%dma_wait3A_143 : memref<16x128xf32, #tpu.memory_space<hbm>>)
        tpu.yield
      }) : () -> ()
    } else {
    }
    return
  }
}

#map = affine_map<(d0, d1) -> (0, 0)>
#map1 = affine_map<(d0, d1) -> (0, 0, 0)>
module attributes {stable_mosaic.version = 14 : i64} {
  func.func @_sc_layer_body(%arg0: i32, %arg1: i32, %arg2: memref<10000x128xf32, #tpu.memory_space<hbm>>, %arg3: memref<320000x128xf32, #tpu.memory_space<hbm>>, %arg4: memref<5000x2x64xi32, #tpu.memory_space<hbm>>, %arg5: memref<128x128xf32, #tpu.memory_space<hbm>>, %arg6: memref<20000x128xf32, #tpu.memory_space<hbm>>, %arg7: memref<2x64xi32, #tpu.memory_space<vmem>>, %arg8: memref<2x64xi32, #tpu.memory_space<vmem>>, %arg9: memref<64x128xf32, #tpu.memory_space<vmem>>, %arg10: memref<64x128xf32, #tpu.memory_space<vmem>>, %arg11: memref<64x128xf32, #tpu.memory_space<vmem>>, %arg12: memref<64x128xf32, #tpu.memory_space<vmem>>, %arg13: memref<10000x128xf32, #tpu.memory_space<vmem_shared>>, %arg14: memref<!tpu.dma_semaphore, #tpu.memory_space<semaphore_mem>>, %arg15: memref<!tpu.dma_semaphore, #tpu.memory_space<semaphore_mem>>, %arg16: memref<!tpu.dma_semaphore, #tpu.memory_space<semaphore_mem>>, %arg17: memref<!tpu.dma_semaphore, #tpu.memory_space<semaphore_mem>>, %arg18: memref<!tpu.dma_semaphore, #tpu.memory_space<semaphore_mem>>, %arg19: memref<!tpu.dma_semaphore, #tpu.memory_space<semaphore_mem>>) attributes {dimension_semantics = [#tpu.dimension_semantics<core_parallel>, #tpu.dimension_semantics<subcore_parallel>], iteration_bounds = array<i64: 2, 16>, scalar_prefetch = 0 : i64, scratch_operands = 13 : i64, tpu.core_type = #tpu.core_type<sc_vector_subcore>, window_params = [{transform_indices = #map}, {transform_indices = #map}, {transform_indices = #map1}, {transform_indices = #map}, {transform_indices = #map}]} {
    %mul3A = arith.constant 16 : i32
    %mul3A_0 = arith.muli %arg0, %mul3A : i32
    %add3A = arith.addi %mul3A_0, %arg1 : i32
    %mul3A_1 = arith.constant 156 : i32
    %mul3A_2 = arith.muli %add3A, %mul3A_1 : i32
    %min3A = arith.constant 8 : i32
    %min3A_3 = arith.minsi %add3A, %min3A : i32
    %add3A_4 = arith.addi %mul3A_2, %min3A_3 : i32
    %lt3A = arith.constant 8 : i32
    %lt3A_5 = arith.cmpi slt, %add3A, %lt3A : i32
    %jit3A = arith.constant 1 : i32
    %jit3A_6 = arith.constant 0 : i32
    %select_n3A = arith.select %lt3A_5, %jit3A, %jit3A_6 : i32
    %add3A_7 = arith.constant 156 : i32
    %add3A_8 = arith.addi %add3A_7, %select_n3A : i32
    %add3A_9 = arith.constant 0 : i32
    %add3A_10 = arith.addi %arg1, %add3A_9 : i32
    %lt3A_11 = arith.constant 78 : i32
    %lt3A_12 = arith.cmpi slt, %add3A_10, %lt3A_11 : i32
    %convert_element_type3A = arith.extui %lt3A_12 : i1 to i32
    %cond3A = arith.constant 0 : i32
    %cond3A_13 = arith.cmpi ne, %convert_element_type3A, %cond3A : i32
    scf.if %cond3A_13 {
      %mul3A_133 = arith.constant 128 : i32
      %mul3A_134 = arith.muli %add3A_10, %mul3A_133 : i32
      "tpu.region"() ({
        %run_scoped3A = tpu.sem_alloc : memref<!tpu.dma_semaphore, #tpu.memory_space<semaphore_mem>>
        %dma_start3A_135 = arith.constant 0 : i32
        %dma_start3A_136 = tpu.memref_slice %arg13[%mul3A_134, %dma_start3A_135] : memref<10000x128xf32, #tpu.memory_space<vmem_shared>> -> memref<128x128xf32, #tpu.memory_space<vmem_shared>>
        tpu.enqueue_dma source(%arg5 : memref<128x128xf32, #tpu.memory_space<hbm>>) target(%dma_start3A_136 : memref<128x128xf32, #tpu.memory_space<vmem_shared>>) target_semaphore(%run_scoped3A : memref<!tpu.dma_semaphore, #tpu.memory_space<semaphore_mem>>)
        %dma_wait3A_137 = arith.constant 0 : i32
        %dma_wait3A_138 = tpu.memref_slice %arg13[%mul3A_134, %dma_wait3A_137] : memref<10000x128xf32, #tpu.memory_space<vmem_shared>> -> memref<128x128xf32, #tpu.memory_space<vmem_shared>>
        tpu.wait_dma2 semaphore(%run_scoped3A : memref<!tpu.dma_semaphore, #tpu.memory_space<semaphore_mem>>) src(%arg5 : memref<128x128xf32, #tpu.memory_space<hbm>>) dst(%dma_wait3A_138 : memref<128x128xf32, #tpu.memory_space<vmem_shared>>)
        tpu.yield
      }) : () -> ()
    } else {
    }
    %add3A_14 = arith.constant 16 : i32
    %add3A_15 = arith.addi %arg1, %add3A_14 : i32
    %lt3A_16 = arith.constant 78 : i32
    %lt3A_17 = arith.cmpi slt, %add3A_15, %lt3A_16 : i32
    %convert_element_type3A_18 = arith.extui %lt3A_17 : i1 to i32
    %cond3A_19 = arith.constant 0 : i32
    %cond3A_20 = arith.cmpi ne, %convert_element_type3A_18, %cond3A_19 : i32
    scf.if %cond3A_20 {
      %mul3A_133 = arith.constant 128 : i32
      %mul3A_134 = arith.muli %add3A_15, %mul3A_133 : i32
      "tpu.region"() ({
        %run_scoped3A = tpu.sem_alloc : memref<!tpu.dma_semaphore, #tpu.memory_space<semaphore_mem>>
        %dma_start3A_135 = arith.constant 0 : i32
        %dma_start3A_136 = tpu.memref_slice %arg13[%mul3A_134, %dma_start3A_135] : memref<10000x128xf32, #tpu.memory_space<vmem_shared>> -> memref<128x128xf32, #tpu.memory_space<vmem_shared>>
        tpu.enqueue_dma source(%arg5 : memref<128x128xf32, #tpu.memory_space<hbm>>) target(%dma_start3A_136 : memref<128x128xf32, #tpu.memory_space<vmem_shared>>) target_semaphore(%run_scoped3A : memref<!tpu.dma_semaphore, #tpu.memory_space<semaphore_mem>>)
        %dma_wait3A_137 = arith.constant 0 : i32
        %dma_wait3A_138 = tpu.memref_slice %arg13[%mul3A_134, %dma_wait3A_137] : memref<10000x128xf32, #tpu.memory_space<vmem_shared>> -> memref<128x128xf32, #tpu.memory_space<vmem_shared>>
        tpu.wait_dma2 semaphore(%run_scoped3A : memref<!tpu.dma_semaphore, #tpu.memory_space<semaphore_mem>>) src(%arg5 : memref<128x128xf32, #tpu.memory_space<hbm>>) dst(%dma_wait3A_138 : memref<128x128xf32, #tpu.memory_space<vmem_shared>>)
        tpu.yield
      }) : () -> ()
    } else {
    }
    %add3A_21 = arith.constant 32 : i32
    %add3A_22 = arith.addi %arg1, %add3A_21 : i32
    %lt3A_23 = arith.constant 78 : i32
    %lt3A_24 = arith.cmpi slt, %add3A_22, %lt3A_23 : i32
    %convert_element_type3A_25 = arith.extui %lt3A_24 : i1 to i32
    %cond3A_26 = arith.constant 0 : i32
    %cond3A_27 = arith.cmpi ne, %convert_element_type3A_25, %cond3A_26 : i32
    scf.if %cond3A_27 {
      %mul3A_133 = arith.constant 128 : i32
      %mul3A_134 = arith.muli %add3A_22, %mul3A_133 : i32
      "tpu.region"() ({
        %run_scoped3A = tpu.sem_alloc : memref<!tpu.dma_semaphore, #tpu.memory_space<semaphore_mem>>
        %dma_start3A_135 = arith.constant 0 : i32
        %dma_start3A_136 = tpu.memref_slice %arg13[%mul3A_134, %dma_start3A_135] : memref<10000x128xf32, #tpu.memory_space<vmem_shared>> -> memref<128x128xf32, #tpu.memory_space<vmem_shared>>
        tpu.enqueue_dma source(%arg5 : memref<128x128xf32, #tpu.memory_space<hbm>>) target(%dma_start3A_136 : memref<128x128xf32, #tpu.memory_space<vmem_shared>>) target_semaphore(%run_scoped3A : memref<!tpu.dma_semaphore, #tpu.memory_space<semaphore_mem>>)
        %dma_wait3A_137 = arith.constant 0 : i32
        %dma_wait3A_138 = tpu.memref_slice %arg13[%mul3A_134, %dma_wait3A_137] : memref<10000x128xf32, #tpu.memory_space<vmem_shared>> -> memref<128x128xf32, #tpu.memory_space<vmem_shared>>
        tpu.wait_dma2 semaphore(%run_scoped3A : memref<!tpu.dma_semaphore, #tpu.memory_space<semaphore_mem>>) src(%arg5 : memref<128x128xf32, #tpu.memory_space<hbm>>) dst(%dma_wait3A_138 : memref<128x128xf32, #tpu.memory_space<vmem_shared>>)
        tpu.yield
      }) : () -> ()
    } else {
    }
    %add3A_28 = arith.constant 48 : i32
    %add3A_29 = arith.addi %arg1, %add3A_28 : i32
    %lt3A_30 = arith.constant 78 : i32
    %lt3A_31 = arith.cmpi slt, %add3A_29, %lt3A_30 : i32
    %convert_element_type3A_32 = arith.extui %lt3A_31 : i1 to i32
    %cond3A_33 = arith.constant 0 : i32
    %cond3A_34 = arith.cmpi ne, %convert_element_type3A_32, %cond3A_33 : i32
    scf.if %cond3A_34 {
      %mul3A_133 = arith.constant 128 : i32
      %mul3A_134 = arith.muli %add3A_29, %mul3A_133 : i32
      "tpu.region"() ({
        %run_scoped3A = tpu.sem_alloc : memref<!tpu.dma_semaphore, #tpu.memory_space<semaphore_mem>>
        %dma_start3A_135 = arith.constant 0 : i32
        %dma_start3A_136 = tpu.memref_slice %arg13[%mul3A_134, %dma_start3A_135] : memref<10000x128xf32, #tpu.memory_space<vmem_shared>> -> memref<128x128xf32, #tpu.memory_space<vmem_shared>>
        tpu.enqueue_dma source(%arg5 : memref<128x128xf32, #tpu.memory_space<hbm>>) target(%dma_start3A_136 : memref<128x128xf32, #tpu.memory_space<vmem_shared>>) target_semaphore(%run_scoped3A : memref<!tpu.dma_semaphore, #tpu.memory_space<semaphore_mem>>)
        %dma_wait3A_137 = arith.constant 0 : i32
        %dma_wait3A_138 = tpu.memref_slice %arg13[%mul3A_134, %dma_wait3A_137] : memref<10000x128xf32, #tpu.memory_space<vmem_shared>> -> memref<128x128xf32, #tpu.memory_space<vmem_shared>>
        tpu.wait_dma2 semaphore(%run_scoped3A : memref<!tpu.dma_semaphore, #tpu.memory_space<semaphore_mem>>) src(%arg5 : memref<128x128xf32, #tpu.memory_space<hbm>>) dst(%dma_wait3A_138 : memref<128x128xf32, #tpu.memory_space<vmem_shared>>)
        tpu.yield
      }) : () -> ()
    } else {
    }
    %add3A_35 = arith.constant 64 : i32
    %add3A_36 = arith.addi %arg1, %add3A_35 : i32
    %lt3A_37 = arith.constant 78 : i32
    %lt3A_38 = arith.cmpi slt, %add3A_36, %lt3A_37 : i32
    %convert_element_type3A_39 = arith.extui %lt3A_38 : i1 to i32
    %cond3A_40 = arith.constant 0 : i32
    %cond3A_41 = arith.cmpi ne, %convert_element_type3A_39, %cond3A_40 : i32
    scf.if %cond3A_41 {
      %mul3A_133 = arith.constant 128 : i32
      %mul3A_134 = arith.muli %add3A_36, %mul3A_133 : i32
      "tpu.region"() ({
        %run_scoped3A = tpu.sem_alloc : memref<!tpu.dma_semaphore, #tpu.memory_space<semaphore_mem>>
        %dma_start3A_135 = arith.constant 0 : i32
        %dma_start3A_136 = tpu.memref_slice %arg13[%mul3A_134, %dma_start3A_135] : memref<10000x128xf32, #tpu.memory_space<vmem_shared>> -> memref<128x128xf32, #tpu.memory_space<vmem_shared>>
        tpu.enqueue_dma source(%arg5 : memref<128x128xf32, #tpu.memory_space<hbm>>) target(%dma_start3A_136 : memref<128x128xf32, #tpu.memory_space<vmem_shared>>) target_semaphore(%run_scoped3A : memref<!tpu.dma_semaphore, #tpu.memory_space<semaphore_mem>>)
        %dma_wait3A_137 = arith.constant 0 : i32
        %dma_wait3A_138 = tpu.memref_slice %arg13[%mul3A_134, %dma_wait3A_137] : memref<10000x128xf32, #tpu.memory_space<vmem_shared>> -> memref<128x128xf32, #tpu.memory_space<vmem_shared>>
        tpu.wait_dma2 semaphore(%run_scoped3A : memref<!tpu.dma_semaphore, #tpu.memory_space<semaphore_mem>>) src(%arg5 : memref<128x128xf32, #tpu.memory_space<hbm>>) dst(%dma_wait3A_138 : memref<128x128xf32, #tpu.memory_space<vmem_shared>>)
        tpu.yield
      }) : () -> ()
    } else {
    }
    %eq3A = arith.constant 0 : i32
    %eq3A_42 = arith.cmpi eq, %arg1, %eq3A : i32
    %convert_element_type3A_43 = arith.extui %eq3A_42 : i1 to i32
    %cond3A_44 = arith.constant 0 : i32
    %cond3A_45 = arith.cmpi ne, %convert_element_type3A_43, %cond3A_44 : i32
    scf.if %cond3A_45 {
      "tpu.region"() ({
        %run_scoped3A = tpu.sem_alloc : memref<!tpu.dma_semaphore, #tpu.memory_space<semaphore_mem>>
        %dma_start3A_133 = arith.constant 9984 : i32
        %dma_start3A_134 = arith.constant 0 : i32
        %dma_start3A_135 = tpu.memref_slice %arg13[%dma_start3A_133, %dma_start3A_134] : memref<10000x128xf32, #tpu.memory_space<vmem_shared>> -> memref<16x128xf32, #tpu.memory_space<vmem_shared>>
        %dma_start3A_136 = arith.constant 0 : i32
        %dma_start3A_137 = arith.constant 0 : i32
        %dma_start3A_138 = tpu.memref_slice %arg5[%dma_start3A_136, %dma_start3A_137] : memref<128x128xf32, #tpu.memory_space<hbm>> -> memref<16x128xf32, #tpu.memory_space<hbm>>
        tpu.enqueue_dma source(%dma_start3A_138 : memref<16x128xf32, #tpu.memory_space<hbm>>) target(%dma_start3A_135 : memref<16x128xf32, #tpu.memory_space<vmem_shared>>) target_semaphore(%run_scoped3A : memref<!tpu.dma_semaphore, #tpu.memory_space<semaphore_mem>>)
        %dma_wait3A_139 = arith.constant 9984 : i32
        %dma_wait3A_140 = arith.constant 0 : i32
        %dma_wait3A_141 = tpu.memref_slice %arg13[%dma_wait3A_139, %dma_wait3A_140] : memref<10000x128xf32, #tpu.memory_space<vmem_shared>> -> memref<16x128xf32, #tpu.memory_space<vmem_shared>>
        %dma_wait3A_142 = arith.constant 0 : i32
        %dma_wait3A_143 = arith.constant 0 : i32
        %dma_wait3A_144 = tpu.memref_slice %arg5[%dma_wait3A_142, %dma_wait3A_143] : memref<128x128xf32, #tpu.memory_space<hbm>> -> memref<16x128xf32, #tpu.memory_space<hbm>>
        tpu.wait_dma2 semaphore(%run_scoped3A : memref<!tpu.dma_semaphore, #tpu.memory_space<semaphore_mem>>) src(%dma_wait3A_144 : memref<16x128xf32, #tpu.memory_space<hbm>>) dst(%dma_wait3A_141 : memref<16x128xf32, #tpu.memory_space<vmem_shared>>)
        tpu.yield
      }) : () -> ()
    } else {
    }
    %barrier3A = arith.constant 0 : index
    tpu.barrier barrier_id(%barrier3A)
    %add3A_46 = arith.constant 0 : i32
    %add3A_47 = arith.addi %add3A_4, %add3A_46 : i32
    %dma_start3A = arith.constant 0 : i32
    %dma_start3A_48 = arith.constant 0 : i32
    %dma_start3A_49 = tpu.memref_slice %arg4[%add3A_47, %dma_start3A, %dma_start3A_48] : memref<5000x2x64xi32, #tpu.memory_space<hbm>> -> memref<1x2x64xi32, #tpu.memory_space<hbm>>
    %dma_start3A_50 = tpu.memref_squeeze %dma_start3A_49 : memref<1x2x64xi32, #tpu.memory_space<hbm>> -> memref<2x64xi32, #tpu.memory_space<hbm>>
    %dma_start3A_51 = arith.constant 0 : i32
    %dma_start3A_52 = arith.constant 0 : i32
    %dma_start3A_53 = tpu.memref_slice %arg4[%add3A_47, %dma_start3A_51, %dma_start3A_52] : memref<5000x2x64xi32, #tpu.memory_space<hbm>> -> memref<1x2x64xi32, #tpu.memory_space<hbm>>
    %dma_start3A_54 = tpu.memref_squeeze %dma_start3A_53 : memref<1x2x64xi32, #tpu.memory_space<hbm>> -> memref<2x64xi32, #tpu.memory_space<hbm>>
    tpu.enqueue_dma source(%dma_start3A_54 : memref<2x64xi32, #tpu.memory_space<hbm>>) target(%arg7 : memref<2x64xi32, #tpu.memory_space<vmem>>) target_semaphore(%arg18 : memref<!tpu.dma_semaphore, #tpu.memory_space<semaphore_mem>>)
    %add3A_55 = arith.constant 1 : i32
    %add3A_56 = arith.addi %add3A_4, %add3A_55 : i32
    %dma_start3A_57 = arith.constant 0 : i32
    %dma_start3A_58 = arith.constant 0 : i32
    %dma_start3A_59 = tpu.memref_slice %arg4[%add3A_56, %dma_start3A_57, %dma_start3A_58] : memref<5000x2x64xi32, #tpu.memory_space<hbm>> -> memref<1x2x64xi32, #tpu.memory_space<hbm>>
    %dma_start3A_60 = tpu.memref_squeeze %dma_start3A_59 : memref<1x2x64xi32, #tpu.memory_space<hbm>> -> memref<2x64xi32, #tpu.memory_space<hbm>>
    %dma_start3A_61 = arith.constant 0 : i32
    %dma_start3A_62 = arith.constant 0 : i32
    %dma_start3A_63 = tpu.memref_slice %arg4[%add3A_56, %dma_start3A_61, %dma_start3A_62] : memref<5000x2x64xi32, #tpu.memory_space<hbm>> -> memref<1x2x64xi32, #tpu.memory_space<hbm>>
    %dma_start3A_64 = tpu.memref_squeeze %dma_start3A_63 : memref<1x2x64xi32, #tpu.memory_space<hbm>> -> memref<2x64xi32, #tpu.memory_space<hbm>>
    tpu.enqueue_dma source(%dma_start3A_64 : memref<2x64xi32, #tpu.memory_space<hbm>>) target(%arg8 : memref<2x64xi32, #tpu.memory_space<vmem>>) target_semaphore(%arg19 : memref<!tpu.dma_semaphore, #tpu.memory_space<semaphore_mem>>)
    %dma_wait3A = arith.constant 0 : i32
    %dma_wait3A_65 = arith.constant 0 : i32
    %dma_wait3A_66 = arith.constant 0 : i32
    %dma_wait3A_67 = tpu.memref_slice %arg4[%dma_wait3A, %dma_wait3A_65, %dma_wait3A_66] : memref<5000x2x64xi32, #tpu.memory_space<hbm>> -> memref<1x2x64xi32, #tpu.memory_space<hbm>>
    %dma_wait3A_68 = tpu.memref_squeeze %dma_wait3A_67 : memref<1x2x64xi32, #tpu.memory_space<hbm>> -> memref<2x64xi32, #tpu.memory_space<hbm>>
    %dma_wait3A_69 = arith.constant 0 : i32
    %dma_wait3A_70 = arith.constant 0 : i32
    %dma_wait3A_71 = tpu.memref_slice %arg4[%dma_wait3A, %dma_wait3A_69, %dma_wait3A_70] : memref<5000x2x64xi32, #tpu.memory_space<hbm>> -> memref<1x2x64xi32, #tpu.memory_space<hbm>>
    %dma_wait3A_72 = tpu.memref_squeeze %dma_wait3A_71 : memref<1x2x64xi32, #tpu.memory_space<hbm>> -> memref<2x64xi32, #tpu.memory_space<hbm>>
    tpu.wait_dma2 semaphore(%arg18 : memref<!tpu.dma_semaphore, #tpu.memory_space<semaphore_mem>>) src(%dma_wait3A_72 : memref<2x64xi32, #tpu.memory_space<hbm>>) dst(%arg7 : memref<2x64xi32, #tpu.memory_space<vmem>>)
    %add3A_73 = arith.constant 0 : i32
    %add3A_74 = arith.addi %add3A_4, %add3A_73 : i32
    %mul3A_75 = arith.constant 64 : i32
    %mul3A_76 = arith.muli %add3A_74, %mul3A_75 : i32
    %dma_start3A_77 = arith.constant 0 : i32
    %dma_start3A_78 = tpu.memref_slice %arg3[%mul3A_76, %dma_start3A_77] : memref<320000x128xf32, #tpu.memory_space<hbm>> -> memref<64x128xf32, #tpu.memory_space<hbm>>
    %dma_start3A_79 = arith.constant 0 : i32
    %dma_start3A_80 = tpu.memref_slice %arg3[%mul3A_76, %dma_start3A_79] : memref<320000x128xf32, #tpu.memory_space<hbm>> -> memref<64x128xf32, #tpu.memory_space<hbm>>
    tpu.enqueue_dma source(%dma_start3A_80 : memref<64x128xf32, #tpu.memory_space<hbm>>) target(%arg9 : memref<64x128xf32, #tpu.memory_space<vmem>>) target_semaphore(%arg14 : memref<!tpu.dma_semaphore, #tpu.memory_space<semaphore_mem>>)
    %dma_start3A_81 = arith.constant 0 : i32
    %dma_start3A_82 = arith.constant 0 : i32
    %dma_start3A_83 = tpu.memref_slice %arg7[%dma_start3A_81, %dma_start3A_82] : memref<2x64xi32, #tpu.memory_space<vmem>> -> memref<1x64xi32, #tpu.memory_space<vmem>>
    %dma_start3A_84 = tpu.memref_squeeze %dma_start3A_83 : memref<1x64xi32, #tpu.memory_space<vmem>> -> memref<64xi32, #tpu.memory_space<vmem>>
    %dma_start3A_85 = arith.constant 0 : i32
    %dma_start3A_86 = arith.constant 0 : i32
    %dma_start3A_87 = tpu.memref_slice %arg2[%dma_start3A_85, %dma_start3A_86] : memref<10000x128xf32, #tpu.memory_space<hbm>> -> memref<10000x128xf32, #tpu.memory_space<hbm>>
    tpu.enqueue_indirect_dma source(%dma_start3A_87 : memref<10000x128xf32, #tpu.memory_space<hbm>>) target(%arg11 : memref<64x128xf32, #tpu.memory_space<vmem>>) offsets(%dma_start3A_84 : memref<64xi32, #tpu.memory_space<vmem>>) semaphore(%arg16 : memref<!tpu.dma_semaphore, #tpu.memory_space<semaphore_mem>>)
    %scan3A = arith.constant 0 : i32
    %scan3A_88 = arith.constant 79 : i32
    %scan3A_89 = arith.addi %scan3A, %scan3A_88 : i32
    %scan3A_90 = arith.constant 1 : i32
    scf.for %scan3A_133 = %scan3A to %scan3A_89 step %scan3A_90  : i32 {
      %mul3A_134 = arith.constant 1 : i32
      %mul3A_135 = arith.muli %scan3A_133, %mul3A_134 : i32
      %add3A_136 = arith.constant 0 : i32
      %add3A_137 = arith.addi %add3A_136, %mul3A_135 : i32
      %mul3A_138 = arith.constant 2 : i32
      %mul3A_139 = arith.muli %mul3A_138, %add3A_137 : i32
      %add3A_140 = arith.constant 0 : i32
      %add3A_141 = arith.addi %mul3A_139, %add3A_140 : i32
      %add3A_142 = arith.constant 1 : i32
      %add3A_143 = arith.addi %add3A_141, %add3A_142 : i32
      %lt3A_144 = arith.cmpi slt, %add3A_143, %add3A_8 : i32
      %convert_element_type3A_145 = arith.extui %lt3A_144 : i1 to i32
      %cond3A_146 = arith.constant 0 : i32
      %cond3A_147 = arith.cmpi ne, %convert_element_type3A_145, %cond3A_146 : i32
      scf.if %cond3A_147 {
        %dma_wait3A_178 = arith.constant 0 : i32
        %dma_wait3A_179 = arith.constant 0 : i32
        %dma_wait3A_180 = arith.constant 0 : i32
        %dma_wait3A_181 = tpu.memref_slice %arg4[%dma_wait3A_178, %dma_wait3A_179, %dma_wait3A_180] : memref<5000x2x64xi32, #tpu.memory_space<hbm>> -> memref<1x2x64xi32, #tpu.memory_space<hbm>>
        %dma_wait3A_182 = tpu.memref_squeeze %dma_wait3A_181 : memref<1x2x64xi32, #tpu.memory_space<hbm>> -> memref<2x64xi32, #tpu.memory_space<hbm>>
        %dma_wait3A_183 = arith.constant 0 : i32
        %dma_wait3A_184 = arith.constant 0 : i32
        %dma_wait3A_185 = tpu.memref_slice %arg4[%dma_wait3A_178, %dma_wait3A_183, %dma_wait3A_184] : memref<5000x2x64xi32, #tpu.memory_space<hbm>> -> memref<1x2x64xi32, #tpu.memory_space<hbm>>
        %dma_wait3A_186 = tpu.memref_squeeze %dma_wait3A_185 : memref<1x2x64xi32, #tpu.memory_space<hbm>> -> memref<2x64xi32, #tpu.memory_space<hbm>>
        tpu.wait_dma2 semaphore(%arg19 : memref<!tpu.dma_semaphore, #tpu.memory_space<semaphore_mem>>) src(%dma_wait3A_186 : memref<2x64xi32, #tpu.memory_space<hbm>>) dst(%arg8 : memref<2x64xi32, #tpu.memory_space<vmem>>)
        %add3A_187 = arith.constant 1 : i32
        %add3A_188 = arith.addi %add3A_141, %add3A_187 : i32
        %add3A_189 = arith.addi %add3A_4, %add3A_188 : i32
        %mul3A_190 = arith.constant 64 : i32
        %mul3A_191 = arith.muli %add3A_189, %mul3A_190 : i32
        %dma_start3A_192 = arith.constant 0 : i32
        %dma_start3A_193 = tpu.memref_slice %arg3[%mul3A_191, %dma_start3A_192] : memref<320000x128xf32, #tpu.memory_space<hbm>> -> memref<64x128xf32, #tpu.memory_space<hbm>>
        %dma_start3A_194 = arith.constant 0 : i32
        %dma_start3A_195 = tpu.memref_slice %arg3[%mul3A_191, %dma_start3A_194] : memref<320000x128xf32, #tpu.memory_space<hbm>> -> memref<64x128xf32, #tpu.memory_space<hbm>>
        tpu.enqueue_dma source(%dma_start3A_195 : memref<64x128xf32, #tpu.memory_space<hbm>>) target(%arg10 : memref<64x128xf32, #tpu.memory_space<vmem>>) target_semaphore(%arg15 : memref<!tpu.dma_semaphore, #tpu.memory_space<semaphore_mem>>)
        %dma_start3A_196 = arith.constant 0 : i32
        %dma_start3A_197 = arith.constant 0 : i32
        %dma_start3A_198 = tpu.memref_slice %arg8[%dma_start3A_196, %dma_start3A_197] : memref<2x64xi32, #tpu.memory_space<vmem>> -> memref<1x64xi32, #tpu.memory_space<vmem>>
        %dma_start3A_199 = tpu.memref_squeeze %dma_start3A_198 : memref<1x64xi32, #tpu.memory_space<vmem>> -> memref<64xi32, #tpu.memory_space<vmem>>
        %dma_start3A_200 = arith.constant 0 : i32
        %dma_start3A_201 = arith.constant 0 : i32
        %dma_start3A_202 = tpu.memref_slice %arg2[%dma_start3A_200, %dma_start3A_201] : memref<10000x128xf32, #tpu.memory_space<hbm>> -> memref<10000x128xf32, #tpu.memory_space<hbm>>
        tpu.enqueue_indirect_dma source(%dma_start3A_202 : memref<10000x128xf32, #tpu.memory_space<hbm>>) target(%arg12 : memref<64x128xf32, #tpu.memory_space<vmem>>) offsets(%dma_start3A_199 : memref<64xi32, #tpu.memory_space<vmem>>) semaphore(%arg17 : memref<!tpu.dma_semaphore, #tpu.memory_space<semaphore_mem>>)
      } else {
      }
      %lt3A_148 = arith.cmpi slt, %add3A_141, %add3A_8 : i32
      %convert_element_type3A_149 = arith.extui %lt3A_148 : i1 to i32
      %cond3A_150 = arith.constant 0 : i32
      %cond3A_151 = arith.cmpi ne, %convert_element_type3A_149, %cond3A_150 : i32
      scf.if %cond3A_151 {
        %dma_wait3A_178 = arith.constant 0 : i32
        %dma_wait3A_179 = arith.constant 0 : i32
        %dma_wait3A_180 = tpu.memref_slice %arg3[%dma_wait3A_178, %dma_wait3A_179] : memref<320000x128xf32, #tpu.memory_space<hbm>> -> memref<64x128xf32, #tpu.memory_space<hbm>>
        %dma_wait3A_181 = arith.constant 0 : i32
        %dma_wait3A_182 = arith.constant 0 : i32
        %dma_wait3A_183 = tpu.memref_slice %arg3[%dma_wait3A_181, %dma_wait3A_182] : memref<320000x128xf32, #tpu.memory_space<hbm>> -> memref<64x128xf32, #tpu.memory_space<hbm>>
        tpu.wait_dma2 semaphore(%arg14 : memref<!tpu.dma_semaphore, #tpu.memory_space<semaphore_mem>>) src(%dma_wait3A_183 : memref<64x128xf32, #tpu.memory_space<hbm>>) dst(%arg9 : memref<64x128xf32, #tpu.memory_space<vmem>>)
        %dma_wait3A_184 = arith.constant 0 : i32
        %dma_wait3A_185 = arith.constant 0 : i32
        %dma_wait3A_186 = tpu.memref_slice %arg7[%dma_wait3A_184, %dma_wait3A_185] : memref<2x64xi32, #tpu.memory_space<vmem>> -> memref<1x64xi32, #tpu.memory_space<vmem>>
        %dma_wait3A_187 = tpu.memref_squeeze %dma_wait3A_186 : memref<1x64xi32, #tpu.memory_space<vmem>> -> memref<64xi32, #tpu.memory_space<vmem>>
        %dma_wait3A_188 = arith.constant 0 : i32
        %dma_wait3A_189 = arith.constant 0 : i32
        %dma_wait3A_190 = tpu.memref_slice %arg2[%dma_wait3A_188, %dma_wait3A_189] : memref<10000x128xf32, #tpu.memory_space<hbm>> -> memref<10000x128xf32, #tpu.memory_space<hbm>>
        tpu.wait_indirect_dma semaphore(%arg16 : memref<!tpu.dma_semaphore, #tpu.memory_space<semaphore_mem>>) src(%dma_wait3A_190 : memref<10000x128xf32, #tpu.memory_space<hbm>>) dst(%arg11 : memref<64x128xf32, #tpu.memory_space<vmem>>)
        %scan3A_191 = arith.constant 0 : i32
        %scan3A_192 = arith.constant 64 : i32
        %scan3A_193 = arith.addi %scan3A_191, %scan3A_192 : i32
        %scan3A_194 = arith.constant 1 : i32
        scf.for %scan3A_196 = %scan3A_191 to %scan3A_193 step %scan3A_194  : i32 {
          %mul3A_197 = arith.constant 1 : i32
          %mul3A_198 = arith.muli %scan3A_196, %mul3A_197 : i32
          %add3A_199 = arith.constant 0 : i32
          %add3A_200 = arith.addi %add3A_199, %mul3A_198 : i32
          %get3A = arith.index_cast %add3A_200 : i32 to index
          %get3A_201 = arith.constant 0 : index
          %get3A_202 = tpu.vector_load %arg11[%get3A, %get3A_201] {strides = array<i32>} : memref<64x128xf32, #tpu.memory_space<vmem>>, vector<1x16xf32>,
          %get3A_203 = vector.shape_cast %get3A_202 : vector<1x16xf32> to vector<16xf32>
          %get3A_204 = arith.index_cast %add3A_200 : i32 to index
          %get3A_205 = arith.constant 0 : index
          %get3A_206 = tpu.vector_load %arg9[%get3A_204, %get3A_205] {strides = array<i32>} : memref<64x128xf32, #tpu.memory_space<vmem>>, vector<1x16xf32>,
          %get3A_207 = vector.shape_cast %get3A_206 : vector<1x16xf32> to vector<16xf32>
          %mul3A_208 = arith.mulf %get3A_203, %get3A_207 : vector<16xf32>
          %swap3A = arith.index_cast %add3A_200 : i32 to index
          %swap3A_209 = arith.constant 0 : index
          %swap3A_210 = tpu.vector_load %arg11[%swap3A, %swap3A_209] {strides = array<i32>} : memref<64x128xf32, #tpu.memory_space<vmem>>, vector<1x16xf32>,
          %swap3A_211 = vector.shape_cast %swap3A_210 : vector<1x16xf32> to vector<16xf32>
          %swap3A_212 = vector.shape_cast %mul3A_208 : vector<16xf32> to vector<1x16xf32>
          tpu.vector_store %arg11[%swap3A, %swap3A_209], %swap3A_212 {strides = array<i32>} : memref<64x128xf32, #tpu.memory_space<vmem>>, vector<1x16xf32>,
          %get3A_213 = arith.index_cast %add3A_200 : i32 to index
          %get3A_214 = arith.constant 16 : index
          %get3A_215 = tpu.vector_load %arg11[%get3A_213, %get3A_214] {strides = array<i32>} : memref<64x128xf32, #tpu.memory_space<vmem>>, vector<1x16xf32>,
          %get3A_216 = vector.shape_cast %get3A_215 : vector<1x16xf32> to vector<16xf32>
          %get3A_217 = arith.index_cast %add3A_200 : i32 to index
          %get3A_218 = arith.constant 16 : index
          %get3A_219 = tpu.vector_load %arg9[%get3A_217, %get3A_218] {strides = array<i32>} : memref<64x128xf32, #tpu.memory_space<vmem>>, vector<1x16xf32>,
          %get3A_220 = vector.shape_cast %get3A_219 : vector<1x16xf32> to vector<16xf32>
          %mul3A_221 = arith.mulf %get3A_216, %get3A_220 : vector<16xf32>
          %swap3A_222 = arith.index_cast %add3A_200 : i32 to index
          %swap3A_223 = arith.constant 16 : index
          %swap3A_224 = tpu.vector_load %arg11[%swap3A_222, %swap3A_223] {strides = array<i32>} : memref<64x128xf32, #tpu.memory_space<vmem>>, vector<1x16xf32>,
          %swap3A_225 = vector.shape_cast %swap3A_224 : vector<1x16xf32> to vector<16xf32>
          %swap3A_226 = vector.shape_cast %mul3A_221 : vector<16xf32> to vector<1x16xf32>
          tpu.vector_store %arg11[%swap3A_222, %swap3A_223], %swap3A_226 {strides = array<i32>} : memref<64x128xf32, #tpu.memory_space<vmem>>, vector<1x16xf32>,
          %get3A_227 = arith.index_cast %add3A_200 : i32 to index
          %get3A_228 = arith.constant 32 : index
          %get3A_229 = tpu.vector_load %arg11[%get3A_227, %get3A_228] {strides = array<i32>} : memref<64x128xf32, #tpu.memory_space<vmem>>, vector<1x16xf32>,
          %get3A_230 = vector.shape_cast %get3A_229 : vector<1x16xf32> to vector<16xf32>
          %get3A_231 = arith.index_cast %add3A_200 : i32 to index
          %get3A_232 = arith.constant 32 : index
          %get3A_233 = tpu.vector_load %arg9[%get3A_231, %get3A_232] {strides = array<i32>} : memref<64x128xf32, #tpu.memory_space<vmem>>, vector<1x16xf32>,
          %get3A_234 = vector.shape_cast %get3A_233 : vector<1x16xf32> to vector<16xf32>
          %mul3A_235 = arith.mulf %get3A_230, %get3A_234 : vector<16xf32>
          %swap3A_236 = arith.index_cast %add3A_200 : i32 to index
          %swap3A_237 = arith.constant 32 : index
          %swap3A_238 = tpu.vector_load %arg11[%swap3A_236, %swap3A_237] {strides = array<i32>} : memref<64x128xf32, #tpu.memory_space<vmem>>, vector<1x16xf32>,
          %swap3A_239 = vector.shape_cast %swap3A_238 : vector<1x16xf32> to vector<16xf32>
          %swap3A_240 = vector.shape_cast %mul3A_235 : vector<16xf32> to vector<1x16xf32>
          tpu.vector_store %arg11[%swap3A_236, %swap3A_237], %swap3A_240 {strides = array<i32>} : memref<64x128xf32, #tpu.memory_space<vmem>>, vector<1x16xf32>,
          %get3A_241 = arith.index_cast %add3A_200 : i32 to index
          %get3A_242 = arith.constant 48 : index
          %get3A_243 = tpu.vector_load %arg11[%get3A_241, %get3A_242] {strides = array<i32>} : memref<64x128xf32, #tpu.memory_space<vmem>>, vector<1x16xf32>,
          %get3A_244 = vector.shape_cast %get3A_243 : vector<1x16xf32> to vector<16xf32>
          %get3A_245 = arith.index_cast %add3A_200 : i32 to index
          %get3A_246 = arith.constant 48 : index
          %get3A_247 = tpu.vector_load %arg9[%get3A_245, %get3A_246] {strides = array<i32>} : memref<64x128xf32, #tpu.memory_space<vmem>>, vector<1x16xf32>,
          %get3A_248 = vector.shape_cast %get3A_247 : vector<1x16xf32> to vector<16xf32>
          %mul3A_249 = arith.mulf %get3A_244, %get3A_248 : vector<16xf32>
          %swap3A_250 = arith.index_cast %add3A_200 : i32 to index
          %swap3A_251 = arith.constant 48 : index
          %swap3A_252 = tpu.vector_load %arg11[%swap3A_250, %swap3A_251] {strides = array<i32>} : memref<64x128xf32, #tpu.memory_space<vmem>>, vector<1x16xf32>,
          %swap3A_253 = vector.shape_cast %swap3A_252 : vector<1x16xf32> to vector<16xf32>
          %swap3A_254 = vector.shape_cast %mul3A_249 : vector<16xf32> to vector<1x16xf32>
          tpu.vector_store %arg11[%swap3A_250, %swap3A_251], %swap3A_254 {strides = array<i32>} : memref<64x128xf32, #tpu.memory_space<vmem>>, vector<1x16xf32>,
          %get3A_255 = arith.index_cast %add3A_200 : i32 to index
          %get3A_256 = arith.constant 64 : index
          %get3A_257 = tpu.vector_load %arg11[%get3A_255, %get3A_256] {strides = array<i32>} : memref<64x128xf32, #tpu.memory_space<vmem>>, vector<1x16xf32>,
          %get3A_258 = vector.shape_cast %get3A_257 : vector<1x16xf32> to vector<16xf32>
          %get3A_259 = arith.index_cast %add3A_200 : i32 to index
          %get3A_260 = arith.constant 64 : index
          %get3A_261 = tpu.vector_load %arg9[%get3A_259, %get3A_260] {strides = array<i32>} : memref<64x128xf32, #tpu.memory_space<vmem>>, vector<1x16xf32>,
          %get3A_262 = vector.shape_cast %get3A_261 : vector<1x16xf32> to vector<16xf32>
          %mul3A_263 = arith.mulf %get3A_258, %get3A_262 : vector<16xf32>
          %swap3A_264 = arith.index_cast %add3A_200 : i32 to index
          %swap3A_265 = arith.constant 64 : index
          %swap3A_266 = tpu.vector_load %arg11[%swap3A_264, %swap3A_265] {strides = array<i32>} : memref<64x128xf32, #tpu.memory_space<vmem>>, vector<1x16xf32>,
          %swap3A_267 = vector.shape_cast %swap3A_266 : vector<1x16xf32> to vector<16xf32>
          %swap3A_268 = vector.shape_cast %mul3A_263 : vector<16xf32> to vector<1x16xf32>
          tpu.vector_store %arg11[%swap3A_264, %swap3A_265], %swap3A_268 {strides = array<i32>} : memref<64x128xf32, #tpu.memory_space<vmem>>, vector<1x16xf32>,
          %get3A_269 = arith.index_cast %add3A_200 : i32 to index
          %get3A_270 = arith.constant 80 : index
          %get3A_271 = tpu.vector_load %arg11[%get3A_269, %get3A_270] {strides = array<i32>} : memref<64x128xf32, #tpu.memory_space<vmem>>, vector<1x16xf32>,
          %get3A_272 = vector.shape_cast %get3A_271 : vector<1x16xf32> to vector<16xf32>
          %get3A_273 = arith.index_cast %add3A_200 : i32 to index
          %get3A_274 = arith.constant 80 : index
          %get3A_275 = tpu.vector_load %arg9[%get3A_273, %get3A_274] {strides = array<i32>} : memref<64x128xf32, #tpu.memory_space<vmem>>, vector<1x16xf32>,
          %get3A_276 = vector.shape_cast %get3A_275 : vector<1x16xf32> to vector<16xf32>
          %mul3A_277 = arith.mulf %get3A_272, %get3A_276 : vector<16xf32>
          %swap3A_278 = arith.index_cast %add3A_200 : i32 to index
          %swap3A_279 = arith.constant 80 : index
          %swap3A_280 = tpu.vector_load %arg11[%swap3A_278, %swap3A_279] {strides = array<i32>} : memref<64x128xf32, #tpu.memory_space<vmem>>, vector<1x16xf32>,
          %swap3A_281 = vector.shape_cast %swap3A_280 : vector<1x16xf32> to vector<16xf32>
          %swap3A_282 = vector.shape_cast %mul3A_277 : vector<16xf32> to vector<1x16xf32>
          tpu.vector_store %arg11[%swap3A_278, %swap3A_279], %swap3A_282 {strides = array<i32>} : memref<64x128xf32, #tpu.memory_space<vmem>>, vector<1x16xf32>,
          %get3A_283 = arith.index_cast %add3A_200 : i32 to index
          %get3A_284 = arith.constant 96 : index
          %get3A_285 = tpu.vector_load %arg11[%get3A_283, %get3A_284] {strides = array<i32>} : memref<64x128xf32, #tpu.memory_space<vmem>>, vector<1x16xf32>,
          %get3A_286 = vector.shape_cast %get3A_285 : vector<1x16xf32> to vector<16xf32>
          %get3A_287 = arith.index_cast %add3A_200 : i32 to index
          %get3A_288 = arith.constant 96 : index
          %get3A_289 = tpu.vector_load %arg9[%get3A_287, %get3A_288] {strides = array<i32>} : memref<64x128xf32, #tpu.memory_space<vmem>>, vector<1x16xf32>,
          %get3A_290 = vector.shape_cast %get3A_289 : vector<1x16xf32> to vector<16xf32>
          %mul3A_291 = arith.mulf %get3A_286, %get3A_290 : vector<16xf32>
          %swap3A_292 = arith.index_cast %add3A_200 : i32 to index
          %swap3A_293 = arith.constant 96 : index
          %swap3A_294 = tpu.vector_load %arg11[%swap3A_292, %swap3A_293] {strides = array<i32>} : memref<64x128xf32, #tpu.memory_space<vmem>>, vector<1x16xf32>,
          %swap3A_295 = vector.shape_cast %swap3A_294 : vector<1x16xf32> to vector<16xf32>
          %swap3A_296 = vector.shape_cast %mul3A_291 : vector<16xf32> to vector<1x16xf32>
          tpu.vector_store %arg11[%swap3A_292, %swap3A_293], %swap3A_296 {strides = array<i32>} : memref<64x128xf32, #tpu.memory_space<vmem>>, vector<1x16xf32>,
          %get3A_297 = arith.index_cast %add3A_200 : i32 to index
          %get3A_298 = arith.constant 112 : index
          %get3A_299 = tpu.vector_load %arg11[%get3A_297, %get3A_298] {strides = array<i32>} : memref<64x128xf32, #tpu.memory_space<vmem>>, vector<1x16xf32>,
          %get3A_300 = vector.shape_cast %get3A_299 : vector<1x16xf32> to vector<16xf32>
          %get3A_301 = arith.index_cast %add3A_200 : i32 to index
          %get3A_302 = arith.constant 112 : index
          %get3A_303 = tpu.vector_load %arg9[%get3A_301, %get3A_302] {strides = array<i32>} : memref<64x128xf32, #tpu.memory_space<vmem>>, vector<1x16xf32>,
          %get3A_304 = vector.shape_cast %get3A_303 : vector<1x16xf32> to vector<16xf32>
          %mul3A_305 = arith.mulf %get3A_300, %get3A_304 : vector<16xf32>
          %swap3A_306 = arith.index_cast %add3A_200 : i32 to index
          %swap3A_307 = arith.constant 112 : index
          %swap3A_308 = tpu.vector_load %arg11[%swap3A_306, %swap3A_307] {strides = array<i32>} : memref<64x128xf32, #tpu.memory_space<vmem>>, vector<1x16xf32>,
          %swap3A_309 = vector.shape_cast %swap3A_308 : vector<1x16xf32> to vector<16xf32>
          %swap3A_310 = vector.shape_cast %mul3A_305 : vector<16xf32> to vector<1x16xf32>
          tpu.vector_store %arg11[%swap3A_306, %swap3A_307], %swap3A_310 {strides = array<i32>} : memref<64x128xf32, #tpu.memory_space<vmem>>, vector<1x16xf32>,
        }
        %scan3A_195 = arith.constant 64 : i32
        %run_scoped3A = arith.constant 1 : i32
        "tpu.region"() ({
          %run_scoped3A_196 = tpu.sem_alloc : memref<!tpu.dma_semaphore, #tpu.memory_space<semaphore_mem>>
          %dma_start3A_197 = arith.constant 0 : i32
          %dma_start3A_198 = tpu.memref_slice %arg7[%run_scoped3A, %dma_start3A_197] : memref<2x64xi32, #tpu.memory_space<vmem>> -> memref<1x64xi32, #tpu.memory_space<vmem>>
          %dma_start3A_199 = tpu.memref_squeeze %dma_start3A_198 : memref<1x64xi32, #tpu.memory_space<vmem>> -> memref<64xi32, #tpu.memory_space<vmem>>
          %dma_start3A_200 = arith.constant 0 : i32
          %dma_start3A_201 = arith.constant 0 : i32
          %dma_start3A_202 = tpu.memref_slice %arg13[%dma_start3A_200, %dma_start3A_201] : memref<10000x128xf32, #tpu.memory_space<vmem_shared>> -> memref<10000x128xf32, #tpu.memory_space<vmem_shared>>
          tpu.enqueue_indirect_dma source(%arg11 : memref<64x128xf32, #tpu.memory_space<vmem>>) target(%dma_start3A_202 : memref<10000x128xf32, #tpu.memory_space<vmem_shared>>) offsets(%dma_start3A_199 : memref<64xi32, #tpu.memory_space<vmem>>) semaphore(%run_scoped3A_196 : memref<!tpu.dma_semaphore, #tpu.memory_space<semaphore_mem>>) {add = true}
          %dma_wait3A_203 = arith.constant 0 : i32
          %dma_wait3A_204 = tpu.memref_slice %arg7[%run_scoped3A, %dma_wait3A_203] : memref<2x64xi32, #tpu.memory_space<vmem>> -> memref<1x64xi32, #tpu.memory_space<vmem>>
          %dma_wait3A_205 = tpu.memref_squeeze %dma_wait3A_204 : memref<1x64xi32, #tpu.memory_space<vmem>> -> memref<64xi32, #tpu.memory_space<vmem>>
          %dma_wait3A_206 = arith.constant 0 : i32
          %dma_wait3A_207 = arith.constant 0 : i32
          %dma_wait3A_208 = tpu.memref_slice %arg13[%dma_wait3A_206, %dma_wait3A_207] : memref<10000x128xf32, #tpu.memory_space<vmem_shared>> -> memref<10000x128xf32, #tpu.memory_space<vmem_shared>>
          tpu.wait_indirect_dma semaphore(%run_scoped3A_196 : memref<!tpu.dma_semaphore, #tpu.memory_space<semaphore_mem>>) src(%arg11 : memref<64x128xf32, #tpu.memory_space<vmem>>) dst(%dma_wait3A_208 : memref<10000x128xf32, #tpu.memory_space<vmem_shared>>)
          tpu.yield
        }) : () -> ()
      } else {
      }
      %add3A_152 = arith.constant 2 : i32
      %add3A_153 = arith.addi %add3A_141, %add3A_152 : i32
      %lt3A_154 = arith.cmpi slt, %add3A_153, %add3A_8 : i32
      %convert_element_type3A_155 = arith.extui %lt3A_154 : i1 to i32
      %cond3A_156 = arith.constant 0 : i32
      %cond3A_157 = arith.cmpi ne, %convert_element_type3A_155, %cond3A_156 : i32
      scf.if %cond3A_157 {
        %add3A_178 = arith.constant 2 : i32
        %add3A_179 = arith.addi %add3A_141, %add3A_178 : i32
        %add3A_180 = arith.addi %add3A_4, %add3A_179 : i32
        %dma_start3A_181 = arith.constant 0 : i32
        %dma_start3A_182 = arith.constant 0 : i32
        %dma_start3A_183 = tpu.memref_slice %arg4[%add3A_180, %dma_start3A_181, %dma_start3A_182] : memref<5000x2x64xi32, #tpu.memory_space<hbm>> -> memref<1x2x64xi32, #tpu.memory_space<hbm>>
        %dma_start3A_184 = tpu.memref_squeeze %dma_start3A_183 : memref<1x2x64xi32, #tpu.memory_space<hbm>> -> memref<2x64xi32, #tpu.memory_space<hbm>>
        %dma_start3A_185 = arith.constant 0 : i32
        %dma_start3A_186 = arith.constant 0 : i32
        %dma_start3A_187 = tpu.memref_slice %arg4[%add3A_180, %dma_start3A_185, %dma_start3A_186] : memref<5000x2x64xi32, #tpu.memory_space<hbm>> -> memref<1x2x64xi32, #tpu.memory_space<hbm>>
        %dma_start3A_188 = tpu.memref_squeeze %dma_start3A_187 : memref<1x2x64xi32, #tpu.memory_space<hbm>> -> memref<2x64xi32, #tpu.memory_space<hbm>>
        tpu.enqueue_dma source(%dma_start3A_188 : memref<2x64xi32, #tpu.memory_space<hbm>>) target(%arg7 : memref<2x64xi32, #tpu.memory_space<vmem>>) target_semaphore(%arg18 : memref<!tpu.dma_semaphore, #tpu.memory_space<semaphore_mem>>)
      } else {
      }
      %mul3A_158 = arith.constant 2 : i32
      %mul3A_159 = arith.muli %mul3A_158, %add3A_137 : i32
      %add3A_160 = arith.constant 1 : i32
      %add3A_161 = arith.addi %mul3A_159, %add3A_160 : i32
      %add3A_162 = arith.constant 1 : i32
      %add3A_163 = arith.addi %add3A_161, %add3A_162 : i32
      %lt3A_164 = arith.cmpi slt, %add3A_163, %add3A_8 : i32
      %convert_element_type3A_165 = arith.extui %lt3A_164 : i1 to i32
      %cond3A_166 = arith.constant 0 : i32
      %cond3A_167 = arith.cmpi ne, %convert_element_type3A_165, %cond3A_166 : i32
      scf.if %cond3A_167 {
        %dma_wait3A_178 = arith.constant 0 : i32
        %dma_wait3A_179 = arith.constant 0 : i32
        %dma_wait3A_180 = arith.constant 0 : i32
        %dma_wait3A_181 = tpu.memref_slice %arg4[%dma_wait3A_178, %dma_wait3A_179, %dma_wait3A_180] : memref<5000x2x64xi32, #tpu.memory_space<hbm>> -> memref<1x2x64xi32, #tpu.memory_space<hbm>>
        %dma_wait3A_182 = tpu.memref_squeeze %dma_wait3A_181 : memref<1x2x64xi32, #tpu.memory_space<hbm>> -> memref<2x64xi32, #tpu.memory_space<hbm>>
        %dma_wait3A_183 = arith.constant 0 : i32
        %dma_wait3A_184 = arith.constant 0 : i32
        %dma_wait3A_185 = tpu.memref_slice %arg4[%dma_wait3A_178, %dma_wait3A_183, %dma_wait3A_184] : memref<5000x2x64xi32, #tpu.memory_space<hbm>> -> memref<1x2x64xi32, #tpu.memory_space<hbm>>
        %dma_wait3A_186 = tpu.memref_squeeze %dma_wait3A_185 : memref<1x2x64xi32, #tpu.memory_space<hbm>> -> memref<2x64xi32, #tpu.memory_space<hbm>>
        tpu.wait_dma2 semaphore(%arg18 : memref<!tpu.dma_semaphore, #tpu.memory_space<semaphore_mem>>) src(%dma_wait3A_186 : memref<2x64xi32, #tpu.memory_space<hbm>>) dst(%arg7 : memref<2x64xi32, #tpu.memory_space<vmem>>)
        %add3A_187 = arith.constant 1 : i32
        %add3A_188 = arith.addi %add3A_161, %add3A_187 : i32
        %add3A_189 = arith.addi %add3A_4, %add3A_188 : i32
        %mul3A_190 = arith.constant 64 : i32
        %mul3A_191 = arith.muli %add3A_189, %mul3A_190 : i32
        %dma_start3A_192 = arith.constant 0 : i32
        %dma_start3A_193 = tpu.memref_slice %arg3[%mul3A_191, %dma_start3A_192] : memref<320000x128xf32, #tpu.memory_space<hbm>> -> memref<64x128xf32, #tpu.memory_space<hbm>>
        %dma_start3A_194 = arith.constant 0 : i32
        %dma_start3A_195 = tpu.memref_slice %arg3[%mul3A_191, %dma_start3A_194] : memref<320000x128xf32, #tpu.memory_space<hbm>> -> memref<64x128xf32, #tpu.memory_space<hbm>>
        tpu.enqueue_dma source(%dma_start3A_195 : memref<64x128xf32, #tpu.memory_space<hbm>>) target(%arg9 : memref<64x128xf32, #tpu.memory_space<vmem>>) target_semaphore(%arg14 : memref<!tpu.dma_semaphore, #tpu.memory_space<semaphore_mem>>)
        %dma_start3A_196 = arith.constant 0 : i32
        %dma_start3A_197 = arith.constant 0 : i32
        %dma_start3A_198 = tpu.memref_slice %arg7[%dma_start3A_196, %dma_start3A_197] : memref<2x64xi32, #tpu.memory_space<vmem>> -> memref<1x64xi32, #tpu.memory_space<vmem>>
        %dma_start3A_199 = tpu.memref_squeeze %dma_start3A_198 : memref<1x64xi32, #tpu.memory_space<vmem>> -> memref<64xi32, #tpu.memory_space<vmem>>
        %dma_start3A_200 = arith.constant 0 : i32
        %dma_start3A_201 = arith.constant 0 : i32
        %dma_start3A_202 = tpu.memref_slice %arg2[%dma_start3A_200, %dma_start3A_201] : memref<10000x128xf32, #tpu.memory_space<hbm>> -> memref<10000x128xf32, #tpu.memory_space<hbm>>
        tpu.enqueue_indirect_dma source(%dma_start3A_202 : memref<10000x128xf32, #tpu.memory_space<hbm>>) target(%arg11 : memref<64x128xf32, #tpu.memory_space<vmem>>) offsets(%dma_start3A_199 : memref<64xi32, #tpu.memory_space<vmem>>) semaphore(%arg16 : memref<!tpu.dma_semaphore, #tpu.memory_space<semaphore_mem>>)
      } else {
      }
      %lt3A_168 = arith.cmpi slt, %add3A_161, %add3A_8 : i32
      %convert_element_type3A_169 = arith.extui %lt3A_168 : i1 to i32
      %cond3A_170 = arith.constant 0 : i32
      %cond3A_171 = arith.cmpi ne, %convert_element_type3A_169, %cond3A_170 : i32
      scf.if %cond3A_171 {
        %dma_wait3A_178 = arith.constant 0 : i32
        %dma_wait3A_179 = arith.constant 0 : i32
        %dma_wait3A_180 = tpu.memref_slice %arg3[%dma_wait3A_178, %dma_wait3A_179] : memref<320000x128xf32, #tpu.memory_space<hbm>> -> memref<64x128xf32, #tpu.memory_space<hbm>>
        %dma_wait3A_181 = arith.constant 0 : i32
        %dma_wait3A_182 = arith.constant 0 : i32
        %dma_wait3A_183 = tpu.memref_slice %arg3[%dma_wait3A_181, %dma_wait3A_182] : memref<320000x128xf32, #tpu.memory_space<hbm>> -> memref<64x128xf32, #tpu.memory_space<hbm>>
        tpu.wait_dma2 semaphore(%arg15 : memref<!tpu.dma_semaphore, #tpu.memory_space<semaphore_mem>>) src(%dma_wait3A_183 : memref<64x128xf32, #tpu.memory_space<hbm>>) dst(%arg10 : memref<64x128xf32, #tpu.memory_space<vmem>>)
        %dma_wait3A_184 = arith.constant 0 : i32
        %dma_wait3A_185 = arith.constant 0 : i32
        %dma_wait3A_186 = tpu.memref_slice %arg7[%dma_wait3A_184, %dma_wait3A_185] : memref<2x64xi32, #tpu.memory_space<vmem>> -> memref<1x64xi32, #tpu.memory_space<vmem>>
        %dma_wait3A_187 = tpu.memref_squeeze %dma_wait3A_186 : memref<1x64xi32, #tpu.memory_space<vmem>> -> memref<64xi32, #tpu.memory_space<vmem>>
        %dma_wait3A_188 = arith.constant 0 : i32
        %dma_wait3A_189 = arith.constant 0 : i32
        %dma_wait3A_190 = tpu.memref_slice %arg2[%dma_wait3A_188, %dma_wait3A_189] : memref<10000x128xf32, #tpu.memory_space<hbm>> -> memref<10000x128xf32, #tpu.memory_space<hbm>>
        tpu.wait_indirect_dma semaphore(%arg17 : memref<!tpu.dma_semaphore, #tpu.memory_space<semaphore_mem>>) src(%dma_wait3A_190 : memref<10000x128xf32, #tpu.memory_space<hbm>>) dst(%arg12 : memref<64x128xf32, #tpu.memory_space<vmem>>)
        %scan3A_191 = arith.constant 0 : i32
        %scan3A_192 = arith.constant 64 : i32
        %scan3A_193 = arith.addi %scan3A_191, %scan3A_192 : i32
        %scan3A_194 = arith.constant 1 : i32
        scf.for %scan3A_196 = %scan3A_191 to %scan3A_193 step %scan3A_194  : i32 {
          %mul3A_197 = arith.constant 1 : i32
          %mul3A_198 = arith.muli %scan3A_196, %mul3A_197 : i32
          %add3A_199 = arith.constant 0 : i32
          %add3A_200 = arith.addi %add3A_199, %mul3A_198 : i32
          %get3A = arith.index_cast %add3A_200 : i32 to index
          %get3A_201 = arith.constant 0 : index
          %get3A_202 = tpu.vector_load %arg12[%get3A, %get3A_201] {strides = array<i32>} : memref<64x128xf32, #tpu.memory_space<vmem>>, vector<1x16xf32>,
          %get3A_203 = vector.shape_cast %get3A_202 : vector<1x16xf32> to vector<16xf32>
          %get3A_204 = arith.index_cast %add3A_200 : i32 to index
          %get3A_205 = arith.constant 0 : index
          %get3A_206 = tpu.vector_load %arg10[%get3A_204, %get3A_205] {strides = array<i32>} : memref<64x128xf32, #tpu.memory_space<vmem>>, vector<1x16xf32>,
          %get3A_207 = vector.shape_cast %get3A_206 : vector<1x16xf32> to vector<16xf32>
          %mul3A_208 = arith.mulf %get3A_203, %get3A_207 : vector<16xf32>
          %swap3A = arith.index_cast %add3A_200 : i32 to index
          %swap3A_209 = arith.constant 0 : index
          %swap3A_210 = tpu.vector_load %arg12[%swap3A, %swap3A_209] {strides = array<i32>} : memref<64x128xf32, #tpu.memory_space<vmem>>, vector<1x16xf32>,
          %swap3A_211 = vector.shape_cast %swap3A_210 : vector<1x16xf32> to vector<16xf32>
          %swap3A_212 = vector.shape_cast %mul3A_208 : vector<16xf32> to vector<1x16xf32>
          tpu.vector_store %arg12[%swap3A, %swap3A_209], %swap3A_212 {strides = array<i32>} : memref<64x128xf32, #tpu.memory_space<vmem>>, vector<1x16xf32>,
          %get3A_213 = arith.index_cast %add3A_200 : i32 to index
          %get3A_214 = arith.constant 16 : index
          %get3A_215 = tpu.vector_load %arg12[%get3A_213, %get3A_214] {strides = array<i32>} : memref<64x128xf32, #tpu.memory_space<vmem>>, vector<1x16xf32>,
          %get3A_216 = vector.shape_cast %get3A_215 : vector<1x16xf32> to vector<16xf32>
          %get3A_217 = arith.index_cast %add3A_200 : i32 to index
          %get3A_218 = arith.constant 16 : index
          %get3A_219 = tpu.vector_load %arg10[%get3A_217, %get3A_218] {strides = array<i32>} : memref<64x128xf32, #tpu.memory_space<vmem>>, vector<1x16xf32>,
          %get3A_220 = vector.shape_cast %get3A_219 : vector<1x16xf32> to vector<16xf32>
          %mul3A_221 = arith.mulf %get3A_216, %get3A_220 : vector<16xf32>
          %swap3A_222 = arith.index_cast %add3A_200 : i32 to index
          %swap3A_223 = arith.constant 16 : index
          %swap3A_224 = tpu.vector_load %arg12[%swap3A_222, %swap3A_223] {strides = array<i32>} : memref<64x128xf32, #tpu.memory_space<vmem>>, vector<1x16xf32>,
          %swap3A_225 = vector.shape_cast %swap3A_224 : vector<1x16xf32> to vector<16xf32>
          %swap3A_226 = vector.shape_cast %mul3A_221 : vector<16xf32> to vector<1x16xf32>
          tpu.vector_store %arg12[%swap3A_222, %swap3A_223], %swap3A_226 {strides = array<i32>} : memref<64x128xf32, #tpu.memory_space<vmem>>, vector<1x16xf32>,
          %get3A_227 = arith.index_cast %add3A_200 : i32 to index
          %get3A_228 = arith.constant 32 : index
          %get3A_229 = tpu.vector_load %arg12[%get3A_227, %get3A_228] {strides = array<i32>} : memref<64x128xf32, #tpu.memory_space<vmem>>, vector<1x16xf32>,
          %get3A_230 = vector.shape_cast %get3A_229 : vector<1x16xf32> to vector<16xf32>
          %get3A_231 = arith.index_cast %add3A_200 : i32 to index
          %get3A_232 = arith.constant 32 : index
          %get3A_233 = tpu.vector_load %arg10[%get3A_231, %get3A_232] {strides = array<i32>} : memref<64x128xf32, #tpu.memory_space<vmem>>, vector<1x16xf32>,
          %get3A_234 = vector.shape_cast %get3A_233 : vector<1x16xf32> to vector<16xf32>
          %mul3A_235 = arith.mulf %get3A_230, %get3A_234 : vector<16xf32>
          %swap3A_236 = arith.index_cast %add3A_200 : i32 to index
          %swap3A_237 = arith.constant 32 : index
          %swap3A_238 = tpu.vector_load %arg12[%swap3A_236, %swap3A_237] {strides = array<i32>} : memref<64x128xf32, #tpu.memory_space<vmem>>, vector<1x16xf32>,
          %swap3A_239 = vector.shape_cast %swap3A_238 : vector<1x16xf32> to vector<16xf32>
          %swap3A_240 = vector.shape_cast %mul3A_235 : vector<16xf32> to vector<1x16xf32>
          tpu.vector_store %arg12[%swap3A_236, %swap3A_237], %swap3A_240 {strides = array<i32>} : memref<64x128xf32, #tpu.memory_space<vmem>>, vector<1x16xf32>,
          %get3A_241 = arith.index_cast %add3A_200 : i32 to index
          %get3A_242 = arith.constant 48 : index
          %get3A_243 = tpu.vector_load %arg12[%get3A_241, %get3A_242] {strides = array<i32>} : memref<64x128xf32, #tpu.memory_space<vmem>>, vector<1x16xf32>,
          %get3A_244 = vector.shape_cast %get3A_243 : vector<1x16xf32> to vector<16xf32>
          %get3A_245 = arith.index_cast %add3A_200 : i32 to index
          %get3A_246 = arith.constant 48 : index
          %get3A_247 = tpu.vector_load %arg10[%get3A_245, %get3A_246] {strides = array<i32>} : memref<64x128xf32, #tpu.memory_space<vmem>>, vector<1x16xf32>,
          %get3A_248 = vector.shape_cast %get3A_247 : vector<1x16xf32> to vector<16xf32>
          %mul3A_249 = arith.mulf %get3A_244, %get3A_248 : vector<16xf32>
          %swap3A_250 = arith.index_cast %add3A_200 : i32 to index
          %swap3A_251 = arith.constant 48 : index
          %swap3A_252 = tpu.vector_load %arg12[%swap3A_250, %swap3A_251] {strides = array<i32>} : memref<64x128xf32, #tpu.memory_space<vmem>>, vector<1x16xf32>,
          %swap3A_253 = vector.shape_cast %swap3A_252 : vector<1x16xf32> to vector<16xf32>
          %swap3A_254 = vector.shape_cast %mul3A_249 : vector<16xf32> to vector<1x16xf32>
          tpu.vector_store %arg12[%swap3A_250, %swap3A_251], %swap3A_254 {strides = array<i32>} : memref<64x128xf32, #tpu.memory_space<vmem>>, vector<1x16xf32>,
          %get3A_255 = arith.index_cast %add3A_200 : i32 to index
          %get3A_256 = arith.constant 64 : index
          %get3A_257 = tpu.vector_load %arg12[%get3A_255, %get3A_256] {strides = array<i32>} : memref<64x128xf32, #tpu.memory_space<vmem>>, vector<1x16xf32>,
          %get3A_258 = vector.shape_cast %get3A_257 : vector<1x16xf32> to vector<16xf32>
          %get3A_259 = arith.index_cast %add3A_200 : i32 to index
          %get3A_260 = arith.constant 64 : index
          %get3A_261 = tpu.vector_load %arg10[%get3A_259, %get3A_260] {strides = array<i32>} : memref<64x128xf32, #tpu.memory_space<vmem>>, vector<1x16xf32>,
          %get3A_262 = vector.shape_cast %get3A_261 : vector<1x16xf32> to vector<16xf32>
          %mul3A_263 = arith.mulf %get3A_258, %get3A_262 : vector<16xf32>
          %swap3A_264 = arith.index_cast %add3A_200 : i32 to index
          %swap3A_265 = arith.constant 64 : index
          %swap3A_266 = tpu.vector_load %arg12[%swap3A_264, %swap3A_265] {strides = array<i32>} : memref<64x128xf32, #tpu.memory_space<vmem>>, vector<1x16xf32>,
          %swap3A_267 = vector.shape_cast %swap3A_266 : vector<1x16xf32> to vector<16xf32>
          %swap3A_268 = vector.shape_cast %mul3A_263 : vector<16xf32> to vector<1x16xf32>
          tpu.vector_store %arg12[%swap3A_264, %swap3A_265], %swap3A_268 {strides = array<i32>} : memref<64x128xf32, #tpu.memory_space<vmem>>, vector<1x16xf32>,
          %get3A_269 = arith.index_cast %add3A_200 : i32 to index
          %get3A_270 = arith.constant 80 : index
          %get3A_271 = tpu.vector_load %arg12[%get3A_269, %get3A_270] {strides = array<i32>} : memref<64x128xf32, #tpu.memory_space<vmem>>, vector<1x16xf32>,
          %get3A_272 = vector.shape_cast %get3A_271 : vector<1x16xf32> to vector<16xf32>
          %get3A_273 = arith.index_cast %add3A_200 : i32 to index
          %get3A_274 = arith.constant 80 : index
          %get3A_275 = tpu.vector_load %arg10[%get3A_273, %get3A_274] {strides = array<i32>} : memref<64x128xf32, #tpu.memory_space<vmem>>, vector<1x16xf32>,
          %get3A_276 = vector.shape_cast %get3A_275 : vector<1x16xf32> to vector<16xf32>
          %mul3A_277 = arith.mulf %get3A_272, %get3A_276 : vector<16xf32>
          %swap3A_278 = arith.index_cast %add3A_200 : i32 to index
          %swap3A_279 = arith.constant 80 : index
          %swap3A_280 = tpu.vector_load %arg12[%swap3A_278, %swap3A_279] {strides = array<i32>} : memref<64x128xf32, #tpu.memory_space<vmem>>, vector<1x16xf32>,
          %swap3A_281 = vector.shape_cast %swap3A_280 : vector<1x16xf32> to vector<16xf32>
          %swap3A_282 = vector.shape_cast %mul3A_277 : vector<16xf32> to vector<1x16xf32>
          tpu.vector_store %arg12[%swap3A_278, %swap3A_279], %swap3A_282 {strides = array<i32>} : memref<64x128xf32, #tpu.memory_space<vmem>>, vector<1x16xf32>,
          %get3A_283 = arith.index_cast %add3A_200 : i32 to index
          %get3A_284 = arith.constant 96 : index
          %get3A_285 = tpu.vector_load %arg12[%get3A_283, %get3A_284] {strides = array<i32>} : memref<64x128xf32, #tpu.memory_space<vmem>>, vector<1x16xf32>,
          %get3A_286 = vector.shape_cast %get3A_285 : vector<1x16xf32> to vector<16xf32>
          %get3A_287 = arith.index_cast %add3A_200 : i32 to index
          %get3A_288 = arith.constant 96 : index
          %get3A_289 = tpu.vector_load %arg10[%get3A_287, %get3A_288] {strides = array<i32>} : memref<64x128xf32, #tpu.memory_space<vmem>>, vector<1x16xf32>,
          %get3A_290 = vector.shape_cast %get3A_289 : vector<1x16xf32> to vector<16xf32>
          %mul3A_291 = arith.mulf %get3A_286, %get3A_290 : vector<16xf32>
          %swap3A_292 = arith.index_cast %add3A_200 : i32 to index
          %swap3A_293 = arith.constant 96 : index
          %swap3A_294 = tpu.vector_load %arg12[%swap3A_292, %swap3A_293] {strides = array<i32>} : memref<64x128xf32, #tpu.memory_space<vmem>>, vector<1x16xf32>,
          %swap3A_295 = vector.shape_cast %swap3A_294 : vector<1x16xf32> to vector<16xf32>
          %swap3A_296 = vector.shape_cast %mul3A_291 : vector<16xf32> to vector<1x16xf32>
          tpu.vector_store %arg12[%swap3A_292, %swap3A_293], %swap3A_296 {strides = array<i32>} : memref<64x128xf32, #tpu.memory_space<vmem>>, vector<1x16xf32>,
          %get3A_297 = arith.index_cast %add3A_200 : i32 to index
          %get3A_298 = arith.constant 112 : index
          %get3A_299 = tpu.vector_load %arg12[%get3A_297, %get3A_298] {strides = array<i32>} : memref<64x128xf32, #tpu.memory_space<vmem>>, vector<1x16xf32>,
          %get3A_300 = vector.shape_cast %get3A_299 : vector<1x16xf32> to vector<16xf32>
          %get3A_301 = arith.index_cast %add3A_200 : i32 to index
          %get3A_302 = arith.constant 112 : index
          %get3A_303 = tpu.vector_load %arg10[%get3A_301, %get3A_302] {strides = array<i32>} : memref<64x128xf32, #tpu.memory_space<vmem>>, vector<1x16xf32>,
          %get3A_304 = vector.shape_cast %get3A_303 : vector<1x16xf32> to vector<16xf32>
          %mul3A_305 = arith.mulf %get3A_300, %get3A_304 : vector<16xf32>
          %swap3A_306 = arith.index_cast %add3A_200 : i32 to index
          %swap3A_307 = arith.constant 112 : index
          %swap3A_308 = tpu.vector_load %arg12[%swap3A_306, %swap3A_307] {strides = array<i32>} : memref<64x128xf32, #tpu.memory_space<vmem>>, vector<1x16xf32>,
          %swap3A_309 = vector.shape_cast %swap3A_308 : vector<1x16xf32> to vector<16xf32>
          %swap3A_310 = vector.shape_cast %mul3A_305 : vector<16xf32> to vector<1x16xf32>
          tpu.vector_store %arg12[%swap3A_306, %swap3A_307], %swap3A_310 {strides = array<i32>} : memref<64x128xf32, #tpu.memory_space<vmem>>, vector<1x16xf32>,
        }
        %scan3A_195 = arith.constant 64 : i32
        %run_scoped3A = arith.constant 1 : i32
        "tpu.region"() ({
          %run_scoped3A_196 = tpu.sem_alloc : memref<!tpu.dma_semaphore, #tpu.memory_space<semaphore_mem>>
          %dma_start3A_197 = arith.constant 0 : i32
          %dma_start3A_198 = tpu.memref_slice %arg8[%run_scoped3A, %dma_start3A_197] : memref<2x64xi32, #tpu.memory_space<vmem>> -> memref<1x64xi32, #tpu.memory_space<vmem>>
          %dma_start3A_199 = tpu.memref_squeeze %dma_start3A_198 : memref<1x64xi32, #tpu.memory_space<vmem>> -> memref<64xi32, #tpu.memory_space<vmem>>
          %dma_start3A_200 = arith.constant 0 : i32
          %dma_start3A_201 = arith.constant 0 : i32
          %dma_start3A_202 = tpu.memref_slice %arg13[%dma_start3A_200, %dma_start3A_201] : memref<10000x128xf32, #tpu.memory_space<vmem_shared>> -> memref<10000x128xf32, #tpu.memory_space<vmem_shared>>
          tpu.enqueue_indirect_dma source(%arg12 : memref<64x128xf32, #tpu.memory_space<vmem>>) target(%dma_start3A_202 : memref<10000x128xf32, #tpu.memory_space<vmem_shared>>) offsets(%dma_start3A_199 : memref<64xi32, #tpu.memory_space<vmem>>) semaphore(%run_scoped3A_196 : memref<!tpu.dma_semaphore, #tpu.memory_space<semaphore_mem>>) {add = true}
          %dma_wait3A_203 = arith.constant 0 : i32
          %dma_wait3A_204 = tpu.memref_slice %arg8[%run_scoped3A, %dma_wait3A_203] : memref<2x64xi32, #tpu.memory_space<vmem>> -> memref<1x64xi32, #tpu.memory_space<vmem>>
          %dma_wait3A_205 = tpu.memref_squeeze %dma_wait3A_204 : memref<1x64xi32, #tpu.memory_space<vmem>> -> memref<64xi32, #tpu.memory_space<vmem>>
          %dma_wait3A_206 = arith.constant 0 : i32
          %dma_wait3A_207 = arith.constant 0 : i32
          %dma_wait3A_208 = tpu.memref_slice %arg13[%dma_wait3A_206, %dma_wait3A_207] : memref<10000x128xf32, #tpu.memory_space<vmem_shared>> -> memref<10000x128xf32, #tpu.memory_space<vmem_shared>>
          tpu.wait_indirect_dma semaphore(%run_scoped3A_196 : memref<!tpu.dma_semaphore, #tpu.memory_space<semaphore_mem>>) src(%arg12 : memref<64x128xf32, #tpu.memory_space<vmem>>) dst(%dma_wait3A_208 : memref<10000x128xf32, #tpu.memory_space<vmem_shared>>)
          tpu.yield
        }) : () -> ()
      } else {
      }
      %add3A_172 = arith.constant 2 : i32
      %add3A_173 = arith.addi %add3A_161, %add3A_172 : i32
      %lt3A_174 = arith.cmpi slt, %add3A_173, %add3A_8 : i32
      %convert_element_type3A_175 = arith.extui %lt3A_174 : i1 to i32
      %cond3A_176 = arith.constant 0 : i32
      %cond3A_177 = arith.cmpi ne, %convert_element_type3A_175, %cond3A_176 : i32
      scf.if %cond3A_177 {
        %add3A_178 = arith.constant 2 : i32
        %add3A_179 = arith.addi %add3A_161, %add3A_178 : i32
        %add3A_180 = arith.addi %add3A_4, %add3A_179 : i32
        %dma_start3A_181 = arith.constant 0 : i32
        %dma_start3A_182 = arith.constant 0 : i32
        %dma_start3A_183 = tpu.memref_slice %arg4[%add3A_180, %dma_start3A_181, %dma_start3A_182] : memref<5000x2x64xi32, #tpu.memory_space<hbm>> -> memref<1x2x64xi32, #tpu.memory_space<hbm>>
        %dma_start3A_184 = tpu.memref_squeeze %dma_start3A_183 : memref<1x2x64xi32, #tpu.memory_space<hbm>> -> memref<2x64xi32, #tpu.memory_space<hbm>>
        %dma_start3A_185 = arith.constant 0 : i32
        %dma_start3A_186 = arith.constant 0 : i32
        %dma_start3A_187 = tpu.memref_slice %arg4[%add3A_180, %dma_start3A_185, %dma_start3A_186] : memref<5000x2x64xi32, #tpu.memory_space<hbm>> -> memref<1x2x64xi32, #tpu.memory_space<hbm>>
        %dma_start3A_188 = tpu.memref_squeeze %dma_start3A_187 : memref<1x2x64xi32, #tpu.memory_space<hbm>> -> memref<2x64xi32, #tpu.memory_space<hbm>>
        tpu.enqueue_dma source(%dma_start3A_188 : memref<2x64xi32, #tpu.memory_space<hbm>>) target(%arg8 : memref<2x64xi32, #tpu.memory_space<vmem>>) target_semaphore(%arg19 : memref<!tpu.dma_semaphore, #tpu.memory_space<semaphore_mem>>)
      } else {
      }
    }
    %scan3A_91 = arith.constant 79 : i32
    %barrier3A_92 = arith.constant 0 : index
    tpu.barrier barrier_id(%barrier3A_92)
    %add3A_93 = arith.constant 0 : i32
    %add3A_94 = arith.addi %arg1, %add3A_93 : i32
    %lt3A_95 = arith.constant 78 : i32
    %lt3A_96 = arith.cmpi slt, %add3A_94, %lt3A_95 : i32
    %convert_element_type3A_97 = arith.extui %lt3A_96 : i1 to i32
    %cond3A_98 = arith.constant 0 : i32
    %cond3A_99 = arith.cmpi ne, %convert_element_type3A_97, %cond3A_98 : i32
    scf.if %cond3A_99 {
      %mul3A_133 = arith.constant 128 : i32
      %mul3A_134 = arith.muli %add3A_94, %mul3A_133 : i32
      %mul3A_135 = arith.constant 10000 : i32
      %mul3A_136 = arith.muli %arg0, %mul3A_135 : i32
      %mul3A_137 = arith.constant 128 : i32
      %mul3A_138 = arith.muli %add3A_94, %mul3A_137 : i32
      %add3A_139 = arith.addi %mul3A_136, %mul3A_138 : i32
      "tpu.region"() ({
        %run_scoped3A = tpu.sem_alloc : memref<!tpu.dma_semaphore, #tpu.memory_space<semaphore_mem>>
        %dma_start3A_140 = arith.constant 0 : i32
        %dma_start3A_141 = tpu.memref_slice %arg6[%add3A_139, %dma_start3A_140] : memref<20000x128xf32, #tpu.memory_space<hbm>> -> memref<128x128xf32, #tpu.memory_space<hbm>>
        %dma_start3A_142 = arith.constant 0 : i32
        %dma_start3A_143 = tpu.memref_slice %arg13[%mul3A_134, %dma_start3A_142] : memref<10000x128xf32, #tpu.memory_space<vmem_shared>> -> memref<128x128xf32, #tpu.memory_space<vmem_shared>>
        tpu.enqueue_dma source(%dma_start3A_143 : memref<128x128xf32, #tpu.memory_space<vmem_shared>>) target(%dma_start3A_141 : memref<128x128xf32, #tpu.memory_space<hbm>>) target_semaphore(%run_scoped3A : memref<!tpu.dma_semaphore, #tpu.memory_space<semaphore_mem>>)
        %dma_wait3A_144 = arith.constant 0 : i32
        %dma_wait3A_145 = tpu.memref_slice %arg6[%add3A_139, %dma_wait3A_144] : memref<20000x128xf32, #tpu.memory_space<hbm>> -> memref<128x128xf32, #tpu.memory_space<hbm>>
        %dma_wait3A_146 = arith.constant 0 : i32
        %dma_wait3A_147 = tpu.memref_slice %arg13[%mul3A_134, %dma_wait3A_146] : memref<10000x128xf32, #tpu.memory_space<vmem_shared>> -> memref<128x128xf32, #tpu.memory_space<vmem_shared>>
        tpu.wait_dma2 semaphore(%run_scoped3A : memref<!tpu.dma_semaphore, #tpu.memory_space<semaphore_mem>>) src(%dma_wait3A_147 : memref<128x128xf32, #tpu.memory_space<vmem_shared>>) dst(%dma_wait3A_145 : memref<128x128xf32, #tpu.memory_space<hbm>>)
        tpu.yield
      }) : () -> ()
    } else {
    }
    %add3A_100 = arith.constant 16 : i32
    %add3A_101 = arith.addi %arg1, %add3A_100 : i32
    %lt3A_102 = arith.constant 78 : i32
    %lt3A_103 = arith.cmpi slt, %add3A_101, %lt3A_102 : i32
    %convert_element_type3A_104 = arith.extui %lt3A_103 : i1 to i32
    %cond3A_105 = arith.constant 0 : i32
    %cond3A_106 = arith.cmpi ne, %convert_element_type3A_104, %cond3A_105 : i32
    scf.if %cond3A_106 {
      %mul3A_133 = arith.constant 128 : i32
      %mul3A_134 = arith.muli %add3A_101, %mul3A_133 : i32
      %mul3A_135 = arith.constant 10000 : i32
      %mul3A_136 = arith.muli %arg0, %mul3A_135 : i32
      %mul3A_137 = arith.constant 128 : i32
      %mul3A_138 = arith.muli %add3A_101, %mul3A_137 : i32
      %add3A_139 = arith.addi %mul3A_136, %mul3A_138 : i32
      "tpu.region"() ({
        %run_scoped3A = tpu.sem_alloc : memref<!tpu.dma_semaphore, #tpu.memory_space<semaphore_mem>>
        %dma_start3A_140 = arith.constant 0 : i32
        %dma_start3A_141 = tpu.memref_slice %arg6[%add3A_139, %dma_start3A_140] : memref<20000x128xf32, #tpu.memory_space<hbm>> -> memref<128x128xf32, #tpu.memory_space<hbm>>
        %dma_start3A_142 = arith.constant 0 : i32
        %dma_start3A_143 = tpu.memref_slice %arg13[%mul3A_134, %dma_start3A_142] : memref<10000x128xf32, #tpu.memory_space<vmem_shared>> -> memref<128x128xf32, #tpu.memory_space<vmem_shared>>
        tpu.enqueue_dma source(%dma_start3A_143 : memref<128x128xf32, #tpu.memory_space<vmem_shared>>) target(%dma_start3A_141 : memref<128x128xf32, #tpu.memory_space<hbm>>) target_semaphore(%run_scoped3A : memref<!tpu.dma_semaphore, #tpu.memory_space<semaphore_mem>>)
        %dma_wait3A_144 = arith.constant 0 : i32
        %dma_wait3A_145 = tpu.memref_slice %arg6[%add3A_139, %dma_wait3A_144] : memref<20000x128xf32, #tpu.memory_space<hbm>> -> memref<128x128xf32, #tpu.memory_space<hbm>>
        %dma_wait3A_146 = arith.constant 0 : i32
        %dma_wait3A_147 = tpu.memref_slice %arg13[%mul3A_134, %dma_wait3A_146] : memref<10000x128xf32, #tpu.memory_space<vmem_shared>> -> memref<128x128xf32, #tpu.memory_space<vmem_shared>>
        tpu.wait_dma2 semaphore(%run_scoped3A : memref<!tpu.dma_semaphore, #tpu.memory_space<semaphore_mem>>) src(%dma_wait3A_147 : memref<128x128xf32, #tpu.memory_space<vmem_shared>>) dst(%dma_wait3A_145 : memref<128x128xf32, #tpu.memory_space<hbm>>)
        tpu.yield
      }) : () -> ()
    } else {
    }
    %add3A_107 = arith.constant 32 : i32
    %add3A_108 = arith.addi %arg1, %add3A_107 : i32
    %lt3A_109 = arith.constant 78 : i32
    %lt3A_110 = arith.cmpi slt, %add3A_108, %lt3A_109 : i32
    %convert_element_type3A_111 = arith.extui %lt3A_110 : i1 to i32
    %cond3A_112 = arith.constant 0 : i32
    %cond3A_113 = arith.cmpi ne, %convert_element_type3A_111, %cond3A_112 : i32
    scf.if %cond3A_113 {
      %mul3A_133 = arith.constant 128 : i32
      %mul3A_134 = arith.muli %add3A_108, %mul3A_133 : i32
      %mul3A_135 = arith.constant 10000 : i32
      %mul3A_136 = arith.muli %arg0, %mul3A_135 : i32
      %mul3A_137 = arith.constant 128 : i32
      %mul3A_138 = arith.muli %add3A_108, %mul3A_137 : i32
      %add3A_139 = arith.addi %mul3A_136, %mul3A_138 : i32
      "tpu.region"() ({
        %run_scoped3A = tpu.sem_alloc : memref<!tpu.dma_semaphore, #tpu.memory_space<semaphore_mem>>
        %dma_start3A_140 = arith.constant 0 : i32
        %dma_start3A_141 = tpu.memref_slice %arg6[%add3A_139, %dma_start3A_140] : memref<20000x128xf32, #tpu.memory_space<hbm>> -> memref<128x128xf32, #tpu.memory_space<hbm>>
        %dma_start3A_142 = arith.constant 0 : i32
        %dma_start3A_143 = tpu.memref_slice %arg13[%mul3A_134, %dma_start3A_142] : memref<10000x128xf32, #tpu.memory_space<vmem_shared>> -> memref<128x128xf32, #tpu.memory_space<vmem_shared>>
        tpu.enqueue_dma source(%dma_start3A_143 : memref<128x128xf32, #tpu.memory_space<vmem_shared>>) target(%dma_start3A_141 : memref<128x128xf32, #tpu.memory_space<hbm>>) target_semaphore(%run_scoped3A : memref<!tpu.dma_semaphore, #tpu.memory_space<semaphore_mem>>)
        %dma_wait3A_144 = arith.constant 0 : i32
        %dma_wait3A_145 = tpu.memref_slice %arg6[%add3A_139, %dma_wait3A_144] : memref<20000x128xf32, #tpu.memory_space<hbm>> -> memref<128x128xf32, #tpu.memory_space<hbm>>
        %dma_wait3A_146 = arith.constant 0 : i32
        %dma_wait3A_147 = tpu.memref_slice %arg13[%mul3A_134, %dma_wait3A_146] : memref<10000x128xf32, #tpu.memory_space<vmem_shared>> -> memref<128x128xf32, #tpu.memory_space<vmem_shared>>
        tpu.wait_dma2 semaphore(%run_scoped3A : memref<!tpu.dma_semaphore, #tpu.memory_space<semaphore_mem>>) src(%dma_wait3A_147 : memref<128x128xf32, #tpu.memory_space<vmem_shared>>) dst(%dma_wait3A_145 : memref<128x128xf32, #tpu.memory_space<hbm>>)
        tpu.yield
      }) : () -> ()
    } else {
    }
    %add3A_114 = arith.constant 48 : i32
    %add3A_115 = arith.addi %arg1, %add3A_114 : i32
    %lt3A_116 = arith.constant 78 : i32
    %lt3A_117 = arith.cmpi slt, %add3A_115, %lt3A_116 : i32
    %convert_element_type3A_118 = arith.extui %lt3A_117 : i1 to i32
    %cond3A_119 = arith.constant 0 : i32
    %cond3A_120 = arith.cmpi ne, %convert_element_type3A_118, %cond3A_119 : i32
    scf.if %cond3A_120 {
      %mul3A_133 = arith.constant 128 : i32
      %mul3A_134 = arith.muli %add3A_115, %mul3A_133 : i32
      %mul3A_135 = arith.constant 10000 : i32
      %mul3A_136 = arith.muli %arg0, %mul3A_135 : i32
      %mul3A_137 = arith.constant 128 : i32
      %mul3A_138 = arith.muli %add3A_115, %mul3A_137 : i32
      %add3A_139 = arith.addi %mul3A_136, %mul3A_138 : i32
      "tpu.region"() ({
        %run_scoped3A = tpu.sem_alloc : memref<!tpu.dma_semaphore, #tpu.memory_space<semaphore_mem>>
        %dma_start3A_140 = arith.constant 0 : i32
        %dma_start3A_141 = tpu.memref_slice %arg6[%add3A_139, %dma_start3A_140] : memref<20000x128xf32, #tpu.memory_space<hbm>> -> memref<128x128xf32, #tpu.memory_space<hbm>>
        %dma_start3A_142 = arith.constant 0 : i32
        %dma_start3A_143 = tpu.memref_slice %arg13[%mul3A_134, %dma_start3A_142] : memref<10000x128xf32, #tpu.memory_space<vmem_shared>> -> memref<128x128xf32, #tpu.memory_space<vmem_shared>>
        tpu.enqueue_dma source(%dma_start3A_143 : memref<128x128xf32, #tpu.memory_space<vmem_shared>>) target(%dma_start3A_141 : memref<128x128xf32, #tpu.memory_space<hbm>>) target_semaphore(%run_scoped3A : memref<!tpu.dma_semaphore, #tpu.memory_space<semaphore_mem>>)
        %dma_wait3A_144 = arith.constant 0 : i32
        %dma_wait3A_145 = tpu.memref_slice %arg6[%add3A_139, %dma_wait3A_144] : memref<20000x128xf32, #tpu.memory_space<hbm>> -> memref<128x128xf32, #tpu.memory_space<hbm>>
        %dma_wait3A_146 = arith.constant 0 : i32
        %dma_wait3A_147 = tpu.memref_slice %arg13[%mul3A_134, %dma_wait3A_146] : memref<10000x128xf32, #tpu.memory_space<vmem_shared>> -> memref<128x128xf32, #tpu.memory_space<vmem_shared>>
        tpu.wait_dma2 semaphore(%run_scoped3A : memref<!tpu.dma_semaphore, #tpu.memory_space<semaphore_mem>>) src(%dma_wait3A_147 : memref<128x128xf32, #tpu.memory_space<vmem_shared>>) dst(%dma_wait3A_145 : memref<128x128xf32, #tpu.memory_space<hbm>>)
        tpu.yield
      }) : () -> ()
    } else {
    }
    %add3A_121 = arith.constant 64 : i32
    %add3A_122 = arith.addi %arg1, %add3A_121 : i32
    %lt3A_123 = arith.constant 78 : i32
    %lt3A_124 = arith.cmpi slt, %add3A_122, %lt3A_123 : i32
    %convert_element_type3A_125 = arith.extui %lt3A_124 : i1 to i32
    %cond3A_126 = arith.constant 0 : i32
    %cond3A_127 = arith.cmpi ne, %convert_element_type3A_125, %cond3A_126 : i32
    scf.if %cond3A_127 {
      %mul3A_133 = arith.constant 128 : i32
      %mul3A_134 = arith.muli %add3A_122, %mul3A_133 : i32
      %mul3A_135 = arith.constant 10000 : i32
      %mul3A_136 = arith.muli %arg0, %mul3A_135 : i32
      %mul3A_137 = arith.constant 128 : i32
      %mul3A_138 = arith.muli %add3A_122, %mul3A_137 : i32
      %add3A_139 = arith.addi %mul3A_136, %mul3A_138 : i32
      "tpu.region"() ({
        %run_scoped3A = tpu.sem_alloc : memref<!tpu.dma_semaphore, #tpu.memory_space<semaphore_mem>>
        %dma_start3A_140 = arith.constant 0 : i32
        %dma_start3A_141 = tpu.memref_slice %arg6[%add3A_139, %dma_start3A_140] : memref<20000x128xf32, #tpu.memory_space<hbm>> -> memref<128x128xf32, #tpu.memory_space<hbm>>
        %dma_start3A_142 = arith.constant 0 : i32
        %dma_start3A_143 = tpu.memref_slice %arg13[%mul3A_134, %dma_start3A_142] : memref<10000x128xf32, #tpu.memory_space<vmem_shared>> -> memref<128x128xf32, #tpu.memory_space<vmem_shared>>
        tpu.enqueue_dma source(%dma_start3A_143 : memref<128x128xf32, #tpu.memory_space<vmem_shared>>) target(%dma_start3A_141 : memref<128x128xf32, #tpu.memory_space<hbm>>) target_semaphore(%run_scoped3A : memref<!tpu.dma_semaphore, #tpu.memory_space<semaphore_mem>>)
        %dma_wait3A_144 = arith.constant 0 : i32
        %dma_wait3A_145 = tpu.memref_slice %arg6[%add3A_139, %dma_wait3A_144] : memref<20000x128xf32, #tpu.memory_space<hbm>> -> memref<128x128xf32, #tpu.memory_space<hbm>>
        %dma_wait3A_146 = arith.constant 0 : i32
        %dma_wait3A_147 = tpu.memref_slice %arg13[%mul3A_134, %dma_wait3A_146] : memref<10000x128xf32, #tpu.memory_space<vmem_shared>> -> memref<128x128xf32, #tpu.memory_space<vmem_shared>>
        tpu.wait_dma2 semaphore(%run_scoped3A : memref<!tpu.dma_semaphore, #tpu.memory_space<semaphore_mem>>) src(%dma_wait3A_147 : memref<128x128xf32, #tpu.memory_space<vmem_shared>>) dst(%dma_wait3A_145 : memref<128x128xf32, #tpu.memory_space<hbm>>)
        tpu.yield
      }) : () -> ()
    } else {
    }
    %eq3A_128 = arith.constant 0 : i32
    %eq3A_129 = arith.cmpi eq, %arg1, %eq3A_128 : i32
    %convert_element_type3A_130 = arith.extui %eq3A_129 : i1 to i32
    %cond3A_131 = arith.constant 0 : i32
    %cond3A_132 = arith.cmpi ne, %convert_element_type3A_130, %cond3A_131 : i32
    scf.if %cond3A_132 {
      %mul3A_133 = arith.constant 10000 : i32
      %mul3A_134 = arith.muli %arg0, %mul3A_133 : i32
      %add3A_135 = arith.constant 9984 : i32
      %add3A_136 = arith.addi %mul3A_134, %add3A_135 : i32
      "tpu.region"() ({
        %run_scoped3A = tpu.sem_alloc : memref<!tpu.dma_semaphore, #tpu.memory_space<semaphore_mem>>
        %dma_start3A_137 = arith.constant 0 : i32
        %dma_start3A_138 = tpu.memref_slice %arg6[%add3A_136, %dma_start3A_137] : memref<20000x128xf32, #tpu.memory_space<hbm>> -> memref<16x128xf32, #tpu.memory_space<hbm>>
        %dma_start3A_139 = arith.constant 9984 : i32
        %dma_start3A_140 = arith.constant 0 : i32
        %dma_start3A_141 = tpu.memref_slice %arg13[%dma_start3A_139, %dma_start3A_140] : memref<10000x128xf32, #tpu.memory_space<vmem_shared>> -> memref<16x128xf32, #tpu.memory_space<vmem_shared>>
        tpu.enqueue_dma source(%dma_start3A_141 : memref<16x128xf32, #tpu.memory_space<vmem_shared>>) target(%dma_start3A_138 : memref<16x128xf32, #tpu.memory_space<hbm>>) target_semaphore(%run_scoped3A : memref<!tpu.dma_semaphore, #tpu.memory_space<semaphore_mem>>)
        %dma_wait3A_142 = arith.constant 0 : i32
        %dma_wait3A_143 = tpu.memref_slice %arg6[%add3A_136, %dma_wait3A_142] : memref<20000x128xf32, #tpu.memory_space<hbm>> -> memref<16x128xf32, #tpu.memory_space<hbm>>
        %dma_wait3A_144 = arith.constant 9984 : i32
        %dma_wait3A_145 = arith.constant 0 : i32
        %dma_wait3A_146 = tpu.memref_slice %arg13[%dma_wait3A_144, %dma_wait3A_145] : memref<10000x128xf32, #tpu.memory_space<vmem_shared>> -> memref<16x128xf32, #tpu.memory_space<vmem_shared>>
        tpu.wait_dma2 semaphore(%run_scoped3A : memref<!tpu.dma_semaphore, #tpu.memory_space<semaphore_mem>>) src(%dma_wait3A_146 : memref<16x128xf32, #tpu.memory_space<vmem_shared>>) dst(%dma_wait3A_143 : memref<16x128xf32, #tpu.memory_space<hbm>>)
        tpu.yield
      }) : () -> ()
    } else {
    }
    return
  }
}

module attributes {stable_mosaic.version = 14 : i64} {
  func.func @_mm_body(%arg0: i32, %arg1: memref<3200x128xf32, #tpu.memory_space<vmem>>, %arg2: memref<128x128xf32, #tpu.memory_space<vmem>>, %arg3: memref<1x128xf32, #tpu.memory_space<vmem>>, %arg4: memref<3200x128xf32, #tpu.memory_space<vmem>>) attributes {dimension_semantics = [#tpu.dimension_semantics<arbitrary>], iteration_bounds = array<i64: 100>, scalar_prefetch = 0 : i64, scratch_operands = 0 : i64, tpu.core_type = #tpu.core_type<tc>, window_params = [{transform_indices = @transform_0, window_bounds = array<i64: 3200, 128>}, {pipeline_mode = #tpu.pipeline_mode<synchronous>, transform_indices = @transform_1, window_bounds = array<i64: 128, 128>}, {pipeline_mode = #tpu.pipeline_mode<synchronous>, transform_indices = @transform_2, window_bounds = array<i64: 1, 128>}, {transform_indices = @transform_3, window_bounds = array<i64: 3200, 128>}]} {
    %get3A = arith.constant 0 : index
    %get3A_0 = arith.constant 0 : index
    %get3A_1 = vector.load %arg1[%get3A, %get3A_0] : memref<3200x128xf32, #tpu.memory_space<vmem>>, vector<3200x128xf32>
    %get3A_2 = arith.constant 0 : index
    %get3A_3 = arith.constant 0 : index
    %get3A_4 = vector.load %arg2[%get3A_2, %get3A_3] : memref<128x128xf32, #tpu.memory_space<vmem>>, vector<128x128xf32>
    %convert_element_type3A = arith.truncf %get3A_1 : vector<3200x128xf32> to vector<3200x128xbf16>
    %convert_element_type3A_5 = arith.extf %convert_element_type3A : vector<3200x128xbf16> to vector<3200x128xf32>
    %sub3A = arith.subf %get3A_1, %convert_element_type3A_5 : vector<3200x128xf32>
    %convert_element_type3A_6 = arith.truncf %sub3A : vector<3200x128xf32> to vector<3200x128xbf16>
    %convert_element_type3A_7 = arith.truncf %get3A_4 : vector<128x128xf32> to vector<128x128xbf16>
    %convert_element_type3A_8 = arith.extf %convert_element_type3A_7 : vector<128x128xbf16> to vector<128x128xf32>
    %sub3A_9 = arith.subf %get3A_4, %convert_element_type3A_8 : vector<128x128xf32>
    %convert_element_type3A_10 = arith.truncf %sub3A_9 : vector<128x128xf32> to vector<128x128xbf16>
    %dot_general3A = arith.constant dense<0.000000e+00> : vector<3200x128xf32>
    %dot_general3A_11 = tpu.matmul %convert_element_type3A, %convert_element_type3A_7, %dot_general3A {dimension_numbers = #tpu.dot_dimension_numbers<[1], [0], [0], [1], [0, 0, 1, 1], [], []>, transpose_lhs_hint = false} : vector<3200x128xbf16>, vector<128x128xbf16>, vector<3200x128xf32> -> vector<3200x128xf32>
    %dot_general3A_12 = arith.constant dense<0.000000e+00> : vector<3200x128xf32>
    %dot_general3A_13 = tpu.matmul %convert_element_type3A, %convert_element_type3A_10, %dot_general3A_12 {dimension_numbers = #tpu.dot_dimension_numbers<[1], [0], [0], [1], [0, 0, 1, 1], [], []>, transpose_lhs_hint = false} : vector<3200x128xbf16>, vector<128x128xbf16>, vector<3200x128xf32> -> vector<3200x128xf32>
    %add3A = arith.addf %dot_general3A_11, %dot_general3A_13 : vector<3200x128xf32>
    %dot_general3A_14 = arith.constant dense<0.000000e+00> : vector<3200x128xf32>
    %dot_general3A_15 = tpu.matmul %convert_element_type3A_6, %convert_element_type3A_7, %dot_general3A_14 {dimension_numbers = #tpu.dot_dimension_numbers<[1], [0], [0], [1], [0, 0, 1, 1], [], []>, transpose_lhs_hint = false} : vector<3200x128xbf16>, vector<128x128xbf16>, vector<3200x128xf32> -> vector<3200x128xf32>
    %add3A_16 = arith.addf %add3A, %dot_general3A_15 : vector<3200x128xf32>
    %get3A_17 = arith.constant 0 : index
    %get3A_18 = arith.constant 0 : index
    %get3A_19 = vector.load %arg3[%get3A_17, %get3A_18] : memref<1x128xf32, #tpu.memory_space<vmem>>, vector<1x128xf32>
    %add3A_20 = vector.broadcast %get3A_19 : vector<1x128xf32> to vector<3200x128xf32>
    %add3A_21 = arith.addf %add3A_16, %add3A_20 : vector<3200x128xf32>
    %swap3A = arith.constant 0 : index
    %swap3A_22 = arith.constant 0 : index
    %swap3A_23 = vector.load %arg4[%swap3A, %swap3A_22] : memref<3200x128xf32, #tpu.memory_space<vmem>>, vector<3200x128xf32>
    tpu.vector_store %arg4[%swap3A, %swap3A_22], %add3A_21 {strides = array<i32>} : memref<3200x128xf32, #tpu.memory_space<vmem>>, vector<3200x128xf32>,
    return
  }
  func.func @transform_0(%arg0: i32) -> (i32, i32) {
    %c0_i32 = arith.constant 0 : i32
    %c0_i32_0 = arith.constant 0 : i32
    return %arg0, %c0_i32 : i32, i32
  }
  func.func @transform_1(%arg0: i32) -> (i32, i32) {
    %c0_i32 = arith.constant 0 : i32
    %c0_i32_0 = arith.constant 0 : i32
    %c0_i32_1 = arith.constant 0 : i32
    return %c0_i32, %c0_i32_0 : i32, i32
  }
  func.func @transform_2(%arg0: i32) -> (i32, i32) {
    %c0_i32 = arith.constant 0 : i32
    %c0_i32_0 = arith.constant 0 : i32
    %c0_i32_1 = arith.constant 0 : i32
    return %c0_i32, %c0_i32_0 : i32, i32
  }
  func.func @transform_3(%arg0: i32) -> (i32, i32) {
    %c0_i32 = arith.constant 0 : i32
    %c0_i32_0 = arith.constant 0 : i32
    return %arg0, %c0_i32 : i32, i32
  }
}

module attributes {stable_mosaic.version = 14 : i64} {
  func.func @_combine_body(%arg0: memref<20000x128xf32, #tpu.memory_space<vmem>>, %arg1: memref<32x10000xf32, #tpu.memory_space<vmem>>, %arg2: memref<10000x128xf32, #tpu.memory_space<vmem>>) attributes {dimension_semantics = [], scalar_prefetch = 0 : i64, scratch_operands = 0 : i64, tpu.core_type = #tpu.core_type<tc>} {
    %get3A = arith.constant 0 : index
    %get3A_0 = arith.constant 0 : index
    %get3A_1 = vector.load %arg0[%get3A, %get3A_0] : memref<20000x128xf32, #tpu.memory_space<vmem>>, vector<10000x128xf32>
    %get3A_2 = arith.constant 10000 : index
    %get3A_3 = arith.constant 0 : index
    %get3A_4 = vector.load %arg0[%get3A_2, %get3A_3] : memref<20000x128xf32, #tpu.memory_space<vmem>>, vector<10000x128xf32>
    %add3A = arith.addf %get3A_1, %get3A_4 : vector<10000x128xf32>
    %get3A_5 = arith.constant 0 : index
    %get3A_6 = arith.constant 0 : index
    %get3A_7 = vector.load %arg1[%get3A_5, %get3A_6] : memref<32x10000xf32, #tpu.memory_space<vmem>>, vector<32x10000xf32>
    %reduce_sum3A = arith.constant dense<0.000000e+00> : vector<10000xf32>
    %reduce_sum3A_8 = vector.multi_reduction <add>, %get3A_7, %reduce_sum3A [0] : vector<32x10000xf32> to vector<10000xf32>
    %broadcast_in_dim3A = vector.shape_cast %reduce_sum3A_8 : vector<10000xf32> to vector<10000x1xf32>
    %max3A = arith.constant 1.000000e+00 : f32
    %max3A_9 = vector.broadcast %max3A : f32 to vector<10000x1xf32>
    %max3A_10 = arith.maximumf %broadcast_in_dim3A, %max3A_9 : vector<10000x1xf32>
    %div3A = arith.constant 1.000000e+00 : f32
    %div3A_11 = vector.broadcast %div3A : f32 to vector<10000x1xf32>
    %div3A_12 = arith.divf %div3A_11, %max3A_10 : vector<10000x1xf32>
    %mul3A = vector.broadcast %div3A_12 : vector<10000x1xf32> to vector<10000x128xf32>
    %mul3A_13 = arith.mulf %add3A, %mul3A : vector<10000x128xf32>
    %max3A_14 = arith.constant 0.000000e+00 : f32
    %max3A_15 = vector.broadcast %max3A_14 : f32 to vector<10000x128xf32>
    %max3A_16 = arith.maximumf %mul3A_13, %max3A_15 : vector<10000x128xf32>
    %swap3A = arith.constant 0 : index
    %swap3A_17 = arith.constant 0 : index
    %swap3A_18 = vector.load %arg2[%swap3A, %swap3A_17] : memref<10000x128xf32, #tpu.memory_space<vmem>>, vector<10000x128xf32>
    tpu.vector_store %arg2[%swap3A, %swap3A_17], %max3A_16 {strides = array<i32>} : memref<10000x128xf32, #tpu.memory_space<vmem>>, vector<10000x128xf32>,
    return
  }
}

module attributes {stable_mosaic.version = 14 : i64} {
  func.func @_final_body(%arg0: memref<20000x128xf32, #tpu.memory_space<vmem>>, %arg1: memref<32x10000xf32, #tpu.memory_space<vmem>>, %arg2: memref<128x128xf32, #tpu.memory_space<vmem>>, %arg3: memref<1x128xf32, #tpu.memory_space<vmem>>, %arg4: memref<10000x128xf32, #tpu.memory_space<vmem>>) attributes {dimension_semantics = [], scalar_prefetch = 0 : i64, scratch_operands = 0 : i64, tpu.core_type = #tpu.core_type<tc>} {
    %get3A = arith.constant 0 : index
    %get3A_0 = arith.constant 0 : index
    %get3A_1 = vector.load %arg0[%get3A, %get3A_0] : memref<20000x128xf32, #tpu.memory_space<vmem>>, vector<10000x128xf32>
    %get3A_2 = arith.constant 10000 : index
    %get3A_3 = arith.constant 0 : index
    %get3A_4 = vector.load %arg0[%get3A_2, %get3A_3] : memref<20000x128xf32, #tpu.memory_space<vmem>>, vector<10000x128xf32>
    %add3A = arith.addf %get3A_1, %get3A_4 : vector<10000x128xf32>
    %get3A_5 = arith.constant 0 : index
    %get3A_6 = arith.constant 0 : index
    %get3A_7 = vector.load %arg1[%get3A_5, %get3A_6] : memref<32x10000xf32, #tpu.memory_space<vmem>>, vector<32x10000xf32>
    %reduce_sum3A = arith.constant dense<0.000000e+00> : vector<10000xf32>
    %reduce_sum3A_8 = vector.multi_reduction <add>, %get3A_7, %reduce_sum3A [0] : vector<32x10000xf32> to vector<10000xf32>
    %broadcast_in_dim3A = vector.shape_cast %reduce_sum3A_8 : vector<10000xf32> to vector<10000x1xf32>
    %max3A = arith.constant 1.000000e+00 : f32
    %max3A_9 = vector.broadcast %max3A : f32 to vector<10000x1xf32>
    %max3A_10 = arith.maximumf %broadcast_in_dim3A, %max3A_9 : vector<10000x1xf32>
    %div3A = arith.constant 1.000000e+00 : f32
    %div3A_11 = vector.broadcast %div3A : f32 to vector<10000x1xf32>
    %div3A_12 = arith.divf %div3A_11, %max3A_10 : vector<10000x1xf32>
    %mul3A = vector.broadcast %div3A_12 : vector<10000x1xf32> to vector<10000x128xf32>
    %mul3A_13 = arith.mulf %add3A, %mul3A : vector<10000x128xf32>
    %max3A_14 = arith.constant 0.000000e+00 : f32
    %max3A_15 = vector.broadcast %max3A_14 : f32 to vector<10000x128xf32>
    %max3A_16 = arith.maximumf %mul3A_13, %max3A_15 : vector<10000x128xf32>
    %get3A_17 = arith.constant 0 : index
    %get3A_18 = arith.constant 0 : index
    %get3A_19 = vector.load %arg2[%get3A_17, %get3A_18] : memref<128x128xf32, #tpu.memory_space<vmem>>, vector<128x128xf32>
    %convert_element_type3A = arith.truncf %max3A_16 : vector<10000x128xf32> to vector<10000x128xbf16>
    %convert_element_type3A_20 = arith.extf %convert_element_type3A : vector<10000x128xbf16> to vector<10000x128xf32>
    %sub3A = arith.subf %max3A_16, %convert_element_type3A_20 : vector<10000x128xf32>
    %convert_element_type3A_21 = arith.truncf %sub3A : vector<10000x128xf32> to vector<10000x128xbf16>
    %convert_element_type3A_22 = arith.truncf %get3A_19 : vector<128x128xf32> to vector<128x128xbf16>
    %convert_element_type3A_23 = arith.extf %convert_element_type3A_22 : vector<128x128xbf16> to vector<128x128xf32>
    %sub3A_24 = arith.subf %get3A_19, %convert_element_type3A_23 : vector<128x128xf32>
    %convert_element_type3A_25 = arith.truncf %sub3A_24 : vector<128x128xf32> to vector<128x128xbf16>
    %dot_general3A = arith.constant dense<0.000000e+00> : vector<10000x128xf32>
    %dot_general3A_26 = tpu.matmul %convert_element_type3A, %convert_element_type3A_22, %dot_general3A {dimension_numbers = #tpu.dot_dimension_numbers<[1], [0], [0], [1], [0, 0, 1, 1], [], []>, transpose_lhs_hint = false} : vector<10000x128xbf16>, vector<128x128xbf16>, vector<10000x128xf32> -> vector<10000x128xf32>
    %dot_general3A_27 = arith.constant dense<0.000000e+00> : vector<10000x128xf32>
    %dot_general3A_28 = tpu.matmul %convert_element_type3A, %convert_element_type3A_25, %dot_general3A_27 {dimension_numbers = #tpu.dot_dimension_numbers<[1], [0], [0], [1], [0, 0, 1, 1], [], []>, transpose_lhs_hint = false} : vector<10000x128xbf16>, vector<128x128xbf16>, vector<10000x128xf32> -> vector<10000x128xf32>
    %add3A_29 = arith.addf %dot_general3A_26, %dot_general3A_28 : vector<10000x128xf32>
    %dot_general3A_30 = arith.constant dense<0.000000e+00> : vector<10000x128xf32>
    %dot_general3A_31 = tpu.matmul %convert_element_type3A_21, %convert_element_type3A_22, %dot_general3A_30 {dimension_numbers = #tpu.dot_dimension_numbers<[1], [0], [0], [1], [0, 0, 1, 1], [], []>, transpose_lhs_hint = false} : vector<10000x128xbf16>, vector<128x128xbf16>, vector<10000x128xf32> -> vector<10000x128xf32>
    %add3A_32 = arith.addf %add3A_29, %dot_general3A_31 : vector<10000x128xf32>
    %get3A_33 = arith.constant 0 : index
    %get3A_34 = arith.constant 0 : index
    %get3A_35 = vector.load %arg3[%get3A_33, %get3A_34] : memref<1x128xf32, #tpu.memory_space<vmem>>, vector<1x128xf32>
    %add3A_36 = vector.broadcast %get3A_35 : vector<1x128xf32> to vector<10000x128xf32>
    %add3A_37 = arith.addf %add3A_32, %add3A_36 : vector<10000x128xf32>
    %swap3A = arith.constant 0 : index
    %swap3A_38 = arith.constant 0 : index
    %swap3A_39 = vector.load %arg4[%swap3A, %swap3A_38] : memref<10000x128xf32, #tpu.memory_space<vmem>>, vector<10000x128xf32>
    tpu.vector_store %arg4[%swap3A, %swap3A_38], %add3A_37 {strides = array<i32>} : memref<10000x128xf32, #tpu.memory_space<vmem>>, vector<10000x128xf32>,
    return
  }
}

</mosaic_0001>

<sc_bundles>
// kernel: kernel.12.cloned.1.call-start
scs
__scs_entry_jumppad:
0x0: {  	(pc) =	sbr.rel $0x88, $3  }
0x1: {  	(tag) =	ssettag $0x0;
	lr =	simm.s32 $0x1  }
0x2: {  	[smem:$0x3F96] =	sst lr;
	_ =	strace $0xD0000000  }
0x3: {  	_ = 	snop  }
0x4: {  	_ = 	snop  }
0x5: {  	_ = 	snop  }
0x6: {  	_ = 	snop  }
0x7: {  	_ = 	snop  }
__scs_overlays_trampoline_lowered:
0x8: {  	[smem:$0x3FA5] =	sst s0  }
0x9: {  	[smem:$0x3FA6] =	sst s1  }
0xa: {  	[smem:$0x3FA7] =	sst s2  }
0xb: {  	[smem:$0x3FA8] =	sst s3  }
0xc: {  	[smem:$0x3FA9] =	sst s4  }
0xd: {  	[smem:$0x3FAA] =	sst s5  }
0xe: {  	[smem:$0x3FAB] =	sst s6  }
0xf: {  	[smem:$0x3FAC] =	sst s7  }
0x10: {  	[smem:$0x3FAD] =	sst s8  }
0x11: {  	[smem:$0x3FAE] =	sst s9;
	s0 =	simm.s32 @!p0 $0x0  }
0x12: {  	s1 =	sld [smem:$0x3F94];
	s0 =	simm.s32 @p0 $0x1  }
0x13: {  	[smem:$0x3FAF] =	sst s0;
	s0 =	simm.s32 @!p1 $0x0  }
0x14: {  	s2 =	sld [smem:$0x3F93];
	s0 =	simm.s32 @p1 $0x1  }
0x15: {  	[smem:$0x3FB0] =	sst s0;
	s0 =	simm.s32 @!p2 $0x0  }
0x16: {  	s3 =	sld [smem:$0x3FDB];
	s0 =	simm.s32 @p2 $0x1  }
0x17: {  	s4 =	simm.s32 $0x1BF5;
	[smem:$0x3FB2] =	sst s0  }
0x18: {  	s0 =	sld [smem:$0x3F95];
	_ =	swait.ge [sflag:s4], $0x0  }
0x19: {  	s7 =	sld [smem:$0x3F96]  }
0x1a: {  	s8 =	sadd.s32 $0xFFFFE003, lr  }
0x1b: {  	s9 =	sadd.s32 $0xFFFFFEF7, lr;
	s5 =	simm.s32 $0xFFFFFFFF;
	p2 =	slt.u32 s8, $0xFFFFF086  }
0x1c: {  	p1 =	slt.u32 s9, $0xF7A;
	s5 =	simm.s32 @!p2 $0x0  }
0x1d: {  	s5 =	simm.s32 @p1 $0x1;
	p0 =	seq.s32 s7, s2  }
0x1e: {  	s7 =	smul.u32 @!p0 $0xF7A, s2;
	p2 =	seq.s32 @!p0 s5, $0x0  }
0x1f: {  	s9 =	smul.u32 $0xF7A, s1;
	s8 =	simm.s32 @!p0 $0x1BF5;
	p2 =	por !p2, p0  }
0x20: {  	[sflag:s8] =	ssyncset.s32 @!p0 $0xFFFFF086;
	s6 =	sadd.s32 @!p0 s3, s7;
	s7 =	simm.s32 @!p0 $0x108  }
0x21: {  	s3 =	sadd.s32 s3, s9;
	s6 =	sadd.s32 @!p0 $0x88, s6;
	s7 =	simm.s32 @p2 $0x1082  }
0x22: {  	[simem:s7], [sflag:s8] =	dma.local @!p0 [hbm:s6], $0xF7A  }
0x23: {  	s9 =	sor.u32 $0xD0000000, s2;
	s6 =	simm.s32 $0x108;
	_ =	swait.ge @!p0 [sflag:s8], $0x0  }
0x24: {  	s3 =	sadd.s32 $0x88, s3;
	s6 =	simm.s32 @!p1 $0x1082;
	[sflag:s4] =	ssyncset.s32 $0xFFFFF086  }
0x25: {  	[simem:s6], [sflag:s4] =	dma.local [hbm:s3], $0xF7A  }
0x26: {  	[smem:$0x3F96] =	sst s1;
	(tag) =	ssettag s2;
	_ =	strace s9  }
0x27: {  	s1 =	sld [smem:$0x3FA6]  }
0x28: {  	s2 =	sld [smem:$0x3FA7]  }
0x29: {  	s4 =	sld [smem:$0x3FA9]  }
0x2a: {  	p0 =	seq.s32 s5, $0x0;
	s5 =	sld [smem:$0x3FAA]  }
0x2b: {  	s6 =	sld [smem:$0x3FAB]  }
0x2c: {  	s7 =	sld [smem:$0x3FAC]  }
0x2d: {  	s3 =	simm.s32 $0x108;
	s8 =	sld [smem:$0x3FAD]  }
0x2e: {  	s3 =	simm.s32 @!p0 $0x1082;
	s9 =	sld [smem:$0x3FAE]  }
0x2f: {  	lr =	sadd.s32 s0, s3;
	s0 =	sld [smem:$0x3FA5]  }
0x30: {  	s3 =	sld [smem:$0x3FA8]  }
0x31: {  	[smem:$0x3FB1] =	sst s10  }
0x32: {  	s10 =	sld [smem:$0x3FAF];
	_ =	sdelay $0x3  }
0x33: {  	p0 =	seq.s32 s10, $0x1;
	s10 =	sld [smem:$0x3FB1];
	_ =	sdelay $0x3  }
0x34: {  	[smem:$0x3FB1] =	sst s10  }
0x35: {  	s10 =	sld [smem:$0x3FB0];
	_ =	sdelay $0x3  }
0x36: {  	p1 =	seq.s32 s10, $0x1;
	s10 =	sld [smem:$0x3FB1];
	_ =	sdelay $0x3  }
0x37: {  	[smem:$0x3FB1] =	sst s10  }
0x38: {  	s10 =	sld [smem:$0x3FB2]  }
0x39: {  	_ = 	snop;
	(pc) =	sbr.ind lr, $3  }
0x3a: {  	_ = 	snop  }
0x3b: {  	_ = 	snop  }
0x3c: {  	p2 =	seq.s32 s10, $0x1;
	s10 =	sld [smem:$0x3FB1]  }
0x3d: {  	_ =	shalt  }
0x3e: {  	_ =	shalt  }
0x3f: {  	_ =	shalt  }
0x40: {  	_ =	shalt  }
0x41: {  	_ =	shalt  }
0x42: {  	_ =	shalt  }
0x43: {  	_ =	shalt  }
0x44: {  	_ =	shalt  }
0x45: {  	_ =	shalt  }
0x46: {  	_ =	shalt  }
0x47: {  	_ =	shalt  }
0x48: {  	_ =	shalt  }
0x49: {  	_ =	shalt  }
0x4a: {  	_ =	shalt  }
0x4b: {  	_ =	shalt  }
0x4c: {  	_ =	shalt  }
0x4d: {  	_ =	shalt  }
0x4e: {  	_ =	shalt  }
0x4f: {  	_ =	shalt  }
0x50: {  	_ =	shalt  }
0x51: {  	_ =	shalt  }
0x52: {  	_ =	shalt  }
0x53: {  	_ =	shalt  }
0x54: {  	_ =	shalt  }
0x55: {  	_ =	shalt  }
0x56: {  	_ =	shalt  }
0x57: {  	_ =	shalt  }
0x58: {  	_ =	shalt  }
0x59: {  	_ =	shalt  }
0x5a: {  	_ =	shalt  }
0x5b: {  	_ =	shalt  }
0x5c: {  	_ =	shalt  }
0x5d: {  	_ =	shalt  }
0x5e: {  	_ =	shalt  }
0x5f: {  	_ =	shalt  }
0x60: {  	_ =	shalt  }
0x61: {  	_ =	shalt  }
0x62: {  	_ =	shalt  }
0x63: {  	_ =	shalt  }
0x64: {  	_ =	shalt  }
0x65: {  	_ =	shalt  }
0x66: {  	_ =	shalt  }
0x67: {  	_ =	shalt  }
0x68: {  	_ =	shalt  }
0x69: {  	_ =	shalt  }
0x6a: {  	_ =	shalt  }
0x6b: {  	_ =	shalt  }
0x6c: {  	_ =	shalt  }
0x6d: {  	_ =	shalt  }
0x6e: {  	_ =	shalt  }
0x6f: {  	_ =	shalt  }
0x70: {  	_ =	shalt  }
0x71: {  	_ =	shalt  }
0x72: {  	_ =	shalt  }
0x73: {  	_ =	shalt  }
0x74: {  	_ =	shalt  }
0x75: {  	_ =	shalt  }
0x76: {  	_ =	shalt  }
0x77: {  	_ =	shalt  }
0x78: {  	_ =	shalt  }
0x79: {  	_ =	shalt  }
0x7a: {  	_ =	shalt  }
0x7b: {  	_ =	shalt  }
0x7c: {  	_ =	shalt  }
0x7d: {  	_ =	shalt  }
0x7e: {  	_ =	shalt  }
0x7f: {  	_ =	shalt  }
0x80: {  	_ =	shalt  }
0x81: {  	_ =	shalt  }
0x82: {  	_ =	shalt  }
0x83: {  	_ =	shalt  }
0x84: {  	_ =	shalt  }
0x85: {  	_ =	shalt  }
0x86: {  	_ =	shalt  }
0x87: {  	_ =	shalt  }
.Lfunc_end0:
.L_simem_size_0:
called_computation_lowered:
.L_overlay_start_0:
0x88: {  	s2 =	sld [smem:$0x3FD9]  }
0x89: {  	s3 =	sld [smem:$0x3FFE];
	_ =	sdelay $0x1  }
0x8a: {  	s1 =	srdreg.scid  }
0x8b: {  	s0 =	sand.u32 $0x1, s1  }
0x8c: {  	s17 =	sshll.u32 s0, $0xA;
	s2 =	sadd.s32 s3, s2  }
0x8d: {  	s2 =	sadd.s32 s2, s17  }
0x8e: {  	[smem:$0x3FBD] =	sst s2  }
0x8f: {  	_ = 	snop  }
0x90: {  	(tm) =	ssettm $0x1  }
0x91: {  	s18 =	sld [smem:$0x3FFB];
	_ =	sdelay $0x3  }
0x92: {  	_ =	strace s18  }
0x93: {  	s2 =	sld [smem:$0x3FFC];
	_ =	sdelay $0x3  }
0x94: {  	_ =	strace s2  }
0x95: {  	s2 =	sld [smem:$0x3FFD];
	_ =	sdelay $0x3  }
0x96: {  	_ =	strace s2  }
0x97: {  	_ =	strace $0x8FFFFFFF  }
0x98: {  	s19 =	sld [smem:$0x3FDB];
	_ =	sdelay $0x1  }
0x99: {  	s20 =	simm.s32 $_scs_section_size  }
0x9a: {  	s4 =	simm.s32 $_size__tile_overlayer_lowered;
	s5 =	simm.s32 $_tile_overlayer_lowered  }
0x9b: {  	s6 =	simm.s32 $0x1BFF;
	s21 =	sshll.u32 s5, $0x1;
	s3 =	sadd.s32 s20, s19  }
0x9c: {  	s22 =	simm.s32 $0x0;
	s4 =	sshll.u32 s4, $0x1;
	s5 =	sadd.s32 s21, s3  }
0x9d: {  	[timem:s22], [sflag:s6] =	dma.local [hbm:s5], s4  }
0x9e: {  	_ =	swait.ge [sflag:s6], s4  }
0x9f: {  	s4 =	ssub.s32 $0x0, s4;
	[sflag:s6] =	ssyncset.done $0x0  }
0xa0: {  	[sflag:s6] =	ssyncadd.s32 s4;
	_ =	sdelay $0x1  }
0xa1: {  	s23 =	simm.s32 $0x1B8B  }
0xa2: {  	_ =	swait.ge [sflag:s23], $0x1  }
0xa3: {  	[sflag:s23] =	ssyncset.done $0x0  }
0xa4: {  	[sflag:s23] =	ssyncadd.s32 $0xFFFFFFFF  }
0xa5: {  	s4 =	sld [smem:$0x0]  }
0xa6: {  	s5 =	sand.u32 $0xFFFFFFFE, s1  }
0xa7: {  	p0 =	sne.s32 s1, s5  }
0xa8: {  	s5 =	sshll.u32 @p0 s5, $0xE  }
0xa9: {  	s5 =	sadd.s32 @p0 $0x11B8D, s5;
	s6 =	sshll.u32 @p0 s4, $0x11  }
0xaa: {  	s5 =	sor.u32 @p0 s6, s5  }
0xab: {  	[sflag:s5] =	ssyncadd.remote.s32 @p0 $0x1;
	_ =	sdelay $0x1  }
0xac: {  	s5 =	simm.s32 @p0 $0x1B8D  }
0xad: {  	_ =	swait.eq @p0 [sflag:s5], $0x1  }
0xae: {  	[sflag:s5] =	ssyncadd.s32 @p0 $0xFFFFFFFF  }
0xaf: {  	s6 =	sshll.u32 @!p0 s1, $0xE  }
0xb0: {  	s6 =	sor.u32 @!p0 $0x4000, s6;
	s5 =	simm.s32 @!p0 $0x1B8D  }
0xb1: {  	s4 =	sshll.u32 @!p0 s4, $0x11;
	s6 =	sadd.s32 @!p0 $0x11B8D, s6;
	_ =	swait.eq @!p0 [sflag:s5], $0x1  }
0xb2: {  	s4 =	sor.u32 @!p0 s4, s6;
	[sflag:s5] =	ssyncadd.s32 @!p0 $0xFFFFFFFF  }
0xb3: {  	s25 =	simm.s32 $0x1B8E;
	s24 =	sld [smem:$0x3FFE];
	[sflag:s4] =	ssyncadd.remote.s32 @!p0 $0x1  }
0xb4: {  	s26 =	simm.s32 $execute0_lowered;
	[smem:$0x3FD2] =	sst s25  }
0xb5: {  	s5 =	sshll.u32 s26, $0x1;
	_ =	strace $0x80000049;
	[dreg:$0x1] =	wrdreg $0xFFFFFFFF  }
0xb6: {  	s28 =	simm.s32 $_size_execute0_lowered;
	s3 =	sadd.s32 s3, s5;
	[dreg:$0x0] =	wrdreg $0x0  }
0xb7: {  	s5 =	sshll.u32 s28, $0x1;
	[dreg:$0x2] =	wrdreg s3  }
0xb8: {  	[dreg:$0x3] =	wrdreg s5  }
0xb9: {  	[dreg:$0x4] =	wrdreg $0xC0  }
0xba: {  	_ =	task [dreg:s22], $0x5FFFF  }
0xbb: {  	[dreg:$0x1] =	wrdreg $0xFFFFFFFF  }
0xbc: {  	[dreg:$0x0] =	wrdreg $0x60  }
0xbd: {  	[dreg:$0x2] =	wrdreg s24  }
0xbe: {  	[dreg:$0x3] =	wrdreg $0x9  }
0xbf: {  	_ =	task.clear_ibuf [dreg:s22], $0x4FFFF;
	_ =	strace $0x90000049  }
0xc0: {  	s29 =	simm.s32 $0x9;
	_ =	strace $0x8000004B  }
0xc1: {  	_ =	swait.ge [sflag:s29], $0x1  }
0xc2: {  	[sflag:s29] =	ssyncadd.s32 $0xFFFFFFFF  }
0xc3: {  	_ =	strace $0x9000004B  }
0xc4: {  	_ =	sfence  }
0xc5: {  	s30 =	sld [smem:$0x0];
	_ =	sdelay $0x2  }
0xc6: {  	s31 =	sshll.u32 s1, $0xD;
	s1 =	sshrl.u32 s1, $0x2  }
0xc7: {  	s4 =	sand.u32 $0x4000, s31;
	s1 =	sadd.s32 s1, s30  }
0xc8: {  	s0 =	sor.u32 s4, s0;
	s1 =	sshll.u32 s1, $0x11  }
0xc9: {  	s0 =	sor.u32 s1, s0  }
0xca: {  	s0 =	sadd.s32 $0x8F2B, s0  }
0xcb: {  	[sflag:s0] =	ssyncadd.remote.s32 $0x1  }
0xcc: {  	_ =	sfence.sel $0xFFFF  }
0xcd: {  	[dreg:$0x0] =	wrdreg $0xFFFFFFFF;
	(pc) =	sbr.abs _section_cstart, $3  }
0xce: {  	[dreg:$0x1] =	wrdreg $0xFFFFFFFF  }
0xcf: {  	_ =	task.clear_ibuf [dreg:s22], $0x2FFFF;
	_ =	strace $0x9FFFFFFF  }
0xd0: {  	(tm) =	ssettm $0x7FFFFFFF  }
0xd1: {  	_ =	shalt  }
tec
execute0_lowered:
.L_overlay_start_1:
0x0: {  	(tag) =	ssettag $0x1  }
0x1: {  	s0 =	srdreg.scid  }
0x2: {  	s4 =	rddreg [dreg:$0x0];
	s2 =	simm.s32 $0x0;
	s3 =	sand.u32 $0x1, s0  }
0x3: {  	s8 =	simm.s32 $0x80;
	s0 =	stileid.u32;
	s1 =	sshll.u32 s3, $0x4  }
0x4: {  	s9 =	simm.s32 $0x400;
	s10 =	simm.s32 $0x2;
	s5 =	sor.u32 s0, s1  }
0x5: {  	s11 =	simm.s32 $0x0;
	[smem:$0x7FF] =	sst s2;
	s6 =	sshrl.u32 s5, $0x3  }
0x6: {  	s7 =	sshll.u32 s0, $0x7;
	s3 =	ssub.s32 $0x2, s3;
	s6 =	smul.u32 $0x13C00, s6  }
0x7: {  	s1 =	rddreg [dreg:$0x1];
	s7 =	sand.u32 $0x380, s7;
	s5 =	smul.u32 $0x4E2, s5  }
0x8: {  	_ =	strace $0x8000004A;
	s30 =	sshrl.u32 s3, $0x1;
	s6 =	sor.u32 s7, s6  }
0x9: {  	s31 =	ssub.s32 s3, s30;
	s5 =	sadd.s32 s5, s4;
	s6 =	sshrl.u32 s6, $0x3  }
0xa: {  	s3 =	sadd.s32 $0x2A00, s5;
	s5 =	smax.u32 s31, $0x1;
	s4 =	sadd.s32 s6, s4  }
0xb: {  	v0 =	vimm.f32 $0.0e+00;
	v1 =	vimm.f32 $1.000000000e+00;
	s7 =	simm.s32 $0x2780;
	s6 =	simm.s32 $0x1;
	s4 =	sadd.s32 $0x53D200, s4  }
.LBB2_1:
0xc: {  	[tilespmem:s2], [sflag:$0x1] =	stream.linear.gather [hbm4b:s3+s2], $0x2710, $0x38;
	[tilespmem:$0x4F00] =	vst v63  }
0xd: {  	s12 =	simm.s32 $0x40;
	s13 =	simm.s32 $0x0  }
.LBB2_2:
0xe: {  	p0 =	sne.s32 s12, $0x9C00;
	[tilespmem:s13+$0x2780] =	vst v0;
	s13 =	smov.u32 s12;
	s12 =	sadd.s32 $0x40, s12  }
.Ltmp0:
0xf: {  	(pc) =	sbr.rel @p0 .LBB2_2-.Ltmp0, $2  }
0x10: {  	_ =	sdelay $0x2  }
0x11: {  	s13 =	sshra.s32 s13, $0x2  }
0x12: {  	[tilespmem:s13+$0x2780] =	vst v0  }
0x13: {  	_ =	swait.ge [sflag:s6], $0x2710  }
0x14: {  	[sflag:s6] =	ssyncset.done $0x0  }
0x15: {  	s13 =	simm.s32 $0x0;
	s12 =	simm.s32 $0x40;
	[sflag:s6] =	ssyncadd.s32 $0xFFFFD8F0  }
.LBB2_4:
0x16: {  	p0 =	sne.s32 s12, $0x9C00;
	v2 =	vld [tilespmem:s13+$0x0];
	_ =	sdelay $0x3  }
.Ltmp1:
0x17: {  	(pc) =	sbr.rel @p0 .LBB2_4-.Ltmp1, $2  }
0x18: {  	_ =	sdelay $0x2  }
0x19: {  	s13 =	sshra.s32 s12, $0x2;
	s12 =	sadd.s32 $0x40, s12;
	[tilespmem:v2+s7+$0x0] =	vst.idx.add.f32.msk $0xffff, v1  }
0x1a: {  	v2 =	vld [tilespmem:s13+$0x0];
	_ =	sdelay $0x5  }
0x1b: {  	s11 =	sadd.s32 $0x1, s11  }
0x1c: {  	p0 =	sne.s32 s11, s5  }
.Ltmp2:
0x1d: {  	[tilespmem:v2+s7+$0x0] =	vst.idx.add.f32.msk $0xffff, v1;
	(pc) =	sbr.rel @p0 .LBB2_1-.Ltmp2, $4  }
0x1e: {  	[hbm4b:s4+s8] =	stream.strided.scatter [tilespmem:s7], [sflag:$0x2], $0x2780, s9, s8, $0x38;
	[tilespmem:$0x4F00] =	vst v63  }
0x1f: {  	_ =	swait.ge [sflag:s10], $0x2780  }
0x20: {  	[sflag:s10] =	ssyncset.done $0x0  }
0x21: {  	[sflag:s10] =	ssyncadd.s32 $0xFFFFD880  }
0x22: {  	_ =	sfence.sel $0x180000  }
0x23: {  	[bflag:$0x0] =	sbarrier.arrive $0xFFFF  }
0x24: {  	p0 =	sne.s32 s0, $0x0;
	_ =	strace $0x9000004A  }
0x25: {  	s0 =	sadd.s32 @!p0 $0x100000, s1;
	[bflag:$0x2] =	sbarrier.arrive $0xFFFF  }
0x26: {  	[sflag:s0] =	ssyncadd.tile.s32 @!p0 $0x1;
	_ =	shalt  }
.Lfunc_end2:
_tile_overlayer_lowered:
.L_overlay_start_2:
0x27: {  	(tag) =	ssettag $0x2  }
0x28: {  	s0 =	rddreg [dreg:$0x0];
	s2 =	stileid.u32  }
0x29: {  	s1 =	rddreg [dreg:$0x1];
	p0 =	sne.s32 s2, $0x0  }
0x2a: {  	s3 =	rddreg [dreg:$0x2];
	[bflag:$0x3] =	sbarrier.arrive $0xFFFF;
	s2 =	simm.s32 @!p0 $0x1C02  }
0x2b: {  	[timem:s3], [sflag:s2] =	dma.local @!p0 [hbm:s0], s1  }
0x2c: {  	s0 =	simm.s32 @!p0 $0x2  }
0x2d: {  	_ =	swait.ge @!p0 [sflag:s0], s1  }
0x2e: {  	s1 =	ssub.s32 @!p0 $0x0, s1;
	[sflag:s0] =	ssyncset.done @!p0 $0x0  }
0x2f: {  	[sflag:s0] =	ssyncadd.s32 @!p0 s1  }
0x30: {  	[bflag:$0x3] =	sbarrier.arrive $0xFFFF  }
0x31: {  	_ =	shalt  }

// kernel: kernel.15.cloned.1.call-start
scs
__scs_entry_jumppad:
0x0: {  	(pc) =	sbr.rel $0x88, $3  }
0x1: {  	(tag) =	ssettag $0x0;
	lr =	simm.s32 $0x1  }
0x2: {  	[smem:$0x3F96] =	sst lr;
	_ =	strace $0xD0000000  }
0x3: {  	_ = 	snop  }
0x4: {  	_ = 	snop  }
0x5: {  	_ = 	snop  }
0x6: {  	_ = 	snop  }
0x7: {  	_ = 	snop  }
__scs_overlays_trampoline_lowered:
0x8: {  	[smem:$0x3FA5] =	sst s0  }
0x9: {  	[smem:$0x3FA6] =	sst s1  }
0xa: {  	[smem:$0x3FA7] =	sst s2  }
0xb: {  	[smem:$0x3FA8] =	sst s3  }
0xc: {  	[smem:$0x3FA9] =	sst s4  }
0xd: {  	[smem:$0x3FAA] =	sst s5  }
0xe: {  	[smem:$0x3FAB] =	sst s6  }
0xf: {  	[smem:$0x3FAC] =	sst s7  }
0x10: {  	[smem:$0x3FAD] =	sst s8  }
0x11: {  	[smem:$0x3FAE] =	sst s9;
	s0 =	simm.s32 @!p0 $0x0  }
0x12: {  	s1 =	sld [smem:$0x3F94];
	s0 =	simm.s32 @p0 $0x1  }
0x13: {  	[smem:$0x3FAF] =	sst s0;
	s0 =	simm.s32 @!p1 $0x0  }
0x14: {  	s2 =	sld [smem:$0x3F93];
	s0 =	simm.s32 @p1 $0x1  }
0x15: {  	[smem:$0x3FB0] =	sst s0;
	s0 =	simm.s32 @!p2 $0x0  }
0x16: {  	s3 =	sld [smem:$0x3FDB];
	s0 =	simm.s32 @p2 $0x1  }
0x17: {  	s4 =	simm.s32 $0x1BF5;
	[smem:$0x3FB2] =	sst s0  }
0x18: {  	s0 =	sld [smem:$0x3F95];
	_ =	swait.ge [sflag:s4], $0x0  }
0x19: {  	s7 =	sld [smem:$0x3F96]  }
0x1a: {  	s8 =	sadd.s32 $0xFFFFE003, lr  }
0x1b: {  	s9 =	sadd.s32 $0xFFFFFEF7, lr;
	s5 =	simm.s32 $0xFFFFFFFF;
	p2 =	slt.u32 s8, $0xFFFFF086  }
0x1c: {  	p1 =	slt.u32 s9, $0xF7A;
	s5 =	simm.s32 @!p2 $0x0  }
0x1d: {  	s5 =	simm.s32 @p1 $0x1;
	p0 =	seq.s32 s7, s2  }
0x1e: {  	s7 =	smul.u32 @!p0 $0xF7A, s2;
	p2 =	seq.s32 @!p0 s5, $0x0  }
0x1f: {  	s9 =	smul.u32 $0xF7A, s1;
	s8 =	simm.s32 @!p0 $0x1BF5;
	p2 =	por !p2, p0  }
0x20: {  	[sflag:s8] =	ssyncset.s32 @!p0 $0xFFFFF086;
	s6 =	sadd.s32 @!p0 s3, s7;
	s7 =	simm.s32 @!p0 $0x108  }
0x21: {  	s3 =	sadd.s32 s3, s9;
	s6 =	sadd.s32 @!p0 $0x88, s6;
	s7 =	simm.s32 @p2 $0x1082  }
0x22: {  	[simem:s7], [sflag:s8] =	dma.local @!p0 [hbm:s6], $0xF7A  }
0x23: {  	s9 =	sor.u32 $0xD0000000, s2;
	s6 =	simm.s32 $0x108;
	_ =	swait.ge @!p0 [sflag:s8], $0x0  }
0x24: {  	s3 =	sadd.s32 $0x88, s3;
	s6 =	simm.s32 @!p1 $0x1082;
	[sflag:s4] =	ssyncset.s32 $0xFFFFF086  }
0x25: {  	[simem:s6], [sflag:s4] =	dma.local [hbm:s3], $0xF7A  }
0x26: {  	[smem:$0x3F96] =	sst s1;
	(tag) =	ssettag s2;
	_ =	strace s9  }
0x27: {  	s1 =	sld [smem:$0x3FA6]  }
0x28: {  	s2 =	sld [smem:$0x3FA7]  }
0x29: {  	s4 =	sld [smem:$0x3FA9]  }
0x2a: {  	p0 =	seq.s32 s5, $0x0;
	s5 =	sld [smem:$0x3FAA]  }
0x2b: {  	s6 =	sld [smem:$0x3FAB]  }
0x2c: {  	s7 =	sld [smem:$0x3FAC]  }
0x2d: {  	s3 =	simm.s32 $0x108;
	s8 =	sld [smem:$0x3FAD]  }
0x2e: {  	s3 =	simm.s32 @!p0 $0x1082;
	s9 =	sld [smem:$0x3FAE]  }
0x2f: {  	lr =	sadd.s32 s0, s3;
	s0 =	sld [smem:$0x3FA5]  }
0x30: {  	s3 =	sld [smem:$0x3FA8]  }
0x31: {  	[smem:$0x3FB1] =	sst s10  }
0x32: {  	s10 =	sld [smem:$0x3FAF];
	_ =	sdelay $0x3  }
0x33: {  	p0 =	seq.s32 s10, $0x1;
	s10 =	sld [smem:$0x3FB1];
	_ =	sdelay $0x3  }
0x34: {  	[smem:$0x3FB1] =	sst s10  }
0x35: {  	s10 =	sld [smem:$0x3FB0];
	_ =	sdelay $0x3  }
0x36: {  	p1 =	seq.s32 s10, $0x1;
	s10 =	sld [smem:$0x3FB1];
	_ =	sdelay $0x3  }
0x37: {  	[smem:$0x3FB1] =	sst s10  }
0x38: {  	s10 =	sld [smem:$0x3FB2]  }
0x39: {  	_ = 	snop;
	(pc) =	sbr.ind lr, $3  }
0x3a: {  	_ = 	snop  }
0x3b: {  	_ = 	snop  }
0x3c: {  	p2 =	seq.s32 s10, $0x1;
	s10 =	sld [smem:$0x3FB1]  }
0x3d: {  	_ =	shalt  }
0x3e: {  	_ =	shalt  }
0x3f: {  	_ =	shalt  }
0x40: {  	_ =	shalt  }
0x41: {  	_ =	shalt  }
0x42: {  	_ =	shalt  }
0x43: {  	_ =	shalt  }
0x44: {  	_ =	shalt  }
0x45: {  	_ =	shalt  }
0x46: {  	_ =	shalt  }
0x47: {  	_ =	shalt  }
0x48: {  	_ =	shalt  }
0x49: {  	_ =	shalt  }
0x4a: {  	_ =	shalt  }
0x4b: {  	_ =	shalt  }
0x4c: {  	_ =	shalt  }
0x4d: {  	_ =	shalt  }
0x4e: {  	_ =	shalt  }
0x4f: {  	_ =	shalt  }
0x50: {  	_ =	shalt  }
0x51: {  	_ =	shalt  }
0x52: {  	_ =	shalt  }
0x53: {  	_ =	shalt  }
0x54: {  	_ =	shalt  }
0x55: {  	_ =	shalt  }
0x56: {  	_ =	shalt  }
0x57: {  	_ =	shalt  }
0x58: {  	_ =	shalt  }
0x59: {  	_ =	shalt  }
0x5a: {  	_ =	shalt  }
0x5b: {  	_ =	shalt  }
0x5c: {  	_ =	shalt  }
0x5d: {  	_ =	shalt  }
0x5e: {  	_ =	shalt  }
0x5f: {  	_ =	shalt  }
0x60: {  	_ =	shalt  }
0x61: {  	_ =	shalt  }
0x62: {  	_ =	shalt  }
0x63: {  	_ =	shalt  }
0x64: {  	_ =	shalt  }
0x65: {  	_ =	shalt  }
0x66: {  	_ =	shalt  }
0x67: {  	_ =	shalt  }
0x68: {  	_ =	shalt  }
0x69: {  	_ =	shalt  }
0x6a: {  	_ =	shalt  }
0x6b: {  	_ =	shalt  }
0x6c: {  	_ =	shalt  }
0x6d: {  	_ =	shalt  }
0x6e: {  	_ =	shalt  }
0x6f: {  	_ =	shalt  }
0x70: {  	_ =	shalt  }
0x71: {  	_ =	shalt  }
0x72: {  	_ =	shalt  }
0x73: {  	_ =	shalt  }
0x74: {  	_ =	shalt  }
0x75: {  	_ =	shalt  }
0x76: {  	_ =	shalt  }
0x77: {  	_ =	shalt  }
0x78: {  	_ =	shalt  }
0x79: {  	_ =	shalt  }
0x7a: {  	_ =	shalt  }
0x7b: {  	_ =	shalt  }
0x7c: {  	_ =	shalt  }
0x7d: {  	_ =	shalt  }
0x7e: {  	_ =	shalt  }
0x7f: {  	_ =	shalt  }
0x80: {  	_ =	shalt  }
0x81: {  	_ =	shalt  }
0x82: {  	_ =	shalt  }
0x83: {  	_ =	shalt  }
0x84: {  	_ =	shalt  }
0x85: {  	_ =	shalt  }
0x86: {  	_ =	shalt  }
0x87: {  	_ =	shalt  }
.Lfunc_end0:
.L_simem_size_0:
called_computation.1_lowered:
.L_overlay_start_0:
0x88: {  	s2 =	sld [smem:$0x3FD9]  }
0x89: {  	s3 =	sld [smem:$0x3FFE];
	_ =	sdelay $0x1  }
0x8a: {  	s1 =	srdreg.scid  }
0x8b: {  	s0 =	sand.u32 $0x1, s1  }
0x8c: {  	s17 =	sshll.u32 s0, $0xA;
	s2 =	sadd.s32 s3, s2  }
0x8d: {  	s2 =	sadd.s32 s2, s17  }
0x8e: {  	[smem:$0x3FBD] =	sst s2  }
0x8f: {  	_ = 	snop  }
0x90: {  	s2 =	sld [smem:$0x3FC9]  }
0x91: {  	s18 =	sld [smem:$0x3FD0];
	(tm) =	ssettm $0x1  }
0x92: {  	s4 =	sld [smem:$0x3FFB];
	_ =	sdelay $0x3  }
0x93: {  	_ =	strace s4  }
0x94: {  	s4 =	sld [smem:$0x3FFC];
	_ =	sdelay $0x3  }
0x95: {  	_ =	strace s4  }
0x96: {  	s4 =	sld [smem:$0x3FFD];
	_ =	sdelay $0x3  }
0x97: {  	_ =	strace s4  }
0x98: {  	_ =	strace $0x8FFFFFFF  }
0x99: {  	s19 =	sld [smem:$0x3FDB];
	_ =	sdelay $0x1  }
0x9a: {  	s5 =	simm.s32 $_scs_section_size  }
0x9b: {  	s6 =	simm.s32 $_size__tile_overlayer_lowered;
	s7 =	simm.s32 $_tile_overlayer_lowered  }
0x9c: {  	s22 =	simm.s32 $0x1BFF;
	s21 =	sshll.u32 s7, $0x1;
	s4 =	sadd.s32 s5, s19  }
0x9d: {  	s8 =	simm.s32 $0x0;
	s20 =	sshll.u32 s6, $0x1;
	s6 =	sadd.s32 s21, s4  }
0x9e: {  	[timem:s8], [sflag:s22] =	dma.local [hbm:s6], s20  }
0x9f: {  	_ =	swait.ge [sflag:s22], s20  }
0xa0: {  	s5 =	ssub.s32 $0x0, s20;
	[sflag:s22] =	ssyncset.done $0x0  }
0xa1: {  	[sflag:s22] =	ssyncadd.s32 s5;
	_ =	sdelay $0x1  }
0xa2: {  	s23 =	simm.s32 $0x1B8B  }
0xa3: {  	_ =	swait.ge [sflag:s23], $0x1  }
0xa4: {  	[sflag:s23] =	ssyncset.done $0x0  }
0xa5: {  	s25 =	simm.s32 $0x1B8E;
	s24 =	sld [smem:$0x3FFE];
	[sflag:s23] =	ssyncadd.s32 $0xFFFFFFFF  }
0xa6: {  	s26 =	simm.s32 $execute0_lowered;
	[smem:$0x3FD2] =	sst s25  }
0xa7: {  	s6 =	sshll.u32 s26, $0x1;
	_ =	strace $0x80000046;
	[dreg:$0x1] =	wrdreg $0xFFFFFFFF  }
0xa8: {  	s28 =	simm.s32 $_size_execute0_lowered;
	s4 =	sadd.s32 s4, s6;
	[dreg:$0x0] =	wrdreg $0x0  }
0xa9: {  	s6 =	sshll.u32 s28, $0x1;
	[dreg:$0x2] =	wrdreg s4  }
0xaa: {  	[dreg:$0x3] =	wrdreg s6  }
0xab: {  	[dreg:$0x4] =	wrdreg $0xC0  }
0xac: {  	_ =	task [dreg:s8], $0x5FFFF  }
0xad: {  	[dreg:$0x1] =	wrdreg $0xFFFFFFFF  }
0xae: {  	[dreg:$0x0] =	wrdreg $0x60  }
0xaf: {  	[dreg:$0x2] =	wrdreg s2  }
0xb0: {  	[dreg:$0x3] =	wrdreg s24  }
0xb1: {  	[dreg:$0x4] =	wrdreg s18  }
0xb2: {  	[dreg:$0x5] =	wrdreg $0x82000  }
0xb3: {  	[dreg:$0x6] =	wrdreg $0xA  }
0xb4: {  	_ =	task.clear_ibuf [dreg:s8], $0x7FFFF;
	_ =	strace $0x90000046  }
0xb5: {  	s29 =	simm.s32 $0xA;
	_ =	strace $0x80000048  }
0xb6: {  	_ =	swait.ge [sflag:s29], $0x1  }
0xb7: {  	[sflag:s29] =	ssyncadd.s32 $0xFFFFFFFF  }
0xb8: {  	_ =	strace $0x90000048  }
0xb9: {  	_ =	sfence  }
0xba: {  	s30 =	sld [smem:$0x0];
	_ =	sdelay $0x2  }
0xbb: {  	s31 =	sshll.u32 s1, $0xD;
	s1 =	sshrl.u32 s1, $0x2  }
0xbc: {  	s3 =	sand.u32 $0x4000, s31;
	s1 =	sadd.s32 s1, s30  }
0xbd: {  	s0 =	sor.u32 s3, s0;
	s1 =	sshll.u32 s1, $0x11  }
0xbe: {  	s0 =	sor.u32 s1, s0  }
0xbf: {  	s0 =	sadd.s32 $0x8F2B, s0  }
0xc0: {  	[sflag:s0] =	ssyncadd.remote.s32 $0x1  }
0xc1: {  	_ =	sfence.sel $0xFFFF  }
0xc2: {  	[dreg:$0x0] =	wrdreg $0xFFFFFFFF;
	(pc) =	sbr.abs _section_cstart, $3  }
0xc3: {  	[dreg:$0x1] =	wrdreg $0xFFFFFFFF  }
0xc4: {  	_ =	task.clear_ibuf [dreg:s8], $0x2FFFF;
	_ =	strace $0x9FFFFFFF  }
0xc5: {  	(tm) =	ssettm $0x7FFFFFFF  }
tec
execute0_lowered:
.L_overlay_start_1:
0x0: {  	(tag) =	ssettag $0x1  }
0x1: {  	s1 =	rddreg [dreg:$0x0]  }
0x2: {  	s0 =	rddreg [dreg:$0x1]  }
0x3: {  	s2 =	rddreg [dreg:$0x2]  }
0x4: {  	s3 =	rddreg [dreg:$0x3];
	s4 =	simm.s32 $0x0;
	s5 =	srdreg.scid  }
0x5: {  	s19 =	stileid.u32;
	s28 =	simm.s32 $0x7;
	s29 =	simm.s32 $0x1  }
0x6: {  	s31 =	simm.s32 $0x3;
	[smem:$0x7FF] =	sst s4;
	s6 =	sadd.s32 $0xC800, s0  }
0x7: {  	s7 =	sadd.s32 $0x4EE800, s0;
	s5 =	sand.u32 $0x1, s5;
	s0 =	sadd.s32 $0x4EF000, s0  }
0x8: {  	s13 =	sshll.u32 s19, $0xE;
	s23 =	sshll.u32 s19, $0x6;
	_ =	strace $0x80000047  }
0x9: {  	s8 =	ssub.s32 $0x2, s5;
	s9 =	sshll.u32 s5, $0x4;
	s22 =	sadd.s32 s13, s3  }
0xa: {  	s24 =	sor.u32 $0x40000, s13;
	s14 =	sor.u32 $0x80000, s13;
	s26 =	sor.u32 $0xC0000, s13  }
0xb: {  	s17 =	sor.u32 $0x100000, s13;
	s5 =	smul.u32 $0x138800, s5;
	s10 =	sshrl.u32 s8, $0x1  }
0xc: {  	s9 =	sor.u32 s19, s9;
	[dreg:$0x5] =	wrdreg s22;
	s15 =	sadd.s32 s24, s3  }
0xd: {  	s25 =	sadd.s32 s14, s3;
	s16 =	sadd.s32 s26, s3;
	[dreg:$0x6] =	wrdreg s15  }
0xe: {  	s30 =	sadd.s32 s17, s3;
	s10 =	ssub.s32 s8, s10;
	[dreg:$0x7] =	wrdreg s25  }
0xf: {  	s11 =	smul.u32 $0x9C, s9;
	s12 =	smin.u32 s9, $0x8;
	[dreg:$0x8] =	wrdreg s16  }
0x10: {  	p0 =	slt.u32 s9, $0x8;
	s8 =	simm.s32 $0x9D;
	[dreg:$0x9] =	wrdreg s30  }
0x11: {  	s16 =	sadd.s32 $0x138000, s3;
	s13 =	sadd.s32 s5, s13;
	s14 =	sadd.s32 s5, s14  }
0x12: {  	s20 =	sadd.s32 s5, s26;
	s21 =	sadd.s32 s5, s17;
	s15 =	simm.s32 $0x6200  }
0x13: {  	s8 =	simm.s32 @!p0 $0x9C;
	s13 =	sshrl.u32 s13, $0x3;
	s22 =	sshrl.u32 s20, $0x3  }
0x14: {  	p0 =	sgt.u32 s19, $0xD;
	s26 =	smax.u32 s10, $0x1;
	s10 =	simm.s32 $0x80  }
0x15: {  	s9 =	sadd.s32 s12, s11;
	s11 =	sor.u32 $0x1C07, s23;
	s12 =	sadd.s32 s5, s24  }
0x16: {  	s13 =	sadd.s32 s0, s13;
	s23 =	sshrl.u32 s21, $0x3;
	s5 =	sshrl.u32 s5, $0x3  }
0x17: {  	p2 =	sne.s32 @!p0 s19, $0x0;
	[dreg:$0x12] =	wrdreg s26;
	s18 =	sshll.u32 s9, $0x5  }
0x18: {  	s12 =	sshrl.u32 s12, $0x3;
	[dreg:$0xb] =	wrdreg s13;
	s24 =	sadd.s32 s0, s23  }
0x19: {  	s25 =	sshll.u32 s9, $0xA;
	p1 =	por p2, p0;
	p2 =	por !p2, p0  }
0x1a: {  	s13 =	simm.s32 $0x4;
	s12 =	sadd.s32 s0, s12;
	[dreg:$0xf] =	wrdreg s24  }
0x1b: {  	s18 =	sadd.s32 s2, s18;
	[dreg:$0xc] =	wrdreg s12;
	s12 =	sshrl.u32 s14, $0x3  }
0x1c: {  	[dreg:$0xa] =	wrdreg s18;
	s30 =	sadd.s32 $0x20, s18;
	s14 =	simm.s32 $0x180  }
.Ltmp0:
0x1d: {  	s12 =	sadd.s32 s0, s12;
	[dreg:$0x13] =	wrdreg s30;
	(pc) =	sbr.rel .LBB2_1-.Ltmp0, $4  }
0x1e: {  	s18 =	simm.s32 $0x0;
	[dreg:$0xd] =	wrdreg s12;
	s12 =	sadd.s32 s0, s22  }
0x1f: {  	s0 =	sadd.s32 s0, s5;
	s5 =	sadd.s32 s6, s25;
	[dreg:$0xe] =	wrdreg s12  }
0x20: {  	[dreg:$0x10] =	wrdreg s5;
	s0 =	sadd.s32 $0x27000, s0;
	s5 =	simm.s32 $0x4200  }
0x21: {  	s12 =	simm.s32 $0x2;
	[dreg:$0x11] =	wrdreg s0;
	s0 =	simm.s32 $0x40  }
.LBB2_11:
0x22: {  	[bflag:$0x0] =	sbarrier.arrive $0xFFFF  }
0x23: {  	s23 =	rddreg [dreg:$0xb]  }
0x24: {  	[hbm:s23], [sflag:s11] =	dma.local [spmem:s19], $0x800  }
0x25: {  	_ =	swait.ge [sflag:s28], $0x800  }
0x26: {  	[sflag:s28] =	ssyncset.done $0x0  }
0x27: {  	s24 =	rddreg [dreg:$0xc];
	[sflag:s28] =	ssyncadd.s32 $0xFFFFF800  }
0x28: {  	[hbm:s24], [sflag:s11] =	dma.local [spmem:s20], $0x800  }
0x29: {  	_ =	swait.ge [sflag:s28], $0x800  }
0x2a: {  	[sflag:s28] =	ssyncset.done $0x0  }
0x2b: {  	s25 =	rddreg [dreg:$0xd];
	[sflag:s28] =	ssyncadd.s32 $0xFFFFF800  }
0x2c: {  	[hbm:s25], [sflag:s11] =	dma.local [spmem:s17], $0x800  }
0x2d: {  	_ =	swait.ge [sflag:s28], $0x800  }
0x2e: {  	[sflag:s28] =	ssyncset.done $0x0  }
0x2f: {  	s26 =	rddreg [dreg:$0xe];
	[sflag:s28] =	ssyncadd.s32 $0xFFFFF800  }
0x30: {  	[hbm:s26], [sflag:s11] =	dma.local [spmem:s21], $0x800  }
0x31: {  	_ =	swait.ge [sflag:s28], $0x800  }
0x32: {  	[sflag:s28] =	ssyncset.done $0x0  }
0x33: {  	s17 =	rddreg [dreg:$0xf];
	[sflag:s28] =	ssyncadd.s32 $0xFFFFF800  }
0x34: {  	[hbm:s17], [sflag:s11] =	dma.local @!p0 [spmem:s22], $0x800  }
0x35: {  	s17 =	simm.s32 @!p0 $0x7  }
0x36: {  	_ =	swait.ge @!p0 [sflag:s17], $0x800  }
0x37: {  	[sflag:s17] =	ssyncset.done @!p0 $0x0  }
0x38: {  	s19 =	rddreg [dreg:$0x11];
	[sflag:s17] =	ssyncadd.s32 @!p0 $0xFFFFF800;
	s17 =	sshrl.u32 @p3 s16, $0x3  }
0x39: {  	[hbm:s19], [sflag:s11] =	dma.local @p3 [spmem:s17], $0x100  }
0x3a: {  	s17 =	simm.s32 @p3 $0x7  }
0x3b: {  	_ =	swait.ge @p3 [sflag:s17], $0x100  }
0x3c: {  	s18 =	sadd.s32 $0x1, s18;
	s30 =	rddreg [dreg:$0x12]  }
0x3d: {  	p4 =	sne.s32 s18, s30  }
.Ltmp1:
0x3e: {  	_ = 	snop;
	(pc) =	sbr.rel @!p4 .LBB2_12-.Ltmp1, $3  }
0x3f: {  	_ =	sdelay $0x1  }
0x40: {  	[sflag:s17] =	ssyncset.done @p3 $0x0  }
0x41: {  	[sflag:s17] =	ssyncadd.s32 @p3 $0xFFFFFF00  }
.LBB2_1:
0x42: {  	s17 =	rddreg [dreg:$0x5]  }
0x43: {  	s19 =	sshrl.u32 s17, $0x3  }
0x44: {  	[spmem:s19], [sflag:s11] =	dma.local [hbm:s7], $0x800  }
0x45: {  	_ =	swait.ge [sflag:s28], $0x800  }
0x46: {  	[sflag:s28] =	ssyncset.done $0x0;
	s24 =	rddreg [dreg:$0x6]  }
0x47: {  	[sflag:s28] =	ssyncadd.s32 $0xFFFFF800;
	s20 =	sshrl.u32 s24, $0x3  }
0x48: {  	[spmem:s20], [sflag:s11] =	dma.local [hbm:s7], $0x800  }
0x49: {  	_ =	swait.ge [sflag:s28], $0x800  }
0x4a: {  	[sflag:s28] =	ssyncset.done $0x0;
	s25 =	rddreg [dreg:$0x7]  }
0x4b: {  	[sflag:s28] =	ssyncadd.s32 $0xFFFFF800;
	s17 =	sshrl.u32 s25, $0x3  }
0x4c: {  	[spmem:s17], [sflag:s11] =	dma.local [hbm:s7], $0x800  }
0x4d: {  	_ =	swait.ge [sflag:s28], $0x800  }
0x4e: {  	[sflag:s28] =	ssyncset.done $0x0;
	s21 =	rddreg [dreg:$0x8]  }
0x4f: {  	[sflag:s28] =	ssyncadd.s32 $0xFFFFF800;
	s21 =	sshrl.u32 s21, $0x3  }
0x50: {  	[spmem:s21], [sflag:s11] =	dma.local [hbm:s7], $0x800  }
0x51: {  	_ =	swait.ge [sflag:s28], $0x800  }
0x52: {  	[sflag:s28] =	ssyncset.done $0x0;
	s22 =	rddreg [dreg:$0x9]  }
0x53: {  	s23 =	simm.s32 @!p0 $0x7;
	[sflag:s28] =	ssyncadd.s32 $0xFFFFF800;
	s22 =	sshrl.u32 @!p0 s22, $0x3  }
0x54: {  	[spmem:s22], [sflag:s11] =	dma.local @!p0 [hbm:s7], $0x800  }
0x55: {  	_ =	swait.ge @!p0 [sflag:s23], $0x800  }
0x56: {  	[sflag:s23] =	ssyncset.done @!p0 $0x0  }
0x57: {  	[sflag:s23] =	ssyncadd.s32 @!p0 $0xFFFFF800;
	s23 =	sshrl.u32 @!p1 s16, $0x3  }
0x58: {  	[spmem:s23], [sflag:s11] =	dma.local @!p1 [hbm:s7], $0x100  }
0x59: {  	s23 =	simm.s32 @!p1 $0x7  }
0x5a: {  	_ =	swait.ge @!p1 [sflag:s23], $0x100  }
0x5b: {  	[sflag:s23] =	ssyncset.done @!p1 $0x0  }
0x5c: {  	[sflag:s23] =	ssyncadd.s32 @!p1 $0xFFFFFF00  }
0x5d: {  	[bflag:$0x0] =	sbarrier.arrive $0xFFFF  }
0x5e: {  	p3 =	por @!p0 $0x0, $0x0;
	p4 =	por @!p1 $0x1, $0x1;
	s26 =	rddreg [dreg:$0xa]  }
0x5f: {  	[tilespmem:s4], [sflag:$0x5] =	stream.linear.gather [hbm4b:s26+s4], $0x100, $0x38;
	[tilespmem:$0x1BA80] =	vst v63  }
0x60: {  	s24 =	simm.s32 $0x100;
	s25 =	simm.s32 $0x5;
	s30 =	rddreg [dreg:$0x13]  }
0x61: {  	[tilespmem:s24], [sflag:$0x6] =	stream.linear.gather [hbm4b:s30+s4], $0x100, $0x38;
	[tilespmem:$0x1BA80] =	vst v63  }
0x62: {  	p4 =	por @!p2 p3, p3;
	_ =	swait.ge [sflag:s25], $0x100  }
.Ltmp2:
0x63: {  	p3 =	por $0x0, $0x0;
	[sflag:s25] =	ssyncset.done $0x0;
	(pc) =	sbr.rel .LBB2_2-.Ltmp2, $4  }
0x64: {  	s30 =	simm.s32 $0x200;
	s26 =	rddreg [dreg:$0x10];
	[sflag:s25] =	ssyncadd.s32 $0xFFFFFF00  }
0x65: {  	[tilespmem:s30], [sflag:$0x1] =	stream.linear.gather [hbm4b:s26+s4], $0x2000, $0x38;
	[tilespmem:$0x1BA80] =	vst v63  }
0x66: {  	p3 =	por @!p0 p4, p4;
	s23 =	simm.s32 $0x0  }
0x67: {  	[tilespmem:s5], [sflag:$0x3] =	stream.indirect.gather [hbm4b:s1+s0], $0x80, s4, s0, $0xb8;
	[tilespmem:$0x1BA80] =	vst v63  }
.LBB2_10:
0x68: {  	s24 =	sadd.s32 $0x3, s24  }
0x69: {  	p4 =	sge.u32 s24, s8  }
0x6a: {  	s24 =	sadd.s32 @!p4 s9, s24  }
0x6b: {  	s24 =	sshll.u32 @!p4 s24, $0x5  }
0x6c: {  	s23 =	sadd.s32 $0x1, s23;
	s24 =	sand.u32 @!p4 $0x1FFFFFE0, s24  }
0x6d: {  	s25 =	simm.s32 @!p4 $0x0;
	s26 =	simm.s32 @!p4 $0x100;
	s24 =	sadd.s32 @!p4 s2, s24  }
0x6e: {  	[tilespmem:s26], [sflag:$0x6] =	stream.linear.gather @!p4 [hbm4b:s24+s25], $0x100, $0x38;
	[tilespmem:$0x1BA80] =	vst v63  }
0x6f: {  	p4 =	sne.s32 s23, $0x4F  }
.Ltmp3:
0x70: {  	_ = 	snop;
	(pc) =	sbr.rel @!p4 .LBB2_11-.Ltmp3, $1  }
0x71: {  	_ =	sdelay $0x3  }
.LBB2_2:
0x72: {  	s24 =	sshllo.u32 s23, $0x1  }
0x73: {  	p4 =	sge.u32 s24, s8  }
0x74: {  	s25 =	simm.s32 @!p4 $0x6;
	s24 =	sadd.s32 @!p4 s9, s24  }
0x75: {  	_ =	swait.ge @!p4 [sflag:s25], $0x100;
	s26 =	sshll.u32 @!p4 s24, $0xA;
	s24 =	sshll.u32 s23, $0x1  }
0x76: {  	[sflag:s25] =	ssyncset.done @!p4 $0x0;
	p5 =	sge.u32 s24, s8  }
.Ltmp4:
0x77: {  	[sflag:s25] =	ssyncadd.s32 @!p4 $0xFFFFFF00;
	s25 =	sand.u32 @!p4 $0x1FFFFC00, s26;
	(pc) =	sbr.rel @p5 .LBB2_6-.Ltmp4, $4  }
0x78: {  	s30 =	simm.s32 @!p4 $0x2200;
	s26 =	simm.s32 @!p4 $0x0;
	s25 =	sadd.s32 @!p4 s6, s25  }
0x79: {  	[tilespmem:s30], [sflag:$0x2] =	stream.linear.gather @!p4 [hbm4b:s25+s26], $0x2000, $0x38;
	[tilespmem:$0x1BA80] =	vst v63  }
0x7a: {  	s25 =	simm.s32 @!p4 $0x40;
	s26 =	simm.s32 @!p4 $0x100;
	s30 =	simm.s32 @!p4 $0x6200  }
0x7b: {  	[tilespmem:s30], [sflag:$0x4] =	stream.indirect.gather @!p4 [hbm4b:s1+s25], $0x80, s26, s25, $0xb8;
	[tilespmem:$0x1BA80] =	vst v63  }
0x7c: {  	_ =	swait.ge [sflag:s29], $0x2000  }
0x7d: {  	[sflag:s29] =	ssyncset.done $0x0  }
0x7e: {  	[sflag:s29] =	ssyncadd.s32 $0xFFFFE000  }
0x7f: {  	_ =	swait.ge [sflag:s31], $0x2000  }
0x80: {  	[sflag:s31] =	ssyncset.done $0x0  }
0x81: {  	s25 =	simm.s32 $0x0;
	[sflag:s31] =	ssyncadd.s32 $0xFFFFE000  }
0x82: {  	v7 =	vld [tilespmem:s25+$0x200]  }
0x83: {  	v11 =	vld [tilespmem:s25+$0x210]  }
0x84: {  	v5 =	vld [tilespmem:s25+$0x220]  }
0x85: {  	v4 =	vld [tilespmem:s25+$0x230]  }
0x86: {  	v3 =	vld [tilespmem:s25+$0x240]  }
0x87: {  	v2 =	vld [tilespmem:s25+$0x250]  }
0x88: {  	v1 =	vld [tilespmem:s25+$0x260]  }
0x89: {  	v0 =	vld [tilespmem:s25+$0x270]  }
0x8a: {  	v12 =	vld [tilespmem:s25+$0x4200]  }
0x8b: {  	v13 =	vld [tilespmem:s25+$0x4210]  }
0x8c: {  	v10 =	vld [tilespmem:s25+$0x4220]  }
0x8d: {  	v9 =	vld [tilespmem:s25+$0x4230]  }
0x8e: {  	v8 =	vld [tilespmem:s25+$0x4240]  }
0x8f: {  	v6 =	vld [tilespmem:s25+$0x4250];
	v12 =	vmul.f32 v7, v12  }
0x90: {  	s26 =	simm.s32 $0x200;
	v11 =	vmul.f32 v11, v13;
	v7 =	vld [tilespmem:s25+$0x4260]  }
.LBB2_4:
0x91: {  	s30 =	sshra.s32 s26, $0x2;
	p5 =	sne.s32 s26, $0x7E00;
	[tilespmem:s25+$0x4200] =	vst v12;
	v5 =	vmul.f32 v5, v10;
	v10 =	vld [tilespmem:s25+$0x4270]  }
0x92: {  	v12 =	vld [tilespmem:s30+$0x200];
	[tilespmem:s25+$0x4210] =	vst v11;
	v4 =	vmul.f32 v4, v9  }
0x93: {  	v11 =	vld [tilespmem:s30+$0x210];
	[tilespmem:s25+$0x4220] =	vst v5;
	v3 =	vmul.f32 v3, v8  }
0x94: {  	v5 =	vld [tilespmem:s30+$0x220];
	[tilespmem:s25+$0x4230] =	vst v4;
	v2 =	vmul.f32 v2, v6  }
0x95: {  	v4 =	vld [tilespmem:s30+$0x230];
	[tilespmem:s25+$0x4240] =	vst v3;
	v1 =	vmul.f32 v1, v7  }
0x96: {  	v3 =	vld [tilespmem:s30+$0x240];
	[tilespmem:s25+$0x4250] =	vst v2;
	v0 =	vmul.f32 v0, v10  }
0x97: {  	v2 =	vld [tilespmem:s30+$0x250];
	[tilespmem:s25+$0x4260] =	vst v1  }
0x98: {  	v1 =	vld [tilespmem:s30+$0x260];
	[tilespmem:s25+$0x4270] =	vst v0;
	s25 =	smov.u32 s30  }
0x99: {  	v0 =	vld [tilespmem:s25+$0x270]  }
0x9a: {  	v6 =	vld [tilespmem:s25+$0x4200]  }
0x9b: {  	v7 =	vld [tilespmem:s25+$0x4210]  }
.Ltmp5:
0x9c: {  	v10 =	vld [tilespmem:s25+$0x4220];
	(pc) =	sbr.rel @p5 .LBB2_4-.Ltmp5, $4  }
0x9d: {  	v9 =	vld [tilespmem:s25+$0x4230]  }
0x9e: {  	v8 =	vld [tilespmem:s25+$0x4240]  }
0x9f: {  	v12 =	vmul.f32 v12, v6;
	v6 =	vld [tilespmem:s25+$0x4250]  }
0xa0: {  	s26 =	sadd.s32 $0x200, s26;
	v11 =	vmul.f32 v11, v7;
	v7 =	vld [tilespmem:s25+$0x4260]  }
0xa1: {  	[tilespmem:s25+$0x4200] =	vst v12;
	v5 =	vmul.f32 v5, v10;
	v63 =	vld [tilespmem:s25+$0x4270]  }
0xa2: {  	[tilespmem:s25+$0x4210] =	vst v11;
	v4 =	vmul.f32 v4, v9  }
0xa3: {  	[tilespmem:s25+$0x4220] =	vst v5;
	v3 =	vmul.f32 v3, v8  }
0xa4: {  	[tilespmem:s25+$0x4230] =	vst v4;
	v2 =	vmul.f32 v2, v6  }
0xa5: {  	[tilespmem:s25+$0x4240] =	vst v3;
	v1 =	vmul.f32 v1, v7  }
0xa6: {  	[tilespmem:s25+$0x4250] =	vst v2;
	v0 =	vmul.f32 v0, v63  }
0xa7: {  	[tilespmem:s25+$0x4260] =	vst v1  }
0xa8: {  	[tilespmem:s25+$0x4270] =	vst v0  }
0xa9: {  	[spmem:s3] =	stream.indirect.scatter.add.f32 [tilespmem:s5], [sflag:$0x7], $0x80, s10, s0, $0xb8;
	[tilespmem:$0x1BA80] =	vst v63  }
0xaa: {  	_ =	swait.ge [sflag:s28], $0x2000  }
0xab: {  	[sflag:s28] =	ssyncset.done $0x0  }
0xac: {  	[sflag:s28] =	ssyncadd.s32 $0xFFFFE000  }
.LBB2_6:
0xad: {  	s25 =	sadd.s32 $0x2, s24  }
0xae: {  	p5 =	sge.u32 s25, s8  }
0xaf: {  	s25 =	sadd.s32 @!p5 s9, s25  }
0xb0: {  	s26 =	sshll.u32 @!p5 s25, $0x5  }
0xb1: {  	s26 =	sand.u32 @!p5 $0x1FFFFFE0, s26  }
0xb2: {  	s30 =	simm.s32 @!p5 $0x0;
	s26 =	sadd.s32 @!p5 s2, s26  }
0xb3: {  	[tilespmem:s30], [sflag:$0x5] =	stream.linear.gather @!p5 [hbm4b:s26+s30], $0x100, $0x38;
	[tilespmem:$0x1BA80] =	vst v63  }
0xb4: {  	s26 =	simm.s32 @!p5 $0x5  }
0xb5: {  	s25 =	sshll.u32 @!p5 s25, $0xA;
	_ =	swait.ge @!p5 [sflag:s26], $0x100  }
.Ltmp6:
0xb6: {  	s25 =	sand.u32 @!p5 $0x1FFFFC00, s25;
	[sflag:s26] =	ssyncset.done @!p5 $0x0;
	(pc) =	sbr.rel @p4 .LBB2_10-.Ltmp6, $4  }
0xb7: {  	s25 =	sadd.s32 @!p5 s6, s25;
	[sflag:s26] =	ssyncadd.s32 @!p5 $0xFFFFFF00;
	s26 =	simm.s32 @!p5 $0x200  }
0xb8: {  	[tilespmem:s26], [sflag:$0x1] =	stream.linear.gather @!p5 [hbm4b:s25+s30], $0x2000, $0x38;
	[tilespmem:$0x1BA80] =	vst v63  }
0xb9: {  	s25 =	simm.s32 @!p5 $0x40;
	s26 =	simm.s32 @!p5 $0x4200  }
0xba: {  	[tilespmem:s26], [sflag:$0x3] =	stream.indirect.gather @!p5 [hbm4b:s1+s25], $0x80, s30, s25, $0xb8;
	[tilespmem:$0x1BA80] =	vst v63  }
0xbb: {  	_ =	swait.ge [sflag:s12], $0x2000  }
0xbc: {  	[sflag:s12] =	ssyncset.done $0x0  }
0xbd: {  	[sflag:s12] =	ssyncadd.s32 $0xFFFFE000  }
0xbe: {  	_ =	swait.ge [sflag:s13], $0x2000  }
0xbf: {  	[sflag:s13] =	ssyncset.done $0x0  }
0xc0: {  	s25 =	simm.s32 $0x0;
	[sflag:s13] =	ssyncadd.s32 $0xFFFFE000  }
0xc1: {  	v7 =	vld [tilespmem:s25+$0x2200]  }
0xc2: {  	v11 =	vld [tilespmem:s25+$0x2210]  }
0xc3: {  	v5 =	vld [tilespmem:s25+$0x2220]  }
0xc4: {  	v4 =	vld [tilespmem:s25+$0x2230]  }
0xc5: {  	v3 =	vld [tilespmem:s25+$0x2240]  }
0xc6: {  	v2 =	vld [tilespmem:s25+$0x2250]  }
0xc7: {  	v1 =	vld [tilespmem:s25+$0x2260]  }
0xc8: {  	v0 =	vld [tilespmem:s25+$0x2270]  }
0xc9: {  	v12 =	vld [tilespmem:s25+$0x6200]  }
0xca: {  	v13 =	vld [tilespmem:s25+$0x6210]  }
0xcb: {  	v10 =	vld [tilespmem:s25+$0x6220]  }
0xcc: {  	v9 =	vld [tilespmem:s25+$0x6230]  }
0xcd: {  	v8 =	vld [tilespmem:s25+$0x6240]  }
0xce: {  	v6 =	vld [tilespmem:s25+$0x6250];
	v12 =	vmul.f32 v7, v12  }
0xcf: {  	s26 =	simm.s32 $0x200;
	v11 =	vmul.f32 v11, v13;
	v7 =	vld [tilespmem:s25+$0x6260]  }
.LBB2_8:
0xd0: {  	s30 =	sshra.s32 s26, $0x2;
	p4 =	sne.s32 s26, $0x7E00;
	[tilespmem:s25+$0x6200] =	vst v12;
	v5 =	vmul.f32 v5, v10;
	v10 =	vld [tilespmem:s25+$0x6270]  }
0xd1: {  	v12 =	vld [tilespmem:s30+$0x2200];
	[tilespmem:s25+$0x6210] =	vst v11;
	v4 =	vmul.f32 v4, v9  }
0xd2: {  	v11 =	vld [tilespmem:s30+$0x2210];
	[tilespmem:s25+$0x6220] =	vst v5;
	v3 =	vmul.f32 v3, v8  }
0xd3: {  	v5 =	vld [tilespmem:s30+$0x2220];
	[tilespmem:s25+$0x6230] =	vst v4;
	v2 =	vmul.f32 v2, v6  }
0xd4: {  	v4 =	vld [tilespmem:s30+$0x2230];
	[tilespmem:s25+$0x6240] =	vst v3;
	v1 =	vmul.f32 v1, v7  }
0xd5: {  	v3 =	vld [tilespmem:s30+$0x2240];
	[tilespmem:s25+$0x6250] =	vst v2;
	v0 =	vmul.f32 v0, v10  }
0xd6: {  	v2 =	vld [tilespmem:s30+$0x2250];
	[tilespmem:s25+$0x6260] =	vst v1  }
0xd7: {  	v1 =	vld [tilespmem:s30+$0x2260];
	[tilespmem:s25+$0x6270] =	vst v0;
	s25 =	smov.u32 s30  }
0xd8: {  	v0 =	vld [tilespmem:s25+$0x2270]  }
0xd9: {  	v6 =	vld [tilespmem:s25+$0x6200]  }
0xda: {  	v7 =	vld [tilespmem:s25+$0x6210]  }
.Ltmp7:
0xdb: {  	v10 =	vld [tilespmem:s25+$0x6220];
	(pc) =	sbr.rel @p4 .LBB2_8-.Ltmp7, $4  }
0xdc: {  	v9 =	vld [tilespmem:s25+$0x6230]  }
0xdd: {  	v8 =	vld [tilespmem:s25+$0x6240]  }
0xde: {  	v12 =	vmul.f32 v12, v6;
	v6 =	vld [tilespmem:s25+$0x6250]  }
0xdf: {  	s26 =	sadd.s32 $0x200, s26;
	v11 =	vmul.f32 v11, v7;
	v7 =	vld [tilespmem:s25+$0x6260]  }
0xe0: {  	[tilespmem:s25+$0x6200] =	vst v12;
	v5 =	vmul.f32 v5, v10;
	v63 =	vld [tilespmem:s25+$0x6270]  }
0xe1: {  	[tilespmem:s25+$0x6210] =	vst v11;
	v4 =	vmul.f32 v4, v9  }
0xe2: {  	[tilespmem:s25+$0x6220] =	vst v5;
	v3 =	vmul.f32 v3, v8  }
0xe3: {  	[tilespmem:s25+$0x6230] =	vst v4;
	v2 =	vmul.f32 v2, v6  }
0xe4: {  	[tilespmem:s25+$0x6240] =	vst v3;
	v1 =	vmul.f32 v1, v7  }
0xe5: {  	[tilespmem:s25+$0x6250] =	vst v2;
	v0 =	vmul.f32 v0, v63  }
0xe6: {  	[tilespmem:s25+$0x6260] =	vst v1  }
.Ltmp8:
0xe7: {  	[tilespmem:s25+$0x6270] =	vst v0;
	(pc) =	sbr.rel .LBB2_10-.Ltmp8, $4  }
0xe8: {  	[spmem:s3] =	stream.indirect.scatter.add.f32 [tilespmem:s15], [sflag:$0x7], $0x80, s14, s0, $0xb8;
	[tilespmem:$0x1BA80] =	vst v63  }
0xe9: {  	_ =	swait.ge [sflag:s28], $0x2000  }
0xea: {  	[sflag:s28] =	ssyncset.done $0x0  }
0xeb: {  	[sflag:s28] =	ssyncadd.s32 $0xFFFFE000  }
.LBB2_12:
0xec: {  	_ =	sfence.sel $0x180000  }
0xed: {  	[bflag:$0x0] =	sbarrier.arrive $0xFFFF  }
0xee: {  	_ =	strace $0x90000047  }
0xef: {  	s0 =	stileid.u32;
	[bflag:$0x2] =	sbarrier.arrive $0xFFFF  }
0xf0: {  	p0 =	sne.s32 s0, $0x0;
	s0 =	rddreg [dreg:$0x4]  }
0xf1: {  	s0 =	sadd.s32 @!p0 $0x100000, s0  }
0xf2: {  	[sflag:s0] =	ssyncadd.tile.s32 @!p0 $0x1;
	_ =	shalt  }
.Lfunc_end2:
_tile_overlayer_lowered:
.L_overlay_start_2:
0xf3: {  	(tag) =	ssettag $0x2  }
0xf4: {  	s0 =	rddreg [dreg:$0x0];
	s2 =	stileid.u32  }
0xf5: {  	s1 =	rddreg [dreg:$0x1];
	p0 =	sne.s32 s2, $0x0  }
0xf6: {  	s3 =	rddreg [dreg:$0x2];
	[bflag:$0x3] =	sbarrier.arrive $0xFFFF;
	s2 =	simm.s32 @!p0 $0x1C07  }
0xf7: {  	[timem:s3], [sflag:s2] =	dma.local @!p0 [hbm:s0], s1  }
0xf8: {  	s0 =	simm.s32 @!p0 $0x7  }
0xf9: {  	_ =	swait.ge @!p0 [sflag:s0], s1  }
0xfa: {  	s1 =	ssub.s32 @!p0 $0x0, s1;
	[sflag:s0] =	ssyncset.done @!p0 $0x0  }
0xfb: {  	[sflag:s0] =	ssyncadd.s32 @!p0 s1  }
0xfc: {  	[bflag:$0x3] =	sbarrier.arrive $0xFFFF  }
0xfd: {  	_ =	shalt  }

// kernel: kernel.18.cloned.1.call-start
scs
__scs_entry_jumppad:
0x0: {  	(pc) =	sbr.rel $0x88, $3  }
0x1: {  	(tag) =	ssettag $0x0;
	lr =	simm.s32 $0x1  }
0x2: {  	[smem:$0x3F96] =	sst lr;
	_ =	strace $0xD0000000  }
0x3: {  	_ = 	snop  }
0x4: {  	_ = 	snop  }
0x5: {  	_ = 	snop  }
0x6: {  	_ = 	snop  }
0x7: {  	_ = 	snop  }
__scs_overlays_trampoline_lowered:
0x8: {  	[smem:$0x3FA5] =	sst s0  }
0x9: {  	[smem:$0x3FA6] =	sst s1  }
0xa: {  	[smem:$0x3FA7] =	sst s2  }
0xb: {  	[smem:$0x3FA8] =	sst s3  }
0xc: {  	[smem:$0x3FA9] =	sst s4  }
0xd: {  	[smem:$0x3FAA] =	sst s5  }
0xe: {  	[smem:$0x3FAB] =	sst s6  }
0xf: {  	[smem:$0x3FAC] =	sst s7  }
0x10: {  	[smem:$0x3FAD] =	sst s8  }
0x11: {  	[smem:$0x3FAE] =	sst s9;
	s0 =	simm.s32 @!p0 $0x0  }
0x12: {  	s1 =	sld [smem:$0x3F94];
	s0 =	simm.s32 @p0 $0x1  }
0x13: {  	[smem:$0x3FAF] =	sst s0;
	s0 =	simm.s32 @!p1 $0x0  }
0x14: {  	s2 =	sld [smem:$0x3F93];
	s0 =	simm.s32 @p1 $0x1  }
0x15: {  	[smem:$0x3FB0] =	sst s0;
	s0 =	simm.s32 @!p2 $0x0  }
0x16: {  	s3 =	sld [smem:$0x3FDB];
	s0 =	simm.s32 @p2 $0x1  }
0x17: {  	s4 =	simm.s32 $0x1BF5;
	[smem:$0x3FB2] =	sst s0  }
0x18: {  	s0 =	sld [smem:$0x3F95];
	_ =	swait.ge [sflag:s4], $0x0  }
0x19: {  	s7 =	sld [smem:$0x3F96]  }
0x1a: {  	s8 =	sadd.s32 $0xFFFFE003, lr  }
0x1b: {  	s9 =	sadd.s32 $0xFFFFFEF7, lr;
	s5 =	simm.s32 $0xFFFFFFFF;
	p2 =	slt.u32 s8, $0xFFFFF086  }
0x1c: {  	p1 =	slt.u32 s9, $0xF7A;
	s5 =	simm.s32 @!p2 $0x0  }
0x1d: {  	s5 =	simm.s32 @p1 $0x1;
	p0 =	seq.s32 s7, s2  }
0x1e: {  	s7 =	smul.u32 @!p0 $0xF7A, s2;
	p2 =	seq.s32 @!p0 s5, $0x0  }
0x1f: {  	s9 =	smul.u32 $0xF7A, s1;
	s8 =	simm.s32 @!p0 $0x1BF5;
	p2 =	por !p2, p0  }
0x20: {  	[sflag:s8] =	ssyncset.s32 @!p0 $0xFFFFF086;
	s6 =	sadd.s32 @!p0 s3, s7;
	s7 =	simm.s32 @!p0 $0x108  }
0x21: {  	s3 =	sadd.s32 s3, s9;
	s6 =	sadd.s32 @!p0 $0x88, s6;
	s7 =	simm.s32 @p2 $0x1082  }
0x22: {  	[simem:s7], [sflag:s8] =	dma.local @!p0 [hbm:s6], $0xF7A  }
0x23: {  	s9 =	sor.u32 $0xD0000000, s2;
	s6 =	simm.s32 $0x108;
	_ =	swait.ge @!p0 [sflag:s8], $0x0  }
0x24: {  	s3 =	sadd.s32 $0x88, s3;
	s6 =	simm.s32 @!p1 $0x1082;
	[sflag:s4] =	ssyncset.s32 $0xFFFFF086  }
0x25: {  	[simem:s6], [sflag:s4] =	dma.local [hbm:s3], $0xF7A  }
0x26: {  	[smem:$0x3F96] =	sst s1;
	(tag) =	ssettag s2;
	_ =	strace s9  }
0x27: {  	s1 =	sld [smem:$0x3FA6]  }
0x28: {  	s2 =	sld [smem:$0x3FA7]  }
0x29: {  	s4 =	sld [smem:$0x3FA9]  }
0x2a: {  	p0 =	seq.s32 s5, $0x0;
	s5 =	sld [smem:$0x3FAA]  }
0x2b: {  	s6 =	sld [smem:$0x3FAB]  }
0x2c: {  	s7 =	sld [smem:$0x3FAC]  }
0x2d: {  	s3 =	simm.s32 $0x108;
	s8 =	sld [smem:$0x3FAD]  }
0x2e: {  	s3 =	simm.s32 @!p0 $0x1082;
	s9 =	sld [smem:$0x3FAE]  }
0x2f: {  	lr =	sadd.s32 s0, s3;
	s0 =	sld [smem:$0x3FA5]  }
0x30: {  	s3 =	sld [smem:$0x3FA8]  }
0x31: {  	[smem:$0x3FB1] =	sst s10  }
0x32: {  	s10 =	sld [smem:$0x3FAF];
	_ =	sdelay $0x3  }
0x33: {  	p0 =	seq.s32 s10, $0x1;
	s10 =	sld [smem:$0x3FB1];
	_ =	sdelay $0x3  }
0x34: {  	[smem:$0x3FB1] =	sst s10  }
0x35: {  	s10 =	sld [smem:$0x3FB0];
	_ =	sdelay $0x3  }
0x36: {  	p1 =	seq.s32 s10, $0x1;
	s10 =	sld [smem:$0x3FB1];
	_ =	sdelay $0x3  }
0x37: {  	[smem:$0x3FB1] =	sst s10  }
0x38: {  	s10 =	sld [smem:$0x3FB2]  }
0x39: {  	_ = 	snop;
	(pc) =	sbr.ind lr, $3  }
0x3a: {  	_ = 	snop  }
0x3b: {  	_ = 	snop  }
0x3c: {  	p2 =	seq.s32 s10, $0x1;
	s10 =	sld [smem:$0x3FB1]  }
0x3d: {  	_ =	shalt  }
0x3e: {  	_ =	shalt  }
0x3f: {  	_ =	shalt  }
0x40: {  	_ =	shalt  }
0x41: {  	_ =	shalt  }
0x42: {  	_ =	shalt  }
0x43: {  	_ =	shalt  }
0x44: {  	_ =	shalt  }
0x45: {  	_ =	shalt  }
0x46: {  	_ =	shalt  }
0x47: {  	_ =	shalt  }
0x48: {  	_ =	shalt  }
0x49: {  	_ =	shalt  }
0x4a: {  	_ =	shalt  }
0x4b: {  	_ =	shalt  }
0x4c: {  	_ =	shalt  }
0x4d: {  	_ =	shalt  }
0x4e: {  	_ =	shalt  }
0x4f: {  	_ =	shalt  }
0x50: {  	_ =	shalt  }
0x51: {  	_ =	shalt  }
0x52: {  	_ =	shalt  }
0x53: {  	_ =	shalt  }
0x54: {  	_ =	shalt  }
0x55: {  	_ =	shalt  }
0x56: {  	_ =	shalt  }
0x57: {  	_ =	shalt  }
0x58: {  	_ =	shalt  }
0x59: {  	_ =	shalt  }
0x5a: {  	_ =	shalt  }
0x5b: {  	_ =	shalt  }
0x5c: {  	_ =	shalt  }
0x5d: {  	_ =	shalt  }
0x5e: {  	_ =	shalt  }
0x5f: {  	_ =	shalt  }
0x60: {  	_ =	shalt  }
0x61: {  	_ =	shalt  }
0x62: {  	_ =	shalt  }
0x63: {  	_ =	shalt  }
0x64: {  	_ =	shalt  }
0x65: {  	_ =	shalt  }
0x66: {  	_ =	shalt  }
0x67: {  	_ =	shalt  }
0x68: {  	_ =	shalt  }
0x69: {  	_ =	shalt  }
0x6a: {  	_ =	shalt  }
0x6b: {  	_ =	shalt  }
0x6c: {  	_ =	shalt  }
0x6d: {  	_ =	shalt  }
0x6e: {  	_ =	shalt  }
0x6f: {  	_ =	shalt  }
0x70: {  	_ =	shalt  }
0x71: {  	_ =	shalt  }
0x72: {  	_ =	shalt  }
0x73: {  	_ =	shalt  }
0x74: {  	_ =	shalt  }
0x75: {  	_ =	shalt  }
0x76: {  	_ =	shalt  }
0x77: {  	_ =	shalt  }
0x78: {  	_ =	shalt  }
0x79: {  	_ =	shalt  }
0x7a: {  	_ =	shalt  }
0x7b: {  	_ =	shalt  }
0x7c: {  	_ =	shalt  }
0x7d: {  	_ =	shalt  }
0x7e: {  	_ =	shalt  }
0x7f: {  	_ =	shalt  }
0x80: {  	_ =	shalt  }
0x81: {  	_ =	shalt  }
0x82: {  	_ =	shalt  }
0x83: {  	_ =	shalt  }
0x84: {  	_ =	shalt  }
0x85: {  	_ =	shalt  }
0x86: {  	_ =	shalt  }
0x87: {  	_ =	shalt  }
.Lfunc_end0:
.L_simem_size_0:
called_computation.2_lowered:
.L_overlay_start_0:
0x88: {  	s2 =	sld [smem:$0x3FD9]  }
0x89: {  	s3 =	sld [smem:$0x3FFE];
	_ =	sdelay $0x1  }
0x8a: {  	s1 =	srdreg.scid  }
0x8b: {  	s0 =	sand.u32 $0x1, s1  }
0x8c: {  	s17 =	sshll.u32 s0, $0xA;
	s2 =	sadd.s32 s3, s2  }
0x8d: {  	s2 =	sadd.s32 s2, s17  }
0x8e: {  	[smem:$0x3FBD] =	sst s2  }
0x8f: {  	_ = 	snop  }
0x90: {  	s2 =	sld [smem:$0x3FD0];
	(tm) =	ssettm $0x1  }
0x91: {  	s18 =	sld [smem:$0x3FFB];
	_ =	sdelay $0x3  }
0x92: {  	_ =	strace s18  }
0x93: {  	s3 =	sld [smem:$0x3FFC];
	_ =	sdelay $0x3  }
0x94: {  	_ =	strace s3  }
0x95: {  	s3 =	sld [smem:$0x3FFD];
	_ =	sdelay $0x3  }
0x96: {  	_ =	strace s3  }
0x97: {  	_ =	strace $0x8FFFFFFF  }
0x98: {  	s19 =	sld [smem:$0x3FDB];
	_ =	sdelay $0x1  }
0x99: {  	s4 =	simm.s32 $_scs_section_size  }
0x9a: {  	s5 =	simm.s32 $_size__tile_overlayer_lowered;
	s6 =	simm.s32 $_tile_overlayer_lowered  }
0x9b: {  	s22 =	simm.s32 $0x1BFF;
	s21 =	sshll.u32 s6, $0x1;
	s3 =	sadd.s32 s4, s19  }
0x9c: {  	s7 =	simm.s32 $0x0;
	s20 =	sshll.u32 s5, $0x1;
	s5 =	sadd.s32 s21, s3  }
0x9d: {  	[timem:s7], [sflag:s22] =	dma.local [hbm:s5], s20  }
0x9e: {  	_ =	swait.ge [sflag:s22], s20  }
0x9f: {  	s4 =	ssub.s32 $0x0, s20;
	[sflag:s22] =	ssyncset.done $0x0  }
0xa0: {  	[sflag:s22] =	ssyncadd.s32 s4;
	_ =	sdelay $0x1  }
0xa1: {  	s23 =	simm.s32 $0x1B8B  }
0xa2: {  	_ =	swait.ge [sflag:s23], $0x1  }
0xa3: {  	[sflag:s23] =	ssyncset.done $0x0  }
0xa4: {  	s25 =	simm.s32 $0x1B8E;
	s24 =	sld [smem:$0x3FFE];
	[sflag:s23] =	ssyncadd.s32 $0xFFFFFFFF  }
0xa5: {  	s26 =	simm.s32 $execute0_lowered;
	[smem:$0x3FD2] =	sst s25  }
0xa6: {  	s5 =	sshll.u32 s26, $0x1;
	_ =	strace $0x8000004C;
	[dreg:$0x1] =	wrdreg $0xFFFFFFFF  }
0xa7: {  	s28 =	simm.s32 $_size_execute0_lowered;
	s3 =	sadd.s32 s3, s5;
	[dreg:$0x0] =	wrdreg $0x0  }
0xa8: {  	s5 =	sshll.u32 s28, $0x1;
	[dreg:$0x2] =	wrdreg s3  }
0xa9: {  	[dreg:$0x3] =	wrdreg s5  }
0xaa: {  	[dreg:$0x4] =	wrdreg $0xC0  }
0xab: {  	_ =	task [dreg:s7], $0x5FFFF  }
0xac: {  	[dreg:$0x1] =	wrdreg $0xFFFFFFFF  }
0xad: {  	[dreg:$0x0] =	wrdreg $0x60  }
0xae: {  	[dreg:$0x2] =	wrdreg s24  }
0xaf: {  	[dreg:$0x3] =	wrdreg s2  }
0xb0: {  	[dreg:$0x4] =	wrdreg $0x82000  }
0xb1: {  	[dreg:$0x5] =	wrdreg $0x9  }
0xb2: {  	_ =	task.clear_ibuf [dreg:s7], $0x6FFFF;
	_ =	strace $0x9000004C  }
0xb3: {  	s29 =	simm.s32 $0x9;
	_ =	strace $0x8000004E  }
0xb4: {  	_ =	swait.ge [sflag:s29], $0x1  }
0xb5: {  	[sflag:s29] =	ssyncadd.s32 $0xFFFFFFFF  }
0xb6: {  	_ =	strace $0x9000004E  }
0xb7: {  	_ =	sfence  }
0xb8: {  	s30 =	sld [smem:$0x0];
	_ =	sdelay $0x2  }
0xb9: {  	s31 =	sshll.u32 s1, $0xD;
	s1 =	sshrl.u32 s1, $0x2  }
0xba: {  	s3 =	sand.u32 $0x4000, s31;
	s1 =	sadd.s32 s1, s30  }
0xbb: {  	s0 =	sor.u32 s3, s0;
	s1 =	sshll.u32 s1, $0x11  }
0xbc: {  	s0 =	sor.u32 s1, s0  }
0xbd: {  	s0 =	sadd.s32 $0x8F2B, s0  }
0xbe: {  	[sflag:s0] =	ssyncadd.remote.s32 $0x1  }
0xbf: {  	_ =	sfence.sel $0xFFFF  }
0xc0: {  	[dreg:$0x0] =	wrdreg $0xFFFFFFFF;
	(pc) =	sbr.abs _section_cstart, $3  }
0xc1: {  	[dreg:$0x1] =	wrdreg $0xFFFFFFFF  }
0xc2: {  	_ =	task.clear_ibuf [dreg:s7], $0x2FFFF;
	_ =	strace $0x9FFFFFFF  }
0xc3: {  	(tm) =	ssettm $0x7FFFFFFF  }
tec
execute0_lowered:
.L_overlay_start_1:
0x0: {  	(tag) =	ssettag $0x1  }
0x1: {  	s0 =	rddreg [dreg:$0x0]  }
0x2: {  	s1 =	rddreg [dreg:$0x1]  }
0x3: {  	s2 =	rddreg [dreg:$0x2]  }
0x4: {  	s3 =	simm.s32 $0x0;
	s5 =	srdreg.scid;
	s19 =	stileid.u32  }
0x5: {  	s28 =	simm.s32 $0x7;
	s29 =	simm.s32 $0x1;
	s31 =	simm.s32 $0x3  }
0x6: {  	[smem:$0x7FF] =	sst s3;
	s4 =	sadd.s32 $0x4EF000, s0;
	s6 =	sadd.s32 $0x547000, s0  }
0x7: {  	s7 =	sadd.s32 $0x4EE800, s0;
	s5 =	sand.u32 $0x1, s5;
	s0 =	sadd.s32 $0x2A00, s0  }
0x8: {  	s13 =	sshll.u32 s19, $0xE;
	s23 =	sshll.u32 s19, $0x6;
	_ =	strace $0x8000004D  }
0x9: {  	s8 =	ssub.s32 $0x2, s5;
	s9 =	sshll.u32 s5, $0x4;
	s22 =	sadd.s32 s13, s2  }
0xa: {  	s24 =	sor.u32 $0x40000, s13;
	s14 =	sor.u32 $0x80000, s13;
	s26 =	sor.u32 $0xC0000, s13  }
0xb: {  	s17 =	sor.u32 $0x100000, s13;
	s5 =	smul.u32 $0x138800, s5;
	s10 =	sshrl.u32 s8, $0x1  }
0xc: {  	s9 =	sor.u32 s19, s9;
	[dreg:$0x4] =	wrdreg s22;
	s15 =	sadd.s32 s24, s2  }
0xd: {  	s25 =	sadd.s32 s14, s2;
	s16 =	sadd.s32 s26, s2;
	[dreg:$0x5] =	wrdreg s15  }
0xe: {  	s30 =	sadd.s32 s17, s2;
	s10 =	ssub.s32 s8, s10;
	[dreg:$0x6] =	wrdreg s25  }
0xf: {  	s11 =	smul.u32 $0x9C, s9;
	s12 =	smin.u32 s9, $0x8;
	[dreg:$0x7] =	wrdreg s16  }
0x10: {  	p0 =	slt.u32 s9, $0x8;
	s8 =	simm.s32 $0x9D;
	[dreg:$0x8] =	wrdreg s30  }
0x11: {  	s16 =	sadd.s32 $0x138000, s2;
	s13 =	sadd.s32 s5, s13;
	s14 =	sadd.s32 s5, s14  }
0x12: {  	s20 =	sadd.s32 s5, s26;
	s21 =	sadd.s32 s5, s17;
	s15 =	simm.s32 $0x6200  }
0x13: {  	s8 =	simm.s32 @!p0 $0x9C;
	s13 =	sshrl.u32 s13, $0x3;
	s22 =	sshrl.u32 s20, $0x3  }
0x14: {  	p0 =	sgt.u32 s19, $0xD;
	s26 =	smax.u32 s10, $0x1;
	s10 =	simm.s32 $0x80  }
0x15: {  	s9 =	sadd.s32 s12, s11;
	s11 =	sor.u32 $0x1C07, s23;
	s12 =	sadd.s32 s5, s24  }
0x16: {  	s13 =	sadd.s32 s0, s13;
	s23 =	sshrl.u32 s21, $0x3;
	s5 =	sshrl.u32 s5, $0x3  }
0x17: {  	p2 =	sne.s32 @!p0 s19, $0x0;
	[dreg:$0x11] =	wrdreg s26;
	s18 =	sshll.u32 s9, $0x5  }
0x18: {  	s12 =	sshrl.u32 s12, $0x3;
	[dreg:$0xa] =	wrdreg s13;
	s24 =	sadd.s32 s0, s23  }
0x19: {  	s25 =	sshll.u32 s9, $0xA;
	p1 =	por p2, p0;
	p2 =	por !p2, p0  }
0x1a: {  	s13 =	simm.s32 $0x4;
	s12 =	sadd.s32 s0, s12;
	[dreg:$0xe] =	wrdreg s24  }
0x1b: {  	s18 =	sadd.s32 s1, s18;
	[dreg:$0xb] =	wrdreg s12;
	s12 =	sshrl.u32 s14, $0x3  }
0x1c: {  	[dreg:$0x9] =	wrdreg s18;
	s30 =	sadd.s32 $0x20, s18;
	s14 =	simm.s32 $0x180  }
.Ltmp0:
0x1d: {  	s12 =	sadd.s32 s0, s12;
	[dreg:$0x12] =	wrdreg s30;
	(pc) =	sbr.rel .LBB2_1-.Ltmp0, $4  }
0x1e: {  	s18 =	simm.s32 $0x0;
	[dreg:$0xc] =	wrdreg s12;
	s12 =	sadd.s32 s0, s22  }
0x1f: {  	s0 =	sadd.s32 s0, s5;
	s5 =	sadd.s32 s6, s25;
	[dreg:$0xd] =	wrdreg s12  }
0x20: {  	[dreg:$0xf] =	wrdreg s5;
	s0 =	sadd.s32 $0x27000, s0;
	s5 =	simm.s32 $0x4200  }
0x21: {  	s12 =	simm.s32 $0x2;
	[dreg:$0x10] =	wrdreg s0;
	s0 =	simm.s32 $0x40  }
.LBB2_11:
0x22: {  	[bflag:$0x0] =	sbarrier.arrive $0xFFFF  }
0x23: {  	s23 =	rddreg [dreg:$0xa]  }
0x24: {  	[hbm:s23], [sflag:s11] =	dma.local [spmem:s19], $0x800  }
0x25: {  	_ =	swait.ge [sflag:s28], $0x800  }
0x26: {  	[sflag:s28] =	ssyncset.done $0x0  }
0x27: {  	s24 =	rddreg [dreg:$0xb];
	[sflag:s28] =	ssyncadd.s32 $0xFFFFF800  }
0x28: {  	[hbm:s24], [sflag:s11] =	dma.local [spmem:s20], $0x800  }
0x29: {  	_ =	swait.ge [sflag:s28], $0x800  }
0x2a: {  	[sflag:s28] =	ssyncset.done $0x0  }
0x2b: {  	s25 =	rddreg [dreg:$0xc];
	[sflag:s28] =	ssyncadd.s32 $0xFFFFF800  }
0x2c: {  	[hbm:s25], [sflag:s11] =	dma.local [spmem:s17], $0x800  }
0x2d: {  	_ =	swait.ge [sflag:s28], $0x800  }
0x2e: {  	[sflag:s28] =	ssyncset.done $0x0  }
0x2f: {  	s26 =	rddreg [dreg:$0xd];
	[sflag:s28] =	ssyncadd.s32 $0xFFFFF800  }
0x30: {  	[hbm:s26], [sflag:s11] =	dma.local [spmem:s21], $0x800  }
0x31: {  	_ =	swait.ge [sflag:s28], $0x800  }
0x32: {  	[sflag:s28] =	ssyncset.done $0x0  }
0x33: {  	s17 =	rddreg [dreg:$0xe];
	[sflag:s28] =	ssyncadd.s32 $0xFFFFF800  }
0x34: {  	[hbm:s17], [sflag:s11] =	dma.local @!p0 [spmem:s22], $0x800  }
0x35: {  	s17 =	simm.s32 @!p0 $0x7  }
0x36: {  	_ =	swait.ge @!p0 [sflag:s17], $0x800  }
0x37: {  	[sflag:s17] =	ssyncset.done @!p0 $0x0  }
0x38: {  	s19 =	rddreg [dreg:$0x10];
	[sflag:s17] =	ssyncadd.s32 @!p0 $0xFFFFF800;
	s17 =	sshrl.u32 @p3 s16, $0x3  }
0x39: {  	[hbm:s19], [sflag:s11] =	dma.local @p3 [spmem:s17], $0x100  }
0x3a: {  	s17 =	simm.s32 @p3 $0x7  }
0x3b: {  	_ =	swait.ge @p3 [sflag:s17], $0x100  }
0x3c: {  	s18 =	sadd.s32 $0x1, s18;
	s30 =	rddreg [dreg:$0x11]  }
0x3d: {  	p4 =	sne.s32 s18, s30  }
.Ltmp1:
0x3e: {  	_ = 	snop;
	(pc) =	sbr.rel @!p4 .LBB2_12-.Ltmp1, $3  }
0x3f: {  	_ =	sdelay $0x1  }
0x40: {  	[sflag:s17] =	ssyncset.done @p3 $0x0  }
0x41: {  	[sflag:s17] =	ssyncadd.s32 @p3 $0xFFFFFF00  }
.LBB2_1:
0x42: {  	s17 =	rddreg [dreg:$0x4]  }
0x43: {  	s19 =	sshrl.u32 s17, $0x3  }
0x44: {  	[spmem:s19], [sflag:s11] =	dma.local [hbm:s7], $0x800  }
0x45: {  	_ =	swait.ge [sflag:s28], $0x800  }
0x46: {  	[sflag:s28] =	ssyncset.done $0x0;
	s24 =	rddreg [dreg:$0x5]  }
0x47: {  	[sflag:s28] =	ssyncadd.s32 $0xFFFFF800;
	s20 =	sshrl.u32 s24, $0x3  }
0x48: {  	[spmem:s20], [sflag:s11] =	dma.local [hbm:s7], $0x800  }
0x49: {  	_ =	swait.ge [sflag:s28], $0x800  }
0x4a: {  	[sflag:s28] =	ssyncset.done $0x0;
	s25 =	rddreg [dreg:$0x6]  }
0x4b: {  	[sflag:s28] =	ssyncadd.s32 $0xFFFFF800;
	s17 =	sshrl.u32 s25, $0x3  }
0x4c: {  	[spmem:s17], [sflag:s11] =	dma.local [hbm:s7], $0x800  }
0x4d: {  	_ =	swait.ge [sflag:s28], $0x800  }
0x4e: {  	[sflag:s28] =	ssyncset.done $0x0;
	s21 =	rddreg [dreg:$0x7]  }
0x4f: {  	[sflag:s28] =	ssyncadd.s32 $0xFFFFF800;
	s21 =	sshrl.u32 s21, $0x3  }
0x50: {  	[spmem:s21], [sflag:s11] =	dma.local [hbm:s7], $0x800  }
0x51: {  	_ =	swait.ge [sflag:s28], $0x800  }
0x52: {  	[sflag:s28] =	ssyncset.done $0x0;
	s22 =	rddreg [dreg:$0x8]  }
0x53: {  	s23 =	simm.s32 @!p0 $0x7;
	[sflag:s28] =	ssyncadd.s32 $0xFFFFF800;
	s22 =	sshrl.u32 @!p0 s22, $0x3  }
0x54: {  	[spmem:s22], [sflag:s11] =	dma.local @!p0 [hbm:s7], $0x800  }
0x55: {  	_ =	swait.ge @!p0 [sflag:s23], $0x800  }
0x56: {  	[sflag:s23] =	ssyncset.done @!p0 $0x0  }
0x57: {  	[sflag:s23] =	ssyncadd.s32 @!p0 $0xFFFFF800;
	s23 =	sshrl.u32 @!p1 s16, $0x3  }
0x58: {  	[spmem:s23], [sflag:s11] =	dma.local @!p1 [hbm:s7], $0x100  }
0x59: {  	s23 =	simm.s32 @!p1 $0x7  }
0x5a: {  	_ =	swait.ge @!p1 [sflag:s23], $0x100  }
0x5b: {  	[sflag:s23] =	ssyncset.done @!p1 $0x0  }
0x5c: {  	[sflag:s23] =	ssyncadd.s32 @!p1 $0xFFFFFF00  }
0x5d: {  	[bflag:$0x0] =	sbarrier.arrive $0xFFFF  }
0x5e: {  	p3 =	por @!p0 $0x0, $0x0;
	p4 =	por @!p1 $0x1, $0x1;
	s26 =	rddreg [dreg:$0x9]  }
0x5f: {  	[tilespmem:s3], [sflag:$0x5] =	stream.linear.gather [hbm4b:s26+s3], $0x100, $0x38;
	[tilespmem:$0x1BA80] =	vst v63  }
0x60: {  	s24 =	simm.s32 $0x100;
	s25 =	simm.s32 $0x5;
	s30 =	rddreg [dreg:$0x12]  }
0x61: {  	[tilespmem:s24], [sflag:$0x6] =	stream.linear.gather [hbm4b:s30+s3], $0x100, $0x38;
	[tilespmem:$0x1BA80] =	vst v63  }
0x62: {  	p4 =	por @!p2 p3, p3;
	_ =	swait.ge [sflag:s25], $0x100  }
.Ltmp2:
0x63: {  	p3 =	por $0x0, $0x0;
	[sflag:s25] =	ssyncset.done $0x0;
	(pc) =	sbr.rel .LBB2_2-.Ltmp2, $4  }
0x64: {  	s30 =	simm.s32 $0x200;
	s26 =	rddreg [dreg:$0xf];
	[sflag:s25] =	ssyncadd.s32 $0xFFFFFF00  }
0x65: {  	[tilespmem:s30], [sflag:$0x1] =	stream.linear.gather [hbm4b:s26+s3], $0x2000, $0x38;
	[tilespmem:$0x1BA80] =	vst v63  }
0x66: {  	p3 =	por @!p0 p4, p4;
	s23 =	simm.s32 $0x0  }
0x67: {  	[tilespmem:s5], [sflag:$0x3] =	stream.indirect.gather [hbm4b:s4+s0], $0x80, s3, s0, $0xb8;
	[tilespmem:$0x1BA80] =	vst v63  }
.LBB2_10:
0x68: {  	s24 =	sadd.s32 $0x3, s24  }
0x69: {  	p4 =	sge.u32 s24, s8  }
0x6a: {  	s24 =	sadd.s32 @!p4 s9, s24  }
0x6b: {  	s24 =	sshll.u32 @!p4 s24, $0x5  }
0x6c: {  	s23 =	sadd.s32 $0x1, s23;
	s24 =	sand.u32 @!p4 $0x1FFFFFE0, s24  }
0x6d: {  	s25 =	simm.s32 @!p4 $0x0;
	s26 =	simm.s32 @!p4 $0x100;
	s24 =	sadd.s32 @!p4 s1, s24  }
0x6e: {  	[tilespmem:s26], [sflag:$0x6] =	stream.linear.gather @!p4 [hbm4b:s24+s25], $0x100, $0x38;
	[tilespmem:$0x1BA80] =	vst v63  }
0x6f: {  	p4 =	sne.s32 s23, $0x4F  }
.Ltmp3:
0x70: {  	_ = 	snop;
	(pc) =	sbr.rel @!p4 .LBB2_11-.Ltmp3, $1  }
0x71: {  	_ =	sdelay $0x3  }
.LBB2_2:
0x72: {  	s24 =	sshllo.u32 s23, $0x1  }
0x73: {  	p4 =	sge.u32 s24, s8  }
0x74: {  	s25 =	simm.s32 @!p4 $0x6;
	s24 =	sadd.s32 @!p4 s9, s24  }
0x75: {  	_ =	swait.ge @!p4 [sflag:s25], $0x100;
	s26 =	sshll.u32 @!p4 s24, $0xA;
	s24 =	sshll.u32 s23, $0x1  }
0x76: {  	[sflag:s25] =	ssyncset.done @!p4 $0x0;
	p5 =	sge.u32 s24, s8  }
.Ltmp4:
0x77: {  	[sflag:s25] =	ssyncadd.s32 @!p4 $0xFFFFFF00;
	s25 =	sand.u32 @!p4 $0x1FFFFC00, s26;
	(pc) =	sbr.rel @p5 .LBB2_6-.Ltmp4, $4  }
0x78: {  	s30 =	simm.s32 @!p4 $0x2200;
	s26 =	simm.s32 @!p4 $0x0;
	s25 =	sadd.s32 @!p4 s6, s25  }
0x79: {  	[tilespmem:s30], [sflag:$0x2] =	stream.linear.gather @!p4 [hbm4b:s25+s26], $0x2000, $0x38;
	[tilespmem:$0x1BA80] =	vst v63  }
0x7a: {  	s25 =	simm.s32 @!p4 $0x40;
	s26 =	simm.s32 @!p4 $0x100;
	s30 =	simm.s32 @!p4 $0x6200  }
0x7b: {  	[tilespmem:s30], [sflag:$0x4] =	stream.indirect.gather @!p4 [hbm4b:s4+s25], $0x80, s26, s25, $0xb8;
	[tilespmem:$0x1BA80] =	vst v63  }
0x7c: {  	_ =	swait.ge [sflag:s29], $0x2000  }
0x7d: {  	[sflag:s29] =	ssyncset.done $0x0  }
0x7e: {  	[sflag:s29] =	ssyncadd.s32 $0xFFFFE000  }
0x7f: {  	_ =	swait.ge [sflag:s31], $0x2000  }
0x80: {  	[sflag:s31] =	ssyncset.done $0x0  }
0x81: {  	s25 =	simm.s32 $0x0;
	[sflag:s31] =	ssyncadd.s32 $0xFFFFE000  }
0x82: {  	v7 =	vld [tilespmem:s25+$0x200]  }
0x83: {  	v11 =	vld [tilespmem:s25+$0x210]  }
0x84: {  	v5 =	vld [tilespmem:s25+$0x220]  }
0x85: {  	v4 =	vld [tilespmem:s25+$0x230]  }
0x86: {  	v3 =	vld [tilespmem:s25+$0x240]  }
0x87: {  	v2 =	vld [tilespmem:s25+$0x250]  }
0x88: {  	v1 =	vld [tilespmem:s25+$0x260]  }
0x89: {  	v0 =	vld [tilespmem:s25+$0x270]  }
0x8a: {  	v12 =	vld [tilespmem:s25+$0x4200]  }
0x8b: {  	v13 =	vld [tilespmem:s25+$0x4210]  }
0x8c: {  	v10 =	vld [tilespmem:s25+$0x4220]  }
0x8d: {  	v9 =	vld [tilespmem:s25+$0x4230]  }
0x8e: {  	v8 =	vld [tilespmem:s25+$0x4240]  }
0x8f: {  	v6 =	vld [tilespmem:s25+$0x4250];
	v12 =	vmul.f32 v7, v12  }
0x90: {  	s26 =	simm.s32 $0x200;
	v11 =	vmul.f32 v11, v13;
	v7 =	vld [tilespmem:s25+$0x4260]  }
.LBB2_4:
0x91: {  	s30 =	sshra.s32 s26, $0x2;
	p5 =	sne.s32 s26, $0x7E00;
	[tilespmem:s25+$0x4200] =	vst v12;
	v5 =	vmul.f32 v5, v10;
	v10 =	vld [tilespmem:s25+$0x4270]  }
0x92: {  	v12 =	vld [tilespmem:s30+$0x200];
	[tilespmem:s25+$0x4210] =	vst v11;
	v4 =	vmul.f32 v4, v9  }
0x93: {  	v11 =	vld [tilespmem:s30+$0x210];
	[tilespmem:s25+$0x4220] =	vst v5;
	v3 =	vmul.f32 v3, v8  }
0x94: {  	v5 =	vld [tilespmem:s30+$0x220];
	[tilespmem:s25+$0x4230] =	vst v4;
	v2 =	vmul.f32 v2, v6  }
0x95: {  	v4 =	vld [tilespmem:s30+$0x230];
	[tilespmem:s25+$0x4240] =	vst v3;
	v1 =	vmul.f32 v1, v7  }
0x96: {  	v3 =	vld [tilespmem:s30+$0x240];
	[tilespmem:s25+$0x4250] =	vst v2;
	v0 =	vmul.f32 v0, v10  }
0x97: {  	v2 =	vld [tilespmem:s30+$0x250];
	[tilespmem:s25+$0x4260] =	vst v1  }
0x98: {  	v1 =	vld [tilespmem:s30+$0x260];
	[tilespmem:s25+$0x4270] =	vst v0;
	s25 =	smov.u32 s30  }
0x99: {  	v0 =	vld [tilespmem:s25+$0x270]  }
0x9a: {  	v6 =	vld [tilespmem:s25+$0x4200]  }
0x9b: {  	v7 =	vld [tilespmem:s25+$0x4210]  }
.Ltmp5:
0x9c: {  	v10 =	vld [tilespmem:s25+$0x4220];
	(pc) =	sbr.rel @p5 .LBB2_4-.Ltmp5, $4  }
0x9d: {  	v9 =	vld [tilespmem:s25+$0x4230]  }
0x9e: {  	v8 =	vld [tilespmem:s25+$0x4240]  }
0x9f: {  	v12 =	vmul.f32 v12, v6;
	v6 =	vld [tilespmem:s25+$0x4250]  }
0xa0: {  	s26 =	sadd.s32 $0x200, s26;
	v11 =	vmul.f32 v11, v7;
	v7 =	vld [tilespmem:s25+$0x4260]  }
0xa1: {  	[tilespmem:s25+$0x4200] =	vst v12;
	v5 =	vmul.f32 v5, v10;
	v63 =	vld [tilespmem:s25+$0x4270]  }
0xa2: {  	[tilespmem:s25+$0x4210] =	vst v11;
	v4 =	vmul.f32 v4, v9  }
0xa3: {  	[tilespmem:s25+$0x4220] =	vst v5;
	v3 =	vmul.f32 v3, v8  }
0xa4: {  	[tilespmem:s25+$0x4230] =	vst v4;
	v2 =	vmul.f32 v2, v6  }
0xa5: {  	[tilespmem:s25+$0x4240] =	vst v3;
	v1 =	vmul.f32 v1, v7  }
0xa6: {  	[tilespmem:s25+$0x4250] =	vst v2;
	v0 =	vmul.f32 v0, v63  }
0xa7: {  	[tilespmem:s25+$0x4260] =	vst v1  }
0xa8: {  	[tilespmem:s25+$0x4270] =	vst v0  }
0xa9: {  	[spmem:s2] =	stream.indirect.scatter.add.f32 [tilespmem:s5], [sflag:$0x7], $0x80, s10, s0, $0xb8;
	[tilespmem:$0x1BA80] =	vst v63  }
0xaa: {  	_ =	swait.ge [sflag:s28], $0x2000  }
0xab: {  	[sflag:s28] =	ssyncset.done $0x0  }
0xac: {  	[sflag:s28] =	ssyncadd.s32 $0xFFFFE000  }
.LBB2_6:
0xad: {  	s25 =	sadd.s32 $0x2, s24  }
0xae: {  	p5 =	sge.u32 s25, s8  }
0xaf: {  	s25 =	sadd.s32 @!p5 s9, s25  }
0xb0: {  	s26 =	sshll.u32 @!p5 s25, $0x5  }
0xb1: {  	s26 =	sand.u32 @!p5 $0x1FFFFFE0, s26  }
0xb2: {  	s30 =	simm.s32 @!p5 $0x0;
	s26 =	sadd.s32 @!p5 s1, s26  }
0xb3: {  	[tilespmem:s30], [sflag:$0x5] =	stream.linear.gather @!p5 [hbm4b:s26+s30], $0x100, $0x38;
	[tilespmem:$0x1BA80] =	vst v63  }
0xb4: {  	s26 =	simm.s32 @!p5 $0x5  }
0xb5: {  	s25 =	sshll.u32 @!p5 s25, $0xA;
	_ =	swait.ge @!p5 [sflag:s26], $0x100  }
.Ltmp6:
0xb6: {  	s25 =	sand.u32 @!p5 $0x1FFFFC00, s25;
	[sflag:s26] =	ssyncset.done @!p5 $0x0;
	(pc) =	sbr.rel @p4 .LBB2_10-.Ltmp6, $4  }
0xb7: {  	s25 =	sadd.s32 @!p5 s6, s25;
	[sflag:s26] =	ssyncadd.s32 @!p5 $0xFFFFFF00;
	s26 =	simm.s32 @!p5 $0x200  }
0xb8: {  	[tilespmem:s26], [sflag:$0x1] =	stream.linear.gather @!p5 [hbm4b:s25+s30], $0x2000, $0x38;
	[tilespmem:$0x1BA80] =	vst v63  }
0xb9: {  	s25 =	simm.s32 @!p5 $0x40;
	s26 =	simm.s32 @!p5 $0x4200  }
0xba: {  	[tilespmem:s26], [sflag:$0x3] =	stream.indirect.gather @!p5 [hbm4b:s4+s25], $0x80, s30, s25, $0xb8;
	[tilespmem:$0x1BA80] =	vst v63  }
0xbb: {  	_ =	swait.ge [sflag:s12], $0x2000  }
0xbc: {  	[sflag:s12] =	ssyncset.done $0x0  }
0xbd: {  	[sflag:s12] =	ssyncadd.s32 $0xFFFFE000  }
0xbe: {  	_ =	swait.ge [sflag:s13], $0x2000  }
0xbf: {  	[sflag:s13] =	ssyncset.done $0x0  }
0xc0: {  	s25 =	simm.s32 $0x0;
	[sflag:s13] =	ssyncadd.s32 $0xFFFFE000  }
0xc1: {  	v7 =	vld [tilespmem:s25+$0x2200]  }
0xc2: {  	v11 =	vld [tilespmem:s25+$0x2210]  }
0xc3: {  	v5 =	vld [tilespmem:s25+$0x2220]  }
0xc4: {  	v4 =	vld [tilespmem:s25+$0x2230]  }
0xc5: {  	v3 =	vld [tilespmem:s25+$0x2240]  }
0xc6: {  	v2 =	vld [tilespmem:s25+$0x2250]  }
0xc7: {  	v1 =	vld [tilespmem:s25+$0x2260]  }
0xc8: {  	v0 =	vld [tilespmem:s25+$0x2270]  }
0xc9: {  	v12 =	vld [tilespmem:s25+$0x6200]  }
0xca: {  	v13 =	vld [tilespmem:s25+$0x6210]  }
0xcb: {  	v10 =	vld [tilespmem:s25+$0x6220]  }
0xcc: {  	v9 =	vld [tilespmem:s25+$0x6230]  }
0xcd: {  	v8 =	vld [tilespmem:s25+$0x6240]  }
0xce: {  	v6 =	vld [tilespmem:s25+$0x6250];
	v12 =	vmul.f32 v7, v12  }
0xcf: {  	s26 =	simm.s32 $0x200;
	v11 =	vmul.f32 v11, v13;
	v7 =	vld [tilespmem:s25+$0x6260]  }
.LBB2_8:
0xd0: {  	s30 =	sshra.s32 s26, $0x2;
	p4 =	sne.s32 s26, $0x7E00;
	[tilespmem:s25+$0x6200] =	vst v12;
	v5 =	vmul.f32 v5, v10;
	v10 =	vld [tilespmem:s25+$0x6270]  }
0xd1: {  	v12 =	vld [tilespmem:s30+$0x2200];
	[tilespmem:s25+$0x6210] =	vst v11;
	v4 =	vmul.f32 v4, v9  }
0xd2: {  	v11 =	vld [tilespmem:s30+$0x2210];
	[tilespmem:s25+$0x6220] =	vst v5;
	v3 =	vmul.f32 v3, v8  }
0xd3: {  	v5 =	vld [tilespmem:s30+$0x2220];
	[tilespmem:s25+$0x6230] =	vst v4;
	v2 =	vmul.f32 v2, v6  }
0xd4: {  	v4 =	vld [tilespmem:s30+$0x2230];
	[tilespmem:s25+$0x6240] =	vst v3;
	v1 =	vmul.f32 v1, v7  }
0xd5: {  	v3 =	vld [tilespmem:s30+$0x2240];
	[tilespmem:s25+$0x6250] =	vst v2;
	v0 =	vmul.f32 v0, v10  }
0xd6: {  	v2 =	vld [tilespmem:s30+$0x2250];
	[tilespmem:s25+$0x6260] =	vst v1  }
0xd7: {  	v1 =	vld [tilespmem:s30+$0x2260];
	[tilespmem:s25+$0x6270] =	vst v0;
	s25 =	smov.u32 s30  }
0xd8: {  	v0 =	vld [tilespmem:s25+$0x2270]  }
0xd9: {  	v6 =	vld [tilespmem:s25+$0x6200]  }
0xda: {  	v7 =	vld [tilespmem:s25+$0x6210]  }
.Ltmp7:
0xdb: {  	v10 =	vld [tilespmem:s25+$0x6220];
	(pc) =	sbr.rel @p4 .LBB2_8-.Ltmp7, $4  }
0xdc: {  	v9 =	vld [tilespmem:s25+$0x6230]  }
0xdd: {  	v8 =	vld [tilespmem:s25+$0x6240]  }
0xde: {  	v12 =	vmul.f32 v12, v6;
	v6 =	vld [tilespmem:s25+$0x6250]  }
0xdf: {  	s26 =	sadd.s32 $0x200, s26;
	v11 =	vmul.f32 v11, v7;
	v7 =	vld [tilespmem:s25+$0x6260]  }
0xe0: {  	[tilespmem:s25+$0x6200] =	vst v12;
	v5 =	vmul.f32 v5, v10;
	v63 =	vld [tilespmem:s25+$0x6270]  }
0xe1: {  	[tilespmem:s25+$0x6210] =	vst v11;
	v4 =	vmul.f32 v4, v9  }
0xe2: {  	[tilespmem:s25+$0x6220] =	vst v5;
	v3 =	vmul.f32 v3, v8  }
0xe3: {  	[tilespmem:s25+$0x6230] =	vst v4;
	v2 =	vmul.f32 v2, v6  }
0xe4: {  	[tilespmem:s25+$0x6240] =	vst v3;
	v1 =	vmul.f32 v1, v7  }
0xe5: {  	[tilespmem:s25+$0x6250] =	vst v2;
	v0 =	vmul.f32 v0, v63  }
0xe6: {  	[tilespmem:s25+$0x6260] =	vst v1  }
.Ltmp8:
0xe7: {  	[tilespmem:s25+$0x6270] =	vst v0;
	(pc) =	sbr.rel .LBB2_10-.Ltmp8, $4  }
0xe8: {  	[spmem:s2] =	stream.indirect.scatter.add.f32 [tilespmem:s15], [sflag:$0x7], $0x80, s14, s0, $0xb8;
	[tilespmem:$0x1BA80] =	vst v63  }
0xe9: {  	_ =	swait.ge [sflag:s28], $0x2000  }
0xea: {  	[sflag:s28] =	ssyncset.done $0x0  }
0xeb: {  	[sflag:s28] =	ssyncadd.s32 $0xFFFFE000  }
.LBB2_12:
0xec: {  	_ =	sfence.sel $0x180000  }
0xed: {  	[bflag:$0x0] =	sbarrier.arrive $0xFFFF  }
0xee: {  	_ =	strace $0x9000004D  }
0xef: {  	s0 =	stileid.u32;
	[bflag:$0x2] =	sbarrier.arrive $0xFFFF  }
0xf0: {  	p0 =	sne.s32 s0, $0x0;
	s0 =	rddreg [dreg:$0x3]  }
0xf1: {  	s0 =	sadd.s32 @!p0 $0x100000, s0  }
0xf2: {  	[sflag:s0] =	ssyncadd.tile.s32 @!p0 $0x1;
	_ =	shalt  }
.Lfunc_end2:
_tile_overlayer_lowered:
.L_overlay_start_2:
0xf3: {  	(tag) =	ssettag $0x2  }
0xf4: {  	s0 =	rddreg [dreg:$0x0];
	s2 =	stileid.u32  }
0xf5: {  	s1 =	rddreg [dreg:$0x1];
	p0 =	sne.s32 s2, $0x0  }
0xf6: {  	s3 =	rddreg [dreg:$0x2];
	[bflag:$0x3] =	sbarrier.arrive $0xFFFF;
	s2 =	simm.s32 @!p0 $0x1C07  }
0xf7: {  	[timem:s3], [sflag:s2] =	dma.local @!p0 [hbm:s0], s1  }
0xf8: {  	s0 =	simm.s32 @!p0 $0x7  }
0xf9: {  	_ =	swait.ge @!p0 [sflag:s0], s1  }
0xfa: {  	s1 =	ssub.s32 @!p0 $0x0, s1;
	[sflag:s0] =	ssyncset.done @!p0 $0x0  }
0xfb: {  	[sflag:s0] =	ssyncadd.s32 @!p0 s1  }
0xfc: {  	[bflag:$0x3] =	sbarrier.arrive $0xFFFF  }
0xfd: {  	_ =	shalt  }

// kernel: kernel.21.cloned.1.call-start
scs
__scs_entry_jumppad:
0x0: {  	(pc) =	sbr.rel $0x88, $3  }
0x1: {  	(tag) =	ssettag $0x0;
	lr =	simm.s32 $0x1  }
0x2: {  	[smem:$0x3F96] =	sst lr;
	_ =	strace $0xD0000000  }
0x3: {  	_ = 	snop  }
0x4: {  	_ = 	snop  }
0x5: {  	_ = 	snop  }
0x6: {  	_ = 	snop  }
0x7: {  	_ = 	snop  }
__scs_overlays_trampoline_lowered:
0x8: {  	[smem:$0x3FA5] =	sst s0  }
0x9: {  	[smem:$0x3FA6] =	sst s1  }
0xa: {  	[smem:$0x3FA7] =	sst s2  }
0xb: {  	[smem:$0x3FA8] =	sst s3  }
0xc: {  	[smem:$0x3FA9] =	sst s4  }
0xd: {  	[smem:$0x3FAA] =	sst s5  }
0xe: {  	[smem:$0x3FAB] =	sst s6  }
0xf: {  	[smem:$0x3FAC] =	sst s7  }
0x10: {  	[smem:$0x3FAD] =	sst s8  }
0x11: {  	[smem:$0x3FAE] =	sst s9;
	s0 =	simm.s32 @!p0 $0x0  }
0x12: {  	s1 =	sld [smem:$0x3F94];
	s0 =	simm.s32 @p0 $0x1  }
0x13: {  	[smem:$0x3FAF] =	sst s0;
	s0 =	simm.s32 @!p1 $0x0  }
0x14: {  	s2 =	sld [smem:$0x3F93];
	s0 =	simm.s32 @p1 $0x1  }
0x15: {  	[smem:$0x3FB0] =	sst s0;
	s0 =	simm.s32 @!p2 $0x0  }
0x16: {  	s3 =	sld [smem:$0x3FDB];
	s0 =	simm.s32 @p2 $0x1  }
0x17: {  	s4 =	simm.s32 $0x1BF5;
	[smem:$0x3FB2] =	sst s0  }
0x18: {  	s0 =	sld [smem:$0x3F95];
	_ =	swait.ge [sflag:s4], $0x0  }
0x19: {  	s7 =	sld [smem:$0x3F96]  }
0x1a: {  	s8 =	sadd.s32 $0xFFFFE003, lr  }
0x1b: {  	s9 =	sadd.s32 $0xFFFFFEF7, lr;
	s5 =	simm.s32 $0xFFFFFFFF;
	p2 =	slt.u32 s8, $0xFFFFF086  }
0x1c: {  	p1 =	slt.u32 s9, $0xF7A;
	s5 =	simm.s32 @!p2 $0x0  }
0x1d: {  	s5 =	simm.s32 @p1 $0x1;
	p0 =	seq.s32 s7, s2  }
0x1e: {  	s7 =	smul.u32 @!p0 $0xF7A, s2;
	p2 =	seq.s32 @!p0 s5, $0x0  }
0x1f: {  	s9 =	smul.u32 $0xF7A, s1;
	s8 =	simm.s32 @!p0 $0x1BF5;
	p2 =	por !p2, p0  }
0x20: {  	[sflag:s8] =	ssyncset.s32 @!p0 $0xFFFFF086;
	s6 =	sadd.s32 @!p0 s3, s7;
	s7 =	simm.s32 @!p0 $0x108  }
0x21: {  	s3 =	sadd.s32 s3, s9;
	s6 =	sadd.s32 @!p0 $0x88, s6;
	s7 =	simm.s32 @p2 $0x1082  }
0x22: {  	[simem:s7], [sflag:s8] =	dma.local @!p0 [hbm:s6], $0xF7A  }
0x23: {  	s9 =	sor.u32 $0xD0000000, s2;
	s6 =	simm.s32 $0x108;
	_ =	swait.ge @!p0 [sflag:s8], $0x0  }
0x24: {  	s3 =	sadd.s32 $0x88, s3;
	s6 =	simm.s32 @!p1 $0x1082;
	[sflag:s4] =	ssyncset.s32 $0xFFFFF086  }
0x25: {  	[simem:s6], [sflag:s4] =	dma.local [hbm:s3], $0xF7A  }
0x26: {  	[smem:$0x3F96] =	sst s1;
	(tag) =	ssettag s2;
	_ =	strace s9  }
0x27: {  	s1 =	sld [smem:$0x3FA6]  }
0x28: {  	s2 =	sld [smem:$0x3FA7]  }
0x29: {  	s4 =	sld [smem:$0x3FA9]  }
0x2a: {  	p0 =	seq.s32 s5, $0x0;
	s5 =	sld [smem:$0x3FAA]  }
0x2b: {  	s6 =	sld [smem:$0x3FAB]  }
0x2c: {  	s7 =	sld [smem:$0x3FAC]  }
0x2d: {  	s3 =	simm.s32 $0x108;
	s8 =	sld [smem:$0x3FAD]  }
0x2e: {  	s3 =	simm.s32 @!p0 $0x1082;
	s9 =	sld [smem:$0x3FAE]  }
0x2f: {  	lr =	sadd.s32 s0, s3;
	s0 =	sld [smem:$0x3FA5]  }
0x30: {  	s3 =	sld [smem:$0x3FA8]  }
0x31: {  	[smem:$0x3FB1] =	sst s10  }
0x32: {  	s10 =	sld [smem:$0x3FAF];
	_ =	sdelay $0x3  }
0x33: {  	p0 =	seq.s32 s10, $0x1;
	s10 =	sld [smem:$0x3FB1];
	_ =	sdelay $0x3  }
0x34: {  	[smem:$0x3FB1] =	sst s10  }
0x35: {  	s10 =	sld [smem:$0x3FB0];
	_ =	sdelay $0x3  }
0x36: {  	p1 =	seq.s32 s10, $0x1;
	s10 =	sld [smem:$0x3FB1];
	_ =	sdelay $0x3  }
0x37: {  	[smem:$0x3FB1] =	sst s10  }
0x38: {  	s10 =	sld [smem:$0x3FB2]  }
0x39: {  	_ = 	snop;
	(pc) =	sbr.ind lr, $3  }
0x3a: {  	_ = 	snop  }
0x3b: {  	_ = 	snop  }
0x3c: {  	p2 =	seq.s32 s10, $0x1;
	s10 =	sld [smem:$0x3FB1]  }
0x3d: {  	_ =	shalt  }
0x3e: {  	_ =	shalt  }
0x3f: {  	_ =	shalt  }
0x40: {  	_ =	shalt  }
0x41: {  	_ =	shalt  }
0x42: {  	_ =	shalt  }
0x43: {  	_ =	shalt  }
0x44: {  	_ =	shalt  }
0x45: {  	_ =	shalt  }
0x46: {  	_ =	shalt  }
0x47: {  	_ =	shalt  }
0x48: {  	_ =	shalt  }
0x49: {  	_ =	shalt  }
0x4a: {  	_ =	shalt  }
0x4b: {  	_ =	shalt  }
0x4c: {  	_ =	shalt  }
0x4d: {  	_ =	shalt  }
0x4e: {  	_ =	shalt  }
0x4f: {  	_ =	shalt  }
0x50: {  	_ =	shalt  }
0x51: {  	_ =	shalt  }
0x52: {  	_ =	shalt  }
0x53: {  	_ =	shalt  }
0x54: {  	_ =	shalt  }
0x55: {  	_ =	shalt  }
0x56: {  	_ =	shalt  }
0x57: {  	_ =	shalt  }
0x58: {  	_ =	shalt  }
0x59: {  	_ =	shalt  }
0x5a: {  	_ =	shalt  }
0x5b: {  	_ =	shalt  }
0x5c: {  	_ =	shalt  }
0x5d: {  	_ =	shalt  }
0x5e: {  	_ =	shalt  }
0x5f: {  	_ =	shalt  }
0x60: {  	_ =	shalt  }
0x61: {  	_ =	shalt  }
0x62: {  	_ =	shalt  }
0x63: {  	_ =	shalt  }
0x64: {  	_ =	shalt  }
0x65: {  	_ =	shalt  }
0x66: {  	_ =	shalt  }
0x67: {  	_ =	shalt  }
0x68: {  	_ =	shalt  }
0x69: {  	_ =	shalt  }
0x6a: {  	_ =	shalt  }
0x6b: {  	_ =	shalt  }
0x6c: {  	_ =	shalt  }
0x6d: {  	_ =	shalt  }
0x6e: {  	_ =	shalt  }
0x6f: {  	_ =	shalt  }
0x70: {  	_ =	shalt  }
0x71: {  	_ =	shalt  }
0x72: {  	_ =	shalt  }
0x73: {  	_ =	shalt  }
0x74: {  	_ =	shalt  }
0x75: {  	_ =	shalt  }
0x76: {  	_ =	shalt  }
0x77: {  	_ =	shalt  }
0x78: {  	_ =	shalt  }
0x79: {  	_ =	shalt  }
0x7a: {  	_ =	shalt  }
0x7b: {  	_ =	shalt  }
0x7c: {  	_ =	shalt  }
0x7d: {  	_ =	shalt  }
0x7e: {  	_ =	shalt  }
0x7f: {  	_ =	shalt  }
0x80: {  	_ =	shalt  }
0x81: {  	_ =	shalt  }
0x82: {  	_ =	shalt  }
0x83: {  	_ =	shalt  }
0x84: {  	_ =	shalt  }
0x85: {  	_ =	shalt  }
0x86: {  	_ =	shalt  }
0x87: {  	_ =	shalt  }
.Lfunc_end0:
.L_simem_size_0:
called_computation.3_lowered:
.L_overlay_start_0:
0x88: {  	s2 =	sld [smem:$0x3FD9]  }
0x89: {  	s3 =	sld [smem:$0x3FFE];
	_ =	sdelay $0x1  }
0x8a: {  	s1 =	srdreg.scid  }
0x8b: {  	s0 =	sand.u32 $0x1, s1  }
0x8c: {  	s17 =	sshll.u32 s0, $0xA;
	s2 =	sadd.s32 s3, s2  }
0x8d: {  	s2 =	sadd.s32 s2, s17  }
0x8e: {  	[smem:$0x3FBD] =	sst s2  }
0x8f: {  	_ = 	snop  }
0x90: {  	s2 =	sld [smem:$0x3FD0];
	(tm) =	ssettm $0x1  }
0x91: {  	s18 =	sld [smem:$0x3FFB];
	_ =	sdelay $0x3  }
0x92: {  	_ =	strace s18  }
0x93: {  	s3 =	sld [smem:$0x3FFC];
	_ =	sdelay $0x3  }
0x94: {  	_ =	strace s3  }
0x95: {  	s3 =	sld [smem:$0x3FFD];
	_ =	sdelay $0x3  }
0x96: {  	_ =	strace s3  }
0x97: {  	_ =	strace $0x8FFFFFFF  }
0x98: {  	s19 =	sld [smem:$0x3FDB];
	_ =	sdelay $0x1  }
0x99: {  	s4 =	simm.s32 $_scs_section_size  }
0x9a: {  	s5 =	simm.s32 $_size__tile_overlayer_lowered;
	s6 =	simm.s32 $_tile_overlayer_lowered  }
0x9b: {  	s22 =	simm.s32 $0x1BFF;
	s21 =	sshll.u32 s6, $0x1;
	s3 =	sadd.s32 s4, s19  }
0x9c: {  	s7 =	simm.s32 $0x0;
	s20 =	sshll.u32 s5, $0x1;
	s5 =	sadd.s32 s21, s3  }
0x9d: {  	[timem:s7], [sflag:s22] =	dma.local [hbm:s5], s20  }
0x9e: {  	_ =	swait.ge [sflag:s22], s20  }
0x9f: {  	s4 =	ssub.s32 $0x0, s20;
	[sflag:s22] =	ssyncset.done $0x0  }
0xa0: {  	[sflag:s22] =	ssyncadd.s32 s4;
	_ =	sdelay $0x1  }
0xa1: {  	s23 =	simm.s32 $0x1B8B  }
0xa2: {  	_ =	swait.ge [sflag:s23], $0x1  }
0xa3: {  	[sflag:s23] =	ssyncset.done $0x0  }
0xa4: {  	s25 =	simm.s32 $0x1B8E;
	s24 =	sld [smem:$0x3FFE];
	[sflag:s23] =	ssyncadd.s32 $0xFFFFFFFF  }
0xa5: {  	s26 =	simm.s32 $execute0_lowered;
	[smem:$0x3FD2] =	sst s25  }
0xa6: {  	s5 =	sshll.u32 s26, $0x1;
	_ =	strace $0x8000004F;
	[dreg:$0x1] =	wrdreg $0xFFFFFFFF  }
0xa7: {  	s28 =	simm.s32 $_size_execute0_lowered;
	s3 =	sadd.s32 s3, s5;
	[dreg:$0x0] =	wrdreg $0x0  }
0xa8: {  	s5 =	sshll.u32 s28, $0x1;
	[dreg:$0x2] =	wrdreg s3  }
0xa9: {  	[dreg:$0x3] =	wrdreg s5  }
0xaa: {  	[dreg:$0x4] =	wrdreg $0xC0  }
0xab: {  	_ =	task [dreg:s7], $0x5FFFF  }
0xac: {  	[dreg:$0x1] =	wrdreg $0xFFFFFFFF  }
0xad: {  	[dreg:$0x0] =	wrdreg $0x60  }
0xae: {  	[dreg:$0x2] =	wrdreg s24  }
0xaf: {  	[dreg:$0x3] =	wrdreg s2  }
0xb0: {  	[dreg:$0x4] =	wrdreg $0x82000  }
0xb1: {  	[dreg:$0x5] =	wrdreg $0x9  }
0xb2: {  	_ =	task.clear_ibuf [dreg:s7], $0x6FFFF;
	_ =	strace $0x9000004F  }
0xb3: {  	s29 =	simm.s32 $0x9;
	_ =	strace $0x80000051  }
0xb4: {  	_ =	swait.ge [sflag:s29], $0x1  }
0xb5: {  	[sflag:s29] =	ssyncadd.s32 $0xFFFFFFFF  }
0xb6: {  	_ =	strace $0x90000051  }
0xb7: {  	_ =	sfence  }
0xb8: {  	s30 =	sld [smem:$0x0];
	_ =	sdelay $0x2  }
0xb9: {  	s31 =	sshll.u32 s1, $0xD;
	s1 =	sshrl.u32 s1, $0x2  }
0xba: {  	s3 =	sand.u32 $0x4000, s31;
	s1 =	sadd.s32 s1, s30  }
0xbb: {  	s0 =	sor.u32 s3, s0;
	s1 =	sshll.u32 s1, $0x11  }
0xbc: {  	s0 =	sor.u32 s1, s0  }
0xbd: {  	s0 =	sadd.s32 $0x8F2B, s0  }
0xbe: {  	[sflag:s0] =	ssyncadd.remote.s32 $0x1  }
0xbf: {  	_ =	sfence.sel $0xFFFF  }
0xc0: {  	[dreg:$0x0] =	wrdreg $0xFFFFFFFF;
	(pc) =	sbr.abs _section_cstart, $3  }
0xc1: {  	[dreg:$0x1] =	wrdreg $0xFFFFFFFF  }
0xc2: {  	_ =	task.clear_ibuf [dreg:s7], $0x2FFFF;
	_ =	strace $0x9FFFFFFF  }
0xc3: {  	(tm) =	ssettm $0x7FFFFFFF  }
tec
execute0_lowered:
.L_overlay_start_1:
0x0: {  	(tag) =	ssettag $0x1  }
0x1: {  	s0 =	rddreg [dreg:$0x0]  }
0x2: {  	s1 =	rddreg [dreg:$0x1]  }
0x3: {  	s2 =	rddreg [dreg:$0x2]  }
0x4: {  	s3 =	simm.s32 $0x0;
	s5 =	srdreg.scid;
	s19 =	stileid.u32  }
0x5: {  	s28 =	simm.s32 $0x7;
	s29 =	simm.s32 $0x1;
	s31 =	simm.s32 $0x3  }
0x6: {  	[smem:$0x7FF] =	sst s3;
	s4 =	sadd.s32 $0x4EF000, s0;
	s6 =	sadd.s32 $0xA29000, s0  }
0x7: {  	s7 =	sadd.s32 $0x4EE800, s0;
	s5 =	sand.u32 $0x1, s5;
	s0 =	sadd.s32 $0x547000, s0  }
0x8: {  	s13 =	sshll.u32 s19, $0xE;
	s23 =	sshll.u32 s19, $0x6;
	_ =	strace $0x80000050  }
0x9: {  	s8 =	ssub.s32 $0x2, s5;
	s9 =	sshll.u32 s5, $0x4;
	s22 =	sadd.s32 s13, s2  }
0xa: {  	s24 =	sor.u32 $0x40000, s13;
	s14 =	sor.u32 $0x80000, s13;
	s26 =	sor.u32 $0xC0000, s13  }
0xb: {  	s17 =	sor.u32 $0x100000, s13;
	s5 =	smul.u32 $0x138800, s5;
	s10 =	sshrl.u32 s8, $0x1  }
0xc: {  	s9 =	sor.u32 s19, s9;
	[dreg:$0x4] =	wrdreg s22;
	s15 =	sadd.s32 s24, s2  }
0xd: {  	s25 =	sadd.s32 s14, s2;
	s16 =	sadd.s32 s26, s2;
	[dreg:$0x5] =	wrdreg s15  }
0xe: {  	s30 =	sadd.s32 s17, s2;
	s10 =	ssub.s32 s8, s10;
	[dreg:$0x6] =	wrdreg s25  }
0xf: {  	s11 =	smul.u32 $0x9C, s9;
	s12 =	smin.u32 s9, $0x8;
	[dreg:$0x7] =	wrdreg s16  }
0x10: {  	p0 =	slt.u32 s9, $0x8;
	s8 =	simm.s32 $0x9D;
	[dreg:$0x8] =	wrdreg s30  }
0x11: {  	s16 =	sadd.s32 $0x138000, s2;
	s13 =	sadd.s32 s5, s13;
	s14 =	sadd.s32 s5, s14  }
0x12: {  	s20 =	sadd.s32 s5, s26;
	s21 =	sadd.s32 s5, s17;
	s15 =	simm.s32 $0x6200  }
0x13: {  	s8 =	simm.s32 @!p0 $0x9C;
	s13 =	sshrl.u32 s13, $0x3;
	s22 =	sshrl.u32 s20, $0x3  }
0x14: {  	p0 =	sgt.u32 s19, $0xD;
	s26 =	smax.u32 s10, $0x1;
	s10 =	simm.s32 $0x80  }
0x15: {  	s9 =	sadd.s32 s12, s11;
	s11 =	sor.u32 $0x1C07, s23;
	s12 =	sadd.s32 s5, s24  }
0x16: {  	s13 =	sadd.s32 s0, s13;
	s23 =	sshrl.u32 s21, $0x3;
	s5 =	sshrl.u32 s5, $0x3  }
0x17: {  	p2 =	sne.s32 @!p0 s19, $0x0;
	[dreg:$0x11] =	wrdreg s26;
	s18 =	sshll.u32 s9, $0x5  }
0x18: {  	s12 =	sshrl.u32 s12, $0x3;
	[dreg:$0xa] =	wrdreg s13;
	s24 =	sadd.s32 s0, s23  }
0x19: {  	s25 =	sshll.u32 s9, $0xA;
	p1 =	por p2, p0;
	p2 =	por !p2, p0  }
0x1a: {  	s13 =	simm.s32 $0x4;
	s12 =	sadd.s32 s0, s12;
	[dreg:$0xe] =	wrdreg s24  }
0x1b: {  	s18 =	sadd.s32 s1, s18;
	[dreg:$0xb] =	wrdreg s12;
	s12 =	sshrl.u32 s14, $0x3  }
0x1c: {  	[dreg:$0x9] =	wrdreg s18;
	s30 =	sadd.s32 $0x20, s18;
	s14 =	simm.s32 $0x180  }
.Ltmp0:
0x1d: {  	s12 =	sadd.s32 s0, s12;
	[dreg:$0x12] =	wrdreg s30;
	(pc) =	sbr.rel .LBB2_1-.Ltmp0, $4  }
0x1e: {  	s18 =	simm.s32 $0x0;
	[dreg:$0xc] =	wrdreg s12;
	s12 =	sadd.s32 s0, s22  }
0x1f: {  	s0 =	sadd.s32 s0, s5;
	s5 =	sadd.s32 s6, s25;
	[dreg:$0xd] =	wrdreg s12  }
0x20: {  	[dreg:$0xf] =	wrdreg s5;
	s0 =	sadd.s32 $0x27000, s0;
	s5 =	simm.s32 $0x4200  }
0x21: {  	s12 =	simm.s32 $0x2;
	[dreg:$0x10] =	wrdreg s0;
	s0 =	simm.s32 $0x40  }
.LBB2_11:
0x22: {  	[bflag:$0x0] =	sbarrier.arrive $0xFFFF  }
0x23: {  	s23 =	rddreg [dreg:$0xa]  }
0x24: {  	[hbm:s23], [sflag:s11] =	dma.local [spmem:s19], $0x800  }
0x25: {  	_ =	swait.ge [sflag:s28], $0x800  }
0x26: {  	[sflag:s28] =	ssyncset.done $0x0  }
0x27: {  	s24 =	rddreg [dreg:$0xb];
	[sflag:s28] =	ssyncadd.s32 $0xFFFFF800  }
0x28: {  	[hbm:s24], [sflag:s11] =	dma.local [spmem:s20], $0x800  }
0x29: {  	_ =	swait.ge [sflag:s28], $0x800  }
0x2a: {  	[sflag:s28] =	ssyncset.done $0x0  }
0x2b: {  	s25 =	rddreg [dreg:$0xc];
	[sflag:s28] =	ssyncadd.s32 $0xFFFFF800  }
0x2c: {  	[hbm:s25], [sflag:s11] =	dma.local [spmem:s17], $0x800  }
0x2d: {  	_ =	swait.ge [sflag:s28], $0x800  }
0x2e: {  	[sflag:s28] =	ssyncset.done $0x0  }
0x2f: {  	s26 =	rddreg [dreg:$0xd];
	[sflag:s28] =	ssyncadd.s32 $0xFFFFF800  }
0x30: {  	[hbm:s26], [sflag:s11] =	dma.local [spmem:s21], $0x800  }
0x31: {  	_ =	swait.ge [sflag:s28], $0x800  }
0x32: {  	[sflag:s28] =	ssyncset.done $0x0  }
0x33: {  	s17 =	rddreg [dreg:$0xe];
	[sflag:s28] =	ssyncadd.s32 $0xFFFFF800  }
0x34: {  	[hbm:s17], [sflag:s11] =	dma.local @!p0 [spmem:s22], $0x800  }
0x35: {  	s17 =	simm.s32 @!p0 $0x7  }
0x36: {  	_ =	swait.ge @!p0 [sflag:s17], $0x800  }
0x37: {  	[sflag:s17] =	ssyncset.done @!p0 $0x0  }
0x38: {  	s19 =	rddreg [dreg:$0x10];
	[sflag:s17] =	ssyncadd.s32 @!p0 $0xFFFFF800;
	s17 =	sshrl.u32 @p3 s16, $0x3  }
0x39: {  	[hbm:s19], [sflag:s11] =	dma.local @p3 [spmem:s17], $0x100  }
0x3a: {  	s17 =	simm.s32 @p3 $0x7  }
0x3b: {  	_ =	swait.ge @p3 [sflag:s17], $0x100  }
0x3c: {  	s18 =	sadd.s32 $0x1, s18;
	s30 =	rddreg [dreg:$0x11]  }
0x3d: {  	p4 =	sne.s32 s18, s30  }
.Ltmp1:
0x3e: {  	_ = 	snop;
	(pc) =	sbr.rel @!p4 .LBB2_12-.Ltmp1, $3  }
0x3f: {  	_ =	sdelay $0x1  }
0x40: {  	[sflag:s17] =	ssyncset.done @p3 $0x0  }
0x41: {  	[sflag:s17] =	ssyncadd.s32 @p3 $0xFFFFFF00  }
.LBB2_1:
0x42: {  	s17 =	rddreg [dreg:$0x4]  }
0x43: {  	s19 =	sshrl.u32 s17, $0x3  }
0x44: {  	[spmem:s19], [sflag:s11] =	dma.local [hbm:s7], $0x800  }
0x45: {  	_ =	swait.ge [sflag:s28], $0x800  }
0x46: {  	[sflag:s28] =	ssyncset.done $0x0;
	s24 =	rddreg [dreg:$0x5]  }
0x47: {  	[sflag:s28] =	ssyncadd.s32 $0xFFFFF800;
	s20 =	sshrl.u32 s24, $0x3  }
0x48: {  	[spmem:s20], [sflag:s11] =	dma.local [hbm:s7], $0x800  }
0x49: {  	_ =	swait.ge [sflag:s28], $0x800  }
0x4a: {  	[sflag:s28] =	ssyncset.done $0x0;
	s25 =	rddreg [dreg:$0x6]  }
0x4b: {  	[sflag:s28] =	ssyncadd.s32 $0xFFFFF800;
	s17 =	sshrl.u32 s25, $0x3  }
0x4c: {  	[spmem:s17], [sflag:s11] =	dma.local [hbm:s7], $0x800  }
0x4d: {  	_ =	swait.ge [sflag:s28], $0x800  }
0x4e: {  	[sflag:s28] =	ssyncset.done $0x0;
	s21 =	rddreg [dreg:$0x7]  }
0x4f: {  	[sflag:s28] =	ssyncadd.s32 $0xFFFFF800;
	s21 =	sshrl.u32 s21, $0x3  }
0x50: {  	[spmem:s21], [sflag:s11] =	dma.local [hbm:s7], $0x800  }
0x51: {  	_ =	swait.ge [sflag:s28], $0x800  }
0x52: {  	[sflag:s28] =	ssyncset.done $0x0;
	s22 =	rddreg [dreg:$0x8]  }
0x53: {  	s23 =	simm.s32 @!p0 $0x7;
	[sflag:s28] =	ssyncadd.s32 $0xFFFFF800;
	s22 =	sshrl.u32 @!p0 s22, $0x3  }
0x54: {  	[spmem:s22], [sflag:s11] =	dma.local @!p0 [hbm:s7], $0x800  }
0x55: {  	_ =	swait.ge @!p0 [sflag:s23], $0x800  }
0x56: {  	[sflag:s23] =	ssyncset.done @!p0 $0x0  }
0x57: {  	[sflag:s23] =	ssyncadd.s32 @!p0 $0xFFFFF800;
	s23 =	sshrl.u32 @!p1 s16, $0x3  }
0x58: {  	[spmem:s23], [sflag:s11] =	dma.local @!p1 [hbm:s7], $0x100  }
0x59: {  	s23 =	simm.s32 @!p1 $0x7  }
0x5a: {  	_ =	swait.ge @!p1 [sflag:s23], $0x100  }
0x5b: {  	[sflag:s23] =	ssyncset.done @!p1 $0x0  }
0x5c: {  	[sflag:s23] =	ssyncadd.s32 @!p1 $0xFFFFFF00  }
0x5d: {  	[bflag:$0x0] =	sbarrier.arrive $0xFFFF  }
0x5e: {  	p3 =	por @!p0 $0x0, $0x0;
	p4 =	por @!p1 $0x1, $0x1;
	s26 =	rddreg [dreg:$0x9]  }
0x5f: {  	[tilespmem:s3], [sflag:$0x5] =	stream.linear.gather [hbm4b:s26+s3], $0x100, $0x38;
	[tilespmem:$0x1BA80] =	vst v63  }
0x60: {  	s24 =	simm.s32 $0x100;
	s25 =	simm.s32 $0x5;
	s30 =	rddreg [dreg:$0x12]  }
0x61: {  	[tilespmem:s24], [sflag:$0x6] =	stream.linear.gather [hbm4b:s30+s3], $0x100, $0x38;
	[tilespmem:$0x1BA80] =	vst v63  }
0x62: {  	p4 =	por @!p2 p3, p3;
	_ =	swait.ge [sflag:s25], $0x100  }
.Ltmp2:
0x63: {  	p3 =	por $0x0, $0x0;
	[sflag:s25] =	ssyncset.done $0x0;
	(pc) =	sbr.rel .LBB2_2-.Ltmp2, $4  }
0x64: {  	s30 =	simm.s32 $0x200;
	s26 =	rddreg [dreg:$0xf];
	[sflag:s25] =	ssyncadd.s32 $0xFFFFFF00  }
0x65: {  	[tilespmem:s30], [sflag:$0x1] =	stream.linear.gather [hbm4b:s26+s3], $0x2000, $0x38;
	[tilespmem:$0x1BA80] =	vst v63  }
0x66: {  	p3 =	por @!p0 p4, p4;
	s23 =	simm.s32 $0x0  }
0x67: {  	[tilespmem:s5], [sflag:$0x3] =	stream.indirect.gather [hbm4b:s4+s0], $0x80, s3, s0, $0xb8;
	[tilespmem:$0x1BA80] =	vst v63  }
.LBB2_10:
0x68: {  	s24 =	sadd.s32 $0x3, s24  }
0x69: {  	p4 =	sge.u32 s24, s8  }
0x6a: {  	s24 =	sadd.s32 @!p4 s9, s24  }
0x6b: {  	s24 =	sshll.u32 @!p4 s24, $0x5  }
0x6c: {  	s23 =	sadd.s32 $0x1, s23;
	s24 =	sand.u32 @!p4 $0x1FFFFFE0, s24  }
0x6d: {  	s25 =	simm.s32 @!p4 $0x0;
	s26 =	simm.s32 @!p4 $0x100;
	s24 =	sadd.s32 @!p4 s1, s24  }
0x6e: {  	[tilespmem:s26], [sflag:$0x6] =	stream.linear.gather @!p4 [hbm4b:s24+s25], $0x100, $0x38;
	[tilespmem:$0x1BA80] =	vst v63  }
0x6f: {  	p4 =	sne.s32 s23, $0x4F  }
.Ltmp3:
0x70: {  	_ = 	snop;
	(pc) =	sbr.rel @!p4 .LBB2_11-.Ltmp3, $1  }
0x71: {  	_ =	sdelay $0x3  }
.LBB2_2:
0x72: {  	s24 =	sshllo.u32 s23, $0x1  }
0x73: {  	p4 =	sge.u32 s24, s8  }
0x74: {  	s25 =	simm.s32 @!p4 $0x6;
	s24 =	sadd.s32 @!p4 s9, s24  }
0x75: {  	_ =	swait.ge @!p4 [sflag:s25], $0x100;
	s26 =	sshll.u32 @!p4 s24, $0xA;
	s24 =	sshll.u32 s23, $0x1  }
0x76: {  	[sflag:s25] =	ssyncset.done @!p4 $0x0;
	p5 =	sge.u32 s24, s8  }
.Ltmp4:
0x77: {  	[sflag:s25] =	ssyncadd.s32 @!p4 $0xFFFFFF00;
	s25 =	sand.u32 @!p4 $0x1FFFFC00, s26;
	(pc) =	sbr.rel @p5 .LBB2_6-.Ltmp4, $4  }
0x78: {  	s30 =	simm.s32 @!p4 $0x2200;
	s26 =	simm.s32 @!p4 $0x0;
	s25 =	sadd.s32 @!p4 s6, s25  }
0x79: {  	[tilespmem:s30], [sflag:$0x2] =	stream.linear.gather @!p4 [hbm4b:s25+s26], $0x2000, $0x38;
	[tilespmem:$0x1BA80] =	vst v63  }
0x7a: {  	s25 =	simm.s32 @!p4 $0x40;
	s26 =	simm.s32 @!p4 $0x100;
	s30 =	simm.s32 @!p4 $0x6200  }
0x7b: {  	[tilespmem:s30], [sflag:$0x4] =	stream.indirect.gather @!p4 [hbm4b:s4+s25], $0x80, s26, s25, $0xb8;
	[tilespmem:$0x1BA80] =	vst v63  }
0x7c: {  	_ =	swait.ge [sflag:s29], $0x2000  }
0x7d: {  	[sflag:s29] =	ssyncset.done $0x0  }
0x7e: {  	[sflag:s29] =	ssyncadd.s32 $0xFFFFE000  }
0x7f: {  	_ =	swait.ge [sflag:s31], $0x2000  }
0x80: {  	[sflag:s31] =	ssyncset.done $0x0  }
0x81: {  	s25 =	simm.s32 $0x0;
	[sflag:s31] =	ssyncadd.s32 $0xFFFFE000  }
0x82: {  	v7 =	vld [tilespmem:s25+$0x200]  }
0x83: {  	v11 =	vld [tilespmem:s25+$0x210]  }
0x84: {  	v5 =	vld [tilespmem:s25+$0x220]  }
0x85: {  	v4 =	vld [tilespmem:s25+$0x230]  }
0x86: {  	v3 =	vld [tilespmem:s25+$0x240]  }
0x87: {  	v2 =	vld [tilespmem:s25+$0x250]  }
0x88: {  	v1 =	vld [tilespmem:s25+$0x260]  }
0x89: {  	v0 =	vld [tilespmem:s25+$0x270]  }
0x8a: {  	v12 =	vld [tilespmem:s25+$0x4200]  }
0x8b: {  	v13 =	vld [tilespmem:s25+$0x4210]  }
0x8c: {  	v10 =	vld [tilespmem:s25+$0x4220]  }
0x8d: {  	v9 =	vld [tilespmem:s25+$0x4230]  }
0x8e: {  	v8 =	vld [tilespmem:s25+$0x4240]  }
0x8f: {  	v6 =	vld [tilespmem:s25+$0x4250];
	v12 =	vmul.f32 v7, v12  }
0x90: {  	s26 =	simm.s32 $0x200;
	v11 =	vmul.f32 v11, v13;
	v7 =	vld [tilespmem:s25+$0x4260]  }
.LBB2_4:
0x91: {  	s30 =	sshra.s32 s26, $0x2;
	p5 =	sne.s32 s26, $0x7E00;
	[tilespmem:s25+$0x4200] =	vst v12;
	v5 =	vmul.f32 v5, v10;
	v10 =	vld [tilespmem:s25+$0x4270]  }
0x92: {  	v12 =	vld [tilespmem:s30+$0x200];
	[tilespmem:s25+$0x4210] =	vst v11;
	v4 =	vmul.f32 v4, v9  }
0x93: {  	v11 =	vld [tilespmem:s30+$0x210];
	[tilespmem:s25+$0x4220] =	vst v5;
	v3 =	vmul.f32 v3, v8  }
0x94: {  	v5 =	vld [tilespmem:s30+$0x220];
	[tilespmem:s25+$0x4230] =	vst v4;
	v2 =	vmul.f32 v2, v6  }
0x95: {  	v4 =	vld [tilespmem:s30+$0x230];
	[tilespmem:s25+$0x4240] =	vst v3;
	v1 =	vmul.f32 v1, v7  }
0x96: {  	v3 =	vld [tilespmem:s30+$0x240];
	[tilespmem:s25+$0x4250] =	vst v2;
	v0 =	vmul.f32 v0, v10  }
0x97: {  	v2 =	vld [tilespmem:s30+$0x250];
	[tilespmem:s25+$0x4260] =	vst v1  }
0x98: {  	v1 =	vld [tilespmem:s30+$0x260];
	[tilespmem:s25+$0x4270] =	vst v0;
	s25 =	smov.u32 s30  }
0x99: {  	v0 =	vld [tilespmem:s25+$0x270]  }
0x9a: {  	v6 =	vld [tilespmem:s25+$0x4200]  }
0x9b: {  	v7 =	vld [tilespmem:s25+$0x4210]  }
.Ltmp5:
0x9c: {  	v10 =	vld [tilespmem:s25+$0x4220];
	(pc) =	sbr.rel @p5 .LBB2_4-.Ltmp5, $4  }
0x9d: {  	v9 =	vld [tilespmem:s25+$0x4230]  }
0x9e: {  	v8 =	vld [tilespmem:s25+$0x4240]  }
0x9f: {  	v12 =	vmul.f32 v12, v6;
	v6 =	vld [tilespmem:s25+$0x4250]  }
0xa0: {  	s26 =	sadd.s32 $0x200, s26;
	v11 =	vmul.f32 v11, v7;
	v7 =	vld [tilespmem:s25+$0x4260]  }
0xa1: {  	[tilespmem:s25+$0x4200] =	vst v12;
	v5 =	vmul.f32 v5, v10;
	v63 =	vld [tilespmem:s25+$0x4270]  }
0xa2: {  	[tilespmem:s25+$0x4210] =	vst v11;
	v4 =	vmul.f32 v4, v9  }
0xa3: {  	[tilespmem:s25+$0x4220] =	vst v5;
	v3 =	vmul.f32 v3, v8  }
0xa4: {  	[tilespmem:s25+$0x4230] =	vst v4;
	v2 =	vmul.f32 v2, v6  }
0xa5: {  	[tilespmem:s25+$0x4240] =	vst v3;
	v1 =	vmul.f32 v1, v7  }
0xa6: {  	[tilespmem:s25+$0x4250] =	vst v2;
	v0 =	vmul.f32 v0, v63  }
0xa7: {  	[tilespmem:s25+$0x4260] =	vst v1  }
0xa8: {  	[tilespmem:s25+$0x4270] =	vst v0  }
0xa9: {  	[spmem:s2] =	stream.indirect.scatter.add.f32 [tilespmem:s5], [sflag:$0x7], $0x80, s10, s0, $0xb8;
	[tilespmem:$0x1BA80] =	vst v63  }
0xaa: {  	_ =	swait.ge [sflag:s28], $0x2000  }
0xab: {  	[sflag:s28] =	ssyncset.done $0x0  }
0xac: {  	[sflag:s28] =	ssyncadd.s32 $0xFFFFE000  }
.LBB2_6:
0xad: {  	s25 =	sadd.s32 $0x2, s24  }
0xae: {  	p5 =	sge.u32 s25, s8  }
0xaf: {  	s25 =	sadd.s32 @!p5 s9, s25  }
0xb0: {  	s26 =	sshll.u32 @!p5 s25, $0x5  }
0xb1: {  	s26 =	sand.u32 @!p5 $0x1FFFFFE0, s26  }
0xb2: {  	s30 =	simm.s32 @!p5 $0x0;
	s26 =	sadd.s32 @!p5 s1, s26  }
0xb3: {  	[tilespmem:s30], [sflag:$0x5] =	stream.linear.gather @!p5 [hbm4b:s26+s30], $0x100, $0x38;
	[tilespmem:$0x1BA80] =	vst v63  }
0xb4: {  	s26 =	simm.s32 @!p5 $0x5  }
0xb5: {  	s25 =	sshll.u32 @!p5 s25, $0xA;
	_ =	swait.ge @!p5 [sflag:s26], $0x100  }
.Ltmp6:
0xb6: {  	s25 =	sand.u32 @!p5 $0x1FFFFC00, s25;
	[sflag:s26] =	ssyncset.done @!p5 $0x0;
	(pc) =	sbr.rel @p4 .LBB2_10-.Ltmp6, $4  }
0xb7: {  	s25 =	sadd.s32 @!p5 s6, s25;
	[sflag:s26] =	ssyncadd.s32 @!p5 $0xFFFFFF00;
	s26 =	simm.s32 @!p5 $0x200  }
0xb8: {  	[tilespmem:s26], [sflag:$0x1] =	stream.linear.gather @!p5 [hbm4b:s25+s30], $0x2000, $0x38;
	[tilespmem:$0x1BA80] =	vst v63  }
0xb9: {  	s25 =	simm.s32 @!p5 $0x40;
	s26 =	simm.s32 @!p5 $0x4200  }
0xba: {  	[tilespmem:s26], [sflag:$0x3] =	stream.indirect.gather @!p5 [hbm4b:s4+s25], $0x80, s30, s25, $0xb8;
	[tilespmem:$0x1BA80] =	vst v63  }
0xbb: {  	_ =	swait.ge [sflag:s12], $0x2000  }
0xbc: {  	[sflag:s12] =	ssyncset.done $0x0  }
0xbd: {  	[sflag:s12] =	ssyncadd.s32 $0xFFFFE000  }
0xbe: {  	_ =	swait.ge [sflag:s13], $0x2000  }
0xbf: {  	[sflag:s13] =	ssyncset.done $0x0  }
0xc0: {  	s25 =	simm.s32 $0x0;
	[sflag:s13] =	ssyncadd.s32 $0xFFFFE000  }
0xc1: {  	v7 =	vld [tilespmem:s25+$0x2200]  }
0xc2: {  	v11 =	vld [tilespmem:s25+$0x2210]  }
0xc3: {  	v5 =	vld [tilespmem:s25+$0x2220]  }
0xc4: {  	v4 =	vld [tilespmem:s25+$0x2230]  }
0xc5: {  	v3 =	vld [tilespmem:s25+$0x2240]  }
0xc6: {  	v2 =	vld [tilespmem:s25+$0x2250]  }
0xc7: {  	v1 =	vld [tilespmem:s25+$0x2260]  }
0xc8: {  	v0 =	vld [tilespmem:s25+$0x2270]  }
0xc9: {  	v12 =	vld [tilespmem:s25+$0x6200]  }
0xca: {  	v13 =	vld [tilespmem:s25+$0x6210]  }
0xcb: {  	v10 =	vld [tilespmem:s25+$0x6220]  }
0xcc: {  	v9 =	vld [tilespmem:s25+$0x6230]  }
0xcd: {  	v8 =	vld [tilespmem:s25+$0x6240]  }
0xce: {  	v6 =	vld [tilespmem:s25+$0x6250];
	v12 =	vmul.f32 v7, v12  }
0xcf: {  	s26 =	simm.s32 $0x200;
	v11 =	vmul.f32 v11, v13;
	v7 =	vld [tilespmem:s25+$0x6260]  }
.LBB2_8:
0xd0: {  	s30 =	sshra.s32 s26, $0x2;
	p4 =	sne.s32 s26, $0x7E00;
	[tilespmem:s25+$0x6200] =	vst v12;
	v5 =	vmul.f32 v5, v10;
	v10 =	vld [tilespmem:s25+$0x6270]  }
0xd1: {  	v12 =	vld [tilespmem:s30+$0x2200];
	[tilespmem:s25+$0x6210] =	vst v11;
	v4 =	vmul.f32 v4, v9  }
0xd2: {  	v11 =	vld [tilespmem:s30+$0x2210];
	[tilespmem:s25+$0x6220] =	vst v5;
	v3 =	vmul.f32 v3, v8  }
0xd3: {  	v5 =	vld [tilespmem:s30+$0x2220];
	[tilespmem:s25+$0x6230] =	vst v4;
	v2 =	vmul.f32 v2, v6  }
0xd4: {  	v4 =	vld [tilespmem:s30+$0x2230];
	[tilespmem:s25+$0x6240] =	vst v3;
	v1 =	vmul.f32 v1, v7  }
0xd5: {  	v3 =	vld [tilespmem:s30+$0x2240];
	[tilespmem:s25+$0x6250] =	vst v2;
	v0 =	vmul.f32 v0, v10  }
0xd6: {  	v2 =	vld [tilespmem:s30+$0x2250];
	[tilespmem:s25+$0x6260] =	vst v1  }
0xd7: {  	v1 =	vld [tilespmem:s30+$0x2260];
	[tilespmem:s25+$0x6270] =	vst v0;
	s25 =	smov.u32 s30  }
0xd8: {  	v0 =	vld [tilespmem:s25+$0x2270]  }
0xd9: {  	v6 =	vld [tilespmem:s25+$0x6200]  }
0xda: {  	v7 =	vld [tilespmem:s25+$0x6210]  }
.Ltmp7:
0xdb: {  	v10 =	vld [tilespmem:s25+$0x6220];
	(pc) =	sbr.rel @p4 .LBB2_8-.Ltmp7, $4  }
0xdc: {  	v9 =	vld [tilespmem:s25+$0x6230]  }
0xdd: {  	v8 =	vld [tilespmem:s25+$0x6240]  }
0xde: {  	v12 =	vmul.f32 v12, v6;
	v6 =	vld [tilespmem:s25+$0x6250]  }
0xdf: {  	s26 =	sadd.s32 $0x200, s26;
	v11 =	vmul.f32 v11, v7;
	v7 =	vld [tilespmem:s25+$0x6260]  }
0xe0: {  	[tilespmem:s25+$0x6200] =	vst v12;
	v5 =	vmul.f32 v5, v10;
	v63 =	vld [tilespmem:s25+$0x6270]  }
0xe1: {  	[tilespmem:s25+$0x6210] =	vst v11;
	v4 =	vmul.f32 v4, v9  }
0xe2: {  	[tilespmem:s25+$0x6220] =	vst v5;
	v3 =	vmul.f32 v3, v8  }
0xe3: {  	[tilespmem:s25+$0x6230] =	vst v4;
	v2 =	vmul.f32 v2, v6  }
0xe4: {  	[tilespmem:s25+$0x6240] =	vst v3;
	v1 =	vmul.f32 v1, v7  }
0xe5: {  	[tilespmem:s25+$0x6250] =	vst v2;
	v0 =	vmul.f32 v0, v63  }
0xe6: {  	[tilespmem:s25+$0x6260] =	vst v1  }
.Ltmp8:
0xe7: {  	[tilespmem:s25+$0x6270] =	vst v0;
	(pc) =	sbr.rel .LBB2_10-.Ltmp8, $4  }
0xe8: {  	[spmem:s2] =	stream.indirect.scatter.add.f32 [tilespmem:s15], [sflag:$0x7], $0x80, s14, s0, $0xb8;
	[tilespmem:$0x1BA80] =	vst v63  }
0xe9: {  	_ =	swait.ge [sflag:s28], $0x2000  }
0xea: {  	[sflag:s28] =	ssyncset.done $0x0  }
0xeb: {  	[sflag:s28] =	ssyncadd.s32 $0xFFFFE000  }
.LBB2_12:
0xec: {  	_ =	sfence.sel $0x180000  }
0xed: {  	[bflag:$0x0] =	sbarrier.arrive $0xFFFF  }
0xee: {  	_ =	strace $0x90000050  }
0xef: {  	s0 =	stileid.u32;
	[bflag:$0x2] =	sbarrier.arrive $0xFFFF  }
0xf0: {  	p0 =	sne.s32 s0, $0x0;
	s0 =	rddreg [dreg:$0x3]  }
0xf1: {  	s0 =	sadd.s32 @!p0 $0x100000, s0  }
0xf2: {  	[sflag:s0] =	ssyncadd.tile.s32 @!p0 $0x1;
	_ =	shalt  }
.Lfunc_end2:
_tile_overlayer_lowered:
.L_overlay_start_2:
0xf3: {  	(tag) =	ssettag $0x2  }
0xf4: {  	s0 =	rddreg [dreg:$0x0];
	s2 =	stileid.u32  }
0xf5: {  	s1 =	rddreg [dreg:$0x1];
	p0 =	sne.s32 s2, $0x0  }
0xf6: {  	s3 =	rddreg [dreg:$0x2];
	[bflag:$0x3] =	sbarrier.arrive $0xFFFF;
	s2 =	simm.s32 @!p0 $0x1C07  }
0xf7: {  	[timem:s3], [sflag:s2] =	dma.local @!p0 [hbm:s0], s1  }
0xf8: {  	s0 =	simm.s32 @!p0 $0x7  }
0xf9: {  	_ =	swait.ge @!p0 [sflag:s0], s1  }
0xfa: {  	s1 =	ssub.s32 @!p0 $0x0, s1;
	[sflag:s0] =	ssyncset.done @!p0 $0x0  }
0xfb: {  	[sflag:s0] =	ssyncadd.s32 @!p0 s1  }
0xfc: {  	[bflag:$0x3] =	sbarrier.arrive $0xFFFF  }
0xfd: {  	_ =	shalt  }

</sc_bundles>
